<compile_context>
chip_gen: v7x
topology: tpu7x:2x2x1
jax: 0.10.2.dev20260603
libtpu: 0.0.44.dev20260713+nightly
codegen_flags: <defaults>
</compile_context>

<pallas_src>
import functools

import jax
import jax.numpy as jnp
from jax import lax
from jax.experimental import pallas as pl
from jax.experimental.pallas import tpu as pltpu
from jax.experimental.pallas import tpu_sc as plsc

F32 = jnp.float32
BF16 = jnp.bfloat16
NC, NS = 2, 16
NW = NC * NS
CH = 80


BCH = 16


@functools.lru_cache(maxsize=None)
def _make_count(N: int, NCHW: int):
    RPT = N // NS
    mesh = plsc.VectorSubcoreMesh(core_axis_name="c", subcore_axis_name="s")

    @functools.partial(
        pl.kernel,
        out_type=jax.ShapeDtypeStruct((NC, N, 16), F32),
        mesh=mesh,
        scratch_types=[
            pltpu.VMEM((NCHW, CH), jnp.int32),
            pltpu.VMEM((CH, 16), F32),
            pltpu.VMEM_SHARED((N, 16), F32),
            pltpu.SemaphoreType.DMA,
        ],
        compiler_params=pltpu.CompilerParams(use_tc_tiling_on_sc=False),
    )
    def cnt_kernel(dst_hbm, zero_hbm, ones_hbm, out_hbm, didx, onev, acc, ssem):
        c = lax.axis_index("c")
        s = lax.axis_index("s")
        wid = s * NC + c
        pltpu.sync_copy(zero_hbm.at[pl.ds(s * RPT, RPT)],
                        acc.at[pl.ds(s * RPT, RPT)])
        pltpu.sync_copy(ones_hbm, onev)
        pltpu.sync_copy(dst_hbm.at[wid], didx)
        plsc.subcore_barrier()

        def fire(ch, carry):
            pltpu.async_copy(onev, acc.at[didx.at[ch]], ssem, add=True)
            return carry

        lax.fori_loop(0, NCHW, fire, 0)

        def drain(ch, carry):
            pltpu.make_async_copy(ones_hbm, onev, ssem).wait()
            return carry

        lax.fori_loop(0, NCHW, drain, 0)
        plsc.subcore_barrier()
        pltpu.sync_copy(acc.at[pl.ds(s * RPT, RPT)],
                        out_hbm.at[c, pl.ds(s * RPT, RPT)])

    return cnt_kernel


@functools.lru_cache(maxsize=None)
def _make_agg(N: int, NCHW: int, D: int):
    NBLK = NCHW // BCH
    RPT = N // NS
    NRING = 16
    GLAG = 10
    mesh = plsc.VectorSubcoreMesh(core_axis_name="c", subcore_axis_name="s")

    @functools.partial(
        pl.kernel,
        out_type=[jax.ShapeDtypeStruct((NC, N, D), BF16)],
        mesh=mesh,
        scratch_types=[
            pltpu.VMEM((3, BCH, CH), jnp.int32),
            pltpu.VMEM((3, BCH, CH), jnp.int32),
            pltpu.VMEM((NRING, CH, D), BF16),
            pltpu.VMEM_SHARED((N, D), BF16),
            pltpu.SemaphoreType.DMA,
            pltpu.SemaphoreType.DMA,
        ],
        compiler_params=pltpu.CompilerParams(use_tc_tiling_on_sc=False),
    )
    def agg(p_hbm, src_hbm, dst_hbm, zero_hbm, out_hbm,
            sidx, didx, rows, acc, gsem, ssem):
        c = lax.axis_index("c")
        s = lax.axis_index("s")
        wid = s * NC + c

        def stage_idx(blk, slot):
            pltpu.sync_copy(src_hbm.at[wid, pl.ds(blk * BCH, BCH)],
                            sidx.at[slot])
            pltpu.sync_copy(dst_hbm.at[wid, pl.ds(blk * BCH, BCH)],
                            didx.at[slot])

        pltpu.sync_copy(zero_hbm.at[pl.ds(s * RPT, RPT)],
                        acc.at[pl.ds(s * RPT, RPT)])
        stage_idx(0, 0)
        stage_idx(1, 1)
        plsc.subcore_barrier()

        def idx_of(ch):
            return lax.rem(lax.div(ch, BCH), 3), lax.rem(ch, BCH)

        def gather(ch, b):
            slot, r = idx_of(ch)
            pltpu.async_copy(p_hbm.at[sidx.at[slot, r]], rows.at[b], gsem)

        def scatter(ch, b):
            slot, r = idx_of(ch)
            pltpu.async_copy(rows.at[b], acc.at[didx.at[slot, r]], ssem,
                             add=True)

        def wait_g():
            pltpu.make_async_copy(zero_hbm.at[pl.ds(0, CH)], rows.at[0],
                                  gsem).wait()

        def wait_s():
            pltpu.make_async_copy(zero_hbm.at[pl.ds(0, CH)], rows.at[0],
                                  ssem).wait()

        for k in range(GLAG):
            gather(k, k)

        def body(st, carry):
            blk = lax.div(st, BCH)

            @pl.when(jnp.logical_and(lax.rem(st, BCH) == 0,
                                     blk < NBLK - 1))
            def _():
                stage_idx(blk + 1, lax.rem(blk + 1, 3))

            @pl.when(st >= NRING)
            def _():
                wait_s()

            gather(st, lax.rem(st, NRING))
            wait_g()
            scatter(st - GLAG, lax.rem(st - GLAG, NRING))
            return carry

        lax.fori_loop(GLAG, NCHW, body, 0)
        for j in range(NCHW - GLAG, NCHW):
            wait_g()
            scatter(j, j % NRING)
        for _ in range(NRING):
            wait_s()

        plsc.subcore_barrier()
        pltpu.sync_copy(acc.at[pl.ds(s * RPT, RPT)],
                        out_hbm.at[c, pl.ds(s * RPT, RPT)])

    return agg


def _k0_body(x_ref, wl_ref, wr_ref, b_ref, p_ref, s_ref):
    x = x_ref[...]
    p_ref[...] = jnp.dot(x, wl_ref[...], preferred_element_type=F32).astype(BF16)
    s_ref[...] = jnp.dot(x, wr_ref[...], preferred_element_type=F32) + b_ref[...]


def _k1_body(a_ref, cnt_ref, s1_ref, wl_ref, wr_ref, b_ref,
             p_ref, s_ref, rcp_ref):
    a = a_ref[0].astype(F32) + a_ref[1].astype(F32)
    cnt = cnt_ref[0, :, :1] + cnt_ref[1, :, :1]
    rcp = 1.0 / jnp.maximum(cnt, 1.0)
    h = jnp.maximum(a * rcp + s1_ref[...], 0.0)
    p_ref[...] = jnp.dot(h, wl_ref[...], preferred_element_type=F32).astype(BF16)
    s_ref[...] = jnp.dot(h, wr_ref[...], preferred_element_type=F32) + b_ref[...]
    rcp_ref[...] = jnp.broadcast_to(rcp, (h.shape[0], 8))


def _k2_body(a_ref, s2_ref, rcp_ref, wl_ref, wr_ref, b_ref,
             p_ref, s_ref):
    a = a_ref[0].astype(F32) + a_ref[1].astype(F32)
    h = jnp.maximum(a * rcp_ref[:, :1] + s2_ref[...], 0.0)
    p_ref[...] = jnp.dot(h, wl_ref[...], preferred_element_type=F32).astype(BF16)
    s_ref[...] = jnp.dot(h, wr_ref[...], preferred_element_type=F32) + b_ref[...]


def _k3_body(a_ref, s3_ref, rcp_ref, out_ref):
    z = (a_ref[0].astype(F32) + a_ref[1].astype(F32)) * rcp_ref[:, :1] + s3_ref[...]
    m = jnp.max(z, axis=1, keepdims=True)
    lse = jnp.log(jnp.sum(jnp.exp(z - m), axis=1, keepdims=True)) + m
    out_ref[...] = z - lse


def _row_spec(rb, d):
    return pl.BlockSpec((rb, d), lambda i: (i, 0))


def _acc_spec(rb, d):
    return pl.BlockSpec((NC, rb, d), lambda i: (0, i, 0))


def _full_spec(*shape):
    return pl.BlockSpec(shape, lambda i: tuple(0 for _ in shape))


def kernel(x, edge_index, Wl1, Wr1, b1, Wl2, Wr2, b2, Wl3, Wr3, b3):
    N0, DIN = x.shape
    E = edge_index.shape[1]
    DH = Wl1.shape[1]
    DOUT = Wl3.shape[1]
    N = ((N0 + NS * 8 - 1) // (NS * 8)) * (NS * 8)
    ROWB = N // 8
    grid = (N // ROWB,)
    if N != N0:
        x = jnp.concatenate([x, jnp.zeros((N - N0, DIN), x.dtype)], axis=0)

    EW = E // NW
    NCHW = ((EW + BCH * CH - 1) // (BCH * CH)) * BCH
    src = edge_index[0].reshape(NW, EW)
    dst = edge_index[1].reshape(NW, EW)
    if NCHW * CH != EW:
        npadn = N - N0
        pad_vals = N0 + (jnp.arange(NW * (NCHW * CH - EW), dtype=jnp.int32)
                         % npadn).reshape(NW, NCHW * CH - EW)
        src = jnp.concatenate([src, pad_vals], axis=1)
        dst = jnp.concatenate([dst, pad_vals], axis=1)
    src = src.reshape(NW, NCHW, CH)
    dst = dst.reshape(NW, NCHW, CH)

    k0 = pl.pallas_call(
        _k0_body,
        grid=grid,
        in_specs=[_row_spec(ROWB, DIN), _full_spec(DIN, DH), _full_spec(DIN, DH),
                  _full_spec(1, DH)],
        out_specs=[_row_spec(ROWB, DH), _row_spec(ROWB, DH)],
        out_shape=[jax.ShapeDtypeStruct((N, DH), BF16),
                   jax.ShapeDtypeStruct((N, DH), F32)],
    )
    P1, S1 = k0(x, Wl1, Wr1, b1.reshape(1, DH))

    CNT = _make_count(N, NCHW)(dst, jnp.zeros((N, 16), F32),
                               jnp.ones((CH, 16), F32))
    zeros_f = jnp.zeros((N, DH), BF16)
    agg_f = _make_agg(N, NCHW, DH)
    A1, = agg_f(P1, src, dst, zeros_f)

    k1 = pl.pallas_call(
        _k1_body,
        grid=grid,
        in_specs=[_acc_spec(ROWB, DH), _acc_spec(ROWB, 16),
                  _row_spec(ROWB, DH), _full_spec(DH, DH),
                  _full_spec(DH, DH), _full_spec(1, DH)],
        out_specs=[_row_spec(ROWB, DH), _row_spec(ROWB, DH), _row_spec(ROWB, 8)],
        out_shape=[jax.ShapeDtypeStruct((N, DH), BF16),
                   jax.ShapeDtypeStruct((N, DH), F32),
                   jax.ShapeDtypeStruct((N, 8), F32)],
    )
    P2, S2, RCP = k1(A1, CNT, S1, Wl2, Wr2, b2.reshape(1, DH))

    A2, = agg_f(P2, src, dst, zeros_f)

    k2 = pl.pallas_call(
        _k2_body,
        grid=grid,
        in_specs=[_acc_spec(ROWB, DH),
                  _row_spec(ROWB, DH), _row_spec(ROWB, 8),
                  _full_spec(DH, DOUT), _full_spec(DH, DOUT),
                  _full_spec(1, DOUT)],
        out_specs=[_row_spec(ROWB, DOUT), _row_spec(ROWB, DOUT)],
        out_shape=[jax.ShapeDtypeStruct((N, DOUT), BF16),
                   jax.ShapeDtypeStruct((N, DOUT), F32)],
    )
    P3, S3 = k2(A2, S2, RCP, Wl3, Wr3, b3.reshape(1, DOUT))

    A3, = _make_agg(N, NCHW, DOUT)(P3, src, dst, jnp.zeros((N, DOUT), BF16))

    k3 = pl.pallas_call(
        _k3_body,
        grid=grid,
        in_specs=[_acc_spec(ROWB, DOUT), _row_spec(ROWB, DOUT), _row_spec(ROWB, 8)],
        out_specs=_row_spec(ROWB, DOUT),
        out_shape=jax.ShapeDtypeStruct((N, DOUT), F32),
    )
    return k3(A3, S3, RCP)[:N0]

# --- scband reference (transcript-rebuilt; emitter-appended) ---
"""Pipeline reference for scband-graph-sage-21157008900372 (READ-ONLY COPY).

The authoritative reference and input builder live on the scoring server;
editing this copy changes nothing except your own understanding.
"""

import jax, jax.numpy as jnp
import numpy as np

N = 10000
E = 320000
DIN = 128
DH = 128
DOUT = 64


def setup_inputs(seed: int = 0) -> dict:
    key = jax.random.key(seed)
    ks = jax.random.split(key, 12)
    x = jax.random.normal(ks[0], (N, DIN), dtype=jnp.float32)
    edge_index = jax.random.randint(ks[1], (2, E), 0, N, dtype=jnp.int32)
    s = 0.05
    Wl1 = jax.random.normal(ks[2], (DIN, DH), jnp.float32) * s
    Wr1 = jax.random.normal(ks[3], (DIN, DH), jnp.float32) * s
    b1 = jnp.zeros((DH,), jnp.float32)
    Wl2 = jax.random.normal(ks[4], (DH, DH), jnp.float32) * s
    Wr2 = jax.random.normal(ks[5], (DH, DH), jnp.float32) * s
    b2 = jnp.zeros((DH,), jnp.float32)
    Wl3 = jax.random.normal(ks[6], (DH, DOUT), jnp.float32) * s
    Wr3 = jax.random.normal(ks[7], (DH, DOUT), jnp.float32) * s
    b3 = jnp.zeros((DOUT,), jnp.float32)
    return {"x": x, "edge_index": edge_index, "Wl1": Wl1, "Wr1": Wr1, "b1": b1,
            "Wl2": Wl2, "Wr2": Wr2, "b2": b2, "Wl3": Wl3, "Wr3": Wr3, "b3": b3}


def _sage_conv(x, src, dst, Wl, Wr, b):
    # mean aggregation over incoming neighbors (src -> dst)
    msg = jnp.take(x, src, axis=0)
    msum = jax.ops.segment_sum(msg, dst, num_segments=N)
    cnt = jax.ops.segment_sum(jnp.ones((src.shape[0], 1), x.dtype), dst, num_segments=N)
    mean = msum / jnp.maximum(cnt, 1.0)
    return mean @ Wl + x @ Wr + b


def reference(x, edge_index, Wl1, Wr1, b1, Wl2, Wr2, b2, Wl3, Wr3, b3):
    src = edge_index[0]
    dst = edge_index[1]
    h = _sage_conv(x, src, dst, Wl1, Wr1, b1)
    h = jax.nn.relu(h)
    h = _sage_conv(h, src, dst, Wl2, Wr2, b2)
    h = jax.nn.relu(h)
    h = _sage_conv(h, src, dst, Wl3, Wr3, b3)
    return jax.nn.log_softmax(h, axis=1)

if __name__ == "__main__":
    import jax
    _d = setup_inputs()
    print(jax.jit(kernel)(*tuple(_d.values())))

</pallas_src>

<mosaic_0001>
#map = affine_map<(d0, d1) -> (0, 0, 0)>
#map1 = affine_map<(d0, d1) -> (0, 0)>
module attributes {stable_mosaic.version = 14 : i64} {
  func.func @cnt_kernel(%arg0: i32, %arg1: i32, %arg2: memref<32x128x80xi32, #tpu.memory_space<hbm>>, %arg3: memref<10112x16xf32, #tpu.memory_space<hbm>>, %arg4: memref<80x16xf32, #tpu.memory_space<hbm>>, %arg5: memref<2x10112x16xf32, #tpu.memory_space<hbm>>, %arg6: memref<128x80xi32, #tpu.memory_space<vmem>>, %arg7: memref<80x16xf32, #tpu.memory_space<vmem>>, %arg8: memref<10112x16xf32, #tpu.memory_space<vmem_shared>>, %arg9: memref<!tpu.dma_semaphore, #tpu.memory_space<semaphore_mem>>) attributes {dimension_semantics = [#tpu.dimension_semantics<core_parallel>, #tpu.dimension_semantics<subcore_parallel>], iteration_bounds = array<i64: 2, 16>, scalar_prefetch = 0 : i64, scratch_operands = 4 : i64, tpu.core_type = #tpu.core_type<sc_vector_subcore>, window_params = [{transform_indices = #map}, {transform_indices = #map1}, {transform_indices = #map1}, {transform_indices = #map}]} {
    %mul3A = arith.constant 2 : i32
    %mul3A_0 = arith.muli %arg1, %mul3A : i32
    %add3A = arith.addi %mul3A_0, %arg0 : i32
    %mul3A_1 = arith.constant 632 : i32
    %mul3A_2 = arith.muli %arg1, %mul3A_1 : i32
    %mul3A_3 = arith.constant 632 : i32
    %mul3A_4 = arith.muli %arg1, %mul3A_3 : i32
    "tpu.region"() ({
      %run_scoped3A = tpu.sem_alloc : memref<!tpu.dma_semaphore, #tpu.memory_space<semaphore_mem>>
      %dma_start3A = arith.constant 0 : i32
      %dma_start3A_21 = tpu.memref_slice %arg8[%mul3A_4, %dma_start3A] : memref<10112x16xf32, #tpu.memory_space<vmem_shared>> -> memref<632x16xf32, #tpu.memory_space<vmem_shared>>
      %dma_start3A_22 = arith.constant 0 : i32
      %dma_start3A_23 = tpu.memref_slice %arg3[%mul3A_2, %dma_start3A_22] : memref<10112x16xf32, #tpu.memory_space<hbm>> -> memref<632x16xf32, #tpu.memory_space<hbm>>
      tpu.enqueue_dma source(%dma_start3A_23 : memref<632x16xf32, #tpu.memory_space<hbm>>) target(%dma_start3A_21 : memref<632x16xf32, #tpu.memory_space<vmem_shared>>) target_semaphore(%run_scoped3A : memref<!tpu.dma_semaphore, #tpu.memory_space<semaphore_mem>>)
      %dma_wait3A = arith.constant 0 : i32
      %dma_wait3A_24 = tpu.memref_slice %arg8[%mul3A_4, %dma_wait3A] : memref<10112x16xf32, #tpu.memory_space<vmem_shared>> -> memref<632x16xf32, #tpu.memory_space<vmem_shared>>
      %dma_wait3A_25 = arith.constant 0 : i32
      %dma_wait3A_26 = tpu.memref_slice %arg3[%mul3A_2, %dma_wait3A_25] : memref<10112x16xf32, #tpu.memory_space<hbm>> -> memref<632x16xf32, #tpu.memory_space<hbm>>
      tpu.wait_dma2 semaphore(%run_scoped3A : memref<!tpu.dma_semaphore, #tpu.memory_space<semaphore_mem>>) src(%dma_wait3A_26 : memref<632x16xf32, #tpu.memory_space<hbm>>) dst(%dma_wait3A_24 : memref<632x16xf32, #tpu.memory_space<vmem_shared>>)
      tpu.yield
    }) : () -> ()
    "tpu.region"() ({
      %run_scoped3A = tpu.sem_alloc : memref<!tpu.dma_semaphore, #tpu.memory_space<semaphore_mem>>
      tpu.enqueue_dma source(%arg4 : memref<80x16xf32, #tpu.memory_space<hbm>>) target(%arg7 : memref<80x16xf32, #tpu.memory_space<vmem>>) target_semaphore(%run_scoped3A : memref<!tpu.dma_semaphore, #tpu.memory_space<semaphore_mem>>)
      tpu.wait_dma2 semaphore(%run_scoped3A : memref<!tpu.dma_semaphore, #tpu.memory_space<semaphore_mem>>) src(%arg4 : memref<80x16xf32, #tpu.memory_space<hbm>>) dst(%arg7 : memref<80x16xf32, #tpu.memory_space<vmem>>)
      tpu.yield
    }) : () -> ()
    "tpu.region"() ({
      %run_scoped3A = tpu.sem_alloc : memref<!tpu.dma_semaphore, #tpu.memory_space<semaphore_mem>>
      %dma_start3A = arith.constant 0 : i32
      %dma_start3A_21 = arith.constant 0 : i32
      %dma_start3A_22 = tpu.memref_slice %arg2[%add3A, %dma_start3A, %dma_start3A_21] : memref<32x128x80xi32, #tpu.memory_space<hbm>> -> memref<1x128x80xi32, #tpu.memory_space<hbm>>
      %dma_start3A_23 = tpu.memref_squeeze %dma_start3A_22 : memref<1x128x80xi32, #tpu.memory_space<hbm>> -> memref<128x80xi32, #tpu.memory_space<hbm>>
      %dma_start3A_24 = arith.constant 0 : i32
      %dma_start3A_25 = arith.constant 0 : i32
      %dma_start3A_26 = tpu.memref_slice %arg2[%add3A, %dma_start3A_24, %dma_start3A_25] : memref<32x128x80xi32, #tpu.memory_space<hbm>> -> memref<1x128x80xi32, #tpu.memory_space<hbm>>
      %dma_start3A_27 = tpu.memref_squeeze %dma_start3A_26 : memref<1x128x80xi32, #tpu.memory_space<hbm>> -> memref<128x80xi32, #tpu.memory_space<hbm>>
      tpu.enqueue_dma source(%dma_start3A_27 : memref<128x80xi32, #tpu.memory_space<hbm>>) target(%arg6 : memref<128x80xi32, #tpu.memory_space<vmem>>) target_semaphore(%run_scoped3A : memref<!tpu.dma_semaphore, #tpu.memory_space<semaphore_mem>>)
      %dma_wait3A = arith.constant 0 : i32
      %dma_wait3A_28 = arith.constant 0 : i32
      %dma_wait3A_29 = tpu.memref_slice %arg2[%add3A, %dma_wait3A, %dma_wait3A_28] : memref<32x128x80xi32, #tpu.memory_space<hbm>> -> memref<1x128x80xi32, #tpu.memory_space<hbm>>
      %dma_wait3A_30 = tpu.memref_squeeze %dma_wait3A_29 : memref<1x128x80xi32, #tpu.memory_space<hbm>> -> memref<128x80xi32, #tpu.memory_space<hbm>>
      %dma_wait3A_31 = arith.constant 0 : i32
      %dma_wait3A_32 = arith.constant 0 : i32
      %dma_wait3A_33 = tpu.memref_slice %arg2[%add3A, %dma_wait3A_31, %dma_wait3A_32] : memref<32x128x80xi32, #tpu.memory_space<hbm>> -> memref<1x128x80xi32, #tpu.memory_space<hbm>>
      %dma_wait3A_34 = tpu.memref_squeeze %dma_wait3A_33 : memref<1x128x80xi32, #tpu.memory_space<hbm>> -> memref<128x80xi32, #tpu.memory_space<hbm>>
      tpu.wait_dma2 semaphore(%run_scoped3A : memref<!tpu.dma_semaphore, #tpu.memory_space<semaphore_mem>>) src(%dma_wait3A_34 : memref<128x80xi32, #tpu.memory_space<hbm>>) dst(%arg6 : memref<128x80xi32, #tpu.memory_space<vmem>>)
      tpu.yield
    }) : () -> ()
    %barrier3A = arith.constant 0 : index
    tpu.barrier barrier_id(%barrier3A)
    %scan3A = arith.constant 0 : i32
    %scan3A_5 = arith.constant 0 : i32
    %scan3A_6 = arith.constant 128 : i32
    %scan3A_7 = arith.addi %scan3A_5, %scan3A_6 : i32
    %scan3A_8 = arith.constant 1 : i32
    scf.for %scan3A_21 = %scan3A_5 to %scan3A_7 step %scan3A_8  : i32 {
      %dma_start3A = arith.constant 0 : i32
      %dma_start3A_22 = tpu.memref_slice %arg6[%scan3A_21, %dma_start3A] : memref<128x80xi32, #tpu.memory_space<vmem>> -> memref<1x80xi32, #tpu.memory_space<vmem>>
      %dma_start3A_23 = tpu.memref_squeeze %dma_start3A_22 : memref<1x80xi32, #tpu.memory_space<vmem>> -> memref<80xi32, #tpu.memory_space<vmem>>
      %dma_start3A_24 = arith.constant 0 : i32
      %dma_start3A_25 = arith.constant 0 : i32
      %dma_start3A_26 = tpu.memref_slice %arg8[%dma_start3A_24, %dma_start3A_25] : memref<10112x16xf32, #tpu.memory_space<vmem_shared>> -> memref<10112x16xf32, #tpu.memory_space<vmem_shared>>
      tpu.enqueue_indirect_dma source(%arg7 : memref<80x16xf32, #tpu.memory_space<vmem>>) target(%dma_start3A_26 : memref<10112x16xf32, #tpu.memory_space<vmem_shared>>) offsets(%dma_start3A_23 : memref<80xi32, #tpu.memory_space<vmem>>) semaphore(%arg9 : memref<!tpu.dma_semaphore, #tpu.memory_space<semaphore_mem>>) {add = true}
    }
    %scan3A_9 = arith.constant 128 : i32
    %scan3A_10 = arith.constant 0 : i32
    %scan3A_11 = arith.constant 0 : i32
    %scan3A_12 = arith.constant 128 : i32
    %scan3A_13 = arith.addi %scan3A_11, %scan3A_12 : i32
    %scan3A_14 = arith.constant 1 : i32
    scf.for %scan3A_21 = %scan3A_11 to %scan3A_13 step %scan3A_14  : i32 {
      tpu.wait_dma2 semaphore(%arg9 : memref<!tpu.dma_semaphore, #tpu.memory_space<semaphore_mem>>) src(%arg4 : memref<80x16xf32, #tpu.memory_space<hbm>>) dst(%arg7 : memref<80x16xf32, #tpu.memory_space<vmem>>)
    }
    %scan3A_15 = arith.constant 128 : i32
    %barrier3A_16 = arith.constant 0 : index
    tpu.barrier barrier_id(%barrier3A_16)
    %mul3A_17 = arith.constant 632 : i32
    %mul3A_18 = arith.muli %arg1, %mul3A_17 : i32
    %mul3A_19 = arith.constant 632 : i32
    %mul3A_20 = arith.muli %arg1, %mul3A_19 : i32
    "tpu.region"() ({
      %run_scoped3A = tpu.sem_alloc : memref<!tpu.dma_semaphore, #tpu.memory_space<semaphore_mem>>
      %dma_start3A = arith.constant 0 : i32
      %dma_start3A_21 = tpu.memref_slice %arg5[%arg0, %mul3A_20, %dma_start3A] : memref<2x10112x16xf32, #tpu.memory_space<hbm>> -> memref<1x632x16xf32, #tpu.memory_space<hbm>>
      %dma_start3A_22 = tpu.memref_squeeze %dma_start3A_21 : memref<1x632x16xf32, #tpu.memory_space<hbm>> -> memref<632x16xf32, #tpu.memory_space<hbm>>
      %dma_start3A_23 = arith.constant 0 : i32
      %dma_start3A_24 = tpu.memref_slice %arg8[%mul3A_18, %dma_start3A_23] : memref<10112x16xf32, #tpu.memory_space<vmem_shared>> -> memref<632x16xf32, #tpu.memory_space<vmem_shared>>
      tpu.enqueue_dma source(%dma_start3A_24 : memref<632x16xf32, #tpu.memory_space<vmem_shared>>) target(%dma_start3A_22 : memref<632x16xf32, #tpu.memory_space<hbm>>) target_semaphore(%run_scoped3A : memref<!tpu.dma_semaphore, #tpu.memory_space<semaphore_mem>>)
      %dma_wait3A = arith.constant 0 : i32
      %dma_wait3A_25 = tpu.memref_slice %arg5[%arg0, %mul3A_20, %dma_wait3A] : memref<2x10112x16xf32, #tpu.memory_space<hbm>> -> memref<1x632x16xf32, #tpu.memory_space<hbm>>
      %dma_wait3A_26 = tpu.memref_squeeze %dma_wait3A_25 : memref<1x632x16xf32, #tpu.memory_space<hbm>> -> memref<632x16xf32, #tpu.memory_space<hbm>>
      %dma_wait3A_27 = arith.constant 0 : i32
      %dma_wait3A_28 = tpu.memref_slice %arg8[%mul3A_18, %dma_wait3A_27] : memref<10112x16xf32, #tpu.memory_space<vmem_shared>> -> memref<632x16xf32, #tpu.memory_space<vmem_shared>>
      tpu.wait_dma2 semaphore(%run_scoped3A : memref<!tpu.dma_semaphore, #tpu.memory_space<semaphore_mem>>) src(%dma_wait3A_28 : memref<632x16xf32, #tpu.memory_space<vmem_shared>>) dst(%dma_wait3A_26 : memref<632x16xf32, #tpu.memory_space<hbm>>)
      tpu.yield
    }) : () -> ()
    return
  }
}

#map = affine_map<(d0, d1) -> (0, 0)>
#map1 = affine_map<(d0, d1) -> (0, 0, 0)>
module attributes {stable_mosaic.version = 14 : i64} {
  func.func @agg(%arg0: i32, %arg1: i32, %arg2: memref<10112x128xbf16, #tpu.memory_space<hbm>>, %arg3: memref<32x128x80xi32, #tpu.memory_space<hbm>>, %arg4: memref<32x128x80xi32, #tpu.memory_space<hbm>>, %arg5: memref<10112x128xbf16, #tpu.memory_space<hbm>>, %arg6: memref<2x10112x128xbf16, #tpu.memory_space<hbm>>, %arg7: memref<3x16x80xi32, #tpu.memory_space<vmem>>, %arg8: memref<3x16x80xi32, #tpu.memory_space<vmem>>, %arg9: memref<16x80x128xbf16, #tpu.memory_space<vmem>>, %arg10: memref<10112x128xbf16, #tpu.memory_space<vmem_shared>>, %arg11: memref<!tpu.dma_semaphore, #tpu.memory_space<semaphore_mem>>, %arg12: memref<!tpu.dma_semaphore, #tpu.memory_space<semaphore_mem>>) attributes {dimension_semantics = [#tpu.dimension_semantics<core_parallel>, #tpu.dimension_semantics<subcore_parallel>], iteration_bounds = array<i64: 2, 16>, scalar_prefetch = 0 : i64, scratch_operands = 6 : i64, tpu.core_type = #tpu.core_type<sc_vector_subcore>, window_params = [{transform_indices = #map}, {transform_indices = #map1}, {transform_indices = #map1}, {transform_indices = #map}, {transform_indices = #map1}]} {
    %mul3A = arith.constant 2 : i32
    %mul3A_0 = arith.muli %arg1, %mul3A : i32
    %add3A = arith.addi %mul3A_0, %arg0 : i32
    %mul3A_1 = arith.constant 632 : i32
    %mul3A_2 = arith.muli %arg1, %mul3A_1 : i32
    %mul3A_3 = arith.constant 632 : i32
    %mul3A_4 = arith.muli %arg1, %mul3A_3 : i32
    "tpu.region"() ({
      %run_scoped3A_784 = tpu.sem_alloc : memref<!tpu.dma_semaphore, #tpu.memory_space<semaphore_mem>>
      %dma_start3A_785 = arith.constant 0 : i32
      %dma_start3A_786 = tpu.memref_slice %arg10[%mul3A_4, %dma_start3A_785] : memref<10112x128xbf16, #tpu.memory_space<vmem_shared>> -> memref<632x128xbf16, #tpu.memory_space<vmem_shared>>
      %dma_start3A_787 = arith.constant 0 : i32
      %dma_start3A_788 = tpu.memref_slice %arg5[%mul3A_2, %dma_start3A_787] : memref<10112x128xbf16, #tpu.memory_space<hbm>> -> memref<632x128xbf16, #tpu.memory_space<hbm>>
      tpu.enqueue_dma source(%dma_start3A_788 : memref<632x128xbf16, #tpu.memory_space<hbm>>) target(%dma_start3A_786 : memref<632x128xbf16, #tpu.memory_space<vmem_shared>>) target_semaphore(%run_scoped3A_784 : memref<!tpu.dma_semaphore, #tpu.memory_space<semaphore_mem>>)
      %dma_wait3A_789 = arith.constant 0 : i32
      %dma_wait3A_790 = tpu.memref_slice %arg10[%mul3A_4, %dma_wait3A_789] : memref<10112x128xbf16, #tpu.memory_space<vmem_shared>> -> memref<632x128xbf16, #tpu.memory_space<vmem_shared>>
      %dma_wait3A_791 = arith.constant 0 : i32
      %dma_wait3A_792 = tpu.memref_slice %arg5[%mul3A_2, %dma_wait3A_791] : memref<10112x128xbf16, #tpu.memory_space<hbm>> -> memref<632x128xbf16, #tpu.memory_space<hbm>>
      tpu.wait_dma2 semaphore(%run_scoped3A_784 : memref<!tpu.dma_semaphore, #tpu.memory_space<semaphore_mem>>) src(%dma_wait3A_792 : memref<632x128xbf16, #tpu.memory_space<hbm>>) dst(%dma_wait3A_790 : memref<632x128xbf16, #tpu.memory_space<vmem_shared>>)
      tpu.yield
    }) : () -> ()
    %run_scoped3A = arith.constant 0 : i32
    "tpu.region"() ({
      %run_scoped3A_784 = tpu.sem_alloc : memref<!tpu.dma_semaphore, #tpu.memory_space<semaphore_mem>>
      %dma_start3A_785 = arith.constant 0 : i32
      %dma_start3A_786 = arith.constant 0 : i32
      %dma_start3A_787 = tpu.memref_slice %arg7[%run_scoped3A, %dma_start3A_785, %dma_start3A_786] : memref<3x16x80xi32, #tpu.memory_space<vmem>> -> memref<1x16x80xi32, #tpu.memory_space<vmem>>
      %dma_start3A_788 = tpu.memref_squeeze %dma_start3A_787 : memref<1x16x80xi32, #tpu.memory_space<vmem>> -> memref<16x80xi32, #tpu.memory_space<vmem>>
      %dma_start3A_789 = arith.constant 0 : i32
      %dma_start3A_790 = arith.constant 0 : i32
      %dma_start3A_791 = tpu.memref_slice %arg3[%add3A, %dma_start3A_789, %dma_start3A_790] : memref<32x128x80xi32, #tpu.memory_space<hbm>> -> memref<1x16x80xi32, #tpu.memory_space<hbm>>
      %dma_start3A_792 = tpu.memref_squeeze %dma_start3A_791 : memref<1x16x80xi32, #tpu.memory_space<hbm>> -> memref<16x80xi32, #tpu.memory_space<hbm>>
      %dma_start3A_793 = arith.constant 0 : i32
      %dma_start3A_794 = arith.constant 0 : i32
      %dma_start3A_795 = tpu.memref_slice %arg7[%run_scoped3A, %dma_start3A_793, %dma_start3A_794] : memref<3x16x80xi32, #tpu.memory_space<vmem>> -> memref<1x16x80xi32, #tpu.memory_space<vmem>>
      %dma_start3A_796 = tpu.memref_squeeze %dma_start3A_795 : memref<1x16x80xi32, #tpu.memory_space<vmem>> -> memref<16x80xi32, #tpu.memory_space<vmem>>
      %dma_start3A_797 = arith.constant 0 : i32
      %dma_start3A_798 = arith.constant 0 : i32
      %dma_start3A_799 = tpu.memref_slice %arg3[%add3A, %dma_start3A_797, %dma_start3A_798] : memref<32x128x80xi32, #tpu.memory_space<hbm>> -> memref<1x16x80xi32, #tpu.memory_space<hbm>>
      %dma_start3A_800 = tpu.memref_squeeze %dma_start3A_799 : memref<1x16x80xi32, #tpu.memory_space<hbm>> -> memref<16x80xi32, #tpu.memory_space<hbm>>
      tpu.enqueue_dma source(%dma_start3A_800 : memref<16x80xi32, #tpu.memory_space<hbm>>) target(%dma_start3A_796 : memref<16x80xi32, #tpu.memory_space<vmem>>) target_semaphore(%run_scoped3A_784 : memref<!tpu.dma_semaphore, #tpu.memory_space<semaphore_mem>>)
      %dma_wait3A_801 = arith.constant 0 : i32
      %dma_wait3A_802 = arith.constant 0 : i32
      %dma_wait3A_803 = tpu.memref_slice %arg7[%run_scoped3A, %dma_wait3A_801, %dma_wait3A_802] : memref<3x16x80xi32, #tpu.memory_space<vmem>> -> memref<1x16x80xi32, #tpu.memory_space<vmem>>
      %dma_wait3A_804 = tpu.memref_squeeze %dma_wait3A_803 : memref<1x16x80xi32, #tpu.memory_space<vmem>> -> memref<16x80xi32, #tpu.memory_space<vmem>>
      %dma_wait3A_805 = arith.constant 0 : i32
      %dma_wait3A_806 = arith.constant 0 : i32
      %dma_wait3A_807 = tpu.memref_slice %arg3[%add3A, %dma_wait3A_805, %dma_wait3A_806] : memref<32x128x80xi32, #tpu.memory_space<hbm>> -> memref<1x16x80xi32, #tpu.memory_space<hbm>>
      %dma_wait3A_808 = tpu.memref_squeeze %dma_wait3A_807 : memref<1x16x80xi32, #tpu.memory_space<hbm>> -> memref<16x80xi32, #tpu.memory_space<hbm>>
      %dma_wait3A_809 = arith.constant 0 : i32
      %dma_wait3A_810 = arith.constant 0 : i32
      %dma_wait3A_811 = tpu.memref_slice %arg7[%run_scoped3A, %dma_wait3A_809, %dma_wait3A_810] : memref<3x16x80xi32, #tpu.memory_space<vmem>> -> memref<1x16x80xi32, #tpu.memory_space<vmem>>
      %dma_wait3A_812 = tpu.memref_squeeze %dma_wait3A_811 : memref<1x16x80xi32, #tpu.memory_space<vmem>> -> memref<16x80xi32, #tpu.memory_space<vmem>>
      %dma_wait3A_813 = arith.constant 0 : i32
      %dma_wait3A_814 = arith.constant 0 : i32
      %dma_wait3A_815 = tpu.memref_slice %arg3[%add3A, %dma_wait3A_813, %dma_wait3A_814] : memref<32x128x80xi32, #tpu.memory_space<hbm>> -> memref<1x16x80xi32, #tpu.memory_space<hbm>>
      %dma_wait3A_816 = tpu.memref_squeeze %dma_wait3A_815 : memref<1x16x80xi32, #tpu.memory_space<hbm>> -> memref<16x80xi32, #tpu.memory_space<hbm>>
      tpu.wait_dma2 semaphore(%run_scoped3A_784 : memref<!tpu.dma_semaphore, #tpu.memory_space<semaphore_mem>>) src(%dma_wait3A_816 : memref<16x80xi32, #tpu.memory_space<hbm>>) dst(%dma_wait3A_812 : memref<16x80xi32, #tpu.memory_space<vmem>>)
      tpu.yield
    }) : () -> ()
    %run_scoped3A_5 = arith.constant 0 : i32
    "tpu.region"() ({
      %run_scoped3A_784 = tpu.sem_alloc : memref<!tpu.dma_semaphore, #tpu.memory_space<semaphore_mem>>
      %dma_start3A_785 = arith.constant 0 : i32
      %dma_start3A_786 = arith.constant 0 : i32
      %dma_start3A_787 = tpu.memref_slice %arg8[%run_scoped3A_5, %dma_start3A_785, %dma_start3A_786] : memref<3x16x80xi32, #tpu.memory_space<vmem>> -> memref<1x16x80xi32, #tpu.memory_space<vmem>>
      %dma_start3A_788 = tpu.memref_squeeze %dma_start3A_787 : memref<1x16x80xi32, #tpu.memory_space<vmem>> -> memref<16x80xi32, #tpu.memory_space<vmem>>
      %dma_start3A_789 = arith.constant 0 : i32
      %dma_start3A_790 = arith.constant 0 : i32
      %dma_start3A_791 = tpu.memref_slice %arg4[%add3A, %dma_start3A_789, %dma_start3A_790] : memref<32x128x80xi32, #tpu.memory_space<hbm>> -> memref<1x16x80xi32, #tpu.memory_space<hbm>>
      %dma_start3A_792 = tpu.memref_squeeze %dma_start3A_791 : memref<1x16x80xi32, #tpu.memory_space<hbm>> -> memref<16x80xi32, #tpu.memory_space<hbm>>
      %dma_start3A_793 = arith.constant 0 : i32
      %dma_start3A_794 = arith.constant 0 : i32
      %dma_start3A_795 = tpu.memref_slice %arg8[%run_scoped3A_5, %dma_start3A_793, %dma_start3A_794] : memref<3x16x80xi32, #tpu.memory_space<vmem>> -> memref<1x16x80xi32, #tpu.memory_space<vmem>>
      %dma_start3A_796 = tpu.memref_squeeze %dma_start3A_795 : memref<1x16x80xi32, #tpu.memory_space<vmem>> -> memref<16x80xi32, #tpu.memory_space<vmem>>
      %dma_start3A_797 = arith.constant 0 : i32
      %dma_start3A_798 = arith.constant 0 : i32
      %dma_start3A_799 = tpu.memref_slice %arg4[%add3A, %dma_start3A_797, %dma_start3A_798] : memref<32x128x80xi32, #tpu.memory_space<hbm>> -> memref<1x16x80xi32, #tpu.memory_space<hbm>>
      %dma_start3A_800 = tpu.memref_squeeze %dma_start3A_799 : memref<1x16x80xi32, #tpu.memory_space<hbm>> -> memref<16x80xi32, #tpu.memory_space<hbm>>
      tpu.enqueue_dma source(%dma_start3A_800 : memref<16x80xi32, #tpu.memory_space<hbm>>) target(%dma_start3A_796 : memref<16x80xi32, #tpu.memory_space<vmem>>) target_semaphore(%run_scoped3A_784 : memref<!tpu.dma_semaphore, #tpu.memory_space<semaphore_mem>>)
      %dma_wait3A_801 = arith.constant 0 : i32
      %dma_wait3A_802 = arith.constant 0 : i32
      %dma_wait3A_803 = tpu.memref_slice %arg8[%run_scoped3A_5, %dma_wait3A_801, %dma_wait3A_802] : memref<3x16x80xi32, #tpu.memory_space<vmem>> -> memref<1x16x80xi32, #tpu.memory_space<vmem>>
      %dma_wait3A_804 = tpu.memref_squeeze %dma_wait3A_803 : memref<1x16x80xi32, #tpu.memory_space<vmem>> -> memref<16x80xi32, #tpu.memory_space<vmem>>
      %dma_wait3A_805 = arith.constant 0 : i32
      %dma_wait3A_806 = arith.constant 0 : i32
      %dma_wait3A_807 = tpu.memref_slice %arg4[%add3A, %dma_wait3A_805, %dma_wait3A_806] : memref<32x128x80xi32, #tpu.memory_space<hbm>> -> memref<1x16x80xi32, #tpu.memory_space<hbm>>
      %dma_wait3A_808 = tpu.memref_squeeze %dma_wait3A_807 : memref<1x16x80xi32, #tpu.memory_space<hbm>> -> memref<16x80xi32, #tpu.memory_space<hbm>>
      %dma_wait3A_809 = arith.constant 0 : i32
      %dma_wait3A_810 = arith.constant 0 : i32
      %dma_wait3A_811 = tpu.memref_slice %arg8[%run_scoped3A_5, %dma_wait3A_809, %dma_wait3A_810] : memref<3x16x80xi32, #tpu.memory_space<vmem>> -> memref<1x16x80xi32, #tpu.memory_space<vmem>>
      %dma_wait3A_812 = tpu.memref_squeeze %dma_wait3A_811 : memref<1x16x80xi32, #tpu.memory_space<vmem>> -> memref<16x80xi32, #tpu.memory_space<vmem>>
      %dma_wait3A_813 = arith.constant 0 : i32
      %dma_wait3A_814 = arith.constant 0 : i32
      %dma_wait3A_815 = tpu.memref_slice %arg4[%add3A, %dma_wait3A_813, %dma_wait3A_814] : memref<32x128x80xi32, #tpu.memory_space<hbm>> -> memref<1x16x80xi32, #tpu.memory_space<hbm>>
      %dma_wait3A_816 = tpu.memref_squeeze %dma_wait3A_815 : memref<1x16x80xi32, #tpu.memory_space<hbm>> -> memref<16x80xi32, #tpu.memory_space<hbm>>
      tpu.wait_dma2 semaphore(%run_scoped3A_784 : memref<!tpu.dma_semaphore, #tpu.memory_space<semaphore_mem>>) src(%dma_wait3A_816 : memref<16x80xi32, #tpu.memory_space<hbm>>) dst(%dma_wait3A_812 : memref<16x80xi32, #tpu.memory_space<vmem>>)
      tpu.yield
    }) : () -> ()
    %run_scoped3A_6 = arith.constant 1 : i32
    "tpu.region"() ({
      %run_scoped3A_784 = tpu.sem_alloc : memref<!tpu.dma_semaphore, #tpu.memory_space<semaphore_mem>>
      %dma_start3A_785 = arith.constant 0 : i32
      %dma_start3A_786 = arith.constant 0 : i32
      %dma_start3A_787 = tpu.memref_slice %arg7[%run_scoped3A_6, %dma_start3A_785, %dma_start3A_786] : memref<3x16x80xi32, #tpu.memory_space<vmem>> -> memref<1x16x80xi32, #tpu.memory_space<vmem>>
      %dma_start3A_788 = tpu.memref_squeeze %dma_start3A_787 : memref<1x16x80xi32, #tpu.memory_space<vmem>> -> memref<16x80xi32, #tpu.memory_space<vmem>>
      %dma_start3A_789 = arith.constant 16 : i32
      %dma_start3A_790 = arith.constant 0 : i32
      %dma_start3A_791 = tpu.memref_slice %arg3[%add3A, %dma_start3A_789, %dma_start3A_790] : memref<32x128x80xi32, #tpu.memory_space<hbm>> -> memref<1x16x80xi32, #tpu.memory_space<hbm>>
      %dma_start3A_792 = tpu.memref_squeeze %dma_start3A_791 : memref<1x16x80xi32, #tpu.memory_space<hbm>> -> memref<16x80xi32, #tpu.memory_space<hbm>>
      %dma_start3A_793 = arith.constant 0 : i32
      %dma_start3A_794 = arith.constant 0 : i32
      %dma_start3A_795 = tpu.memref_slice %arg7[%run_scoped3A_6, %dma_start3A_793, %dma_start3A_794] : memref<3x16x80xi32, #tpu.memory_space<vmem>> -> memref<1x16x80xi32, #tpu.memory_space<vmem>>
      %dma_start3A_796 = tpu.memref_squeeze %dma_start3A_795 : memref<1x16x80xi32, #tpu.memory_space<vmem>> -> memref<16x80xi32, #tpu.memory_space<vmem>>
      %dma_start3A_797 = arith.constant 16 : i32
      %dma_start3A_798 = arith.constant 0 : i32
      %dma_start3A_799 = tpu.memref_slice %arg3[%add3A, %dma_start3A_797, %dma_start3A_798] : memref<32x128x80xi32, #tpu.memory_space<hbm>> -> memref<1x16x80xi32, #tpu.memory_space<hbm>>
      %dma_start3A_800 = tpu.memref_squeeze %dma_start3A_799 : memref<1x16x80xi32, #tpu.memory_space<hbm>> -> memref<16x80xi32, #tpu.memory_space<hbm>>
      tpu.enqueue_dma source(%dma_start3A_800 : memref<16x80xi32, #tpu.memory_space<hbm>>) target(%dma_start3A_796 : memref<16x80xi32, #tpu.memory_space<vmem>>) target_semaphore(%run_scoped3A_784 : memref<!tpu.dma_semaphore, #tpu.memory_space<semaphore_mem>>)
      %dma_wait3A_801 = arith.constant 0 : i32
      %dma_wait3A_802 = arith.constant 0 : i32
      %dma_wait3A_803 = tpu.memref_slice %arg7[%run_scoped3A_6, %dma_wait3A_801, %dma_wait3A_802] : memref<3x16x80xi32, #tpu.memory_space<vmem>> -> memref<1x16x80xi32, #tpu.memory_space<vmem>>
      %dma_wait3A_804 = tpu.memref_squeeze %dma_wait3A_803 : memref<1x16x80xi32, #tpu.memory_space<vmem>> -> memref<16x80xi32, #tpu.memory_space<vmem>>
      %dma_wait3A_805 = arith.constant 16 : i32
      %dma_wait3A_806 = arith.constant 0 : i32
      %dma_wait3A_807 = tpu.memref_slice %arg3[%add3A, %dma_wait3A_805, %dma_wait3A_806] : memref<32x128x80xi32, #tpu.memory_space<hbm>> -> memref<1x16x80xi32, #tpu.memory_space<hbm>>
      %dma_wait3A_808 = tpu.memref_squeeze %dma_wait3A_807 : memref<1x16x80xi32, #tpu.memory_space<hbm>> -> memref<16x80xi32, #tpu.memory_space<hbm>>
      %dma_wait3A_809 = arith.constant 0 : i32
      %dma_wait3A_810 = arith.constant 0 : i32
      %dma_wait3A_811 = tpu.memref_slice %arg7[%run_scoped3A_6, %dma_wait3A_809, %dma_wait3A_810] : memref<3x16x80xi32, #tpu.memory_space<vmem>> -> memref<1x16x80xi32, #tpu.memory_space<vmem>>
      %dma_wait3A_812 = tpu.memref_squeeze %dma_wait3A_811 : memref<1x16x80xi32, #tpu.memory_space<vmem>> -> memref<16x80xi32, #tpu.memory_space<vmem>>
      %dma_wait3A_813 = arith.constant 16 : i32
      %dma_wait3A_814 = arith.constant 0 : i32
      %dma_wait3A_815 = tpu.memref_slice %arg3[%add3A, %dma_wait3A_813, %dma_wait3A_814] : memref<32x128x80xi32, #tpu.memory_space<hbm>> -> memref<1x16x80xi32, #tpu.memory_space<hbm>>
      %dma_wait3A_816 = tpu.memref_squeeze %dma_wait3A_815 : memref<1x16x80xi32, #tpu.memory_space<hbm>> -> memref<16x80xi32, #tpu.memory_space<hbm>>
      tpu.wait_dma2 semaphore(%run_scoped3A_784 : memref<!tpu.dma_semaphore, #tpu.memory_space<semaphore_mem>>) src(%dma_wait3A_816 : memref<16x80xi32, #tpu.memory_space<hbm>>) dst(%dma_wait3A_812 : memref<16x80xi32, #tpu.memory_space<vmem>>)
      tpu.yield
    }) : () -> ()
    %run_scoped3A_7 = arith.constant 1 : i32
    "tpu.region"() ({
      %run_scoped3A_784 = tpu.sem_alloc : memref<!tpu.dma_semaphore, #tpu.memory_space<semaphore_mem>>
      %dma_start3A_785 = arith.constant 0 : i32
      %dma_start3A_786 = arith.constant 0 : i32
      %dma_start3A_787 = tpu.memref_slice %arg8[%run_scoped3A_7, %dma_start3A_785, %dma_start3A_786] : memref<3x16x80xi32, #tpu.memory_space<vmem>> -> memref<1x16x80xi32, #tpu.memory_space<vmem>>
      %dma_start3A_788 = tpu.memref_squeeze %dma_start3A_787 : memref<1x16x80xi32, #tpu.memory_space<vmem>> -> memref<16x80xi32, #tpu.memory_space<vmem>>
      %dma_start3A_789 = arith.constant 16 : i32
      %dma_start3A_790 = arith.constant 0 : i32
      %dma_start3A_791 = tpu.memref_slice %arg4[%add3A, %dma_start3A_789, %dma_start3A_790] : memref<32x128x80xi32, #tpu.memory_space<hbm>> -> memref<1x16x80xi32, #tpu.memory_space<hbm>>
      %dma_start3A_792 = tpu.memref_squeeze %dma_start3A_791 : memref<1x16x80xi32, #tpu.memory_space<hbm>> -> memref<16x80xi32, #tpu.memory_space<hbm>>
      %dma_start3A_793 = arith.constant 0 : i32
      %dma_start3A_794 = arith.constant 0 : i32
      %dma_start3A_795 = tpu.memref_slice %arg8[%run_scoped3A_7, %dma_start3A_793, %dma_start3A_794] : memref<3x16x80xi32, #tpu.memory_space<vmem>> -> memref<1x16x80xi32, #tpu.memory_space<vmem>>
      %dma_start3A_796 = tpu.memref_squeeze %dma_start3A_795 : memref<1x16x80xi32, #tpu.memory_space<vmem>> -> memref<16x80xi32, #tpu.memory_space<vmem>>
      %dma_start3A_797 = arith.constant 16 : i32
      %dma_start3A_798 = arith.constant 0 : i32
      %dma_start3A_799 = tpu.memref_slice %arg4[%add3A, %dma_start3A_797, %dma_start3A_798] : memref<32x128x80xi32, #tpu.memory_space<hbm>> -> memref<1x16x80xi32, #tpu.memory_space<hbm>>
      %dma_start3A_800 = tpu.memref_squeeze %dma_start3A_799 : memref<1x16x80xi32, #tpu.memory_space<hbm>> -> memref<16x80xi32, #tpu.memory_space<hbm>>
      tpu.enqueue_dma source(%dma_start3A_800 : memref<16x80xi32, #tpu.memory_space<hbm>>) target(%dma_start3A_796 : memref<16x80xi32, #tpu.memory_space<vmem>>) target_semaphore(%run_scoped3A_784 : memref<!tpu.dma_semaphore, #tpu.memory_space<semaphore_mem>>)
      %dma_wait3A_801 = arith.constant 0 : i32
      %dma_wait3A_802 = arith.constant 0 : i32
      %dma_wait3A_803 = tpu.memref_slice %arg8[%run_scoped3A_7, %dma_wait3A_801, %dma_wait3A_802] : memref<3x16x80xi32, #tpu.memory_space<vmem>> -> memref<1x16x80xi32, #tpu.memory_space<vmem>>
      %dma_wait3A_804 = tpu.memref_squeeze %dma_wait3A_803 : memref<1x16x80xi32, #tpu.memory_space<vmem>> -> memref<16x80xi32, #tpu.memory_space<vmem>>
      %dma_wait3A_805 = arith.constant 16 : i32
      %dma_wait3A_806 = arith.constant 0 : i32
      %dma_wait3A_807 = tpu.memref_slice %arg4[%add3A, %dma_wait3A_805, %dma_wait3A_806] : memref<32x128x80xi32, #tpu.memory_space<hbm>> -> memref<1x16x80xi32, #tpu.memory_space<hbm>>
      %dma_wait3A_808 = tpu.memref_squeeze %dma_wait3A_807 : memref<1x16x80xi32, #tpu.memory_space<hbm>> -> memref<16x80xi32, #tpu.memory_space<hbm>>
      %dma_wait3A_809 = arith.constant 0 : i32
      %dma_wait3A_810 = arith.constant 0 : i32
      %dma_wait3A_811 = tpu.memref_slice %arg8[%run_scoped3A_7, %dma_wait3A_809, %dma_wait3A_810] : memref<3x16x80xi32, #tpu.memory_space<vmem>> -> memref<1x16x80xi32, #tpu.memory_space<vmem>>
      %dma_wait3A_812 = tpu.memref_squeeze %dma_wait3A_811 : memref<1x16x80xi32, #tpu.memory_space<vmem>> -> memref<16x80xi32, #tpu.memory_space<vmem>>
      %dma_wait3A_813 = arith.constant 16 : i32
      %dma_wait3A_814 = arith.constant 0 : i32
      %dma_wait3A_815 = tpu.memref_slice %arg4[%add3A, %dma_wait3A_813, %dma_wait3A_814] : memref<32x128x80xi32, #tpu.memory_space<hbm>> -> memref<1x16x80xi32, #tpu.memory_space<hbm>>
      %dma_wait3A_816 = tpu.memref_squeeze %dma_wait3A_815 : memref<1x16x80xi32, #tpu.memory_space<hbm>> -> memref<16x80xi32, #tpu.memory_space<hbm>>
      tpu.wait_dma2 semaphore(%run_scoped3A_784 : memref<!tpu.dma_semaphore, #tpu.memory_space<semaphore_mem>>) src(%dma_wait3A_816 : memref<16x80xi32, #tpu.memory_space<hbm>>) dst(%dma_wait3A_812 : memref<16x80xi32, #tpu.memory_space<vmem>>)
      tpu.yield
    }) : () -> ()
    %barrier3A = arith.constant 0 : index
    tpu.barrier barrier_id(%barrier3A)
    %div3A = arith.constant 0 : i32
    %div3A_8 = arith.constant 16 : i32
    %div3A_9 = arith.divsi %div3A, %div3A_8 : i32
    %rem3A = arith.constant 3 : i32
    %rem3A_10 = arith.remsi %div3A_9, %rem3A : i32
    %rem3A_11 = arith.constant 0 : i32
    %rem3A_12 = arith.constant 16 : i32
    %rem3A_13 = arith.remsi %rem3A_11, %rem3A_12 : i32
    %dma_start3A = arith.constant 0 : i32
    %dma_start3A_14 = arith.constant 0 : i32
    %dma_start3A_15 = arith.constant 0 : i32
    %dma_start3A_16 = tpu.memref_slice %arg9[%dma_start3A, %dma_start3A_14, %dma_start3A_15] : memref<16x80x128xbf16, #tpu.memory_space<vmem>> -> memref<1x80x128xbf16, #tpu.memory_space<vmem>>
    %dma_start3A_17 = tpu.memref_squeeze %dma_start3A_16 : memref<1x80x128xbf16, #tpu.memory_space<vmem>> -> memref<80x128xbf16, #tpu.memory_space<vmem>>
    %dma_start3A_18 = arith.constant 0 : i32
    %dma_start3A_19 = tpu.memref_slice %arg7[%rem3A_10, %rem3A_13, %dma_start3A_18] : memref<3x16x80xi32, #tpu.memory_space<vmem>> -> memref<1x1x80xi32, #tpu.memory_space<vmem>>
    %dma_start3A_20 = tpu.memref_squeeze %dma_start3A_19 : memref<1x1x80xi32, #tpu.memory_space<vmem>> -> memref<80xi32, #tpu.memory_space<vmem>>
    %dma_start3A_21 = arith.constant 0 : i32
    %dma_start3A_22 = arith.constant 0 : i32
    %dma_start3A_23 = tpu.memref_slice %arg2[%dma_start3A_21, %dma_start3A_22] : memref<10112x128xbf16, #tpu.memory_space<hbm>> -> memref<10112x128xbf16, #tpu.memory_space<hbm>>
    tpu.enqueue_indirect_dma source(%dma_start3A_23 : memref<10112x128xbf16, #tpu.memory_space<hbm>>) target(%dma_start3A_17 : memref<80x128xbf16, #tpu.memory_space<vmem>>) offsets(%dma_start3A_20 : memref<80xi32, #tpu.memory_space<vmem>>) semaphore(%arg11 : memref<!tpu.dma_semaphore, #tpu.memory_space<semaphore_mem>>)
    %div3A_24 = arith.constant 1 : i32
    %div3A_25 = arith.constant 16 : i32
    %div3A_26 = arith.divsi %div3A_24, %div3A_25 : i32
    %rem3A_27 = arith.constant 3 : i32
    %rem3A_28 = arith.remsi %div3A_26, %rem3A_27 : i32
    %rem3A_29 = arith.constant 1 : i32
    %rem3A_30 = arith.constant 16 : i32
    %rem3A_31 = arith.remsi %rem3A_29, %rem3A_30 : i32
    %dma_start3A_32 = arith.constant 1 : i32
    %dma_start3A_33 = arith.constant 0 : i32
    %dma_start3A_34 = arith.constant 0 : i32
    %dma_start3A_35 = tpu.memref_slice %arg9[%dma_start3A_32, %dma_start3A_33, %dma_start3A_34] : memref<16x80x128xbf16, #tpu.memory_space<vmem>> -> memref<1x80x128xbf16, #tpu.memory_space<vmem>>
    %dma_start3A_36 = tpu.memref_squeeze %dma_start3A_35 : memref<1x80x128xbf16, #tpu.memory_space<vmem>> -> memref<80x128xbf16, #tpu.memory_space<vmem>>
    %dma_start3A_37 = arith.constant 0 : i32
    %dma_start3A_38 = tpu.memref_slice %arg7[%rem3A_28, %rem3A_31, %dma_start3A_37] : memref<3x16x80xi32, #tpu.memory_space<vmem>> -> memref<1x1x80xi32, #tpu.memory_space<vmem>>
    %dma_start3A_39 = tpu.memref_squeeze %dma_start3A_38 : memref<1x1x80xi32, #tpu.memory_space<vmem>> -> memref<80xi32, #tpu.memory_space<vmem>>
    %dma_start3A_40 = arith.constant 0 : i32
    %dma_start3A_41 = arith.constant 0 : i32
    %dma_start3A_42 = tpu.memref_slice %arg2[%dma_start3A_40, %dma_start3A_41] : memref<10112x128xbf16, #tpu.memory_space<hbm>> -> memref<10112x128xbf16, #tpu.memory_space<hbm>>
    tpu.enqueue_indirect_dma source(%dma_start3A_42 : memref<10112x128xbf16, #tpu.memory_space<hbm>>) target(%dma_start3A_36 : memref<80x128xbf16, #tpu.memory_space<vmem>>) offsets(%dma_start3A_39 : memref<80xi32, #tpu.memory_space<vmem>>) semaphore(%arg11 : memref<!tpu.dma_semaphore, #tpu.memory_space<semaphore_mem>>)
    %div3A_43 = arith.constant 2 : i32
    %div3A_44 = arith.constant 16 : i32
    %div3A_45 = arith.divsi %div3A_43, %div3A_44 : i32
    %rem3A_46 = arith.constant 3 : i32
    %rem3A_47 = arith.remsi %div3A_45, %rem3A_46 : i32
    %rem3A_48 = arith.constant 2 : i32
    %rem3A_49 = arith.constant 16 : i32
    %rem3A_50 = arith.remsi %rem3A_48, %rem3A_49 : i32
    %dma_start3A_51 = arith.constant 2 : i32
    %dma_start3A_52 = arith.constant 0 : i32
    %dma_start3A_53 = arith.constant 0 : i32
    %dma_start3A_54 = tpu.memref_slice %arg9[%dma_start3A_51, %dma_start3A_52, %dma_start3A_53] : memref<16x80x128xbf16, #tpu.memory_space<vmem>> -> memref<1x80x128xbf16, #tpu.memory_space<vmem>>
    %dma_start3A_55 = tpu.memref_squeeze %dma_start3A_54 : memref<1x80x128xbf16, #tpu.memory_space<vmem>> -> memref<80x128xbf16, #tpu.memory_space<vmem>>
    %dma_start3A_56 = arith.constant 0 : i32
    %dma_start3A_57 = tpu.memref_slice %arg7[%rem3A_47, %rem3A_50, %dma_start3A_56] : memref<3x16x80xi32, #tpu.memory_space<vmem>> -> memref<1x1x80xi32, #tpu.memory_space<vmem>>
    %dma_start3A_58 = tpu.memref_squeeze %dma_start3A_57 : memref<1x1x80xi32, #tpu.memory_space<vmem>> -> memref<80xi32, #tpu.memory_space<vmem>>
    %dma_start3A_59 = arith.constant 0 : i32
    %dma_start3A_60 = arith.constant 0 : i32
    %dma_start3A_61 = tpu.memref_slice %arg2[%dma_start3A_59, %dma_start3A_60] : memref<10112x128xbf16, #tpu.memory_space<hbm>> -> memref<10112x128xbf16, #tpu.memory_space<hbm>>
    tpu.enqueue_indirect_dma source(%dma_start3A_61 : memref<10112x128xbf16, #tpu.memory_space<hbm>>) target(%dma_start3A_55 : memref<80x128xbf16, #tpu.memory_space<vmem>>) offsets(%dma_start3A_58 : memref<80xi32, #tpu.memory_space<vmem>>) semaphore(%arg11 : memref<!tpu.dma_semaphore, #tpu.memory_space<semaphore_mem>>)
    %div3A_62 = arith.constant 3 : i32
    %div3A_63 = arith.constant 16 : i32
    %div3A_64 = arith.divsi %div3A_62, %div3A_63 : i32
    %rem3A_65 = arith.constant 3 : i32
    %rem3A_66 = arith.remsi %div3A_64, %rem3A_65 : i32
    %rem3A_67 = arith.constant 3 : i32
    %rem3A_68 = arith.constant 16 : i32
    %rem3A_69 = arith.remsi %rem3A_67, %rem3A_68 : i32
    %dma_start3A_70 = arith.constant 3 : i32
    %dma_start3A_71 = arith.constant 0 : i32
    %dma_start3A_72 = arith.constant 0 : i32
    %dma_start3A_73 = tpu.memref_slice %arg9[%dma_start3A_70, %dma_start3A_71, %dma_start3A_72] : memref<16x80x128xbf16, #tpu.memory_space<vmem>> -> memref<1x80x128xbf16, #tpu.memory_space<vmem>>
    %dma_start3A_74 = tpu.memref_squeeze %dma_start3A_73 : memref<1x80x128xbf16, #tpu.memory_space<vmem>> -> memref<80x128xbf16, #tpu.memory_space<vmem>>
    %dma_start3A_75 = arith.constant 0 : i32
    %dma_start3A_76 = tpu.memref_slice %arg7[%rem3A_66, %rem3A_69, %dma_start3A_75] : memref<3x16x80xi32, #tpu.memory_space<vmem>> -> memref<1x1x80xi32, #tpu.memory_space<vmem>>
    %dma_start3A_77 = tpu.memref_squeeze %dma_start3A_76 : memref<1x1x80xi32, #tpu.memory_space<vmem>> -> memref<80xi32, #tpu.memory_space<vmem>>
    %dma_start3A_78 = arith.constant 0 : i32
    %dma_start3A_79 = arith.constant 0 : i32
    %dma_start3A_80 = tpu.memref_slice %arg2[%dma_start3A_78, %dma_start3A_79] : memref<10112x128xbf16, #tpu.memory_space<hbm>> -> memref<10112x128xbf16, #tpu.memory_space<hbm>>
    tpu.enqueue_indirect_dma source(%dma_start3A_80 : memref<10112x128xbf16, #tpu.memory_space<hbm>>) target(%dma_start3A_74 : memref<80x128xbf16, #tpu.memory_space<vmem>>) offsets(%dma_start3A_77 : memref<80xi32, #tpu.memory_space<vmem>>) semaphore(%arg11 : memref<!tpu.dma_semaphore, #tpu.memory_space<semaphore_mem>>)
    %div3A_81 = arith.constant 4 : i32
    %div3A_82 = arith.constant 16 : i32
    %div3A_83 = arith.divsi %div3A_81, %div3A_82 : i32
    %rem3A_84 = arith.constant 3 : i32
    %rem3A_85 = arith.remsi %div3A_83, %rem3A_84 : i32
    %rem3A_86 = arith.constant 4 : i32
    %rem3A_87 = arith.constant 16 : i32
    %rem3A_88 = arith.remsi %rem3A_86, %rem3A_87 : i32
    %dma_start3A_89 = arith.constant 4 : i32
    %dma_start3A_90 = arith.constant 0 : i32
    %dma_start3A_91 = arith.constant 0 : i32
    %dma_start3A_92 = tpu.memref_slice %arg9[%dma_start3A_89, %dma_start3A_90, %dma_start3A_91] : memref<16x80x128xbf16, #tpu.memory_space<vmem>> -> memref<1x80x128xbf16, #tpu.memory_space<vmem>>
    %dma_start3A_93 = tpu.memref_squeeze %dma_start3A_92 : memref<1x80x128xbf16, #tpu.memory_space<vmem>> -> memref<80x128xbf16, #tpu.memory_space<vmem>>
    %dma_start3A_94 = arith.constant 0 : i32
    %dma_start3A_95 = tpu.memref_slice %arg7[%rem3A_85, %rem3A_88, %dma_start3A_94] : memref<3x16x80xi32, #tpu.memory_space<vmem>> -> memref<1x1x80xi32, #tpu.memory_space<vmem>>
    %dma_start3A_96 = tpu.memref_squeeze %dma_start3A_95 : memref<1x1x80xi32, #tpu.memory_space<vmem>> -> memref<80xi32, #tpu.memory_space<vmem>>
    %dma_start3A_97 = arith.constant 0 : i32
    %dma_start3A_98 = arith.constant 0 : i32
    %dma_start3A_99 = tpu.memref_slice %arg2[%dma_start3A_97, %dma_start3A_98] : memref<10112x128xbf16, #tpu.memory_space<hbm>> -> memref<10112x128xbf16, #tpu.memory_space<hbm>>
    tpu.enqueue_indirect_dma source(%dma_start3A_99 : memref<10112x128xbf16, #tpu.memory_space<hbm>>) target(%dma_start3A_93 : memref<80x128xbf16, #tpu.memory_space<vmem>>) offsets(%dma_start3A_96 : memref<80xi32, #tpu.memory_space<vmem>>) semaphore(%arg11 : memref<!tpu.dma_semaphore, #tpu.memory_space<semaphore_mem>>)
    %div3A_100 = arith.constant 5 : i32
    %div3A_101 = arith.constant 16 : i32
    %div3A_102 = arith.divsi %div3A_100, %div3A_101 : i32
    %rem3A_103 = arith.constant 3 : i32
    %rem3A_104 = arith.remsi %div3A_102, %rem3A_103 : i32
    %rem3A_105 = arith.constant 5 : i32
    %rem3A_106 = arith.constant 16 : i32
    %rem3A_107 = arith.remsi %rem3A_105, %rem3A_106 : i32
    %dma_start3A_108 = arith.constant 5 : i32
    %dma_start3A_109 = arith.constant 0 : i32
    %dma_start3A_110 = arith.constant 0 : i32
    %dma_start3A_111 = tpu.memref_slice %arg9[%dma_start3A_108, %dma_start3A_109, %dma_start3A_110] : memref<16x80x128xbf16, #tpu.memory_space<vmem>> -> memref<1x80x128xbf16, #tpu.memory_space<vmem>>
    %dma_start3A_112 = tpu.memref_squeeze %dma_start3A_111 : memref<1x80x128xbf16, #tpu.memory_space<vmem>> -> memref<80x128xbf16, #tpu.memory_space<vmem>>
    %dma_start3A_113 = arith.constant 0 : i32
    %dma_start3A_114 = tpu.memref_slice %arg7[%rem3A_104, %rem3A_107, %dma_start3A_113] : memref<3x16x80xi32, #tpu.memory_space<vmem>> -> memref<1x1x80xi32, #tpu.memory_space<vmem>>
    %dma_start3A_115 = tpu.memref_squeeze %dma_start3A_114 : memref<1x1x80xi32, #tpu.memory_space<vmem>> -> memref<80xi32, #tpu.memory_space<vmem>>
    %dma_start3A_116 = arith.constant 0 : i32
    %dma_start3A_117 = arith.constant 0 : i32
    %dma_start3A_118 = tpu.memref_slice %arg2[%dma_start3A_116, %dma_start3A_117] : memref<10112x128xbf16, #tpu.memory_space<hbm>> -> memref<10112x128xbf16, #tpu.memory_space<hbm>>
    tpu.enqueue_indirect_dma source(%dma_start3A_118 : memref<10112x128xbf16, #tpu.memory_space<hbm>>) target(%dma_start3A_112 : memref<80x128xbf16, #tpu.memory_space<vmem>>) offsets(%dma_start3A_115 : memref<80xi32, #tpu.memory_space<vmem>>) semaphore(%arg11 : memref<!tpu.dma_semaphore, #tpu.memory_space<semaphore_mem>>)
    %div3A_119 = arith.constant 6 : i32
    %div3A_120 = arith.constant 16 : i32
    %div3A_121 = arith.divsi %div3A_119, %div3A_120 : i32
    %rem3A_122 = arith.constant 3 : i32
    %rem3A_123 = arith.remsi %div3A_121, %rem3A_122 : i32
    %rem3A_124 = arith.constant 6 : i32
    %rem3A_125 = arith.constant 16 : i32
    %rem3A_126 = arith.remsi %rem3A_124, %rem3A_125 : i32
    %dma_start3A_127 = arith.constant 6 : i32
    %dma_start3A_128 = arith.constant 0 : i32
    %dma_start3A_129 = arith.constant 0 : i32
    %dma_start3A_130 = tpu.memref_slice %arg9[%dma_start3A_127, %dma_start3A_128, %dma_start3A_129] : memref<16x80x128xbf16, #tpu.memory_space<vmem>> -> memref<1x80x128xbf16, #tpu.memory_space<vmem>>
    %dma_start3A_131 = tpu.memref_squeeze %dma_start3A_130 : memref<1x80x128xbf16, #tpu.memory_space<vmem>> -> memref<80x128xbf16, #tpu.memory_space<vmem>>
    %dma_start3A_132 = arith.constant 0 : i32
    %dma_start3A_133 = tpu.memref_slice %arg7[%rem3A_123, %rem3A_126, %dma_start3A_132] : memref<3x16x80xi32, #tpu.memory_space<vmem>> -> memref<1x1x80xi32, #tpu.memory_space<vmem>>
    %dma_start3A_134 = tpu.memref_squeeze %dma_start3A_133 : memref<1x1x80xi32, #tpu.memory_space<vmem>> -> memref<80xi32, #tpu.memory_space<vmem>>
    %dma_start3A_135 = arith.constant 0 : i32
    %dma_start3A_136 = arith.constant 0 : i32
    %dma_start3A_137 = tpu.memref_slice %arg2[%dma_start3A_135, %dma_start3A_136] : memref<10112x128xbf16, #tpu.memory_space<hbm>> -> memref<10112x128xbf16, #tpu.memory_space<hbm>>
    tpu.enqueue_indirect_dma source(%dma_start3A_137 : memref<10112x128xbf16, #tpu.memory_space<hbm>>) target(%dma_start3A_131 : memref<80x128xbf16, #tpu.memory_space<vmem>>) offsets(%dma_start3A_134 : memref<80xi32, #tpu.memory_space<vmem>>) semaphore(%arg11 : memref<!tpu.dma_semaphore, #tpu.memory_space<semaphore_mem>>)
    %div3A_138 = arith.constant 7 : i32
    %div3A_139 = arith.constant 16 : i32
    %div3A_140 = arith.divsi %div3A_138, %div3A_139 : i32
    %rem3A_141 = arith.constant 3 : i32
    %rem3A_142 = arith.remsi %div3A_140, %rem3A_141 : i32
    %rem3A_143 = arith.constant 7 : i32
    %rem3A_144 = arith.constant 16 : i32
    %rem3A_145 = arith.remsi %rem3A_143, %rem3A_144 : i32
    %dma_start3A_146 = arith.constant 7 : i32
    %dma_start3A_147 = arith.constant 0 : i32
    %dma_start3A_148 = arith.constant 0 : i32
    %dma_start3A_149 = tpu.memref_slice %arg9[%dma_start3A_146, %dma_start3A_147, %dma_start3A_148] : memref<16x80x128xbf16, #tpu.memory_space<vmem>> -> memref<1x80x128xbf16, #tpu.memory_space<vmem>>
    %dma_start3A_150 = tpu.memref_squeeze %dma_start3A_149 : memref<1x80x128xbf16, #tpu.memory_space<vmem>> -> memref<80x128xbf16, #tpu.memory_space<vmem>>
    %dma_start3A_151 = arith.constant 0 : i32
    %dma_start3A_152 = tpu.memref_slice %arg7[%rem3A_142, %rem3A_145, %dma_start3A_151] : memref<3x16x80xi32, #tpu.memory_space<vmem>> -> memref<1x1x80xi32, #tpu.memory_space<vmem>>
    %dma_start3A_153 = tpu.memref_squeeze %dma_start3A_152 : memref<1x1x80xi32, #tpu.memory_space<vmem>> -> memref<80xi32, #tpu.memory_space<vmem>>
    %dma_start3A_154 = arith.constant 0 : i32
    %dma_start3A_155 = arith.constant 0 : i32
    %dma_start3A_156 = tpu.memref_slice %arg2[%dma_start3A_154, %dma_start3A_155] : memref<10112x128xbf16, #tpu.memory_space<hbm>> -> memref<10112x128xbf16, #tpu.memory_space<hbm>>
    tpu.enqueue_indirect_dma source(%dma_start3A_156 : memref<10112x128xbf16, #tpu.memory_space<hbm>>) target(%dma_start3A_150 : memref<80x128xbf16, #tpu.memory_space<vmem>>) offsets(%dma_start3A_153 : memref<80xi32, #tpu.memory_space<vmem>>) semaphore(%arg11 : memref<!tpu.dma_semaphore, #tpu.memory_space<semaphore_mem>>)
    %div3A_157 = arith.constant 8 : i32
    %div3A_158 = arith.constant 16 : i32
    %div3A_159 = arith.divsi %div3A_157, %div3A_158 : i32
    %rem3A_160 = arith.constant 3 : i32
    %rem3A_161 = arith.remsi %div3A_159, %rem3A_160 : i32
    %rem3A_162 = arith.constant 8 : i32
    %rem3A_163 = arith.constant 16 : i32
    %rem3A_164 = arith.remsi %rem3A_162, %rem3A_163 : i32
    %dma_start3A_165 = arith.constant 8 : i32
    %dma_start3A_166 = arith.constant 0 : i32
    %dma_start3A_167 = arith.constant 0 : i32
    %dma_start3A_168 = tpu.memref_slice %arg9[%dma_start3A_165, %dma_start3A_166, %dma_start3A_167] : memref<16x80x128xbf16, #tpu.memory_space<vmem>> -> memref<1x80x128xbf16, #tpu.memory_space<vmem>>
    %dma_start3A_169 = tpu.memref_squeeze %dma_start3A_168 : memref<1x80x128xbf16, #tpu.memory_space<vmem>> -> memref<80x128xbf16, #tpu.memory_space<vmem>>
    %dma_start3A_170 = arith.constant 0 : i32
    %dma_start3A_171 = tpu.memref_slice %arg7[%rem3A_161, %rem3A_164, %dma_start3A_170] : memref<3x16x80xi32, #tpu.memory_space<vmem>> -> memref<1x1x80xi32, #tpu.memory_space<vmem>>
    %dma_start3A_172 = tpu.memref_squeeze %dma_start3A_171 : memref<1x1x80xi32, #tpu.memory_space<vmem>> -> memref<80xi32, #tpu.memory_space<vmem>>
    %dma_start3A_173 = arith.constant 0 : i32
    %dma_start3A_174 = arith.constant 0 : i32
    %dma_start3A_175 = tpu.memref_slice %arg2[%dma_start3A_173, %dma_start3A_174] : memref<10112x128xbf16, #tpu.memory_space<hbm>> -> memref<10112x128xbf16, #tpu.memory_space<hbm>>
    tpu.enqueue_indirect_dma source(%dma_start3A_175 : memref<10112x128xbf16, #tpu.memory_space<hbm>>) target(%dma_start3A_169 : memref<80x128xbf16, #tpu.memory_space<vmem>>) offsets(%dma_start3A_172 : memref<80xi32, #tpu.memory_space<vmem>>) semaphore(%arg11 : memref<!tpu.dma_semaphore, #tpu.memory_space<semaphore_mem>>)
    %div3A_176 = arith.constant 9 : i32
    %div3A_177 = arith.constant 16 : i32
    %div3A_178 = arith.divsi %div3A_176, %div3A_177 : i32
    %rem3A_179 = arith.constant 3 : i32
    %rem3A_180 = arith.remsi %div3A_178, %rem3A_179 : i32
    %rem3A_181 = arith.constant 9 : i32
    %rem3A_182 = arith.constant 16 : i32
    %rem3A_183 = arith.remsi %rem3A_181, %rem3A_182 : i32
    %dma_start3A_184 = arith.constant 9 : i32
    %dma_start3A_185 = arith.constant 0 : i32
    %dma_start3A_186 = arith.constant 0 : i32
    %dma_start3A_187 = tpu.memref_slice %arg9[%dma_start3A_184, %dma_start3A_185, %dma_start3A_186] : memref<16x80x128xbf16, #tpu.memory_space<vmem>> -> memref<1x80x128xbf16, #tpu.memory_space<vmem>>
    %dma_start3A_188 = tpu.memref_squeeze %dma_start3A_187 : memref<1x80x128xbf16, #tpu.memory_space<vmem>> -> memref<80x128xbf16, #tpu.memory_space<vmem>>
    %dma_start3A_189 = arith.constant 0 : i32
    %dma_start3A_190 = tpu.memref_slice %arg7[%rem3A_180, %rem3A_183, %dma_start3A_189] : memref<3x16x80xi32, #tpu.memory_space<vmem>> -> memref<1x1x80xi32, #tpu.memory_space<vmem>>
    %dma_start3A_191 = tpu.memref_squeeze %dma_start3A_190 : memref<1x1x80xi32, #tpu.memory_space<vmem>> -> memref<80xi32, #tpu.memory_space<vmem>>
    %dma_start3A_192 = arith.constant 0 : i32
    %dma_start3A_193 = arith.constant 0 : i32
    %dma_start3A_194 = tpu.memref_slice %arg2[%dma_start3A_192, %dma_start3A_193] : memref<10112x128xbf16, #tpu.memory_space<hbm>> -> memref<10112x128xbf16, #tpu.memory_space<hbm>>
    tpu.enqueue_indirect_dma source(%dma_start3A_194 : memref<10112x128xbf16, #tpu.memory_space<hbm>>) target(%dma_start3A_188 : memref<80x128xbf16, #tpu.memory_space<vmem>>) offsets(%dma_start3A_191 : memref<80xi32, #tpu.memory_space<vmem>>) semaphore(%arg11 : memref<!tpu.dma_semaphore, #tpu.memory_space<semaphore_mem>>)
    %scan3A = arith.constant 0 : i32
    %scan3A_195 = arith.constant 10 : i32
    %scan3A_196 = arith.constant 118 : i32
    %scan3A_197 = arith.addi %scan3A_195, %scan3A_196 : i32
    %scan3A_198 = arith.constant 1 : i32
    scf.for %scan3A_784 = %scan3A_195 to %scan3A_197 step %scan3A_198  : i32 {
      %div3A_785 = arith.constant 16 : i32
      %div3A_786 = arith.divsi %scan3A_784, %div3A_785 : i32
      %rem3A_787 = arith.constant 16 : i32
      %rem3A_788 = arith.remsi %scan3A_784, %rem3A_787 : i32
      %eq3A = arith.constant 0 : i32
      %eq3A_789 = arith.cmpi eq, %rem3A_788, %eq3A : i32
      %lt3A = arith.constant 7 : i32
      %lt3A_790 = arith.cmpi slt, %div3A_786, %lt3A : i32
      %and3A = arith.andi %eq3A_789, %lt3A_790 : i1
      %convert_element_type3A = arith.extui %and3A : i1 to i32
      %cond3A = arith.constant 0 : i32
      %cond3A_791 = arith.cmpi ne, %convert_element_type3A, %cond3A : i32
      scf.if %cond3A_791 {
        %add3A_850 = arith.constant 1 : i32
        %add3A_851 = arith.addi %div3A_786, %add3A_850 : i32
        %add3A_852 = arith.constant 1 : i32
        %add3A_853 = arith.addi %div3A_786, %add3A_852 : i32
        %rem3A_854 = arith.constant 3 : i32
        %rem3A_855 = arith.remsi %add3A_853, %rem3A_854 : i32
        %mul3A_856 = arith.constant 16 : i32
        %mul3A_857 = arith.muli %add3A_851, %mul3A_856 : i32
        "tpu.region"() ({
          %run_scoped3A_860 = tpu.sem_alloc : memref<!tpu.dma_semaphore, #tpu.memory_space<semaphore_mem>>
          %dma_start3A_861 = arith.constant 0 : i32
          %dma_start3A_862 = arith.constant 0 : i32
          %dma_start3A_863 = tpu.memref_slice %arg7[%rem3A_855, %dma_start3A_861, %dma_start3A_862] : memref<3x16x80xi32, #tpu.memory_space<vmem>> -> memref<1x16x80xi32, #tpu.memory_space<vmem>>
          %dma_start3A_864 = tpu.memref_squeeze %dma_start3A_863 : memref<1x16x80xi32, #tpu.memory_space<vmem>> -> memref<16x80xi32, #tpu.memory_space<vmem>>
          %dma_start3A_865 = arith.constant 0 : i32
          %dma_start3A_866 = tpu.memref_slice %arg3[%add3A, %mul3A_857, %dma_start3A_865] : memref<32x128x80xi32, #tpu.memory_space<hbm>> -> memref<1x16x80xi32, #tpu.memory_space<hbm>>
          %dma_start3A_867 = tpu.memref_squeeze %dma_start3A_866 : memref<1x16x80xi32, #tpu.memory_space<hbm>> -> memref<16x80xi32, #tpu.memory_space<hbm>>
          %dma_start3A_868 = arith.constant 0 : i32
          %dma_start3A_869 = arith.constant 0 : i32
          %dma_start3A_870 = tpu.memref_slice %arg7[%rem3A_855, %dma_start3A_868, %dma_start3A_869] : memref<3x16x80xi32, #tpu.memory_space<vmem>> -> memref<1x16x80xi32, #tpu.memory_space<vmem>>
          %dma_start3A_871 = tpu.memref_squeeze %dma_start3A_870 : memref<1x16x80xi32, #tpu.memory_space<vmem>> -> memref<16x80xi32, #tpu.memory_space<vmem>>
          %dma_start3A_872 = arith.constant 0 : i32
          %dma_start3A_873 = tpu.memref_slice %arg3[%add3A, %mul3A_857, %dma_start3A_872] : memref<32x128x80xi32, #tpu.memory_space<hbm>> -> memref<1x16x80xi32, #tpu.memory_space<hbm>>
          %dma_start3A_874 = tpu.memref_squeeze %dma_start3A_873 : memref<1x16x80xi32, #tpu.memory_space<hbm>> -> memref<16x80xi32, #tpu.memory_space<hbm>>
          tpu.enqueue_dma source(%dma_start3A_874 : memref<16x80xi32, #tpu.memory_space<hbm>>) target(%dma_start3A_871 : memref<16x80xi32, #tpu.memory_space<vmem>>) target_semaphore(%run_scoped3A_860 : memref<!tpu.dma_semaphore, #tpu.memory_space<semaphore_mem>>)
          %dma_wait3A_875 = arith.constant 0 : i32
          %dma_wait3A_876 = arith.constant 0 : i32
          %dma_wait3A_877 = tpu.memref_slice %arg7[%rem3A_855, %dma_wait3A_875, %dma_wait3A_876] : memref<3x16x80xi32, #tpu.memory_space<vmem>> -> memref<1x16x80xi32, #tpu.memory_space<vmem>>
          %dma_wait3A_878 = tpu.memref_squeeze %dma_wait3A_877 : memref<1x16x80xi32, #tpu.memory_space<vmem>> -> memref<16x80xi32, #tpu.memory_space<vmem>>
          %dma_wait3A_879 = arith.constant 0 : i32
          %dma_wait3A_880 = tpu.memref_slice %arg3[%add3A, %mul3A_857, %dma_wait3A_879] : memref<32x128x80xi32, #tpu.memory_space<hbm>> -> memref<1x16x80xi32, #tpu.memory_space<hbm>>
          %dma_wait3A_881 = tpu.memref_squeeze %dma_wait3A_880 : memref<1x16x80xi32, #tpu.memory_space<hbm>> -> memref<16x80xi32, #tpu.memory_space<hbm>>
          %dma_wait3A_882 = arith.constant 0 : i32
          %dma_wait3A_883 = arith.constant 0 : i32
          %dma_wait3A_884 = tpu.memref_slice %arg7[%rem3A_855, %dma_wait3A_882, %dma_wait3A_883] : memref<3x16x80xi32, #tpu.memory_space<vmem>> -> memref<1x16x80xi32, #tpu.memory_space<vmem>>
          %dma_wait3A_885 = tpu.memref_squeeze %dma_wait3A_884 : memref<1x16x80xi32, #tpu.memory_space<vmem>> -> memref<16x80xi32, #tpu.memory_space<vmem>>
          %dma_wait3A_886 = arith.constant 0 : i32
          %dma_wait3A_887 = tpu.memref_slice %arg3[%add3A, %mul3A_857, %dma_wait3A_886] : memref<32x128x80xi32, #tpu.memory_space<hbm>> -> memref<1x16x80xi32, #tpu.memory_space<hbm>>
          %dma_wait3A_888 = tpu.memref_squeeze %dma_wait3A_887 : memref<1x16x80xi32, #tpu.memory_space<hbm>> -> memref<16x80xi32, #tpu.memory_space<hbm>>
          tpu.wait_dma2 semaphore(%run_scoped3A_860 : memref<!tpu.dma_semaphore, #tpu.memory_space<semaphore_mem>>) src(%dma_wait3A_888 : memref<16x80xi32, #tpu.memory_space<hbm>>) dst(%dma_wait3A_885 : memref<16x80xi32, #tpu.memory_space<vmem>>)
          tpu.yield
        }) : () -> ()
        %mul3A_858 = arith.constant 16 : i32
        %mul3A_859 = arith.muli %add3A_851, %mul3A_858 : i32
        "tpu.region"() ({
          %run_scoped3A_860 = tpu.sem_alloc : memref<!tpu.dma_semaphore, #tpu.memory_space<semaphore_mem>>
          %dma_start3A_861 = arith.constant 0 : i32
          %dma_start3A_862 = arith.constant 0 : i32
          %dma_start3A_863 = tpu.memref_slice %arg8[%rem3A_855, %dma_start3A_861, %dma_start3A_862] : memref<3x16x80xi32, #tpu.memory_space<vmem>> -> memref<1x16x80xi32, #tpu.memory_space<vmem>>
          %dma_start3A_864 = tpu.memref_squeeze %dma_start3A_863 : memref<1x16x80xi32, #tpu.memory_space<vmem>> -> memref<16x80xi32, #tpu.memory_space<vmem>>
          %dma_start3A_865 = arith.constant 0 : i32
          %dma_start3A_866 = tpu.memref_slice %arg4[%add3A, %mul3A_859, %dma_start3A_865] : memref<32x128x80xi32, #tpu.memory_space<hbm>> -> memref<1x16x80xi32, #tpu.memory_space<hbm>>
          %dma_start3A_867 = tpu.memref_squeeze %dma_start3A_866 : memref<1x16x80xi32, #tpu.memory_space<hbm>> -> memref<16x80xi32, #tpu.memory_space<hbm>>
          %dma_start3A_868 = arith.constant 0 : i32
          %dma_start3A_869 = arith.constant 0 : i32
          %dma_start3A_870 = tpu.memref_slice %arg8[%rem3A_855, %dma_start3A_868, %dma_start3A_869] : memref<3x16x80xi32, #tpu.memory_space<vmem>> -> memref<1x16x80xi32, #tpu.memory_space<vmem>>
          %dma_start3A_871 = tpu.memref_squeeze %dma_start3A_870 : memref<1x16x80xi32, #tpu.memory_space<vmem>> -> memref<16x80xi32, #tpu.memory_space<vmem>>
          %dma_start3A_872 = arith.constant 0 : i32
          %dma_start3A_873 = tpu.memref_slice %arg4[%add3A, %mul3A_859, %dma_start3A_872] : memref<32x128x80xi32, #tpu.memory_space<hbm>> -> memref<1x16x80xi32, #tpu.memory_space<hbm>>
          %dma_start3A_874 = tpu.memref_squeeze %dma_start3A_873 : memref<1x16x80xi32, #tpu.memory_space<hbm>> -> memref<16x80xi32, #tpu.memory_space<hbm>>
          tpu.enqueue_dma source(%dma_start3A_874 : memref<16x80xi32, #tpu.memory_space<hbm>>) target(%dma_start3A_871 : memref<16x80xi32, #tpu.memory_space<vmem>>) target_semaphore(%run_scoped3A_860 : memref<!tpu.dma_semaphore, #tpu.memory_space<semaphore_mem>>)
          %dma_wait3A_875 = arith.constant 0 : i32
          %dma_wait3A_876 = arith.constant 0 : i32
          %dma_wait3A_877 = tpu.memref_slice %arg8[%rem3A_855, %dma_wait3A_875, %dma_wait3A_876] : memref<3x16x80xi32, #tpu.memory_space<vmem>> -> memref<1x16x80xi32, #tpu.memory_space<vmem>>
          %dma_wait3A_878 = tpu.memref_squeeze %dma_wait3A_877 : memref<1x16x80xi32, #tpu.memory_space<vmem>> -> memref<16x80xi32, #tpu.memory_space<vmem>>
          %dma_wait3A_879 = arith.constant 0 : i32
          %dma_wait3A_880 = tpu.memref_slice %arg4[%add3A, %mul3A_859, %dma_wait3A_879] : memref<32x128x80xi32, #tpu.memory_space<hbm>> -> memref<1x16x80xi32, #tpu.memory_space<hbm>>
          %dma_wait3A_881 = tpu.memref_squeeze %dma_wait3A_880 : memref<1x16x80xi32, #tpu.memory_space<hbm>> -> memref<16x80xi32, #tpu.memory_space<hbm>>
          %dma_wait3A_882 = arith.constant 0 : i32
          %dma_wait3A_883 = arith.constant 0 : i32
          %dma_wait3A_884 = tpu.memref_slice %arg8[%rem3A_855, %dma_wait3A_882, %dma_wait3A_883] : memref<3x16x80xi32, #tpu.memory_space<vmem>> -> memref<1x16x80xi32, #tpu.memory_space<vmem>>
          %dma_wait3A_885 = tpu.memref_squeeze %dma_wait3A_884 : memref<1x16x80xi32, #tpu.memory_space<vmem>> -> memref<16x80xi32, #tpu.memory_space<vmem>>
          %dma_wait3A_886 = arith.constant 0 : i32
          %dma_wait3A_887 = tpu.memref_slice %arg4[%add3A, %mul3A_859, %dma_wait3A_886] : memref<32x128x80xi32, #tpu.memory_space<hbm>> -> memref<1x16x80xi32, #tpu.memory_space<hbm>>
          %dma_wait3A_888 = tpu.memref_squeeze %dma_wait3A_887 : memref<1x16x80xi32, #tpu.memory_space<hbm>> -> memref<16x80xi32, #tpu.memory_space<hbm>>
          tpu.wait_dma2 semaphore(%run_scoped3A_860 : memref<!tpu.dma_semaphore, #tpu.memory_space<semaphore_mem>>) src(%dma_wait3A_888 : memref<16x80xi32, #tpu.memory_space<hbm>>) dst(%dma_wait3A_885 : memref<16x80xi32, #tpu.memory_space<vmem>>)
          tpu.yield
        }) : () -> ()
      } else {
      }
      %ge3A = arith.constant 16 : i32
      %ge3A_792 = arith.cmpi sge, %scan3A_784, %ge3A : i32
      %convert_element_type3A_793 = arith.extui %ge3A_792 : i1 to i32
      %cond3A_794 = arith.constant 0 : i32
      %cond3A_795 = arith.cmpi ne, %convert_element_type3A_793, %cond3A_794 : i32
      scf.if %cond3A_795 {
        %dma_wait3A_850 = arith.constant 0 : i32
        %dma_wait3A_851 = arith.constant 0 : i32
        %dma_wait3A_852 = arith.constant 0 : i32
        %dma_wait3A_853 = tpu.memref_slice %arg9[%dma_wait3A_850, %dma_wait3A_851, %dma_wait3A_852] : memref<16x80x128xbf16, #tpu.memory_space<vmem>> -> memref<1x80x128xbf16, #tpu.memory_space<vmem>>
        %dma_wait3A_854 = tpu.memref_squeeze %dma_wait3A_853 : memref<1x80x128xbf16, #tpu.memory_space<vmem>> -> memref<80x128xbf16, #tpu.memory_space<vmem>>
        %dma_wait3A_855 = arith.constant 0 : i32
        %dma_wait3A_856 = arith.constant 0 : i32
        %dma_wait3A_857 = tpu.memref_slice %arg5[%dma_wait3A_855, %dma_wait3A_856] : memref<10112x128xbf16, #tpu.memory_space<hbm>> -> memref<80x128xbf16, #tpu.memory_space<hbm>>
        %dma_wait3A_858 = arith.constant 0 : i32
        %dma_wait3A_859 = arith.constant 0 : i32
        %dma_wait3A_860 = tpu.memref_slice %arg9[%dma_wait3A_850, %dma_wait3A_858, %dma_wait3A_859] : memref<16x80x128xbf16, #tpu.memory_space<vmem>> -> memref<1x80x128xbf16, #tpu.memory_space<vmem>>
        %dma_wait3A_861 = tpu.memref_squeeze %dma_wait3A_860 : memref<1x80x128xbf16, #tpu.memory_space<vmem>> -> memref<80x128xbf16, #tpu.memory_space<vmem>>
        %dma_wait3A_862 = arith.constant 0 : i32
        %dma_wait3A_863 = arith.constant 0 : i32
        %dma_wait3A_864 = tpu.memref_slice %arg5[%dma_wait3A_862, %dma_wait3A_863] : memref<10112x128xbf16, #tpu.memory_space<hbm>> -> memref<80x128xbf16, #tpu.memory_space<hbm>>
        tpu.wait_dma2 semaphore(%arg12 : memref<!tpu.dma_semaphore, #tpu.memory_space<semaphore_mem>>) src(%dma_wait3A_864 : memref<80x128xbf16, #tpu.memory_space<hbm>>) dst(%dma_wait3A_861 : memref<80x128xbf16, #tpu.memory_space<vmem>>)
      } else {
      }
      %rem3A_796 = arith.constant 16 : i32
      %rem3A_797 = arith.remsi %scan3A_784, %rem3A_796 : i32
      %div3A_798 = arith.constant 16 : i32
      %div3A_799 = arith.divsi %scan3A_784, %div3A_798 : i32
      %rem3A_800 = arith.constant 3 : i32
      %rem3A_801 = arith.remsi %div3A_799, %rem3A_800 : i32
      %rem3A_802 = arith.constant 16 : i32
      %rem3A_803 = arith.remsi %scan3A_784, %rem3A_802 : i32
      %dma_start3A_804 = arith.constant 0 : i32
      %dma_start3A_805 = arith.constant 0 : i32
      %dma_start3A_806 = tpu.memref_slice %arg9[%rem3A_797, %dma_start3A_804, %dma_start3A_805] : memref<16x80x128xbf16, #tpu.memory_space<vmem>> -> memref<1x80x128xbf16, #tpu.memory_space<vmem>>
      %dma_start3A_807 = tpu.memref_squeeze %dma_start3A_806 : memref<1x80x128xbf16, #tpu.memory_space<vmem>> -> memref<80x128xbf16, #tpu.memory_space<vmem>>
      %dma_start3A_808 = arith.constant 0 : i32
      %dma_start3A_809 = tpu.memref_slice %arg7[%rem3A_801, %rem3A_803, %dma_start3A_808] : memref<3x16x80xi32, #tpu.memory_space<vmem>> -> memref<1x1x80xi32, #tpu.memory_space<vmem>>
      %dma_start3A_810 = tpu.memref_squeeze %dma_start3A_809 : memref<1x1x80xi32, #tpu.memory_space<vmem>> -> memref<80xi32, #tpu.memory_space<vmem>>
      %dma_start3A_811 = arith.constant 0 : i32
      %dma_start3A_812 = arith.constant 0 : i32
      %dma_start3A_813 = tpu.memref_slice %arg2[%dma_start3A_811, %dma_start3A_812] : memref<10112x128xbf16, #tpu.memory_space<hbm>> -> memref<10112x128xbf16, #tpu.memory_space<hbm>>
      tpu.enqueue_indirect_dma source(%dma_start3A_813 : memref<10112x128xbf16, #tpu.memory_space<hbm>>) target(%dma_start3A_807 : memref<80x128xbf16, #tpu.memory_space<vmem>>) offsets(%dma_start3A_810 : memref<80xi32, #tpu.memory_space<vmem>>) semaphore(%arg11 : memref<!tpu.dma_semaphore, #tpu.memory_space<semaphore_mem>>)
      %dma_wait3A_814 = arith.constant 0 : i32
      %dma_wait3A_815 = arith.constant 0 : i32
      %dma_wait3A_816 = arith.constant 0 : i32
      %dma_wait3A_817 = tpu.memref_slice %arg9[%dma_wait3A_814, %dma_wait3A_815, %dma_wait3A_816] : memref<16x80x128xbf16, #tpu.memory_space<vmem>> -> memref<1x80x128xbf16, #tpu.memory_space<vmem>>
      %dma_wait3A_818 = tpu.memref_squeeze %dma_wait3A_817 : memref<1x80x128xbf16, #tpu.memory_space<vmem>> -> memref<80x128xbf16, #tpu.memory_space<vmem>>
      %dma_wait3A_819 = arith.constant 0 : i32
      %dma_wait3A_820 = arith.constant 0 : i32
      %dma_wait3A_821 = tpu.memref_slice %arg5[%dma_wait3A_819, %dma_wait3A_820] : memref<10112x128xbf16, #tpu.memory_space<hbm>> -> memref<80x128xbf16, #tpu.memory_space<hbm>>
      %dma_wait3A_822 = arith.constant 0 : i32
      %dma_wait3A_823 = arith.constant 0 : i32
      %dma_wait3A_824 = tpu.memref_slice %arg9[%dma_wait3A_814, %dma_wait3A_822, %dma_wait3A_823] : memref<16x80x128xbf16, #tpu.memory_space<vmem>> -> memref<1x80x128xbf16, #tpu.memory_space<vmem>>
      %dma_wait3A_825 = tpu.memref_squeeze %dma_wait3A_824 : memref<1x80x128xbf16, #tpu.memory_space<vmem>> -> memref<80x128xbf16, #tpu.memory_space<vmem>>
      %dma_wait3A_826 = arith.constant 0 : i32
      %dma_wait3A_827 = arith.constant 0 : i32
      %dma_wait3A_828 = tpu.memref_slice %arg5[%dma_wait3A_826, %dma_wait3A_827] : memref<10112x128xbf16, #tpu.memory_space<hbm>> -> memref<80x128xbf16, #tpu.memory_space<hbm>>
      tpu.wait_dma2 semaphore(%arg11 : memref<!tpu.dma_semaphore, #tpu.memory_space<semaphore_mem>>) src(%dma_wait3A_828 : memref<80x128xbf16, #tpu.memory_space<hbm>>) dst(%dma_wait3A_825 : memref<80x128xbf16, #tpu.memory_space<vmem>>)
      %sub3A = arith.constant 10 : i32
      %sub3A_829 = arith.subi %scan3A_784, %sub3A : i32
      %sub3A_830 = arith.constant 10 : i32
      %sub3A_831 = arith.subi %scan3A_784, %sub3A_830 : i32
      %rem3A_832 = arith.constant 16 : i32
      %rem3A_833 = arith.remsi %sub3A_831, %rem3A_832 : i32
      %div3A_834 = arith.constant 16 : i32
      %div3A_835 = arith.divsi %sub3A_829, %div3A_834 : i32
      %rem3A_836 = arith.constant 3 : i32
      %rem3A_837 = arith.remsi %div3A_835, %rem3A_836 : i32
      %rem3A_838 = arith.constant 16 : i32
      %rem3A_839 = arith.remsi %sub3A_829, %rem3A_838 : i32
      %dma_start3A_840 = arith.constant 0 : i32
      %dma_start3A_841 = arith.constant 0 : i32
      %dma_start3A_842 = tpu.memref_slice %arg9[%rem3A_833, %dma_start3A_840, %dma_start3A_841] : memref<16x80x128xbf16, #tpu.memory_space<vmem>> -> memref<1x80x128xbf16, #tpu.memory_space<vmem>>
      %dma_start3A_843 = tpu.memref_squeeze %dma_start3A_842 : memref<1x80x128xbf16, #tpu.memory_space<vmem>> -> memref<80x128xbf16, #tpu.memory_space<vmem>>
      %dma_start3A_844 = arith.constant 0 : i32
      %dma_start3A_845 = tpu.memref_slice %arg8[%rem3A_837, %rem3A_839, %dma_start3A_844] : memref<3x16x80xi32, #tpu.memory_space<vmem>> -> memref<1x1x80xi32, #tpu.memory_space<vmem>>
      %dma_start3A_846 = tpu.memref_squeeze %dma_start3A_845 : memref<1x1x80xi32, #tpu.memory_space<vmem>> -> memref<80xi32, #tpu.memory_space<vmem>>
      %dma_start3A_847 = arith.constant 0 : i32
      %dma_start3A_848 = arith.constant 0 : i32
      %dma_start3A_849 = tpu.memref_slice %arg10[%dma_start3A_847, %dma_start3A_848] : memref<10112x128xbf16, #tpu.memory_space<vmem_shared>> -> memref<10112x128xbf16, #tpu.memory_space<vmem_shared>>
      tpu.enqueue_indirect_dma source(%dma_start3A_843 : memref<80x128xbf16, #tpu.memory_space<vmem>>) target(%dma_start3A_849 : memref<10112x128xbf16, #tpu.memory_space<vmem_shared>>) offsets(%dma_start3A_846 : memref<80xi32, #tpu.memory_space<vmem>>) semaphore(%arg12 : memref<!tpu.dma_semaphore, #tpu.memory_space<semaphore_mem>>) {add = true}
    }
    %scan3A_199 = arith.constant 118 : i32
    %dma_wait3A = arith.constant 0 : i32
    %dma_wait3A_200 = arith.constant 0 : i32
    %dma_wait3A_201 = arith.constant 0 : i32
    %dma_wait3A_202 = tpu.memref_slice %arg9[%dma_wait3A, %dma_wait3A_200, %dma_wait3A_201] : memref<16x80x128xbf16, #tpu.memory_space<vmem>> -> memref<1x80x128xbf16, #tpu.memory_space<vmem>>
    %dma_wait3A_203 = tpu.memref_squeeze %dma_wait3A_202 : memref<1x80x128xbf16, #tpu.memory_space<vmem>> -> memref<80x128xbf16, #tpu.memory_space<vmem>>
    %dma_wait3A_204 = arith.constant 0 : i32
    %dma_wait3A_205 = arith.constant 0 : i32
    %dma_wait3A_206 = tpu.memref_slice %arg5[%dma_wait3A_204, %dma_wait3A_205] : memref<10112x128xbf16, #tpu.memory_space<hbm>> -> memref<80x128xbf16, #tpu.memory_space<hbm>>
    %dma_wait3A_207 = arith.constant 0 : i32
    %dma_wait3A_208 = arith.constant 0 : i32
    %dma_wait3A_209 = tpu.memref_slice %arg9[%dma_wait3A, %dma_wait3A_207, %dma_wait3A_208] : memref<16x80x128xbf16, #tpu.memory_space<vmem>> -> memref<1x80x128xbf16, #tpu.memory_space<vmem>>
    %dma_wait3A_210 = tpu.memref_squeeze %dma_wait3A_209 : memref<1x80x128xbf16, #tpu.memory_space<vmem>> -> memref<80x128xbf16, #tpu.memory_space<vmem>>
    %dma_wait3A_211 = arith.constant 0 : i32
    %dma_wait3A_212 = arith.constant 0 : i32
    %dma_wait3A_213 = tpu.memref_slice %arg5[%dma_wait3A_211, %dma_wait3A_212] : memref<10112x128xbf16, #tpu.memory_space<hbm>> -> memref<80x128xbf16, #tpu.memory_space<hbm>>
    tpu.wait_dma2 semaphore(%arg11 : memref<!tpu.dma_semaphore, #tpu.memory_space<semaphore_mem>>) src(%dma_wait3A_213 : memref<80x128xbf16, #tpu.memory_space<hbm>>) dst(%dma_wait3A_210 : memref<80x128xbf16, #tpu.memory_space<vmem>>)
    %div3A_214 = arith.constant 118 : i32
    %div3A_215 = arith.constant 16 : i32
    %div3A_216 = arith.divsi %div3A_214, %div3A_215 : i32
    %rem3A_217 = arith.constant 3 : i32
    %rem3A_218 = arith.remsi %div3A_216, %rem3A_217 : i32
    %rem3A_219 = arith.constant 118 : i32
    %rem3A_220 = arith.constant 16 : i32
    %rem3A_221 = arith.remsi %rem3A_219, %rem3A_220 : i32
    %dma_start3A_222 = arith.constant 6 : i32
    %dma_start3A_223 = arith.constant 0 : i32
    %dma_start3A_224 = arith.constant 0 : i32
    %dma_start3A_225 = tpu.memref_slice %arg9[%dma_start3A_222, %dma_start3A_223, %dma_start3A_224] : memref<16x80x128xbf16, #tpu.memory_space<vmem>> -> memref<1x80x128xbf16, #tpu.memory_space<vmem>>
    %dma_start3A_226 = tpu.memref_squeeze %dma_start3A_225 : memref<1x80x128xbf16, #tpu.memory_space<vmem>> -> memref<80x128xbf16, #tpu.memory_space<vmem>>
    %dma_start3A_227 = arith.constant 0 : i32
    %dma_start3A_228 = tpu.memref_slice %arg8[%rem3A_218, %rem3A_221, %dma_start3A_227] : memref<3x16x80xi32, #tpu.memory_space<vmem>> -> memref<1x1x80xi32, #tpu.memory_space<vmem>>
    %dma_start3A_229 = tpu.memref_squeeze %dma_start3A_228 : memref<1x1x80xi32, #tpu.memory_space<vmem>> -> memref<80xi32, #tpu.memory_space<vmem>>
    %dma_start3A_230 = arith.constant 0 : i32
    %dma_start3A_231 = arith.constant 0 : i32
    %dma_start3A_232 = tpu.memref_slice %arg10[%dma_start3A_230, %dma_start3A_231] : memref<10112x128xbf16, #tpu.memory_space<vmem_shared>> -> memref<10112x128xbf16, #tpu.memory_space<vmem_shared>>
    tpu.enqueue_indirect_dma source(%dma_start3A_226 : memref<80x128xbf16, #tpu.memory_space<vmem>>) target(%dma_start3A_232 : memref<10112x128xbf16, #tpu.memory_space<vmem_shared>>) offsets(%dma_start3A_229 : memref<80xi32, #tpu.memory_space<vmem>>) semaphore(%arg12 : memref<!tpu.dma_semaphore, #tpu.memory_space<semaphore_mem>>) {add = true}
    %dma_wait3A_233 = arith.constant 0 : i32
    %dma_wait3A_234 = arith.constant 0 : i32
    %dma_wait3A_235 = arith.constant 0 : i32
    %dma_wait3A_236 = tpu.memref_slice %arg9[%dma_wait3A_233, %dma_wait3A_234, %dma_wait3A_235] : memref<16x80x128xbf16, #tpu.memory_space<vmem>> -> memref<1x80x128xbf16, #tpu.memory_space<vmem>>
    %dma_wait3A_237 = tpu.memref_squeeze %dma_wait3A_236 : memref<1x80x128xbf16, #tpu.memory_space<vmem>> -> memref<80x128xbf16, #tpu.memory_space<vmem>>
    %dma_wait3A_238 = arith.constant 0 : i32
    %dma_wait3A_239 = arith.constant 0 : i32
    %dma_wait3A_240 = tpu.memref_slice %arg5[%dma_wait3A_238, %dma_wait3A_239] : memref<10112x128xbf16, #tpu.memory_space<hbm>> -> memref<80x128xbf16, #tpu.memory_space<hbm>>
    %dma_wait3A_241 = arith.constant 0 : i32
    %dma_wait3A_242 = arith.constant 0 : i32
    %dma_wait3A_243 = tpu.memref_slice %arg9[%dma_wait3A_233, %dma_wait3A_241, %dma_wait3A_242] : memref<16x80x128xbf16, #tpu.memory_space<vmem>> -> memref<1x80x128xbf16, #tpu.memory_space<vmem>>
    %dma_wait3A_244 = tpu.memref_squeeze %dma_wait3A_243 : memref<1x80x128xbf16, #tpu.memory_space<vmem>> -> memref<80x128xbf16, #tpu.memory_space<vmem>>
    %dma_wait3A_245 = arith.constant 0 : i32
    %dma_wait3A_246 = arith.constant 0 : i32
    %dma_wait3A_247 = tpu.memref_slice %arg5[%dma_wait3A_245, %dma_wait3A_246] : memref<10112x128xbf16, #tpu.memory_space<hbm>> -> memref<80x128xbf16, #tpu.memory_space<hbm>>
    tpu.wait_dma2 semaphore(%arg11 : memref<!tpu.dma_semaphore, #tpu.memory_space<semaphore_mem>>) src(%dma_wait3A_247 : memref<80x128xbf16, #tpu.memory_space<hbm>>) dst(%dma_wait3A_244 : memref<80x128xbf16, #tpu.memory_space<vmem>>)
    %div3A_248 = arith.constant 119 : i32
    %div3A_249 = arith.constant 16 : i32
    %div3A_250 = arith.divsi %div3A_248, %div3A_249 : i32
    %rem3A_251 = arith.constant 3 : i32
    %rem3A_252 = arith.remsi %div3A_250, %rem3A_251 : i32
    %rem3A_253 = arith.constant 119 : i32
    %rem3A_254 = arith.constant 16 : i32
    %rem3A_255 = arith.remsi %rem3A_253, %rem3A_254 : i32
    %dma_start3A_256 = arith.constant 7 : i32
    %dma_start3A_257 = arith.constant 0 : i32
    %dma_start3A_258 = arith.constant 0 : i32
    %dma_start3A_259 = tpu.memref_slice %arg9[%dma_start3A_256, %dma_start3A_257, %dma_start3A_258] : memref<16x80x128xbf16, #tpu.memory_space<vmem>> -> memref<1x80x128xbf16, #tpu.memory_space<vmem>>
    %dma_start3A_260 = tpu.memref_squeeze %dma_start3A_259 : memref<1x80x128xbf16, #tpu.memory_space<vmem>> -> memref<80x128xbf16, #tpu.memory_space<vmem>>
    %dma_start3A_261 = arith.constant 0 : i32
    %dma_start3A_262 = tpu.memref_slice %arg8[%rem3A_252, %rem3A_255, %dma_start3A_261] : memref<3x16x80xi32, #tpu.memory_space<vmem>> -> memref<1x1x80xi32, #tpu.memory_space<vmem>>
    %dma_start3A_263 = tpu.memref_squeeze %dma_start3A_262 : memref<1x1x80xi32, #tpu.memory_space<vmem>> -> memref<80xi32, #tpu.memory_space<vmem>>
    %dma_start3A_264 = arith.constant 0 : i32
    %dma_start3A_265 = arith.constant 0 : i32
    %dma_start3A_266 = tpu.memref_slice %arg10[%dma_start3A_264, %dma_start3A_265] : memref<10112x128xbf16, #tpu.memory_space<vmem_shared>> -> memref<10112x128xbf16, #tpu.memory_space<vmem_shared>>
    tpu.enqueue_indirect_dma source(%dma_start3A_260 : memref<80x128xbf16, #tpu.memory_space<vmem>>) target(%dma_start3A_266 : memref<10112x128xbf16, #tpu.memory_space<vmem_shared>>) offsets(%dma_start3A_263 : memref<80xi32, #tpu.memory_space<vmem>>) semaphore(%arg12 : memref<!tpu.dma_semaphore, #tpu.memory_space<semaphore_mem>>) {add = true}
    %dma_wait3A_267 = arith.constant 0 : i32
    %dma_wait3A_268 = arith.constant 0 : i32
    %dma_wait3A_269 = arith.constant 0 : i32
    %dma_wait3A_270 = tpu.memref_slice %arg9[%dma_wait3A_267, %dma_wait3A_268, %dma_wait3A_269] : memref<16x80x128xbf16, #tpu.memory_space<vmem>> -> memref<1x80x128xbf16, #tpu.memory_space<vmem>>
    %dma_wait3A_271 = tpu.memref_squeeze %dma_wait3A_270 : memref<1x80x128xbf16, #tpu.memory_space<vmem>> -> memref<80x128xbf16, #tpu.memory_space<vmem>>
    %dma_wait3A_272 = arith.constant 0 : i32
    %dma_wait3A_273 = arith.constant 0 : i32
    %dma_wait3A_274 = tpu.memref_slice %arg5[%dma_wait3A_272, %dma_wait3A_273] : memref<10112x128xbf16, #tpu.memory_space<hbm>> -> memref<80x128xbf16, #tpu.memory_space<hbm>>
    %dma_wait3A_275 = arith.constant 0 : i32
    %dma_wait3A_276 = arith.constant 0 : i32
    %dma_wait3A_277 = tpu.memref_slice %arg9[%dma_wait3A_267, %dma_wait3A_275, %dma_wait3A_276] : memref<16x80x128xbf16, #tpu.memory_space<vmem>> -> memref<1x80x128xbf16, #tpu.memory_space<vmem>>
    %dma_wait3A_278 = tpu.memref_squeeze %dma_wait3A_277 : memref<1x80x128xbf16, #tpu.memory_space<vmem>> -> memref<80x128xbf16, #tpu.memory_space<vmem>>
    %dma_wait3A_279 = arith.constant 0 : i32
    %dma_wait3A_280 = arith.constant 0 : i32
    %dma_wait3A_281 = tpu.memref_slice %arg5[%dma_wait3A_279, %dma_wait3A_280] : memref<10112x128xbf16, #tpu.memory_space<hbm>> -> memref<80x128xbf16, #tpu.memory_space<hbm>>
    tpu.wait_dma2 semaphore(%arg11 : memref<!tpu.dma_semaphore, #tpu.memory_space<semaphore_mem>>) src(%dma_wait3A_281 : memref<80x128xbf16, #tpu.memory_space<hbm>>) dst(%dma_wait3A_278 : memref<80x128xbf16, #tpu.memory_space<vmem>>)
    %div3A_282 = arith.constant 120 : i32
    %div3A_283 = arith.constant 16 : i32
    %div3A_284 = arith.divsi %div3A_282, %div3A_283 : i32
    %rem3A_285 = arith.constant 3 : i32
    %rem3A_286 = arith.remsi %div3A_284, %rem3A_285 : i32
    %rem3A_287 = arith.constant 120 : i32
    %rem3A_288 = arith.constant 16 : i32
    %rem3A_289 = arith.remsi %rem3A_287, %rem3A_288 : i32
    %dma_start3A_290 = arith.constant 8 : i32
    %dma_start3A_291 = arith.constant 0 : i32
    %dma_start3A_292 = arith.constant 0 : i32
    %dma_start3A_293 = tpu.memref_slice %arg9[%dma_start3A_290, %dma_start3A_291, %dma_start3A_292] : memref<16x80x128xbf16, #tpu.memory_space<vmem>> -> memref<1x80x128xbf16, #tpu.memory_space<vmem>>
    %dma_start3A_294 = tpu.memref_squeeze %dma_start3A_293 : memref<1x80x128xbf16, #tpu.memory_space<vmem>> -> memref<80x128xbf16, #tpu.memory_space<vmem>>
    %dma_start3A_295 = arith.constant 0 : i32
    %dma_start3A_296 = tpu.memref_slice %arg8[%rem3A_286, %rem3A_289, %dma_start3A_295] : memref<3x16x80xi32, #tpu.memory_space<vmem>> -> memref<1x1x80xi32, #tpu.memory_space<vmem>>
    %dma_start3A_297 = tpu.memref_squeeze %dma_start3A_296 : memref<1x1x80xi32, #tpu.memory_space<vmem>> -> memref<80xi32, #tpu.memory_space<vmem>>
    %dma_start3A_298 = arith.constant 0 : i32
    %dma_start3A_299 = arith.constant 0 : i32
    %dma_start3A_300 = tpu.memref_slice %arg10[%dma_start3A_298, %dma_start3A_299] : memref<10112x128xbf16, #tpu.memory_space<vmem_shared>> -> memref<10112x128xbf16, #tpu.memory_space<vmem_shared>>
    tpu.enqueue_indirect_dma source(%dma_start3A_294 : memref<80x128xbf16, #tpu.memory_space<vmem>>) target(%dma_start3A_300 : memref<10112x128xbf16, #tpu.memory_space<vmem_shared>>) offsets(%dma_start3A_297 : memref<80xi32, #tpu.memory_space<vmem>>) semaphore(%arg12 : memref<!tpu.dma_semaphore, #tpu.memory_space<semaphore_mem>>) {add = true}
    %dma_wait3A_301 = arith.constant 0 : i32
    %dma_wait3A_302 = arith.constant 0 : i32
    %dma_wait3A_303 = arith.constant 0 : i32
    %dma_wait3A_304 = tpu.memref_slice %arg9[%dma_wait3A_301, %dma_wait3A_302, %dma_wait3A_303] : memref<16x80x128xbf16, #tpu.memory_space<vmem>> -> memref<1x80x128xbf16, #tpu.memory_space<vmem>>
    %dma_wait3A_305 = tpu.memref_squeeze %dma_wait3A_304 : memref<1x80x128xbf16, #tpu.memory_space<vmem>> -> memref<80x128xbf16, #tpu.memory_space<vmem>>
    %dma_wait3A_306 = arith.constant 0 : i32
    %dma_wait3A_307 = arith.constant 0 : i32
    %dma_wait3A_308 = tpu.memref_slice %arg5[%dma_wait3A_306, %dma_wait3A_307] : memref<10112x128xbf16, #tpu.memory_space<hbm>> -> memref<80x128xbf16, #tpu.memory_space<hbm>>
    %dma_wait3A_309 = arith.constant 0 : i32
    %dma_wait3A_310 = arith.constant 0 : i32
    %dma_wait3A_311 = tpu.memref_slice %arg9[%dma_wait3A_301, %dma_wait3A_309, %dma_wait3A_310] : memref<16x80x128xbf16, #tpu.memory_space<vmem>> -> memref<1x80x128xbf16, #tpu.memory_space<vmem>>
    %dma_wait3A_312 = tpu.memref_squeeze %dma_wait3A_311 : memref<1x80x128xbf16, #tpu.memory_space<vmem>> -> memref<80x128xbf16, #tpu.memory_space<vmem>>
    %dma_wait3A_313 = arith.constant 0 : i32
    %dma_wait3A_314 = arith.constant 0 : i32
    %dma_wait3A_315 = tpu.memref_slice %arg5[%dma_wait3A_313, %dma_wait3A_314] : memref<10112x128xbf16, #tpu.memory_space<hbm>> -> memref<80x128xbf16, #tpu.memory_space<hbm>>
    tpu.wait_dma2 semaphore(%arg11 : memref<!tpu.dma_semaphore, #tpu.memory_space<semaphore_mem>>) src(%dma_wait3A_315 : memref<80x128xbf16, #tpu.memory_space<hbm>>) dst(%dma_wait3A_312 : memref<80x128xbf16, #tpu.memory_space<vmem>>)
    %div3A_316 = arith.constant 121 : i32
    %div3A_317 = arith.constant 16 : i32
    %div3A_318 = arith.divsi %div3A_316, %div3A_317 : i32
    %rem3A_319 = arith.constant 3 : i32
    %rem3A_320 = arith.remsi %div3A_318, %rem3A_319 : i32
    %rem3A_321 = arith.constant 121 : i32
    %rem3A_322 = arith.constant 16 : i32
    %rem3A_323 = arith.remsi %rem3A_321, %rem3A_322 : i32
    %dma_start3A_324 = arith.constant 9 : i32
    %dma_start3A_325 = arith.constant 0 : i32
    %dma_start3A_326 = arith.constant 0 : i32
    %dma_start3A_327 = tpu.memref_slice %arg9[%dma_start3A_324, %dma_start3A_325, %dma_start3A_326] : memref<16x80x128xbf16, #tpu.memory_space<vmem>> -> memref<1x80x128xbf16, #tpu.memory_space<vmem>>
    %dma_start3A_328 = tpu.memref_squeeze %dma_start3A_327 : memref<1x80x128xbf16, #tpu.memory_space<vmem>> -> memref<80x128xbf16, #tpu.memory_space<vmem>>
    %dma_start3A_329 = arith.constant 0 : i32
    %dma_start3A_330 = tpu.memref_slice %arg8[%rem3A_320, %rem3A_323, %dma_start3A_329] : memref<3x16x80xi32, #tpu.memory_space<vmem>> -> memref<1x1x80xi32, #tpu.memory_space<vmem>>
    %dma_start3A_331 = tpu.memref_squeeze %dma_start3A_330 : memref<1x1x80xi32, #tpu.memory_space<vmem>> -> memref<80xi32, #tpu.memory_space<vmem>>
    %dma_start3A_332 = arith.constant 0 : i32
    %dma_start3A_333 = arith.constant 0 : i32
    %dma_start3A_334 = tpu.memref_slice %arg10[%dma_start3A_332, %dma_start3A_333] : memref<10112x128xbf16, #tpu.memory_space<vmem_shared>> -> memref<10112x128xbf16, #tpu.memory_space<vmem_shared>>
    tpu.enqueue_indirect_dma source(%dma_start3A_328 : memref<80x128xbf16, #tpu.memory_space<vmem>>) target(%dma_start3A_334 : memref<10112x128xbf16, #tpu.memory_space<vmem_shared>>) offsets(%dma_start3A_331 : memref<80xi32, #tpu.memory_space<vmem>>) semaphore(%arg12 : memref<!tpu.dma_semaphore, #tpu.memory_space<semaphore_mem>>) {add = true}
    %dma_wait3A_335 = arith.constant 0 : i32
    %dma_wait3A_336 = arith.constant 0 : i32
    %dma_wait3A_337 = arith.constant 0 : i32
    %dma_wait3A_338 = tpu.memref_slice %arg9[%dma_wait3A_335, %dma_wait3A_336, %dma_wait3A_337] : memref<16x80x128xbf16, #tpu.memory_space<vmem>> -> memref<1x80x128xbf16, #tpu.memory_space<vmem>>
    %dma_wait3A_339 = tpu.memref_squeeze %dma_wait3A_338 : memref<1x80x128xbf16, #tpu.memory_space<vmem>> -> memref<80x128xbf16, #tpu.memory_space<vmem>>
    %dma_wait3A_340 = arith.constant 0 : i32
    %dma_wait3A_341 = arith.constant 0 : i32
    %dma_wait3A_342 = tpu.memref_slice %arg5[%dma_wait3A_340, %dma_wait3A_341] : memref<10112x128xbf16, #tpu.memory_space<hbm>> -> memref<80x128xbf16, #tpu.memory_space<hbm>>
    %dma_wait3A_343 = arith.constant 0 : i32
    %dma_wait3A_344 = arith.constant 0 : i32
    %dma_wait3A_345 = tpu.memref_slice %arg9[%dma_wait3A_335, %dma_wait3A_343, %dma_wait3A_344] : memref<16x80x128xbf16, #tpu.memory_space<vmem>> -> memref<1x80x128xbf16, #tpu.memory_space<vmem>>
    %dma_wait3A_346 = tpu.memref_squeeze %dma_wait3A_345 : memref<1x80x128xbf16, #tpu.memory_space<vmem>> -> memref<80x128xbf16, #tpu.memory_space<vmem>>
    %dma_wait3A_347 = arith.constant 0 : i32
    %dma_wait3A_348 = arith.constant 0 : i32
    %dma_wait3A_349 = tpu.memref_slice %arg5[%dma_wait3A_347, %dma_wait3A_348] : memref<10112x128xbf16, #tpu.memory_space<hbm>> -> memref<80x128xbf16, #tpu.memory_space<hbm>>
    tpu.wait_dma2 semaphore(%arg11 : memref<!tpu.dma_semaphore, #tpu.memory_space<semaphore_mem>>) src(%dma_wait3A_349 : memref<80x128xbf16, #tpu.memory_space<hbm>>) dst(%dma_wait3A_346 : memref<80x128xbf16, #tpu.memory_space<vmem>>)
    %div3A_350 = arith.constant 122 : i32
    %div3A_351 = arith.constant 16 : i32
    %div3A_352 = arith.divsi %div3A_350, %div3A_351 : i32
    %rem3A_353 = arith.constant 3 : i32
    %rem3A_354 = arith.remsi %div3A_352, %rem3A_353 : i32
    %rem3A_355 = arith.constant 122 : i32
    %rem3A_356 = arith.constant 16 : i32
    %rem3A_357 = arith.remsi %rem3A_355, %rem3A_356 : i32
    %dma_start3A_358 = arith.constant 10 : i32
    %dma_start3A_359 = arith.constant 0 : i32
    %dma_start3A_360 = arith.constant 0 : i32
    %dma_start3A_361 = tpu.memref_slice %arg9[%dma_start3A_358, %dma_start3A_359, %dma_start3A_360] : memref<16x80x128xbf16, #tpu.memory_space<vmem>> -> memref<1x80x128xbf16, #tpu.memory_space<vmem>>
    %dma_start3A_362 = tpu.memref_squeeze %dma_start3A_361 : memref<1x80x128xbf16, #tpu.memory_space<vmem>> -> memref<80x128xbf16, #tpu.memory_space<vmem>>
    %dma_start3A_363 = arith.constant 0 : i32
    %dma_start3A_364 = tpu.memref_slice %arg8[%rem3A_354, %rem3A_357, %dma_start3A_363] : memref<3x16x80xi32, #tpu.memory_space<vmem>> -> memref<1x1x80xi32, #tpu.memory_space<vmem>>
    %dma_start3A_365 = tpu.memref_squeeze %dma_start3A_364 : memref<1x1x80xi32, #tpu.memory_space<vmem>> -> memref<80xi32, #tpu.memory_space<vmem>>
    %dma_start3A_366 = arith.constant 0 : i32
    %dma_start3A_367 = arith.constant 0 : i32
    %dma_start3A_368 = tpu.memref_slice %arg10[%dma_start3A_366, %dma_start3A_367] : memref<10112x128xbf16, #tpu.memory_space<vmem_shared>> -> memref<10112x128xbf16, #tpu.memory_space<vmem_shared>>
    tpu.enqueue_indirect_dma source(%dma_start3A_362 : memref<80x128xbf16, #tpu.memory_space<vmem>>) target(%dma_start3A_368 : memref<10112x128xbf16, #tpu.memory_space<vmem_shared>>) offsets(%dma_start3A_365 : memref<80xi32, #tpu.memory_space<vmem>>) semaphore(%arg12 : memref<!tpu.dma_semaphore, #tpu.memory_space<semaphore_mem>>) {add = true}
    %dma_wait3A_369 = arith.constant 0 : i32
    %dma_wait3A_370 = arith.constant 0 : i32
    %dma_wait3A_371 = arith.constant 0 : i32
    %dma_wait3A_372 = tpu.memref_slice %arg9[%dma_wait3A_369, %dma_wait3A_370, %dma_wait3A_371] : memref<16x80x128xbf16, #tpu.memory_space<vmem>> -> memref<1x80x128xbf16, #tpu.memory_space<vmem>>
    %dma_wait3A_373 = tpu.memref_squeeze %dma_wait3A_372 : memref<1x80x128xbf16, #tpu.memory_space<vmem>> -> memref<80x128xbf16, #tpu.memory_space<vmem>>
    %dma_wait3A_374 = arith.constant 0 : i32
    %dma_wait3A_375 = arith.constant 0 : i32
    %dma_wait3A_376 = tpu.memref_slice %arg5[%dma_wait3A_374, %dma_wait3A_375] : memref<10112x128xbf16, #tpu.memory_space<hbm>> -> memref<80x128xbf16, #tpu.memory_space<hbm>>
    %dma_wait3A_377 = arith.constant 0 : i32
    %dma_wait3A_378 = arith.constant 0 : i32
    %dma_wait3A_379 = tpu.memref_slice %arg9[%dma_wait3A_369, %dma_wait3A_377, %dma_wait3A_378] : memref<16x80x128xbf16, #tpu.memory_space<vmem>> -> memref<1x80x128xbf16, #tpu.memory_space<vmem>>
    %dma_wait3A_380 = tpu.memref_squeeze %dma_wait3A_379 : memref<1x80x128xbf16, #tpu.memory_space<vmem>> -> memref<80x128xbf16, #tpu.memory_space<vmem>>
    %dma_wait3A_381 = arith.constant 0 : i32
    %dma_wait3A_382 = arith.constant 0 : i32
    %dma_wait3A_383 = tpu.memref_slice %arg5[%dma_wait3A_381, %dma_wait3A_382] : memref<10112x128xbf16, #tpu.memory_space<hbm>> -> memref<80x128xbf16, #tpu.memory_space<hbm>>
    tpu.wait_dma2 semaphore(%arg11 : memref<!tpu.dma_semaphore, #tpu.memory_space<semaphore_mem>>) src(%dma_wait3A_383 : memref<80x128xbf16, #tpu.memory_space<hbm>>) dst(%dma_wait3A_380 : memref<80x128xbf16, #tpu.memory_space<vmem>>)
    %div3A_384 = arith.constant 123 : i32
    %div3A_385 = arith.constant 16 : i32
    %div3A_386 = arith.divsi %div3A_384, %div3A_385 : i32
    %rem3A_387 = arith.constant 3 : i32
    %rem3A_388 = arith.remsi %div3A_386, %rem3A_387 : i32
    %rem3A_389 = arith.constant 123 : i32
    %rem3A_390 = arith.constant 16 : i32
    %rem3A_391 = arith.remsi %rem3A_389, %rem3A_390 : i32
    %dma_start3A_392 = arith.constant 11 : i32
    %dma_start3A_393 = arith.constant 0 : i32
    %dma_start3A_394 = arith.constant 0 : i32
    %dma_start3A_395 = tpu.memref_slice %arg9[%dma_start3A_392, %dma_start3A_393, %dma_start3A_394] : memref<16x80x128xbf16, #tpu.memory_space<vmem>> -> memref<1x80x128xbf16, #tpu.memory_space<vmem>>
    %dma_start3A_396 = tpu.memref_squeeze %dma_start3A_395 : memref<1x80x128xbf16, #tpu.memory_space<vmem>> -> memref<80x128xbf16, #tpu.memory_space<vmem>>
    %dma_start3A_397 = arith.constant 0 : i32
    %dma_start3A_398 = tpu.memref_slice %arg8[%rem3A_388, %rem3A_391, %dma_start3A_397] : memref<3x16x80xi32, #tpu.memory_space<vmem>> -> memref<1x1x80xi32, #tpu.memory_space<vmem>>
    %dma_start3A_399 = tpu.memref_squeeze %dma_start3A_398 : memref<1x1x80xi32, #tpu.memory_space<vmem>> -> memref<80xi32, #tpu.memory_space<vmem>>
    %dma_start3A_400 = arith.constant 0 : i32
    %dma_start3A_401 = arith.constant 0 : i32
    %dma_start3A_402 = tpu.memref_slice %arg10[%dma_start3A_400, %dma_start3A_401] : memref<10112x128xbf16, #tpu.memory_space<vmem_shared>> -> memref<10112x128xbf16, #tpu.memory_space<vmem_shared>>
    tpu.enqueue_indirect_dma source(%dma_start3A_396 : memref<80x128xbf16, #tpu.memory_space<vmem>>) target(%dma_start3A_402 : memref<10112x128xbf16, #tpu.memory_space<vmem_shared>>) offsets(%dma_start3A_399 : memref<80xi32, #tpu.memory_space<vmem>>) semaphore(%arg12 : memref<!tpu.dma_semaphore, #tpu.memory_space<semaphore_mem>>) {add = true}
    %dma_wait3A_403 = arith.constant 0 : i32
    %dma_wait3A_404 = arith.constant 0 : i32
    %dma_wait3A_405 = arith.constant 0 : i32
    %dma_wait3A_406 = tpu.memref_slice %arg9[%dma_wait3A_403, %dma_wait3A_404, %dma_wait3A_405] : memref<16x80x128xbf16, #tpu.memory_space<vmem>> -> memref<1x80x128xbf16, #tpu.memory_space<vmem>>
    %dma_wait3A_407 = tpu.memref_squeeze %dma_wait3A_406 : memref<1x80x128xbf16, #tpu.memory_space<vmem>> -> memref<80x128xbf16, #tpu.memory_space<vmem>>
    %dma_wait3A_408 = arith.constant 0 : i32
    %dma_wait3A_409 = arith.constant 0 : i32
    %dma_wait3A_410 = tpu.memref_slice %arg5[%dma_wait3A_408, %dma_wait3A_409] : memref<10112x128xbf16, #tpu.memory_space<hbm>> -> memref<80x128xbf16, #tpu.memory_space<hbm>>
    %dma_wait3A_411 = arith.constant 0 : i32
    %dma_wait3A_412 = arith.constant 0 : i32
    %dma_wait3A_413 = tpu.memref_slice %arg9[%dma_wait3A_403, %dma_wait3A_411, %dma_wait3A_412] : memref<16x80x128xbf16, #tpu.memory_space<vmem>> -> memref<1x80x128xbf16, #tpu.memory_space<vmem>>
    %dma_wait3A_414 = tpu.memref_squeeze %dma_wait3A_413 : memref<1x80x128xbf16, #tpu.memory_space<vmem>> -> memref<80x128xbf16, #tpu.memory_space<vmem>>
    %dma_wait3A_415 = arith.constant 0 : i32
    %dma_wait3A_416 = arith.constant 0 : i32
    %dma_wait3A_417 = tpu.memref_slice %arg5[%dma_wait3A_415, %dma_wait3A_416] : memref<10112x128xbf16, #tpu.memory_space<hbm>> -> memref<80x128xbf16, #tpu.memory_space<hbm>>
    tpu.wait_dma2 semaphore(%arg11 : memref<!tpu.dma_semaphore, #tpu.memory_space<semaphore_mem>>) src(%dma_wait3A_417 : memref<80x128xbf16, #tpu.memory_space<hbm>>) dst(%dma_wait3A_414 : memref<80x128xbf16, #tpu.memory_space<vmem>>)
    %div3A_418 = arith.constant 124 : i32
    %div3A_419 = arith.constant 16 : i32
    %div3A_420 = arith.divsi %div3A_418, %div3A_419 : i32
    %rem3A_421 = arith.constant 3 : i32
    %rem3A_422 = arith.remsi %div3A_420, %rem3A_421 : i32
    %rem3A_423 = arith.constant 124 : i32
    %rem3A_424 = arith.constant 16 : i32
    %rem3A_425 = arith.remsi %rem3A_423, %rem3A_424 : i32
    %dma_start3A_426 = arith.constant 12 : i32
    %dma_start3A_427 = arith.constant 0 : i32
    %dma_start3A_428 = arith.constant 0 : i32
    %dma_start3A_429 = tpu.memref_slice %arg9[%dma_start3A_426, %dma_start3A_427, %dma_start3A_428] : memref<16x80x128xbf16, #tpu.memory_space<vmem>> -> memref<1x80x128xbf16, #tpu.memory_space<vmem>>
    %dma_start3A_430 = tpu.memref_squeeze %dma_start3A_429 : memref<1x80x128xbf16, #tpu.memory_space<vmem>> -> memref<80x128xbf16, #tpu.memory_space<vmem>>
    %dma_start3A_431 = arith.constant 0 : i32
    %dma_start3A_432 = tpu.memref_slice %arg8[%rem3A_422, %rem3A_425, %dma_start3A_431] : memref<3x16x80xi32, #tpu.memory_space<vmem>> -> memref<1x1x80xi32, #tpu.memory_space<vmem>>
    %dma_start3A_433 = tpu.memref_squeeze %dma_start3A_432 : memref<1x1x80xi32, #tpu.memory_space<vmem>> -> memref<80xi32, #tpu.memory_space<vmem>>
    %dma_start3A_434 = arith.constant 0 : i32
    %dma_start3A_435 = arith.constant 0 : i32
    %dma_start3A_436 = tpu.memref_slice %arg10[%dma_start3A_434, %dma_start3A_435] : memref<10112x128xbf16, #tpu.memory_space<vmem_shared>> -> memref<10112x128xbf16, #tpu.memory_space<vmem_shared>>
    tpu.enqueue_indirect_dma source(%dma_start3A_430 : memref<80x128xbf16, #tpu.memory_space<vmem>>) target(%dma_start3A_436 : memref<10112x128xbf16, #tpu.memory_space<vmem_shared>>) offsets(%dma_start3A_433 : memref<80xi32, #tpu.memory_space<vmem>>) semaphore(%arg12 : memref<!tpu.dma_semaphore, #tpu.memory_space<semaphore_mem>>) {add = true}
    %dma_wait3A_437 = arith.constant 0 : i32
    %dma_wait3A_438 = arith.constant 0 : i32
    %dma_wait3A_439 = arith.constant 0 : i32
    %dma_wait3A_440 = tpu.memref_slice %arg9[%dma_wait3A_437, %dma_wait3A_438, %dma_wait3A_439] : memref<16x80x128xbf16, #tpu.memory_space<vmem>> -> memref<1x80x128xbf16, #tpu.memory_space<vmem>>
    %dma_wait3A_441 = tpu.memref_squeeze %dma_wait3A_440 : memref<1x80x128xbf16, #tpu.memory_space<vmem>> -> memref<80x128xbf16, #tpu.memory_space<vmem>>
    %dma_wait3A_442 = arith.constant 0 : i32
    %dma_wait3A_443 = arith.constant 0 : i32
    %dma_wait3A_444 = tpu.memref_slice %arg5[%dma_wait3A_442, %dma_wait3A_443] : memref<10112x128xbf16, #tpu.memory_space<hbm>> -> memref<80x128xbf16, #tpu.memory_space<hbm>>
    %dma_wait3A_445 = arith.constant 0 : i32
    %dma_wait3A_446 = arith.constant 0 : i32
    %dma_wait3A_447 = tpu.memref_slice %arg9[%dma_wait3A_437, %dma_wait3A_445, %dma_wait3A_446] : memref<16x80x128xbf16, #tpu.memory_space<vmem>> -> memref<1x80x128xbf16, #tpu.memory_space<vmem>>
    %dma_wait3A_448 = tpu.memref_squeeze %dma_wait3A_447 : memref<1x80x128xbf16, #tpu.memory_space<vmem>> -> memref<80x128xbf16, #tpu.memory_space<vmem>>
    %dma_wait3A_449 = arith.constant 0 : i32
    %dma_wait3A_450 = arith.constant 0 : i32
    %dma_wait3A_451 = tpu.memref_slice %arg5[%dma_wait3A_449, %dma_wait3A_450] : memref<10112x128xbf16, #tpu.memory_space<hbm>> -> memref<80x128xbf16, #tpu.memory_space<hbm>>
    tpu.wait_dma2 semaphore(%arg11 : memref<!tpu.dma_semaphore, #tpu.memory_space<semaphore_mem>>) src(%dma_wait3A_451 : memref<80x128xbf16, #tpu.memory_space<hbm>>) dst(%dma_wait3A_448 : memref<80x128xbf16, #tpu.memory_space<vmem>>)
    %div3A_452 = arith.constant 125 : i32
    %div3A_453 = arith.constant 16 : i32
    %div3A_454 = arith.divsi %div3A_452, %div3A_453 : i32
    %rem3A_455 = arith.constant 3 : i32
    %rem3A_456 = arith.remsi %div3A_454, %rem3A_455 : i32
    %rem3A_457 = arith.constant 125 : i32
    %rem3A_458 = arith.constant 16 : i32
    %rem3A_459 = arith.remsi %rem3A_457, %rem3A_458 : i32
    %dma_start3A_460 = arith.constant 13 : i32
    %dma_start3A_461 = arith.constant 0 : i32
    %dma_start3A_462 = arith.constant 0 : i32
    %dma_start3A_463 = tpu.memref_slice %arg9[%dma_start3A_460, %dma_start3A_461, %dma_start3A_462] : memref<16x80x128xbf16, #tpu.memory_space<vmem>> -> memref<1x80x128xbf16, #tpu.memory_space<vmem>>
    %dma_start3A_464 = tpu.memref_squeeze %dma_start3A_463 : memref<1x80x128xbf16, #tpu.memory_space<vmem>> -> memref<80x128xbf16, #tpu.memory_space<vmem>>
    %dma_start3A_465 = arith.constant 0 : i32
    %dma_start3A_466 = tpu.memref_slice %arg8[%rem3A_456, %rem3A_459, %dma_start3A_465] : memref<3x16x80xi32, #tpu.memory_space<vmem>> -> memref<1x1x80xi32, #tpu.memory_space<vmem>>
    %dma_start3A_467 = tpu.memref_squeeze %dma_start3A_466 : memref<1x1x80xi32, #tpu.memory_space<vmem>> -> memref<80xi32, #tpu.memory_space<vmem>>
    %dma_start3A_468 = arith.constant 0 : i32
    %dma_start3A_469 = arith.constant 0 : i32
    %dma_start3A_470 = tpu.memref_slice %arg10[%dma_start3A_468, %dma_start3A_469] : memref<10112x128xbf16, #tpu.memory_space<vmem_shared>> -> memref<10112x128xbf16, #tpu.memory_space<vmem_shared>>
    tpu.enqueue_indirect_dma source(%dma_start3A_464 : memref<80x128xbf16, #tpu.memory_space<vmem>>) target(%dma_start3A_470 : memref<10112x128xbf16, #tpu.memory_space<vmem_shared>>) offsets(%dma_start3A_467 : memref<80xi32, #tpu.memory_space<vmem>>) semaphore(%arg12 : memref<!tpu.dma_semaphore, #tpu.memory_space<semaphore_mem>>) {add = true}
    %dma_wait3A_471 = arith.constant 0 : i32
    %dma_wait3A_472 = arith.constant 0 : i32
    %dma_wait3A_473 = arith.constant 0 : i32
    %dma_wait3A_474 = tpu.memref_slice %arg9[%dma_wait3A_471, %dma_wait3A_472, %dma_wait3A_473] : memref<16x80x128xbf16, #tpu.memory_space<vmem>> -> memref<1x80x128xbf16, #tpu.memory_space<vmem>>
    %dma_wait3A_475 = tpu.memref_squeeze %dma_wait3A_474 : memref<1x80x128xbf16, #tpu.memory_space<vmem>> -> memref<80x128xbf16, #tpu.memory_space<vmem>>
    %dma_wait3A_476 = arith.constant 0 : i32
    %dma_wait3A_477 = arith.constant 0 : i32
    %dma_wait3A_478 = tpu.memref_slice %arg5[%dma_wait3A_476, %dma_wait3A_477] : memref<10112x128xbf16, #tpu.memory_space<hbm>> -> memref<80x128xbf16, #tpu.memory_space<hbm>>
    %dma_wait3A_479 = arith.constant 0 : i32
    %dma_wait3A_480 = arith.constant 0 : i32
    %dma_wait3A_481 = tpu.memref_slice %arg9[%dma_wait3A_471, %dma_wait3A_479, %dma_wait3A_480] : memref<16x80x128xbf16, #tpu.memory_space<vmem>> -> memref<1x80x128xbf16, #tpu.memory_space<vmem>>
    %dma_wait3A_482 = tpu.memref_squeeze %dma_wait3A_481 : memref<1x80x128xbf16, #tpu.memory_space<vmem>> -> memref<80x128xbf16, #tpu.memory_space<vmem>>
    %dma_wait3A_483 = arith.constant 0 : i32
    %dma_wait3A_484 = arith.constant 0 : i32
    %dma_wait3A_485 = tpu.memref_slice %arg5[%dma_wait3A_483, %dma_wait3A_484] : memref<10112x128xbf16, #tpu.memory_space<hbm>> -> memref<80x128xbf16, #tpu.memory_space<hbm>>
    tpu.wait_dma2 semaphore(%arg11 : memref<!tpu.dma_semaphore, #tpu.memory_space<semaphore_mem>>) src(%dma_wait3A_485 : memref<80x128xbf16, #tpu.memory_space<hbm>>) dst(%dma_wait3A_482 : memref<80x128xbf16, #tpu.memory_space<vmem>>)
    %div3A_486 = arith.constant 126 : i32
    %div3A_487 = arith.constant 16 : i32
    %div3A_488 = arith.divsi %div3A_486, %div3A_487 : i32
    %rem3A_489 = arith.constant 3 : i32
    %rem3A_490 = arith.remsi %div3A_488, %rem3A_489 : i32
    %rem3A_491 = arith.constant 126 : i32
    %rem3A_492 = arith.constant 16 : i32
    %rem3A_493 = arith.remsi %rem3A_491, %rem3A_492 : i32
    %dma_start3A_494 = arith.constant 14 : i32
    %dma_start3A_495 = arith.constant 0 : i32
    %dma_start3A_496 = arith.constant 0 : i32
    %dma_start3A_497 = tpu.memref_slice %arg9[%dma_start3A_494, %dma_start3A_495, %dma_start3A_496] : memref<16x80x128xbf16, #tpu.memory_space<vmem>> -> memref<1x80x128xbf16, #tpu.memory_space<vmem>>
    %dma_start3A_498 = tpu.memref_squeeze %dma_start3A_497 : memref<1x80x128xbf16, #tpu.memory_space<vmem>> -> memref<80x128xbf16, #tpu.memory_space<vmem>>
    %dma_start3A_499 = arith.constant 0 : i32
    %dma_start3A_500 = tpu.memref_slice %arg8[%rem3A_490, %rem3A_493, %dma_start3A_499] : memref<3x16x80xi32, #tpu.memory_space<vmem>> -> memref<1x1x80xi32, #tpu.memory_space<vmem>>
    %dma_start3A_501 = tpu.memref_squeeze %dma_start3A_500 : memref<1x1x80xi32, #tpu.memory_space<vmem>> -> memref<80xi32, #tpu.memory_space<vmem>>
    %dma_start3A_502 = arith.constant 0 : i32
    %dma_start3A_503 = arith.constant 0 : i32
    %dma_start3A_504 = tpu.memref_slice %arg10[%dma_start3A_502, %dma_start3A_503] : memref<10112x128xbf16, #tpu.memory_space<vmem_shared>> -> memref<10112x128xbf16, #tpu.memory_space<vmem_shared>>
    tpu.enqueue_indirect_dma source(%dma_start3A_498 : memref<80x128xbf16, #tpu.memory_space<vmem>>) target(%dma_start3A_504 : memref<10112x128xbf16, #tpu.memory_space<vmem_shared>>) offsets(%dma_start3A_501 : memref<80xi32, #tpu.memory_space<vmem>>) semaphore(%arg12 : memref<!tpu.dma_semaphore, #tpu.memory_space<semaphore_mem>>) {add = true}
    %dma_wait3A_505 = arith.constant 0 : i32
    %dma_wait3A_506 = arith.constant 0 : i32
    %dma_wait3A_507 = arith.constant 0 : i32
    %dma_wait3A_508 = tpu.memref_slice %arg9[%dma_wait3A_505, %dma_wait3A_506, %dma_wait3A_507] : memref<16x80x128xbf16, #tpu.memory_space<vmem>> -> memref<1x80x128xbf16, #tpu.memory_space<vmem>>
    %dma_wait3A_509 = tpu.memref_squeeze %dma_wait3A_508 : memref<1x80x128xbf16, #tpu.memory_space<vmem>> -> memref<80x128xbf16, #tpu.memory_space<vmem>>
    %dma_wait3A_510 = arith.constant 0 : i32
    %dma_wait3A_511 = arith.constant 0 : i32
    %dma_wait3A_512 = tpu.memref_slice %arg5[%dma_wait3A_510, %dma_wait3A_511] : memref<10112x128xbf16, #tpu.memory_space<hbm>> -> memref<80x128xbf16, #tpu.memory_space<hbm>>
    %dma_wait3A_513 = arith.constant 0 : i32
    %dma_wait3A_514 = arith.constant 0 : i32
    %dma_wait3A_515 = tpu.memref_slice %arg9[%dma_wait3A_505, %dma_wait3A_513, %dma_wait3A_514] : memref<16x80x128xbf16, #tpu.memory_space<vmem>> -> memref<1x80x128xbf16, #tpu.memory_space<vmem>>
    %dma_wait3A_516 = tpu.memref_squeeze %dma_wait3A_515 : memref<1x80x128xbf16, #tpu.memory_space<vmem>> -> memref<80x128xbf16, #tpu.memory_space<vmem>>
    %dma_wait3A_517 = arith.constant 0 : i32
    %dma_wait3A_518 = arith.constant 0 : i32
    %dma_wait3A_519 = tpu.memref_slice %arg5[%dma_wait3A_517, %dma_wait3A_518] : memref<10112x128xbf16, #tpu.memory_space<hbm>> -> memref<80x128xbf16, #tpu.memory_space<hbm>>
    tpu.wait_dma2 semaphore(%arg11 : memref<!tpu.dma_semaphore, #tpu.memory_space<semaphore_mem>>) src(%dma_wait3A_519 : memref<80x128xbf16, #tpu.memory_space<hbm>>) dst(%dma_wait3A_516 : memref<80x128xbf16, #tpu.memory_space<vmem>>)
    %div3A_520 = arith.constant 127 : i32
    %div3A_521 = arith.constant 16 : i32
    %div3A_522 = arith.divsi %div3A_520, %div3A_521 : i32
    %rem3A_523 = arith.constant 3 : i32
    %rem3A_524 = arith.remsi %div3A_522, %rem3A_523 : i32
    %rem3A_525 = arith.constant 127 : i32
    %rem3A_526 = arith.constant 16 : i32
    %rem3A_527 = arith.remsi %rem3A_525, %rem3A_526 : i32
    %dma_start3A_528 = arith.constant 15 : i32
    %dma_start3A_529 = arith.constant 0 : i32
    %dma_start3A_530 = arith.constant 0 : i32
    %dma_start3A_531 = tpu.memref_slice %arg9[%dma_start3A_528, %dma_start3A_529, %dma_start3A_530] : memref<16x80x128xbf16, #tpu.memory_space<vmem>> -> memref<1x80x128xbf16, #tpu.memory_space<vmem>>
    %dma_start3A_532 = tpu.memref_squeeze %dma_start3A_531 : memref<1x80x128xbf16, #tpu.memory_space<vmem>> -> memref<80x128xbf16, #tpu.memory_space<vmem>>
    %dma_start3A_533 = arith.constant 0 : i32
    %dma_start3A_534 = tpu.memref_slice %arg8[%rem3A_524, %rem3A_527, %dma_start3A_533] : memref<3x16x80xi32, #tpu.memory_space<vmem>> -> memref<1x1x80xi32, #tpu.memory_space<vmem>>
    %dma_start3A_535 = tpu.memref_squeeze %dma_start3A_534 : memref<1x1x80xi32, #tpu.memory_space<vmem>> -> memref<80xi32, #tpu.memory_space<vmem>>
    %dma_start3A_536 = arith.constant 0 : i32
    %dma_start3A_537 = arith.constant 0 : i32
    %dma_start3A_538 = tpu.memref_slice %arg10[%dma_start3A_536, %dma_start3A_537] : memref<10112x128xbf16, #tpu.memory_space<vmem_shared>> -> memref<10112x128xbf16, #tpu.memory_space<vmem_shared>>
    tpu.enqueue_indirect_dma source(%dma_start3A_532 : memref<80x128xbf16, #tpu.memory_space<vmem>>) target(%dma_start3A_538 : memref<10112x128xbf16, #tpu.memory_space<vmem_shared>>) offsets(%dma_start3A_535 : memref<80xi32, #tpu.memory_space<vmem>>) semaphore(%arg12 : memref<!tpu.dma_semaphore, #tpu.memory_space<semaphore_mem>>) {add = true}
    %dma_wait3A_539 = arith.constant 0 : i32
    %dma_wait3A_540 = arith.constant 0 : i32
    %dma_wait3A_541 = arith.constant 0 : i32
    %dma_wait3A_542 = tpu.memref_slice %arg9[%dma_wait3A_539, %dma_wait3A_540, %dma_wait3A_541] : memref<16x80x128xbf16, #tpu.memory_space<vmem>> -> memref<1x80x128xbf16, #tpu.memory_space<vmem>>
    %dma_wait3A_543 = tpu.memref_squeeze %dma_wait3A_542 : memref<1x80x128xbf16, #tpu.memory_space<vmem>> -> memref<80x128xbf16, #tpu.memory_space<vmem>>
    %dma_wait3A_544 = arith.constant 0 : i32
    %dma_wait3A_545 = arith.constant 0 : i32
    %dma_wait3A_546 = tpu.memref_slice %arg5[%dma_wait3A_544, %dma_wait3A_545] : memref<10112x128xbf16, #tpu.memory_space<hbm>> -> memref<80x128xbf16, #tpu.memory_space<hbm>>
    %dma_wait3A_547 = arith.constant 0 : i32
    %dma_wait3A_548 = arith.constant 0 : i32
    %dma_wait3A_549 = tpu.memref_slice %arg9[%dma_wait3A_539, %dma_wait3A_547, %dma_wait3A_548] : memref<16x80x128xbf16, #tpu.memory_space<vmem>> -> memref<1x80x128xbf16, #tpu.memory_space<vmem>>
    %dma_wait3A_550 = tpu.memref_squeeze %dma_wait3A_549 : memref<1x80x128xbf16, #tpu.memory_space<vmem>> -> memref<80x128xbf16, #tpu.memory_space<vmem>>
    %dma_wait3A_551 = arith.constant 0 : i32
    %dma_wait3A_552 = arith.constant 0 : i32
    %dma_wait3A_553 = tpu.memref_slice %arg5[%dma_wait3A_551, %dma_wait3A_552] : memref<10112x128xbf16, #tpu.memory_space<hbm>> -> memref<80x128xbf16, #tpu.memory_space<hbm>>
    tpu.wait_dma2 semaphore(%arg12 : memref<!tpu.dma_semaphore, #tpu.memory_space<semaphore_mem>>) src(%dma_wait3A_553 : memref<80x128xbf16, #tpu.memory_space<hbm>>) dst(%dma_wait3A_550 : memref<80x128xbf16, #tpu.memory_space<vmem>>)
    %dma_wait3A_554 = arith.constant 0 : i32
    %dma_wait3A_555 = arith.constant 0 : i32
    %dma_wait3A_556 = arith.constant 0 : i32
    %dma_wait3A_557 = tpu.memref_slice %arg9[%dma_wait3A_554, %dma_wait3A_555, %dma_wait3A_556] : memref<16x80x128xbf16, #tpu.memory_space<vmem>> -> memref<1x80x128xbf16, #tpu.memory_space<vmem>>
    %dma_wait3A_558 = tpu.memref_squeeze %dma_wait3A_557 : memref<1x80x128xbf16, #tpu.memory_space<vmem>> -> memref<80x128xbf16, #tpu.memory_space<vmem>>
    %dma_wait3A_559 = arith.constant 0 : i32
    %dma_wait3A_560 = arith.constant 0 : i32
    %dma_wait3A_561 = tpu.memref_slice %arg5[%dma_wait3A_559, %dma_wait3A_560] : memref<10112x128xbf16, #tpu.memory_space<hbm>> -> memref<80x128xbf16, #tpu.memory_space<hbm>>
    %dma_wait3A_562 = arith.constant 0 : i32
    %dma_wait3A_563 = arith.constant 0 : i32
    %dma_wait3A_564 = tpu.memref_slice %arg9[%dma_wait3A_554, %dma_wait3A_562, %dma_wait3A_563] : memref<16x80x128xbf16, #tpu.memory_space<vmem>> -> memref<1x80x128xbf16, #tpu.memory_space<vmem>>
    %dma_wait3A_565 = tpu.memref_squeeze %dma_wait3A_564 : memref<1x80x128xbf16, #tpu.memory_space<vmem>> -> memref<80x128xbf16, #tpu.memory_space<vmem>>
    %dma_wait3A_566 = arith.constant 0 : i32
    %dma_wait3A_567 = arith.constant 0 : i32
    %dma_wait3A_568 = tpu.memref_slice %arg5[%dma_wait3A_566, %dma_wait3A_567] : memref<10112x128xbf16, #tpu.memory_space<hbm>> -> memref<80x128xbf16, #tpu.memory_space<hbm>>
    tpu.wait_dma2 semaphore(%arg12 : memref<!tpu.dma_semaphore, #tpu.memory_space<semaphore_mem>>) src(%dma_wait3A_568 : memref<80x128xbf16, #tpu.memory_space<hbm>>) dst(%dma_wait3A_565 : memref<80x128xbf16, #tpu.memory_space<vmem>>)
    %dma_wait3A_569 = arith.constant 0 : i32
    %dma_wait3A_570 = arith.constant 0 : i32
    %dma_wait3A_571 = arith.constant 0 : i32
    %dma_wait3A_572 = tpu.memref_slice %arg9[%dma_wait3A_569, %dma_wait3A_570, %dma_wait3A_571] : memref<16x80x128xbf16, #tpu.memory_space<vmem>> -> memref<1x80x128xbf16, #tpu.memory_space<vmem>>
    %dma_wait3A_573 = tpu.memref_squeeze %dma_wait3A_572 : memref<1x80x128xbf16, #tpu.memory_space<vmem>> -> memref<80x128xbf16, #tpu.memory_space<vmem>>
    %dma_wait3A_574 = arith.constant 0 : i32
    %dma_wait3A_575 = arith.constant 0 : i32
    %dma_wait3A_576 = tpu.memref_slice %arg5[%dma_wait3A_574, %dma_wait3A_575] : memref<10112x128xbf16, #tpu.memory_space<hbm>> -> memref<80x128xbf16, #tpu.memory_space<hbm>>
    %dma_wait3A_577 = arith.constant 0 : i32
    %dma_wait3A_578 = arith.constant 0 : i32
    %dma_wait3A_579 = tpu.memref_slice %arg9[%dma_wait3A_569, %dma_wait3A_577, %dma_wait3A_578] : memref<16x80x128xbf16, #tpu.memory_space<vmem>> -> memref<1x80x128xbf16, #tpu.memory_space<vmem>>
    %dma_wait3A_580 = tpu.memref_squeeze %dma_wait3A_579 : memref<1x80x128xbf16, #tpu.memory_space<vmem>> -> memref<80x128xbf16, #tpu.memory_space<vmem>>
    %dma_wait3A_581 = arith.constant 0 : i32
    %dma_wait3A_582 = arith.constant 0 : i32
    %dma_wait3A_583 = tpu.memref_slice %arg5[%dma_wait3A_581, %dma_wait3A_582] : memref<10112x128xbf16, #tpu.memory_space<hbm>> -> memref<80x128xbf16, #tpu.memory_space<hbm>>
    tpu.wait_dma2 semaphore(%arg12 : memref<!tpu.dma_semaphore, #tpu.memory_space<semaphore_mem>>) src(%dma_wait3A_583 : memref<80x128xbf16, #tpu.memory_space<hbm>>) dst(%dma_wait3A_580 : memref<80x128xbf16, #tpu.memory_space<vmem>>)
    %dma_wait3A_584 = arith.constant 0 : i32
    %dma_wait3A_585 = arith.constant 0 : i32
    %dma_wait3A_586 = arith.constant 0 : i32
    %dma_wait3A_587 = tpu.memref_slice %arg9[%dma_wait3A_584, %dma_wait3A_585, %dma_wait3A_586] : memref<16x80x128xbf16, #tpu.memory_space<vmem>> -> memref<1x80x128xbf16, #tpu.memory_space<vmem>>
    %dma_wait3A_588 = tpu.memref_squeeze %dma_wait3A_587 : memref<1x80x128xbf16, #tpu.memory_space<vmem>> -> memref<80x128xbf16, #tpu.memory_space<vmem>>
    %dma_wait3A_589 = arith.constant 0 : i32
    %dma_wait3A_590 = arith.constant 0 : i32
    %dma_wait3A_591 = tpu.memref_slice %arg5[%dma_wait3A_589, %dma_wait3A_590] : memref<10112x128xbf16, #tpu.memory_space<hbm>> -> memref<80x128xbf16, #tpu.memory_space<hbm>>
    %dma_wait3A_592 = arith.constant 0 : i32
    %dma_wait3A_593 = arith.constant 0 : i32
    %dma_wait3A_594 = tpu.memref_slice %arg9[%dma_wait3A_584, %dma_wait3A_592, %dma_wait3A_593] : memref<16x80x128xbf16, #tpu.memory_space<vmem>> -> memref<1x80x128xbf16, #tpu.memory_space<vmem>>
    %dma_wait3A_595 = tpu.memref_squeeze %dma_wait3A_594 : memref<1x80x128xbf16, #tpu.memory_space<vmem>> -> memref<80x128xbf16, #tpu.memory_space<vmem>>
    %dma_wait3A_596 = arith.constant 0 : i32
    %dma_wait3A_597 = arith.constant 0 : i32
    %dma_wait3A_598 = tpu.memref_slice %arg5[%dma_wait3A_596, %dma_wait3A_597] : memref<10112x128xbf16, #tpu.memory_space<hbm>> -> memref<80x128xbf16, #tpu.memory_space<hbm>>
    tpu.wait_dma2 semaphore(%arg12 : memref<!tpu.dma_semaphore, #tpu.memory_space<semaphore_mem>>) src(%dma_wait3A_598 : memref<80x128xbf16, #tpu.memory_space<hbm>>) dst(%dma_wait3A_595 : memref<80x128xbf16, #tpu.memory_space<vmem>>)
    %dma_wait3A_599 = arith.constant 0 : i32
    %dma_wait3A_600 = arith.constant 0 : i32
    %dma_wait3A_601 = arith.constant 0 : i32
    %dma_wait3A_602 = tpu.memref_slice %arg9[%dma_wait3A_599, %dma_wait3A_600, %dma_wait3A_601] : memref<16x80x128xbf16, #tpu.memory_space<vmem>> -> memref<1x80x128xbf16, #tpu.memory_space<vmem>>
    %dma_wait3A_603 = tpu.memref_squeeze %dma_wait3A_602 : memref<1x80x128xbf16, #tpu.memory_space<vmem>> -> memref<80x128xbf16, #tpu.memory_space<vmem>>
    %dma_wait3A_604 = arith.constant 0 : i32
    %dma_wait3A_605 = arith.constant 0 : i32
    %dma_wait3A_606 = tpu.memref_slice %arg5[%dma_wait3A_604, %dma_wait3A_605] : memref<10112x128xbf16, #tpu.memory_space<hbm>> -> memref<80x128xbf16, #tpu.memory_space<hbm>>
    %dma_wait3A_607 = arith.constant 0 : i32
    %dma_wait3A_608 = arith.constant 0 : i32
    %dma_wait3A_609 = tpu.memref_slice %arg9[%dma_wait3A_599, %dma_wait3A_607, %dma_wait3A_608] : memref<16x80x128xbf16, #tpu.memory_space<vmem>> -> memref<1x80x128xbf16, #tpu.memory_space<vmem>>
    %dma_wait3A_610 = tpu.memref_squeeze %dma_wait3A_609 : memref<1x80x128xbf16, #tpu.memory_space<vmem>> -> memref<80x128xbf16, #tpu.memory_space<vmem>>
    %dma_wait3A_611 = arith.constant 0 : i32
    %dma_wait3A_612 = arith.constant 0 : i32
    %dma_wait3A_613 = tpu.memref_slice %arg5[%dma_wait3A_611, %dma_wait3A_612] : memref<10112x128xbf16, #tpu.memory_space<hbm>> -> memref<80x128xbf16, #tpu.memory_space<hbm>>
    tpu.wait_dma2 semaphore(%arg12 : memref<!tpu.dma_semaphore, #tpu.memory_space<semaphore_mem>>) src(%dma_wait3A_613 : memref<80x128xbf16, #tpu.memory_space<hbm>>) dst(%dma_wait3A_610 : memref<80x128xbf16, #tpu.memory_space<vmem>>)
    %dma_wait3A_614 = arith.constant 0 : i32
    %dma_wait3A_615 = arith.constant 0 : i32
    %dma_wait3A_616 = arith.constant 0 : i32
    %dma_wait3A_617 = tpu.memref_slice %arg9[%dma_wait3A_614, %dma_wait3A_615, %dma_wait3A_616] : memref<16x80x128xbf16, #tpu.memory_space<vmem>> -> memref<1x80x128xbf16, #tpu.memory_space<vmem>>
    %dma_wait3A_618 = tpu.memref_squeeze %dma_wait3A_617 : memref<1x80x128xbf16, #tpu.memory_space<vmem>> -> memref<80x128xbf16, #tpu.memory_space<vmem>>
    %dma_wait3A_619 = arith.constant 0 : i32
    %dma_wait3A_620 = arith.constant 0 : i32
    %dma_wait3A_621 = tpu.memref_slice %arg5[%dma_wait3A_619, %dma_wait3A_620] : memref<10112x128xbf16, #tpu.memory_space<hbm>> -> memref<80x128xbf16, #tpu.memory_space<hbm>>
    %dma_wait3A_622 = arith.constant 0 : i32
    %dma_wait3A_623 = arith.constant 0 : i32
    %dma_wait3A_624 = tpu.memref_slice %arg9[%dma_wait3A_614, %dma_wait3A_622, %dma_wait3A_623] : memref<16x80x128xbf16, #tpu.memory_space<vmem>> -> memref<1x80x128xbf16, #tpu.memory_space<vmem>>
    %dma_wait3A_625 = tpu.memref_squeeze %dma_wait3A_624 : memref<1x80x128xbf16, #tpu.memory_space<vmem>> -> memref<80x128xbf16, #tpu.memory_space<vmem>>
    %dma_wait3A_626 = arith.constant 0 : i32
    %dma_wait3A_627 = arith.constant 0 : i32
    %dma_wait3A_628 = tpu.memref_slice %arg5[%dma_wait3A_626, %dma_wait3A_627] : memref<10112x128xbf16, #tpu.memory_space<hbm>> -> memref<80x128xbf16, #tpu.memory_space<hbm>>
    tpu.wait_dma2 semaphore(%arg12 : memref<!tpu.dma_semaphore, #tpu.memory_space<semaphore_mem>>) src(%dma_wait3A_628 : memref<80x128xbf16, #tpu.memory_space<hbm>>) dst(%dma_wait3A_625 : memref<80x128xbf16, #tpu.memory_space<vmem>>)
    %dma_wait3A_629 = arith.constant 0 : i32
    %dma_wait3A_630 = arith.constant 0 : i32
    %dma_wait3A_631 = arith.constant 0 : i32
    %dma_wait3A_632 = tpu.memref_slice %arg9[%dma_wait3A_629, %dma_wait3A_630, %dma_wait3A_631] : memref<16x80x128xbf16, #tpu.memory_space<vmem>> -> memref<1x80x128xbf16, #tpu.memory_space<vmem>>
    %dma_wait3A_633 = tpu.memref_squeeze %dma_wait3A_632 : memref<1x80x128xbf16, #tpu.memory_space<vmem>> -> memref<80x128xbf16, #tpu.memory_space<vmem>>
    %dma_wait3A_634 = arith.constant 0 : i32
    %dma_wait3A_635 = arith.constant 0 : i32
    %dma_wait3A_636 = tpu.memref_slice %arg5[%dma_wait3A_634, %dma_wait3A_635] : memref<10112x128xbf16, #tpu.memory_space<hbm>> -> memref<80x128xbf16, #tpu.memory_space<hbm>>
    %dma_wait3A_637 = arith.constant 0 : i32
    %dma_wait3A_638 = arith.constant 0 : i32
    %dma_wait3A_639 = tpu.memref_slice %arg9[%dma_wait3A_629, %dma_wait3A_637, %dma_wait3A_638] : memref<16x80x128xbf16, #tpu.memory_space<vmem>> -> memref<1x80x128xbf16, #tpu.memory_space<vmem>>
    %dma_wait3A_640 = tpu.memref_squeeze %dma_wait3A_639 : memref<1x80x128xbf16, #tpu.memory_space<vmem>> -> memref<80x128xbf16, #tpu.memory_space<vmem>>
    %dma_wait3A_641 = arith.constant 0 : i32
    %dma_wait3A_642 = arith.constant 0 : i32
    %dma_wait3A_643 = tpu.memref_slice %arg5[%dma_wait3A_641, %dma_wait3A_642] : memref<10112x128xbf16, #tpu.memory_space<hbm>> -> memref<80x128xbf16, #tpu.memory_space<hbm>>
    tpu.wait_dma2 semaphore(%arg12 : memref<!tpu.dma_semaphore, #tpu.memory_space<semaphore_mem>>) src(%dma_wait3A_643 : memref<80x128xbf16, #tpu.memory_space<hbm>>) dst(%dma_wait3A_640 : memref<80x128xbf16, #tpu.memory_space<vmem>>)
    %dma_wait3A_644 = arith.constant 0 : i32
    %dma_wait3A_645 = arith.constant 0 : i32
    %dma_wait3A_646 = arith.constant 0 : i32
    %dma_wait3A_647 = tpu.memref_slice %arg9[%dma_wait3A_644, %dma_wait3A_645, %dma_wait3A_646] : memref<16x80x128xbf16, #tpu.memory_space<vmem>> -> memref<1x80x128xbf16, #tpu.memory_space<vmem>>
    %dma_wait3A_648 = tpu.memref_squeeze %dma_wait3A_647 : memref<1x80x128xbf16, #tpu.memory_space<vmem>> -> memref<80x128xbf16, #tpu.memory_space<vmem>>
    %dma_wait3A_649 = arith.constant 0 : i32
    %dma_wait3A_650 = arith.constant 0 : i32
    %dma_wait3A_651 = tpu.memref_slice %arg5[%dma_wait3A_649, %dma_wait3A_650] : memref<10112x128xbf16, #tpu.memory_space<hbm>> -> memref<80x128xbf16, #tpu.memory_space<hbm>>
    %dma_wait3A_652 = arith.constant 0 : i32
    %dma_wait3A_653 = arith.constant 0 : i32
    %dma_wait3A_654 = tpu.memref_slice %arg9[%dma_wait3A_644, %dma_wait3A_652, %dma_wait3A_653] : memref<16x80x128xbf16, #tpu.memory_space<vmem>> -> memref<1x80x128xbf16, #tpu.memory_space<vmem>>
    %dma_wait3A_655 = tpu.memref_squeeze %dma_wait3A_654 : memref<1x80x128xbf16, #tpu.memory_space<vmem>> -> memref<80x128xbf16, #tpu.memory_space<vmem>>
    %dma_wait3A_656 = arith.constant 0 : i32
    %dma_wait3A_657 = arith.constant 0 : i32
    %dma_wait3A_658 = tpu.memref_slice %arg5[%dma_wait3A_656, %dma_wait3A_657] : memref<10112x128xbf16, #tpu.memory_space<hbm>> -> memref<80x128xbf16, #tpu.memory_space<hbm>>
    tpu.wait_dma2 semaphore(%arg12 : memref<!tpu.dma_semaphore, #tpu.memory_space<semaphore_mem>>) src(%dma_wait3A_658 : memref<80x128xbf16, #tpu.memory_space<hbm>>) dst(%dma_wait3A_655 : memref<80x128xbf16, #tpu.memory_space<vmem>>)
    %dma_wait3A_659 = arith.constant 0 : i32
    %dma_wait3A_660 = arith.constant 0 : i32
    %dma_wait3A_661 = arith.constant 0 : i32
    %dma_wait3A_662 = tpu.memref_slice %arg9[%dma_wait3A_659, %dma_wait3A_660, %dma_wait3A_661] : memref<16x80x128xbf16, #tpu.memory_space<vmem>> -> memref<1x80x128xbf16, #tpu.memory_space<vmem>>
    %dma_wait3A_663 = tpu.memref_squeeze %dma_wait3A_662 : memref<1x80x128xbf16, #tpu.memory_space<vmem>> -> memref<80x128xbf16, #tpu.memory_space<vmem>>
    %dma_wait3A_664 = arith.constant 0 : i32
    %dma_wait3A_665 = arith.constant 0 : i32
    %dma_wait3A_666 = tpu.memref_slice %arg5[%dma_wait3A_664, %dma_wait3A_665] : memref<10112x128xbf16, #tpu.memory_space<hbm>> -> memref<80x128xbf16, #tpu.memory_space<hbm>>
    %dma_wait3A_667 = arith.constant 0 : i32
    %dma_wait3A_668 = arith.constant 0 : i32
    %dma_wait3A_669 = tpu.memref_slice %arg9[%dma_wait3A_659, %dma_wait3A_667, %dma_wait3A_668] : memref<16x80x128xbf16, #tpu.memory_space<vmem>> -> memref<1x80x128xbf16, #tpu.memory_space<vmem>>
    %dma_wait3A_670 = tpu.memref_squeeze %dma_wait3A_669 : memref<1x80x128xbf16, #tpu.memory_space<vmem>> -> memref<80x128xbf16, #tpu.memory_space<vmem>>
    %dma_wait3A_671 = arith.constant 0 : i32
    %dma_wait3A_672 = arith.constant 0 : i32
    %dma_wait3A_673 = tpu.memref_slice %arg5[%dma_wait3A_671, %dma_wait3A_672] : memref<10112x128xbf16, #tpu.memory_space<hbm>> -> memref<80x128xbf16, #tpu.memory_space<hbm>>
    tpu.wait_dma2 semaphore(%arg12 : memref<!tpu.dma_semaphore, #tpu.memory_space<semaphore_mem>>) src(%dma_wait3A_673 : memref<80x128xbf16, #tpu.memory_space<hbm>>) dst(%dma_wait3A_670 : memref<80x128xbf16, #tpu.memory_space<vmem>>)
    %dma_wait3A_674 = arith.constant 0 : i32
    %dma_wait3A_675 = arith.constant 0 : i32
    %dma_wait3A_676 = arith.constant 0 : i32
    %dma_wait3A_677 = tpu.memref_slice %arg9[%dma_wait3A_674, %dma_wait3A_675, %dma_wait3A_676] : memref<16x80x128xbf16, #tpu.memory_space<vmem>> -> memref<1x80x128xbf16, #tpu.memory_space<vmem>>
    %dma_wait3A_678 = tpu.memref_squeeze %dma_wait3A_677 : memref<1x80x128xbf16, #tpu.memory_space<vmem>> -> memref<80x128xbf16, #tpu.memory_space<vmem>>
    %dma_wait3A_679 = arith.constant 0 : i32
    %dma_wait3A_680 = arith.constant 0 : i32
    %dma_wait3A_681 = tpu.memref_slice %arg5[%dma_wait3A_679, %dma_wait3A_680] : memref<10112x128xbf16, #tpu.memory_space<hbm>> -> memref<80x128xbf16, #tpu.memory_space<hbm>>
    %dma_wait3A_682 = arith.constant 0 : i32
    %dma_wait3A_683 = arith.constant 0 : i32
    %dma_wait3A_684 = tpu.memref_slice %arg9[%dma_wait3A_674, %dma_wait3A_682, %dma_wait3A_683] : memref<16x80x128xbf16, #tpu.memory_space<vmem>> -> memref<1x80x128xbf16, #tpu.memory_space<vmem>>
    %dma_wait3A_685 = tpu.memref_squeeze %dma_wait3A_684 : memref<1x80x128xbf16, #tpu.memory_space<vmem>> -> memref<80x128xbf16, #tpu.memory_space<vmem>>
    %dma_wait3A_686 = arith.constant 0 : i32
    %dma_wait3A_687 = arith.constant 0 : i32
    %dma_wait3A_688 = tpu.memref_slice %arg5[%dma_wait3A_686, %dma_wait3A_687] : memref<10112x128xbf16, #tpu.memory_space<hbm>> -> memref<80x128xbf16, #tpu.memory_space<hbm>>
    tpu.wait_dma2 semaphore(%arg12 : memref<!tpu.dma_semaphore, #tpu.memory_space<semaphore_mem>>) src(%dma_wait3A_688 : memref<80x128xbf16, #tpu.memory_space<hbm>>) dst(%dma_wait3A_685 : memref<80x128xbf16, #tpu.memory_space<vmem>>)
    %dma_wait3A_689 = arith.constant 0 : i32
    %dma_wait3A_690 = arith.constant 0 : i32
    %dma_wait3A_691 = arith.constant 0 : i32
    %dma_wait3A_692 = tpu.memref_slice %arg9[%dma_wait3A_689, %dma_wait3A_690, %dma_wait3A_691] : memref<16x80x128xbf16, #tpu.memory_space<vmem>> -> memref<1x80x128xbf16, #tpu.memory_space<vmem>>
    %dma_wait3A_693 = tpu.memref_squeeze %dma_wait3A_692 : memref<1x80x128xbf16, #tpu.memory_space<vmem>> -> memref<80x128xbf16, #tpu.memory_space<vmem>>
    %dma_wait3A_694 = arith.constant 0 : i32
    %dma_wait3A_695 = arith.constant 0 : i32
    %dma_wait3A_696 = tpu.memref_slice %arg5[%dma_wait3A_694, %dma_wait3A_695] : memref<10112x128xbf16, #tpu.memory_space<hbm>> -> memref<80x128xbf16, #tpu.memory_space<hbm>>
    %dma_wait3A_697 = arith.constant 0 : i32
    %dma_wait3A_698 = arith.constant 0 : i32
    %dma_wait3A_699 = tpu.memref_slice %arg9[%dma_wait3A_689, %dma_wait3A_697, %dma_wait3A_698] : memref<16x80x128xbf16, #tpu.memory_space<vmem>> -> memref<1x80x128xbf16, #tpu.memory_space<vmem>>
    %dma_wait3A_700 = tpu.memref_squeeze %dma_wait3A_699 : memref<1x80x128xbf16, #tpu.memory_space<vmem>> -> memref<80x128xbf16, #tpu.memory_space<vmem>>
    %dma_wait3A_701 = arith.constant 0 : i32
    %dma_wait3A_702 = arith.constant 0 : i32
    %dma_wait3A_703 = tpu.memref_slice %arg5[%dma_wait3A_701, %dma_wait3A_702] : memref<10112x128xbf16, #tpu.memory_space<hbm>> -> memref<80x128xbf16, #tpu.memory_space<hbm>>
    tpu.wait_dma2 semaphore(%arg12 : memref<!tpu.dma_semaphore, #tpu.memory_space<semaphore_mem>>) src(%dma_wait3A_703 : memref<80x128xbf16, #tpu.memory_space<hbm>>) dst(%dma_wait3A_700 : memref<80x128xbf16, #tpu.memory_space<vmem>>)
    %dma_wait3A_704 = arith.constant 0 : i32
    %dma_wait3A_705 = arith.constant 0 : i32
    %dma_wait3A_706 = arith.constant 0 : i32
    %dma_wait3A_707 = tpu.memref_slice %arg9[%dma_wait3A_704, %dma_wait3A_705, %dma_wait3A_706] : memref<16x80x128xbf16, #tpu.memory_space<vmem>> -> memref<1x80x128xbf16, #tpu.memory_space<vmem>>
    %dma_wait3A_708 = tpu.memref_squeeze %dma_wait3A_707 : memref<1x80x128xbf16, #tpu.memory_space<vmem>> -> memref<80x128xbf16, #tpu.memory_space<vmem>>
    %dma_wait3A_709 = arith.constant 0 : i32
    %dma_wait3A_710 = arith.constant 0 : i32
    %dma_wait3A_711 = tpu.memref_slice %arg5[%dma_wait3A_709, %dma_wait3A_710] : memref<10112x128xbf16, #tpu.memory_space<hbm>> -> memref<80x128xbf16, #tpu.memory_space<hbm>>
    %dma_wait3A_712 = arith.constant 0 : i32
    %dma_wait3A_713 = arith.constant 0 : i32
    %dma_wait3A_714 = tpu.memref_slice %arg9[%dma_wait3A_704, %dma_wait3A_712, %dma_wait3A_713] : memref<16x80x128xbf16, #tpu.memory_space<vmem>> -> memref<1x80x128xbf16, #tpu.memory_space<vmem>>
    %dma_wait3A_715 = tpu.memref_squeeze %dma_wait3A_714 : memref<1x80x128xbf16, #tpu.memory_space<vmem>> -> memref<80x128xbf16, #tpu.memory_space<vmem>>
    %dma_wait3A_716 = arith.constant 0 : i32
    %dma_wait3A_717 = arith.constant 0 : i32
    %dma_wait3A_718 = tpu.memref_slice %arg5[%dma_wait3A_716, %dma_wait3A_717] : memref<10112x128xbf16, #tpu.memory_space<hbm>> -> memref<80x128xbf16, #tpu.memory_space<hbm>>
    tpu.wait_dma2 semaphore(%arg12 : memref<!tpu.dma_semaphore, #tpu.memory_space<semaphore_mem>>) src(%dma_wait3A_718 : memref<80x128xbf16, #tpu.memory_space<hbm>>) dst(%dma_wait3A_715 : memref<80x128xbf16, #tpu.memory_space<vmem>>)
    %dma_wait3A_719 = arith.constant 0 : i32
    %dma_wait3A_720 = arith.constant 0 : i32
    %dma_wait3A_721 = arith.constant 0 : i32
    %dma_wait3A_722 = tpu.memref_slice %arg9[%dma_wait3A_719, %dma_wait3A_720, %dma_wait3A_721] : memref<16x80x128xbf16, #tpu.memory_space<vmem>> -> memref<1x80x128xbf16, #tpu.memory_space<vmem>>
    %dma_wait3A_723 = tpu.memref_squeeze %dma_wait3A_722 : memref<1x80x128xbf16, #tpu.memory_space<vmem>> -> memref<80x128xbf16, #tpu.memory_space<vmem>>
    %dma_wait3A_724 = arith.constant 0 : i32
    %dma_wait3A_725 = arith.constant 0 : i32
    %dma_wait3A_726 = tpu.memref_slice %arg5[%dma_wait3A_724, %dma_wait3A_725] : memref<10112x128xbf16, #tpu.memory_space<hbm>> -> memref<80x128xbf16, #tpu.memory_space<hbm>>
    %dma_wait3A_727 = arith.constant 0 : i32
    %dma_wait3A_728 = arith.constant 0 : i32
    %dma_wait3A_729 = tpu.memref_slice %arg9[%dma_wait3A_719, %dma_wait3A_727, %dma_wait3A_728] : memref<16x80x128xbf16, #tpu.memory_space<vmem>> -> memref<1x80x128xbf16, #tpu.memory_space<vmem>>
    %dma_wait3A_730 = tpu.memref_squeeze %dma_wait3A_729 : memref<1x80x128xbf16, #tpu.memory_space<vmem>> -> memref<80x128xbf16, #tpu.memory_space<vmem>>
    %dma_wait3A_731 = arith.constant 0 : i32
    %dma_wait3A_732 = arith.constant 0 : i32
    %dma_wait3A_733 = tpu.memref_slice %arg5[%dma_wait3A_731, %dma_wait3A_732] : memref<10112x128xbf16, #tpu.memory_space<hbm>> -> memref<80x128xbf16, #tpu.memory_space<hbm>>
    tpu.wait_dma2 semaphore(%arg12 : memref<!tpu.dma_semaphore, #tpu.memory_space<semaphore_mem>>) src(%dma_wait3A_733 : memref<80x128xbf16, #tpu.memory_space<hbm>>) dst(%dma_wait3A_730 : memref<80x128xbf16, #tpu.memory_space<vmem>>)
    %dma_wait3A_734 = arith.constant 0 : i32
    %dma_wait3A_735 = arith.constant 0 : i32
    %dma_wait3A_736 = arith.constant 0 : i32
    %dma_wait3A_737 = tpu.memref_slice %arg9[%dma_wait3A_734, %dma_wait3A_735, %dma_wait3A_736] : memref<16x80x128xbf16, #tpu.memory_space<vmem>> -> memref<1x80x128xbf16, #tpu.memory_space<vmem>>
    %dma_wait3A_738 = tpu.memref_squeeze %dma_wait3A_737 : memref<1x80x128xbf16, #tpu.memory_space<vmem>> -> memref<80x128xbf16, #tpu.memory_space<vmem>>
    %dma_wait3A_739 = arith.constant 0 : i32
    %dma_wait3A_740 = arith.constant 0 : i32
    %dma_wait3A_741 = tpu.memref_slice %arg5[%dma_wait3A_739, %dma_wait3A_740] : memref<10112x128xbf16, #tpu.memory_space<hbm>> -> memref<80x128xbf16, #tpu.memory_space<hbm>>
    %dma_wait3A_742 = arith.constant 0 : i32
    %dma_wait3A_743 = arith.constant 0 : i32
    %dma_wait3A_744 = tpu.memref_slice %arg9[%dma_wait3A_734, %dma_wait3A_742, %dma_wait3A_743] : memref<16x80x128xbf16, #tpu.memory_space<vmem>> -> memref<1x80x128xbf16, #tpu.memory_space<vmem>>
    %dma_wait3A_745 = tpu.memref_squeeze %dma_wait3A_744 : memref<1x80x128xbf16, #tpu.memory_space<vmem>> -> memref<80x128xbf16, #tpu.memory_space<vmem>>
    %dma_wait3A_746 = arith.constant 0 : i32
    %dma_wait3A_747 = arith.constant 0 : i32
    %dma_wait3A_748 = tpu.memref_slice %arg5[%dma_wait3A_746, %dma_wait3A_747] : memref<10112x128xbf16, #tpu.memory_space<hbm>> -> memref<80x128xbf16, #tpu.memory_space<hbm>>
    tpu.wait_dma2 semaphore(%arg12 : memref<!tpu.dma_semaphore, #tpu.memory_space<semaphore_mem>>) src(%dma_wait3A_748 : memref<80x128xbf16, #tpu.memory_space<hbm>>) dst(%dma_wait3A_745 : memref<80x128xbf16, #tpu.memory_space<vmem>>)
    %dma_wait3A_749 = arith.constant 0 : i32
    %dma_wait3A_750 = arith.constant 0 : i32
    %dma_wait3A_751 = arith.constant 0 : i32
    %dma_wait3A_752 = tpu.memref_slice %arg9[%dma_wait3A_749, %dma_wait3A_750, %dma_wait3A_751] : memref<16x80x128xbf16, #tpu.memory_space<vmem>> -> memref<1x80x128xbf16, #tpu.memory_space<vmem>>
    %dma_wait3A_753 = tpu.memref_squeeze %dma_wait3A_752 : memref<1x80x128xbf16, #tpu.memory_space<vmem>> -> memref<80x128xbf16, #tpu.memory_space<vmem>>
    %dma_wait3A_754 = arith.constant 0 : i32
    %dma_wait3A_755 = arith.constant 0 : i32
    %dma_wait3A_756 = tpu.memref_slice %arg5[%dma_wait3A_754, %dma_wait3A_755] : memref<10112x128xbf16, #tpu.memory_space<hbm>> -> memref<80x128xbf16, #tpu.memory_space<hbm>>
    %dma_wait3A_757 = arith.constant 0 : i32
    %dma_wait3A_758 = arith.constant 0 : i32
    %dma_wait3A_759 = tpu.memref_slice %arg9[%dma_wait3A_749, %dma_wait3A_757, %dma_wait3A_758] : memref<16x80x128xbf16, #tpu.memory_space<vmem>> -> memref<1x80x128xbf16, #tpu.memory_space<vmem>>
    %dma_wait3A_760 = tpu.memref_squeeze %dma_wait3A_759 : memref<1x80x128xbf16, #tpu.memory_space<vmem>> -> memref<80x128xbf16, #tpu.memory_space<vmem>>
    %dma_wait3A_761 = arith.constant 0 : i32
    %dma_wait3A_762 = arith.constant 0 : i32
    %dma_wait3A_763 = tpu.memref_slice %arg5[%dma_wait3A_761, %dma_wait3A_762] : memref<10112x128xbf16, #tpu.memory_space<hbm>> -> memref<80x128xbf16, #tpu.memory_space<hbm>>
    tpu.wait_dma2 semaphore(%arg12 : memref<!tpu.dma_semaphore, #tpu.memory_space<semaphore_mem>>) src(%dma_wait3A_763 : memref<80x128xbf16, #tpu.memory_space<hbm>>) dst(%dma_wait3A_760 : memref<80x128xbf16, #tpu.memory_space<vmem>>)
    %dma_wait3A_764 = arith.constant 0 : i32
    %dma_wait3A_765 = arith.constant 0 : i32
    %dma_wait3A_766 = arith.constant 0 : i32
    %dma_wait3A_767 = tpu.memref_slice %arg9[%dma_wait3A_764, %dma_wait3A_765, %dma_wait3A_766] : memref<16x80x128xbf16, #tpu.memory_space<vmem>> -> memref<1x80x128xbf16, #tpu.memory_space<vmem>>
    %dma_wait3A_768 = tpu.memref_squeeze %dma_wait3A_767 : memref<1x80x128xbf16, #tpu.memory_space<vmem>> -> memref<80x128xbf16, #tpu.memory_space<vmem>>
    %dma_wait3A_769 = arith.constant 0 : i32
    %dma_wait3A_770 = arith.constant 0 : i32
    %dma_wait3A_771 = tpu.memref_slice %arg5[%dma_wait3A_769, %dma_wait3A_770] : memref<10112x128xbf16, #tpu.memory_space<hbm>> -> memref<80x128xbf16, #tpu.memory_space<hbm>>
    %dma_wait3A_772 = arith.constant 0 : i32
    %dma_wait3A_773 = arith.constant 0 : i32
    %dma_wait3A_774 = tpu.memref_slice %arg9[%dma_wait3A_764, %dma_wait3A_772, %dma_wait3A_773] : memref<16x80x128xbf16, #tpu.memory_space<vmem>> -> memref<1x80x128xbf16, #tpu.memory_space<vmem>>
    %dma_wait3A_775 = tpu.memref_squeeze %dma_wait3A_774 : memref<1x80x128xbf16, #tpu.memory_space<vmem>> -> memref<80x128xbf16, #tpu.memory_space<vmem>>
    %dma_wait3A_776 = arith.constant 0 : i32
    %dma_wait3A_777 = arith.constant 0 : i32
    %dma_wait3A_778 = tpu.memref_slice %arg5[%dma_wait3A_776, %dma_wait3A_777] : memref<10112x128xbf16, #tpu.memory_space<hbm>> -> memref<80x128xbf16, #tpu.memory_space<hbm>>
    tpu.wait_dma2 semaphore(%arg12 : memref<!tpu.dma_semaphore, #tpu.memory_space<semaphore_mem>>) src(%dma_wait3A_778 : memref<80x128xbf16, #tpu.memory_space<hbm>>) dst(%dma_wait3A_775 : memref<80x128xbf16, #tpu.memory_space<vmem>>)
    %barrier3A_779 = arith.constant 0 : index
    tpu.barrier barrier_id(%barrier3A_779)
    %mul3A_780 = arith.constant 632 : i32
    %mul3A_781 = arith.muli %arg1, %mul3A_780 : i32
    %mul3A_782 = arith.constant 632 : i32
    %mul3A_783 = arith.muli %arg1, %mul3A_782 : i32
    "tpu.region"() ({
      %run_scoped3A_784 = tpu.sem_alloc : memref<!tpu.dma_semaphore, #tpu.memory_space<semaphore_mem>>
      %dma_start3A_785 = arith.constant 0 : i32
      %dma_start3A_786 = tpu.memref_slice %arg6[%arg0, %mul3A_783, %dma_start3A_785] : memref<2x10112x128xbf16, #tpu.memory_space<hbm>> -> memref<1x632x128xbf16, #tpu.memory_space<hbm>>
      %dma_start3A_787 = tpu.memref_squeeze %dma_start3A_786 : memref<1x632x128xbf16, #tpu.memory_space<hbm>> -> memref<632x128xbf16, #tpu.memory_space<hbm>>
      %dma_start3A_788 = arith.constant 0 : i32
      %dma_start3A_789 = tpu.memref_slice %arg10[%mul3A_781, %dma_start3A_788] : memref<10112x128xbf16, #tpu.memory_space<vmem_shared>> -> memref<632x128xbf16, #tpu.memory_space<vmem_shared>>
      tpu.enqueue_dma source(%dma_start3A_789 : memref<632x128xbf16, #tpu.memory_space<vmem_shared>>) target(%dma_start3A_787 : memref<632x128xbf16, #tpu.memory_space<hbm>>) target_semaphore(%run_scoped3A_784 : memref<!tpu.dma_semaphore, #tpu.memory_space<semaphore_mem>>)
      %dma_wait3A_790 = arith.constant 0 : i32
      %dma_wait3A_791 = tpu.memref_slice %arg6[%arg0, %mul3A_783, %dma_wait3A_790] : memref<2x10112x128xbf16, #tpu.memory_space<hbm>> -> memref<1x632x128xbf16, #tpu.memory_space<hbm>>
      %dma_wait3A_792 = tpu.memref_squeeze %dma_wait3A_791 : memref<1x632x128xbf16, #tpu.memory_space<hbm>> -> memref<632x128xbf16, #tpu.memory_space<hbm>>
      %dma_wait3A_793 = arith.constant 0 : i32
      %dma_wait3A_794 = tpu.memref_slice %arg10[%mul3A_781, %dma_wait3A_793] : memref<10112x128xbf16, #tpu.memory_space<vmem_shared>> -> memref<632x128xbf16, #tpu.memory_space<vmem_shared>>
      tpu.wait_dma2 semaphore(%run_scoped3A_784 : memref<!tpu.dma_semaphore, #tpu.memory_space<semaphore_mem>>) src(%dma_wait3A_794 : memref<632x128xbf16, #tpu.memory_space<vmem_shared>>) dst(%dma_wait3A_792 : memref<632x128xbf16, #tpu.memory_space<hbm>>)
      tpu.yield
    }) : () -> ()
    return
  }
}

#map = affine_map<(d0, d1) -> (0, 0)>
#map1 = affine_map<(d0, d1) -> (0, 0, 0)>
module attributes {stable_mosaic.version = 14 : i64} {
  func.func @agg(%arg0: i32, %arg1: i32, %arg2: memref<10112x128xbf16, #tpu.memory_space<hbm>>, %arg3: memref<32x128x80xi32, #tpu.memory_space<hbm>>, %arg4: memref<32x128x80xi32, #tpu.memory_space<hbm>>, %arg5: memref<10112x128xbf16, #tpu.memory_space<hbm>>, %arg6: memref<2x10112x128xbf16, #tpu.memory_space<hbm>>, %arg7: memref<3x16x80xi32, #tpu.memory_space<vmem>>, %arg8: memref<3x16x80xi32, #tpu.memory_space<vmem>>, %arg9: memref<16x80x128xbf16, #tpu.memory_space<vmem>>, %arg10: memref<10112x128xbf16, #tpu.memory_space<vmem_shared>>, %arg11: memref<!tpu.dma_semaphore, #tpu.memory_space<semaphore_mem>>, %arg12: memref<!tpu.dma_semaphore, #tpu.memory_space<semaphore_mem>>) attributes {dimension_semantics = [#tpu.dimension_semantics<core_parallel>, #tpu.dimension_semantics<subcore_parallel>], iteration_bounds = array<i64: 2, 16>, scalar_prefetch = 0 : i64, scratch_operands = 6 : i64, tpu.core_type = #tpu.core_type<sc_vector_subcore>, window_params = [{transform_indices = #map}, {transform_indices = #map1}, {transform_indices = #map1}, {transform_indices = #map}, {transform_indices = #map1}]} {
    %mul3A = arith.constant 2 : i32
    %mul3A_0 = arith.muli %arg1, %mul3A : i32
    %add3A = arith.addi %mul3A_0, %arg0 : i32
    %mul3A_1 = arith.constant 632 : i32
    %mul3A_2 = arith.muli %arg1, %mul3A_1 : i32
    %mul3A_3 = arith.constant 632 : i32
    %mul3A_4 = arith.muli %arg1, %mul3A_3 : i32
    "tpu.region"() ({
      %run_scoped3A_784 = tpu.sem_alloc : memref<!tpu.dma_semaphore, #tpu.memory_space<semaphore_mem>>
      %dma_start3A_785 = arith.constant 0 : i32
      %dma_start3A_786 = tpu.memref_slice %arg10[%mul3A_4, %dma_start3A_785] : memref<10112x128xbf16, #tpu.memory_space<vmem_shared>> -> memref<632x128xbf16, #tpu.memory_space<vmem_shared>>
      %dma_start3A_787 = arith.constant 0 : i32
      %dma_start3A_788 = tpu.memref_slice %arg5[%mul3A_2, %dma_start3A_787] : memref<10112x128xbf16, #tpu.memory_space<hbm>> -> memref<632x128xbf16, #tpu.memory_space<hbm>>
      tpu.enqueue_dma source(%dma_start3A_788 : memref<632x128xbf16, #tpu.memory_space<hbm>>) target(%dma_start3A_786 : memref<632x128xbf16, #tpu.memory_space<vmem_shared>>) target_semaphore(%run_scoped3A_784 : memref<!tpu.dma_semaphore, #tpu.memory_space<semaphore_mem>>)
      %dma_wait3A_789 = arith.constant 0 : i32
      %dma_wait3A_790 = tpu.memref_slice %arg10[%mul3A_4, %dma_wait3A_789] : memref<10112x128xbf16, #tpu.memory_space<vmem_shared>> -> memref<632x128xbf16, #tpu.memory_space<vmem_shared>>
      %dma_wait3A_791 = arith.constant 0 : i32
      %dma_wait3A_792 = tpu.memref_slice %arg5[%mul3A_2, %dma_wait3A_791] : memref<10112x128xbf16, #tpu.memory_space<hbm>> -> memref<632x128xbf16, #tpu.memory_space<hbm>>
      tpu.wait_dma2 semaphore(%run_scoped3A_784 : memref<!tpu.dma_semaphore, #tpu.memory_space<semaphore_mem>>) src(%dma_wait3A_792 : memref<632x128xbf16, #tpu.memory_space<hbm>>) dst(%dma_wait3A_790 : memref<632x128xbf16, #tpu.memory_space<vmem_shared>>)
      tpu.yield
    }) : () -> ()
    %run_scoped3A = arith.constant 0 : i32
    "tpu.region"() ({
      %run_scoped3A_784 = tpu.sem_alloc : memref<!tpu.dma_semaphore, #tpu.memory_space<semaphore_mem>>
      %dma_start3A_785 = arith.constant 0 : i32
      %dma_start3A_786 = arith.constant 0 : i32
      %dma_start3A_787 = tpu.memref_slice %arg7[%run_scoped3A, %dma_start3A_785, %dma_start3A_786] : memref<3x16x80xi32, #tpu.memory_space<vmem>> -> memref<1x16x80xi32, #tpu.memory_space<vmem>>
      %dma_start3A_788 = tpu.memref_squeeze %dma_start3A_787 : memref<1x16x80xi32, #tpu.memory_space<vmem>> -> memref<16x80xi32, #tpu.memory_space<vmem>>
      %dma_start3A_789 = arith.constant 0 : i32
      %dma_start3A_790 = arith.constant 0 : i32
      %dma_start3A_791 = tpu.memref_slice %arg3[%add3A, %dma_start3A_789, %dma_start3A_790] : memref<32x128x80xi32, #tpu.memory_space<hbm>> -> memref<1x16x80xi32, #tpu.memory_space<hbm>>
      %dma_start3A_792 = tpu.memref_squeeze %dma_start3A_791 : memref<1x16x80xi32, #tpu.memory_space<hbm>> -> memref<16x80xi32, #tpu.memory_space<hbm>>
      %dma_start3A_793 = arith.constant 0 : i32
      %dma_start3A_794 = arith.constant 0 : i32
      %dma_start3A_795 = tpu.memref_slice %arg7[%run_scoped3A, %dma_start3A_793, %dma_start3A_794] : memref<3x16x80xi32, #tpu.memory_space<vmem>> -> memref<1x16x80xi32, #tpu.memory_space<vmem>>
      %dma_start3A_796 = tpu.memref_squeeze %dma_start3A_795 : memref<1x16x80xi32, #tpu.memory_space<vmem>> -> memref<16x80xi32, #tpu.memory_space<vmem>>
      %dma_start3A_797 = arith.constant 0 : i32
      %dma_start3A_798 = arith.constant 0 : i32
      %dma_start3A_799 = tpu.memref_slice %arg3[%add3A, %dma_start3A_797, %dma_start3A_798] : memref<32x128x80xi32, #tpu.memory_space<hbm>> -> memref<1x16x80xi32, #tpu.memory_space<hbm>>
      %dma_start3A_800 = tpu.memref_squeeze %dma_start3A_799 : memref<1x16x80xi32, #tpu.memory_space<hbm>> -> memref<16x80xi32, #tpu.memory_space<hbm>>
      tpu.enqueue_dma source(%dma_start3A_800 : memref<16x80xi32, #tpu.memory_space<hbm>>) target(%dma_start3A_796 : memref<16x80xi32, #tpu.memory_space<vmem>>) target_semaphore(%run_scoped3A_784 : memref<!tpu.dma_semaphore, #tpu.memory_space<semaphore_mem>>)
      %dma_wait3A_801 = arith.constant 0 : i32
      %dma_wait3A_802 = arith.constant 0 : i32
      %dma_wait3A_803 = tpu.memref_slice %arg7[%run_scoped3A, %dma_wait3A_801, %dma_wait3A_802] : memref<3x16x80xi32, #tpu.memory_space<vmem>> -> memref<1x16x80xi32, #tpu.memory_space<vmem>>
      %dma_wait3A_804 = tpu.memref_squeeze %dma_wait3A_803 : memref<1x16x80xi32, #tpu.memory_space<vmem>> -> memref<16x80xi32, #tpu.memory_space<vmem>>
      %dma_wait3A_805 = arith.constant 0 : i32
      %dma_wait3A_806 = arith.constant 0 : i32
      %dma_wait3A_807 = tpu.memref_slice %arg3[%add3A, %dma_wait3A_805, %dma_wait3A_806] : memref<32x128x80xi32, #tpu.memory_space<hbm>> -> memref<1x16x80xi32, #tpu.memory_space<hbm>>
      %dma_wait3A_808 = tpu.memref_squeeze %dma_wait3A_807 : memref<1x16x80xi32, #tpu.memory_space<hbm>> -> memref<16x80xi32, #tpu.memory_space<hbm>>
      %dma_wait3A_809 = arith.constant 0 : i32
      %dma_wait3A_810 = arith.constant 0 : i32
      %dma_wait3A_811 = tpu.memref_slice %arg7[%run_scoped3A, %dma_wait3A_809, %dma_wait3A_810] : memref<3x16x80xi32, #tpu.memory_space<vmem>> -> memref<1x16x80xi32, #tpu.memory_space<vmem>>
      %dma_wait3A_812 = tpu.memref_squeeze %dma_wait3A_811 : memref<1x16x80xi32, #tpu.memory_space<vmem>> -> memref<16x80xi32, #tpu.memory_space<vmem>>
      %dma_wait3A_813 = arith.constant 0 : i32
      %dma_wait3A_814 = arith.constant 0 : i32
      %dma_wait3A_815 = tpu.memref_slice %arg3[%add3A, %dma_wait3A_813, %dma_wait3A_814] : memref<32x128x80xi32, #tpu.memory_space<hbm>> -> memref<1x16x80xi32, #tpu.memory_space<hbm>>
      %dma_wait3A_816 = tpu.memref_squeeze %dma_wait3A_815 : memref<1x16x80xi32, #tpu.memory_space<hbm>> -> memref<16x80xi32, #tpu.memory_space<hbm>>
      tpu.wait_dma2 semaphore(%run_scoped3A_784 : memref<!tpu.dma_semaphore, #tpu.memory_space<semaphore_mem>>) src(%dma_wait3A_816 : memref<16x80xi32, #tpu.memory_space<hbm>>) dst(%dma_wait3A_812 : memref<16x80xi32, #tpu.memory_space<vmem>>)
      tpu.yield
    }) : () -> ()
    %run_scoped3A_5 = arith.constant 0 : i32
    "tpu.region"() ({
      %run_scoped3A_784 = tpu.sem_alloc : memref<!tpu.dma_semaphore, #tpu.memory_space<semaphore_mem>>
      %dma_start3A_785 = arith.constant 0 : i32
      %dma_start3A_786 = arith.constant 0 : i32
      %dma_start3A_787 = tpu.memref_slice %arg8[%run_scoped3A_5, %dma_start3A_785, %dma_start3A_786] : memref<3x16x80xi32, #tpu.memory_space<vmem>> -> memref<1x16x80xi32, #tpu.memory_space<vmem>>
      %dma_start3A_788 = tpu.memref_squeeze %dma_start3A_787 : memref<1x16x80xi32, #tpu.memory_space<vmem>> -> memref<16x80xi32, #tpu.memory_space<vmem>>
      %dma_start3A_789 = arith.constant 0 : i32
      %dma_start3A_790 = arith.constant 0 : i32
      %dma_start3A_791 = tpu.memref_slice %arg4[%add3A, %dma_start3A_789, %dma_start3A_790] : memref<32x128x80xi32, #tpu.memory_space<hbm>> -> memref<1x16x80xi32, #tpu.memory_space<hbm>>
      %dma_start3A_792 = tpu.memref_squeeze %dma_start3A_791 : memref<1x16x80xi32, #tpu.memory_space<hbm>> -> memref<16x80xi32, #tpu.memory_space<hbm>>
      %dma_start3A_793 = arith.constant 0 : i32
      %dma_start3A_794 = arith.constant 0 : i32
      %dma_start3A_795 = tpu.memref_slice %arg8[%run_scoped3A_5, %dma_start3A_793, %dma_start3A_794] : memref<3x16x80xi32, #tpu.memory_space<vmem>> -> memref<1x16x80xi32, #tpu.memory_space<vmem>>
      %dma_start3A_796 = tpu.memref_squeeze %dma_start3A_795 : memref<1x16x80xi32, #tpu.memory_space<vmem>> -> memref<16x80xi32, #tpu.memory_space<vmem>>
      %dma_start3A_797 = arith.constant 0 : i32
      %dma_start3A_798 = arith.constant 0 : i32
      %dma_start3A_799 = tpu.memref_slice %arg4[%add3A, %dma_start3A_797, %dma_start3A_798] : memref<32x128x80xi32, #tpu.memory_space<hbm>> -> memref<1x16x80xi32, #tpu.memory_space<hbm>>
      %dma_start3A_800 = tpu.memref_squeeze %dma_start3A_799 : memref<1x16x80xi32, #tpu.memory_space<hbm>> -> memref<16x80xi32, #tpu.memory_space<hbm>>
      tpu.enqueue_dma source(%dma_start3A_800 : memref<16x80xi32, #tpu.memory_space<hbm>>) target(%dma_start3A_796 : memref<16x80xi32, #tpu.memory_space<vmem>>) target_semaphore(%run_scoped3A_784 : memref<!tpu.dma_semaphore, #tpu.memory_space<semaphore_mem>>)
      %dma_wait3A_801 = arith.constant 0 : i32
      %dma_wait3A_802 = arith.constant 0 : i32
      %dma_wait3A_803 = tpu.memref_slice %arg8[%run_scoped3A_5, %dma_wait3A_801, %dma_wait3A_802] : memref<3x16x80xi32, #tpu.memory_space<vmem>> -> memref<1x16x80xi32, #tpu.memory_space<vmem>>
      %dma_wait3A_804 = tpu.memref_squeeze %dma_wait3A_803 : memref<1x16x80xi32, #tpu.memory_space<vmem>> -> memref<16x80xi32, #tpu.memory_space<vmem>>
      %dma_wait3A_805 = arith.constant 0 : i32
      %dma_wait3A_806 = arith.constant 0 : i32
      %dma_wait3A_807 = tpu.memref_slice %arg4[%add3A, %dma_wait3A_805, %dma_wait3A_806] : memref<32x128x80xi32, #tpu.memory_space<hbm>> -> memref<1x16x80xi32, #tpu.memory_space<hbm>>
      %dma_wait3A_808 = tpu.memref_squeeze %dma_wait3A_807 : memref<1x16x80xi32, #tpu.memory_space<hbm>> -> memref<16x80xi32, #tpu.memory_space<hbm>>
      %dma_wait3A_809 = arith.constant 0 : i32
      %dma_wait3A_810 = arith.constant 0 : i32
      %dma_wait3A_811 = tpu.memref_slice %arg8[%run_scoped3A_5, %dma_wait3A_809, %dma_wait3A_810] : memref<3x16x80xi32, #tpu.memory_space<vmem>> -> memref<1x16x80xi32, #tpu.memory_space<vmem>>
      %dma_wait3A_812 = tpu.memref_squeeze %dma_wait3A_811 : memref<1x16x80xi32, #tpu.memory_space<vmem>> -> memref<16x80xi32, #tpu.memory_space<vmem>>
      %dma_wait3A_813 = arith.constant 0 : i32
      %dma_wait3A_814 = arith.constant 0 : i32
      %dma_wait3A_815 = tpu.memref_slice %arg4[%add3A, %dma_wait3A_813, %dma_wait3A_814] : memref<32x128x80xi32, #tpu.memory_space<hbm>> -> memref<1x16x80xi32, #tpu.memory_space<hbm>>
      %dma_wait3A_816 = tpu.memref_squeeze %dma_wait3A_815 : memref<1x16x80xi32, #tpu.memory_space<hbm>> -> memref<16x80xi32, #tpu.memory_space<hbm>>
      tpu.wait_dma2 semaphore(%run_scoped3A_784 : memref<!tpu.dma_semaphore, #tpu.memory_space<semaphore_mem>>) src(%dma_wait3A_816 : memref<16x80xi32, #tpu.memory_space<hbm>>) dst(%dma_wait3A_812 : memref<16x80xi32, #tpu.memory_space<vmem>>)
      tpu.yield
    }) : () -> ()
    %run_scoped3A_6 = arith.constant 1 : i32
    "tpu.region"() ({
      %run_scoped3A_784 = tpu.sem_alloc : memref<!tpu.dma_semaphore, #tpu.memory_space<semaphore_mem>>
      %dma_start3A_785 = arith.constant 0 : i32
      %dma_start3A_786 = arith.constant 0 : i32
      %dma_start3A_787 = tpu.memref_slice %arg7[%run_scoped3A_6, %dma_start3A_785, %dma_start3A_786] : memref<3x16x80xi32, #tpu.memory_space<vmem>> -> memref<1x16x80xi32, #tpu.memory_space<vmem>>
      %dma_start3A_788 = tpu.memref_squeeze %dma_start3A_787 : memref<1x16x80xi32, #tpu.memory_space<vmem>> -> memref<16x80xi32, #tpu.memory_space<vmem>>
      %dma_start3A_789 = arith.constant 16 : i32
      %dma_start3A_790 = arith.constant 0 : i32
      %dma_start3A_791 = tpu.memref_slice %arg3[%add3A, %dma_start3A_789, %dma_start3A_790] : memref<32x128x80xi32, #tpu.memory_space<hbm>> -> memref<1x16x80xi32, #tpu.memory_space<hbm>>
      %dma_start3A_792 = tpu.memref_squeeze %dma_start3A_791 : memref<1x16x80xi32, #tpu.memory_space<hbm>> -> memref<16x80xi32, #tpu.memory_space<hbm>>
      %dma_start3A_793 = arith.constant 0 : i32
      %dma_start3A_794 = arith.constant 0 : i32
      %dma_start3A_795 = tpu.memref_slice %arg7[%run_scoped3A_6, %dma_start3A_793, %dma_start3A_794] : memref<3x16x80xi32, #tpu.memory_space<vmem>> -> memref<1x16x80xi32, #tpu.memory_space<vmem>>
      %dma_start3A_796 = tpu.memref_squeeze %dma_start3A_795 : memref<1x16x80xi32, #tpu.memory_space<vmem>> -> memref<16x80xi32, #tpu.memory_space<vmem>>
      %dma_start3A_797 = arith.constant 16 : i32
      %dma_start3A_798 = arith.constant 0 : i32
      %dma_start3A_799 = tpu.memref_slice %arg3[%add3A, %dma_start3A_797, %dma_start3A_798] : memref<32x128x80xi32, #tpu.memory_space<hbm>> -> memref<1x16x80xi32, #tpu.memory_space<hbm>>
      %dma_start3A_800 = tpu.memref_squeeze %dma_start3A_799 : memref<1x16x80xi32, #tpu.memory_space<hbm>> -> memref<16x80xi32, #tpu.memory_space<hbm>>
      tpu.enqueue_dma source(%dma_start3A_800 : memref<16x80xi32, #tpu.memory_space<hbm>>) target(%dma_start3A_796 : memref<16x80xi32, #tpu.memory_space<vmem>>) target_semaphore(%run_scoped3A_784 : memref<!tpu.dma_semaphore, #tpu.memory_space<semaphore_mem>>)
      %dma_wait3A_801 = arith.constant 0 : i32
      %dma_wait3A_802 = arith.constant 0 : i32
      %dma_wait3A_803 = tpu.memref_slice %arg7[%run_scoped3A_6, %dma_wait3A_801, %dma_wait3A_802] : memref<3x16x80xi32, #tpu.memory_space<vmem>> -> memref<1x16x80xi32, #tpu.memory_space<vmem>>
      %dma_wait3A_804 = tpu.memref_squeeze %dma_wait3A_803 : memref<1x16x80xi32, #tpu.memory_space<vmem>> -> memref<16x80xi32, #tpu.memory_space<vmem>>
      %dma_wait3A_805 = arith.constant 16 : i32
      %dma_wait3A_806 = arith.constant 0 : i32
      %dma_wait3A_807 = tpu.memref_slice %arg3[%add3A, %dma_wait3A_805, %dma_wait3A_806] : memref<32x128x80xi32, #tpu.memory_space<hbm>> -> memref<1x16x80xi32, #tpu.memory_space<hbm>>
      %dma_wait3A_808 = tpu.memref_squeeze %dma_wait3A_807 : memref<1x16x80xi32, #tpu.memory_space<hbm>> -> memref<16x80xi32, #tpu.memory_space<hbm>>
      %dma_wait3A_809 = arith.constant 0 : i32
      %dma_wait3A_810 = arith.constant 0 : i32
      %dma_wait3A_811 = tpu.memref_slice %arg7[%run_scoped3A_6, %dma_wait3A_809, %dma_wait3A_810] : memref<3x16x80xi32, #tpu.memory_space<vmem>> -> memref<1x16x80xi32, #tpu.memory_space<vmem>>
      %dma_wait3A_812 = tpu.memref_squeeze %dma_wait3A_811 : memref<1x16x80xi32, #tpu.memory_space<vmem>> -> memref<16x80xi32, #tpu.memory_space<vmem>>
      %dma_wait3A_813 = arith.constant 16 : i32
      %dma_wait3A_814 = arith.constant 0 : i32
      %dma_wait3A_815 = tpu.memref_slice %arg3[%add3A, %dma_wait3A_813, %dma_wait3A_814] : memref<32x128x80xi32, #tpu.memory_space<hbm>> -> memref<1x16x80xi32, #tpu.memory_space<hbm>>
      %dma_wait3A_816 = tpu.memref_squeeze %dma_wait3A_815 : memref<1x16x80xi32, #tpu.memory_space<hbm>> -> memref<16x80xi32, #tpu.memory_space<hbm>>
      tpu.wait_dma2 semaphore(%run_scoped3A_784 : memref<!tpu.dma_semaphore, #tpu.memory_space<semaphore_mem>>) src(%dma_wait3A_816 : memref<16x80xi32, #tpu.memory_space<hbm>>) dst(%dma_wait3A_812 : memref<16x80xi32, #tpu.memory_space<vmem>>)
      tpu.yield
    }) : () -> ()
    %run_scoped3A_7 = arith.constant 1 : i32
    "tpu.region"() ({
      %run_scoped3A_784 = tpu.sem_alloc : memref<!tpu.dma_semaphore, #tpu.memory_space<semaphore_mem>>
      %dma_start3A_785 = arith.constant 0 : i32
      %dma_start3A_786 = arith.constant 0 : i32
      %dma_start3A_787 = tpu.memref_slice %arg8[%run_scoped3A_7, %dma_start3A_785, %dma_start3A_786] : memref<3x16x80xi32, #tpu.memory_space<vmem>> -> memref<1x16x80xi32, #tpu.memory_space<vmem>>
      %dma_start3A_788 = tpu.memref_squeeze %dma_start3A_787 : memref<1x16x80xi32, #tpu.memory_space<vmem>> -> memref<16x80xi32, #tpu.memory_space<vmem>>
      %dma_start3A_789 = arith.constant 16 : i32
      %dma_start3A_790 = arith.constant 0 : i32
      %dma_start3A_791 = tpu.memref_slice %arg4[%add3A, %dma_start3A_789, %dma_start3A_790] : memref<32x128x80xi32, #tpu.memory_space<hbm>> -> memref<1x16x80xi32, #tpu.memory_space<hbm>>
      %dma_start3A_792 = tpu.memref_squeeze %dma_start3A_791 : memref<1x16x80xi32, #tpu.memory_space<hbm>> -> memref<16x80xi32, #tpu.memory_space<hbm>>
      %dma_start3A_793 = arith.constant 0 : i32
      %dma_start3A_794 = arith.constant 0 : i32
      %dma_start3A_795 = tpu.memref_slice %arg8[%run_scoped3A_7, %dma_start3A_793, %dma_start3A_794] : memref<3x16x80xi32, #tpu.memory_space<vmem>> -> memref<1x16x80xi32, #tpu.memory_space<vmem>>
      %dma_start3A_796 = tpu.memref_squeeze %dma_start3A_795 : memref<1x16x80xi32, #tpu.memory_space<vmem>> -> memref<16x80xi32, #tpu.memory_space<vmem>>
      %dma_start3A_797 = arith.constant 16 : i32
      %dma_start3A_798 = arith.constant 0 : i32
      %dma_start3A_799 = tpu.memref_slice %arg4[%add3A, %dma_start3A_797, %dma_start3A_798] : memref<32x128x80xi32, #tpu.memory_space<hbm>> -> memref<1x16x80xi32, #tpu.memory_space<hbm>>
      %dma_start3A_800 = tpu.memref_squeeze %dma_start3A_799 : memref<1x16x80xi32, #tpu.memory_space<hbm>> -> memref<16x80xi32, #tpu.memory_space<hbm>>
      tpu.enqueue_dma source(%dma_start3A_800 : memref<16x80xi32, #tpu.memory_space<hbm>>) target(%dma_start3A_796 : memref<16x80xi32, #tpu.memory_space<vmem>>) target_semaphore(%run_scoped3A_784 : memref<!tpu.dma_semaphore, #tpu.memory_space<semaphore_mem>>)
      %dma_wait3A_801 = arith.constant 0 : i32
      %dma_wait3A_802 = arith.constant 0 : i32
      %dma_wait3A_803 = tpu.memref_slice %arg8[%run_scoped3A_7, %dma_wait3A_801, %dma_wait3A_802] : memref<3x16x80xi32, #tpu.memory_space<vmem>> -> memref<1x16x80xi32, #tpu.memory_space<vmem>>
      %dma_wait3A_804 = tpu.memref_squeeze %dma_wait3A_803 : memref<1x16x80xi32, #tpu.memory_space<vmem>> -> memref<16x80xi32, #tpu.memory_space<vmem>>
      %dma_wait3A_805 = arith.constant 16 : i32
      %dma_wait3A_806 = arith.constant 0 : i32
      %dma_wait3A_807 = tpu.memref_slice %arg4[%add3A, %dma_wait3A_805, %dma_wait3A_806] : memref<32x128x80xi32, #tpu.memory_space<hbm>> -> memref<1x16x80xi32, #tpu.memory_space<hbm>>
      %dma_wait3A_808 = tpu.memref_squeeze %dma_wait3A_807 : memref<1x16x80xi32, #tpu.memory_space<hbm>> -> memref<16x80xi32, #tpu.memory_space<hbm>>
      %dma_wait3A_809 = arith.constant 0 : i32
      %dma_wait3A_810 = arith.constant 0 : i32
      %dma_wait3A_811 = tpu.memref_slice %arg8[%run_scoped3A_7, %dma_wait3A_809, %dma_wait3A_810] : memref<3x16x80xi32, #tpu.memory_space<vmem>> -> memref<1x16x80xi32, #tpu.memory_space<vmem>>
      %dma_wait3A_812 = tpu.memref_squeeze %dma_wait3A_811 : memref<1x16x80xi32, #tpu.memory_space<vmem>> -> memref<16x80xi32, #tpu.memory_space<vmem>>
      %dma_wait3A_813 = arith.constant 16 : i32
      %dma_wait3A_814 = arith.constant 0 : i32
      %dma_wait3A_815 = tpu.memref_slice %arg4[%add3A, %dma_wait3A_813, %dma_wait3A_814] : memref<32x128x80xi32, #tpu.memory_space<hbm>> -> memref<1x16x80xi32, #tpu.memory_space<hbm>>
      %dma_wait3A_816 = tpu.memref_squeeze %dma_wait3A_815 : memref<1x16x80xi32, #tpu.memory_space<hbm>> -> memref<16x80xi32, #tpu.memory_space<hbm>>
      tpu.wait_dma2 semaphore(%run_scoped3A_784 : memref<!tpu.dma_semaphore, #tpu.memory_space<semaphore_mem>>) src(%dma_wait3A_816 : memref<16x80xi32, #tpu.memory_space<hbm>>) dst(%dma_wait3A_812 : memref<16x80xi32, #tpu.memory_space<vmem>>)
      tpu.yield
    }) : () -> ()
    %barrier3A = arith.constant 0 : index
    tpu.barrier barrier_id(%barrier3A)
    %div3A = arith.constant 0 : i32
    %div3A_8 = arith.constant 16 : i32
    %div3A_9 = arith.divsi %div3A, %div3A_8 : i32
    %rem3A = arith.constant 3 : i32
    %rem3A_10 = arith.remsi %div3A_9, %rem3A : i32
    %rem3A_11 = arith.constant 0 : i32
    %rem3A_12 = arith.constant 16 : i32
    %rem3A_13 = arith.remsi %rem3A_11, %rem3A_12 : i32
    %dma_start3A = arith.constant 0 : i32
    %dma_start3A_14 = arith.constant 0 : i32
    %dma_start3A_15 = arith.constant 0 : i32
    %dma_start3A_16 = tpu.memref_slice %arg9[%dma_start3A, %dma_start3A_14, %dma_start3A_15] : memref<16x80x128xbf16, #tpu.memory_space<vmem>> -> memref<1x80x128xbf16, #tpu.memory_space<vmem>>
    %dma_start3A_17 = tpu.memref_squeeze %dma_start3A_16 : memref<1x80x128xbf16, #tpu.memory_space<vmem>> -> memref<80x128xbf16, #tpu.memory_space<vmem>>
    %dma_start3A_18 = arith.constant 0 : i32
    %dma_start3A_19 = tpu.memref_slice %arg7[%rem3A_10, %rem3A_13, %dma_start3A_18] : memref<3x16x80xi32, #tpu.memory_space<vmem>> -> memref<1x1x80xi32, #tpu.memory_space<vmem>>
    %dma_start3A_20 = tpu.memref_squeeze %dma_start3A_19 : memref<1x1x80xi32, #tpu.memory_space<vmem>> -> memref<80xi32, #tpu.memory_space<vmem>>
    %dma_start3A_21 = arith.constant 0 : i32
    %dma_start3A_22 = arith.constant 0 : i32
    %dma_start3A_23 = tpu.memref_slice %arg2[%dma_start3A_21, %dma_start3A_22] : memref<10112x128xbf16, #tpu.memory_space<hbm>> -> memref<10112x128xbf16, #tpu.memory_space<hbm>>
    tpu.enqueue_indirect_dma source(%dma_start3A_23 : memref<10112x128xbf16, #tpu.memory_space<hbm>>) target(%dma_start3A_17 : memref<80x128xbf16, #tpu.memory_space<vmem>>) offsets(%dma_start3A_20 : memref<80xi32, #tpu.memory_space<vmem>>) semaphore(%arg11 : memref<!tpu.dma_semaphore, #tpu.memory_space<semaphore_mem>>)
    %div3A_24 = arith.constant 1 : i32
    %div3A_25 = arith.constant 16 : i32
    %div3A_26 = arith.divsi %div3A_24, %div3A_25 : i32
    %rem3A_27 = arith.constant 3 : i32
    %rem3A_28 = arith.remsi %div3A_26, %rem3A_27 : i32
    %rem3A_29 = arith.constant 1 : i32
    %rem3A_30 = arith.constant 16 : i32
    %rem3A_31 = arith.remsi %rem3A_29, %rem3A_30 : i32
    %dma_start3A_32 = arith.constant 1 : i32
    %dma_start3A_33 = arith.constant 0 : i32
    %dma_start3A_34 = arith.constant 0 : i32
    %dma_start3A_35 = tpu.memref_slice %arg9[%dma_start3A_32, %dma_start3A_33, %dma_start3A_34] : memref<16x80x128xbf16, #tpu.memory_space<vmem>> -> memref<1x80x128xbf16, #tpu.memory_space<vmem>>
    %dma_start3A_36 = tpu.memref_squeeze %dma_start3A_35 : memref<1x80x128xbf16, #tpu.memory_space<vmem>> -> memref<80x128xbf16, #tpu.memory_space<vmem>>
    %dma_start3A_37 = arith.constant 0 : i32
    %dma_start3A_38 = tpu.memref_slice %arg7[%rem3A_28, %rem3A_31, %dma_start3A_37] : memref<3x16x80xi32, #tpu.memory_space<vmem>> -> memref<1x1x80xi32, #tpu.memory_space<vmem>>
    %dma_start3A_39 = tpu.memref_squeeze %dma_start3A_38 : memref<1x1x80xi32, #tpu.memory_space<vmem>> -> memref<80xi32, #tpu.memory_space<vmem>>
    %dma_start3A_40 = arith.constant 0 : i32
    %dma_start3A_41 = arith.constant 0 : i32
    %dma_start3A_42 = tpu.memref_slice %arg2[%dma_start3A_40, %dma_start3A_41] : memref<10112x128xbf16, #tpu.memory_space<hbm>> -> memref<10112x128xbf16, #tpu.memory_space<hbm>>
    tpu.enqueue_indirect_dma source(%dma_start3A_42 : memref<10112x128xbf16, #tpu.memory_space<hbm>>) target(%dma_start3A_36 : memref<80x128xbf16, #tpu.memory_space<vmem>>) offsets(%dma_start3A_39 : memref<80xi32, #tpu.memory_space<vmem>>) semaphore(%arg11 : memref<!tpu.dma_semaphore, #tpu.memory_space<semaphore_mem>>)
    %div3A_43 = arith.constant 2 : i32
    %div3A_44 = arith.constant 16 : i32
    %div3A_45 = arith.divsi %div3A_43, %div3A_44 : i32
    %rem3A_46 = arith.constant 3 : i32
    %rem3A_47 = arith.remsi %div3A_45, %rem3A_46 : i32
    %rem3A_48 = arith.constant 2 : i32
    %rem3A_49 = arith.constant 16 : i32
    %rem3A_50 = arith.remsi %rem3A_48, %rem3A_49 : i32
    %dma_start3A_51 = arith.constant 2 : i32
    %dma_start3A_52 = arith.constant 0 : i32
    %dma_start3A_53 = arith.constant 0 : i32
    %dma_start3A_54 = tpu.memref_slice %arg9[%dma_start3A_51, %dma_start3A_52, %dma_start3A_53] : memref<16x80x128xbf16, #tpu.memory_space<vmem>> -> memref<1x80x128xbf16, #tpu.memory_space<vmem>>
    %dma_start3A_55 = tpu.memref_squeeze %dma_start3A_54 : memref<1x80x128xbf16, #tpu.memory_space<vmem>> -> memref<80x128xbf16, #tpu.memory_space<vmem>>
    %dma_start3A_56 = arith.constant 0 : i32
    %dma_start3A_57 = tpu.memref_slice %arg7[%rem3A_47, %rem3A_50, %dma_start3A_56] : memref<3x16x80xi32, #tpu.memory_space<vmem>> -> memref<1x1x80xi32, #tpu.memory_space<vmem>>
    %dma_start3A_58 = tpu.memref_squeeze %dma_start3A_57 : memref<1x1x80xi32, #tpu.memory_space<vmem>> -> memref<80xi32, #tpu.memory_space<vmem>>
    %dma_start3A_59 = arith.constant 0 : i32
    %dma_start3A_60 = arith.constant 0 : i32
    %dma_start3A_61 = tpu.memref_slice %arg2[%dma_start3A_59, %dma_start3A_60] : memref<10112x128xbf16, #tpu.memory_space<hbm>> -> memref<10112x128xbf16, #tpu.memory_space<hbm>>
    tpu.enqueue_indirect_dma source(%dma_start3A_61 : memref<10112x128xbf16, #tpu.memory_space<hbm>>) target(%dma_start3A_55 : memref<80x128xbf16, #tpu.memory_space<vmem>>) offsets(%dma_start3A_58 : memref<80xi32, #tpu.memory_space<vmem>>) semaphore(%arg11 : memref<!tpu.dma_semaphore, #tpu.memory_space<semaphore_mem>>)
    %div3A_62 = arith.constant 3 : i32
    %div3A_63 = arith.constant 16 : i32
    %div3A_64 = arith.divsi %div3A_62, %div3A_63 : i32
    %rem3A_65 = arith.constant 3 : i32
    %rem3A_66 = arith.remsi %div3A_64, %rem3A_65 : i32
    %rem3A_67 = arith.constant 3 : i32
    %rem3A_68 = arith.constant 16 : i32
    %rem3A_69 = arith.remsi %rem3A_67, %rem3A_68 : i32
    %dma_start3A_70 = arith.constant 3 : i32
    %dma_start3A_71 = arith.constant 0 : i32
    %dma_start3A_72 = arith.constant 0 : i32
    %dma_start3A_73 = tpu.memref_slice %arg9[%dma_start3A_70, %dma_start3A_71, %dma_start3A_72] : memref<16x80x128xbf16, #tpu.memory_space<vmem>> -> memref<1x80x128xbf16, #tpu.memory_space<vmem>>
    %dma_start3A_74 = tpu.memref_squeeze %dma_start3A_73 : memref<1x80x128xbf16, #tpu.memory_space<vmem>> -> memref<80x128xbf16, #tpu.memory_space<vmem>>
    %dma_start3A_75 = arith.constant 0 : i32
    %dma_start3A_76 = tpu.memref_slice %arg7[%rem3A_66, %rem3A_69, %dma_start3A_75] : memref<3x16x80xi32, #tpu.memory_space<vmem>> -> memref<1x1x80xi32, #tpu.memory_space<vmem>>
    %dma_start3A_77 = tpu.memref_squeeze %dma_start3A_76 : memref<1x1x80xi32, #tpu.memory_space<vmem>> -> memref<80xi32, #tpu.memory_space<vmem>>
    %dma_start3A_78 = arith.constant 0 : i32
    %dma_start3A_79 = arith.constant 0 : i32
    %dma_start3A_80 = tpu.memref_slice %arg2[%dma_start3A_78, %dma_start3A_79] : memref<10112x128xbf16, #tpu.memory_space<hbm>> -> memref<10112x128xbf16, #tpu.memory_space<hbm>>
    tpu.enqueue_indirect_dma source(%dma_start3A_80 : memref<10112x128xbf16, #tpu.memory_space<hbm>>) target(%dma_start3A_74 : memref<80x128xbf16, #tpu.memory_space<vmem>>) offsets(%dma_start3A_77 : memref<80xi32, #tpu.memory_space<vmem>>) semaphore(%arg11 : memref<!tpu.dma_semaphore, #tpu.memory_space<semaphore_mem>>)
    %div3A_81 = arith.constant 4 : i32
    %div3A_82 = arith.constant 16 : i32
    %div3A_83 = arith.divsi %div3A_81, %div3A_82 : i32
    %rem3A_84 = arith.constant 3 : i32
    %rem3A_85 = arith.remsi %div3A_83, %rem3A_84 : i32
    %rem3A_86 = arith.constant 4 : i32
    %rem3A_87 = arith.constant 16 : i32
    %rem3A_88 = arith.remsi %rem3A_86, %rem3A_87 : i32
    %dma_start3A_89 = arith.constant 4 : i32
    %dma_start3A_90 = arith.constant 0 : i32
    %dma_start3A_91 = arith.constant 0 : i32
    %dma_start3A_92 = tpu.memref_slice %arg9[%dma_start3A_89, %dma_start3A_90, %dma_start3A_91] : memref<16x80x128xbf16, #tpu.memory_space<vmem>> -> memref<1x80x128xbf16, #tpu.memory_space<vmem>>
    %dma_start3A_93 = tpu.memref_squeeze %dma_start3A_92 : memref<1x80x128xbf16, #tpu.memory_space<vmem>> -> memref<80x128xbf16, #tpu.memory_space<vmem>>
    %dma_start3A_94 = arith.constant 0 : i32
    %dma_start3A_95 = tpu.memref_slice %arg7[%rem3A_85, %rem3A_88, %dma_start3A_94] : memref<3x16x80xi32, #tpu.memory_space<vmem>> -> memref<1x1x80xi32, #tpu.memory_space<vmem>>
    %dma_start3A_96 = tpu.memref_squeeze %dma_start3A_95 : memref<1x1x80xi32, #tpu.memory_space<vmem>> -> memref<80xi32, #tpu.memory_space<vmem>>
    %dma_start3A_97 = arith.constant 0 : i32
    %dma_start3A_98 = arith.constant 0 : i32
    %dma_start3A_99 = tpu.memref_slice %arg2[%dma_start3A_97, %dma_start3A_98] : memref<10112x128xbf16, #tpu.memory_space<hbm>> -> memref<10112x128xbf16, #tpu.memory_space<hbm>>
    tpu.enqueue_indirect_dma source(%dma_start3A_99 : memref<10112x128xbf16, #tpu.memory_space<hbm>>) target(%dma_start3A_93 : memref<80x128xbf16, #tpu.memory_space<vmem>>) offsets(%dma_start3A_96 : memref<80xi32, #tpu.memory_space<vmem>>) semaphore(%arg11 : memref<!tpu.dma_semaphore, #tpu.memory_space<semaphore_mem>>)
    %div3A_100 = arith.constant 5 : i32
    %div3A_101 = arith.constant 16 : i32
    %div3A_102 = arith.divsi %div3A_100, %div3A_101 : i32
    %rem3A_103 = arith.constant 3 : i32
    %rem3A_104 = arith.remsi %div3A_102, %rem3A_103 : i32
    %rem3A_105 = arith.constant 5 : i32
    %rem3A_106 = arith.constant 16 : i32
    %rem3A_107 = arith.remsi %rem3A_105, %rem3A_106 : i32
    %dma_start3A_108 = arith.constant 5 : i32
    %dma_start3A_109 = arith.constant 0 : i32
    %dma_start3A_110 = arith.constant 0 : i32
    %dma_start3A_111 = tpu.memref_slice %arg9[%dma_start3A_108, %dma_start3A_109, %dma_start3A_110] : memref<16x80x128xbf16, #tpu.memory_space<vmem>> -> memref<1x80x128xbf16, #tpu.memory_space<vmem>>
    %dma_start3A_112 = tpu.memref_squeeze %dma_start3A_111 : memref<1x80x128xbf16, #tpu.memory_space<vmem>> -> memref<80x128xbf16, #tpu.memory_space<vmem>>
    %dma_start3A_113 = arith.constant 0 : i32
    %dma_start3A_114 = tpu.memref_slice %arg7[%rem3A_104, %rem3A_107, %dma_start3A_113] : memref<3x16x80xi32, #tpu.memory_space<vmem>> -> memref<1x1x80xi32, #tpu.memory_space<vmem>>
    %dma_start3A_115 = tpu.memref_squeeze %dma_start3A_114 : memref<1x1x80xi32, #tpu.memory_space<vmem>> -> memref<80xi32, #tpu.memory_space<vmem>>
    %dma_start3A_116 = arith.constant 0 : i32
    %dma_start3A_117 = arith.constant 0 : i32
    %dma_start3A_118 = tpu.memref_slice %arg2[%dma_start3A_116, %dma_start3A_117] : memref<10112x128xbf16, #tpu.memory_space<hbm>> -> memref<10112x128xbf16, #tpu.memory_space<hbm>>
    tpu.enqueue_indirect_dma source(%dma_start3A_118 : memref<10112x128xbf16, #tpu.memory_space<hbm>>) target(%dma_start3A_112 : memref<80x128xbf16, #tpu.memory_space<vmem>>) offsets(%dma_start3A_115 : memref<80xi32, #tpu.memory_space<vmem>>) semaphore(%arg11 : memref<!tpu.dma_semaphore, #tpu.memory_space<semaphore_mem>>)
    %div3A_119 = arith.constant 6 : i32
    %div3A_120 = arith.constant 16 : i32
    %div3A_121 = arith.divsi %div3A_119, %div3A_120 : i32
    %rem3A_122 = arith.constant 3 : i32
    %rem3A_123 = arith.remsi %div3A_121, %rem3A_122 : i32
    %rem3A_124 = arith.constant 6 : i32
    %rem3A_125 = arith.constant 16 : i32
    %rem3A_126 = arith.remsi %rem3A_124, %rem3A_125 : i32
    %dma_start3A_127 = arith.constant 6 : i32
    %dma_start3A_128 = arith.constant 0 : i32
    %dma_start3A_129 = arith.constant 0 : i32
    %dma_start3A_130 = tpu.memref_slice %arg9[%dma_start3A_127, %dma_start3A_128, %dma_start3A_129] : memref<16x80x128xbf16, #tpu.memory_space<vmem>> -> memref<1x80x128xbf16, #tpu.memory_space<vmem>>
    %dma_start3A_131 = tpu.memref_squeeze %dma_start3A_130 : memref<1x80x128xbf16, #tpu.memory_space<vmem>> -> memref<80x128xbf16, #tpu.memory_space<vmem>>
    %dma_start3A_132 = arith.constant 0 : i32
    %dma_start3A_133 = tpu.memref_slice %arg7[%rem3A_123, %rem3A_126, %dma_start3A_132] : memref<3x16x80xi32, #tpu.memory_space<vmem>> -> memref<1x1x80xi32, #tpu.memory_space<vmem>>
    %dma_start3A_134 = tpu.memref_squeeze %dma_start3A_133 : memref<1x1x80xi32, #tpu.memory_space<vmem>> -> memref<80xi32, #tpu.memory_space<vmem>>
    %dma_start3A_135 = arith.constant 0 : i32
    %dma_start3A_136 = arith.constant 0 : i32
    %dma_start3A_137 = tpu.memref_slice %arg2[%dma_start3A_135, %dma_start3A_136] : memref<10112x128xbf16, #tpu.memory_space<hbm>> -> memref<10112x128xbf16, #tpu.memory_space<hbm>>
    tpu.enqueue_indirect_dma source(%dma_start3A_137 : memref<10112x128xbf16, #tpu.memory_space<hbm>>) target(%dma_start3A_131 : memref<80x128xbf16, #tpu.memory_space<vmem>>) offsets(%dma_start3A_134 : memref<80xi32, #tpu.memory_space<vmem>>) semaphore(%arg11 : memref<!tpu.dma_semaphore, #tpu.memory_space<semaphore_mem>>)
    %div3A_138 = arith.constant 7 : i32
    %div3A_139 = arith.constant 16 : i32
    %div3A_140 = arith.divsi %div3A_138, %div3A_139 : i32
    %rem3A_141 = arith.constant 3 : i32
    %rem3A_142 = arith.remsi %div3A_140, %rem3A_141 : i32
    %rem3A_143 = arith.constant 7 : i32
    %rem3A_144 = arith.constant 16 : i32
    %rem3A_145 = arith.remsi %rem3A_143, %rem3A_144 : i32
    %dma_start3A_146 = arith.constant 7 : i32
    %dma_start3A_147 = arith.constant 0 : i32
    %dma_start3A_148 = arith.constant 0 : i32
    %dma_start3A_149 = tpu.memref_slice %arg9[%dma_start3A_146, %dma_start3A_147, %dma_start3A_148] : memref<16x80x128xbf16, #tpu.memory_space<vmem>> -> memref<1x80x128xbf16, #tpu.memory_space<vmem>>
    %dma_start3A_150 = tpu.memref_squeeze %dma_start3A_149 : memref<1x80x128xbf16, #tpu.memory_space<vmem>> -> memref<80x128xbf16, #tpu.memory_space<vmem>>
    %dma_start3A_151 = arith.constant 0 : i32
    %dma_start3A_152 = tpu.memref_slice %arg7[%rem3A_142, %rem3A_145, %dma_start3A_151] : memref<3x16x80xi32, #tpu.memory_space<vmem>> -> memref<1x1x80xi32, #tpu.memory_space<vmem>>
    %dma_start3A_153 = tpu.memref_squeeze %dma_start3A_152 : memref<1x1x80xi32, #tpu.memory_space<vmem>> -> memref<80xi32, #tpu.memory_space<vmem>>
    %dma_start3A_154 = arith.constant 0 : i32
    %dma_start3A_155 = arith.constant 0 : i32
    %dma_start3A_156 = tpu.memref_slice %arg2[%dma_start3A_154, %dma_start3A_155] : memref<10112x128xbf16, #tpu.memory_space<hbm>> -> memref<10112x128xbf16, #tpu.memory_space<hbm>>
    tpu.enqueue_indirect_dma source(%dma_start3A_156 : memref<10112x128xbf16, #tpu.memory_space<hbm>>) target(%dma_start3A_150 : memref<80x128xbf16, #tpu.memory_space<vmem>>) offsets(%dma_start3A_153 : memref<80xi32, #tpu.memory_space<vmem>>) semaphore(%arg11 : memref<!tpu.dma_semaphore, #tpu.memory_space<semaphore_mem>>)
    %div3A_157 = arith.constant 8 : i32
    %div3A_158 = arith.constant 16 : i32
    %div3A_159 = arith.divsi %div3A_157, %div3A_158 : i32
    %rem3A_160 = arith.constant 3 : i32
    %rem3A_161 = arith.remsi %div3A_159, %rem3A_160 : i32
    %rem3A_162 = arith.constant 8 : i32
    %rem3A_163 = arith.constant 16 : i32
    %rem3A_164 = arith.remsi %rem3A_162, %rem3A_163 : i32
    %dma_start3A_165 = arith.constant 8 : i32
    %dma_start3A_166 = arith.constant 0 : i32
    %dma_start3A_167 = arith.constant 0 : i32
    %dma_start3A_168 = tpu.memref_slice %arg9[%dma_start3A_165, %dma_start3A_166, %dma_start3A_167] : memref<16x80x128xbf16, #tpu.memory_space<vmem>> -> memref<1x80x128xbf16, #tpu.memory_space<vmem>>
    %dma_start3A_169 = tpu.memref_squeeze %dma_start3A_168 : memref<1x80x128xbf16, #tpu.memory_space<vmem>> -> memref<80x128xbf16, #tpu.memory_space<vmem>>
    %dma_start3A_170 = arith.constant 0 : i32
    %dma_start3A_171 = tpu.memref_slice %arg7[%rem3A_161, %rem3A_164, %dma_start3A_170] : memref<3x16x80xi32, #tpu.memory_space<vmem>> -> memref<1x1x80xi32, #tpu.memory_space<vmem>>
    %dma_start3A_172 = tpu.memref_squeeze %dma_start3A_171 : memref<1x1x80xi32, #tpu.memory_space<vmem>> -> memref<80xi32, #tpu.memory_space<vmem>>
    %dma_start3A_173 = arith.constant 0 : i32
    %dma_start3A_174 = arith.constant 0 : i32
    %dma_start3A_175 = tpu.memref_slice %arg2[%dma_start3A_173, %dma_start3A_174] : memref<10112x128xbf16, #tpu.memory_space<hbm>> -> memref<10112x128xbf16, #tpu.memory_space<hbm>>
    tpu.enqueue_indirect_dma source(%dma_start3A_175 : memref<10112x128xbf16, #tpu.memory_space<hbm>>) target(%dma_start3A_169 : memref<80x128xbf16, #tpu.memory_space<vmem>>) offsets(%dma_start3A_172 : memref<80xi32, #tpu.memory_space<vmem>>) semaphore(%arg11 : memref<!tpu.dma_semaphore, #tpu.memory_space<semaphore_mem>>)
    %div3A_176 = arith.constant 9 : i32
    %div3A_177 = arith.constant 16 : i32
    %div3A_178 = arith.divsi %div3A_176, %div3A_177 : i32
    %rem3A_179 = arith.constant 3 : i32
    %rem3A_180 = arith.remsi %div3A_178, %rem3A_179 : i32
    %rem3A_181 = arith.constant 9 : i32
    %rem3A_182 = arith.constant 16 : i32
    %rem3A_183 = arith.remsi %rem3A_181, %rem3A_182 : i32
    %dma_start3A_184 = arith.constant 9 : i32
    %dma_start3A_185 = arith.constant 0 : i32
    %dma_start3A_186 = arith.constant 0 : i32
    %dma_start3A_187 = tpu.memref_slice %arg9[%dma_start3A_184, %dma_start3A_185, %dma_start3A_186] : memref<16x80x128xbf16, #tpu.memory_space<vmem>> -> memref<1x80x128xbf16, #tpu.memory_space<vmem>>
    %dma_start3A_188 = tpu.memref_squeeze %dma_start3A_187 : memref<1x80x128xbf16, #tpu.memory_space<vmem>> -> memref<80x128xbf16, #tpu.memory_space<vmem>>
    %dma_start3A_189 = arith.constant 0 : i32
    %dma_start3A_190 = tpu.memref_slice %arg7[%rem3A_180, %rem3A_183, %dma_start3A_189] : memref<3x16x80xi32, #tpu.memory_space<vmem>> -> memref<1x1x80xi32, #tpu.memory_space<vmem>>
    %dma_start3A_191 = tpu.memref_squeeze %dma_start3A_190 : memref<1x1x80xi32, #tpu.memory_space<vmem>> -> memref<80xi32, #tpu.memory_space<vmem>>
    %dma_start3A_192 = arith.constant 0 : i32
    %dma_start3A_193 = arith.constant 0 : i32
    %dma_start3A_194 = tpu.memref_slice %arg2[%dma_start3A_192, %dma_start3A_193] : memref<10112x128xbf16, #tpu.memory_space<hbm>> -> memref<10112x128xbf16, #tpu.memory_space<hbm>>
    tpu.enqueue_indirect_dma source(%dma_start3A_194 : memref<10112x128xbf16, #tpu.memory_space<hbm>>) target(%dma_start3A_188 : memref<80x128xbf16, #tpu.memory_space<vmem>>) offsets(%dma_start3A_191 : memref<80xi32, #tpu.memory_space<vmem>>) semaphore(%arg11 : memref<!tpu.dma_semaphore, #tpu.memory_space<semaphore_mem>>)
    %scan3A = arith.constant 0 : i32
    %scan3A_195 = arith.constant 10 : i32
    %scan3A_196 = arith.constant 118 : i32
    %scan3A_197 = arith.addi %scan3A_195, %scan3A_196 : i32
    %scan3A_198 = arith.constant 1 : i32
    scf.for %scan3A_784 = %scan3A_195 to %scan3A_197 step %scan3A_198  : i32 {
      %div3A_785 = arith.constant 16 : i32
      %div3A_786 = arith.divsi %scan3A_784, %div3A_785 : i32
      %rem3A_787 = arith.constant 16 : i32
      %rem3A_788 = arith.remsi %scan3A_784, %rem3A_787 : i32
      %eq3A = arith.constant 0 : i32
      %eq3A_789 = arith.cmpi eq, %rem3A_788, %eq3A : i32
      %lt3A = arith.constant 7 : i32
      %lt3A_790 = arith.cmpi slt, %div3A_786, %lt3A : i32
      %and3A = arith.andi %eq3A_789, %lt3A_790 : i1
      %convert_element_type3A = arith.extui %and3A : i1 to i32
      %cond3A = arith.constant 0 : i32
      %cond3A_791 = arith.cmpi ne, %convert_element_type3A, %cond3A : i32
      scf.if %cond3A_791 {
        %add3A_850 = arith.constant 1 : i32
        %add3A_851 = arith.addi %div3A_786, %add3A_850 : i32
        %add3A_852 = arith.constant 1 : i32
        %add3A_853 = arith.addi %div3A_786, %add3A_852 : i32
        %rem3A_854 = arith.constant 3 : i32
        %rem3A_855 = arith.remsi %add3A_853, %rem3A_854 : i32
        %mul3A_856 = arith.constant 16 : i32
        %mul3A_857 = arith.muli %add3A_851, %mul3A_856 : i32
        "tpu.region"() ({
          %run_scoped3A_860 = tpu.sem_alloc : memref<!tpu.dma_semaphore, #tpu.memory_space<semaphore_mem>>
          %dma_start3A_861 = arith.constant 0 : i32
          %dma_start3A_862 = arith.constant 0 : i32
          %dma_start3A_863 = tpu.memref_slice %arg7[%rem3A_855, %dma_start3A_861, %dma_start3A_862] : memref<3x16x80xi32, #tpu.memory_space<vmem>> -> memref<1x16x80xi32, #tpu.memory_space<vmem>>
          %dma_start3A_864 = tpu.memref_squeeze %dma_start3A_863 : memref<1x16x80xi32, #tpu.memory_space<vmem>> -> memref<16x80xi32, #tpu.memory_space<vmem>>
          %dma_start3A_865 = arith.constant 0 : i32
          %dma_start3A_866 = tpu.memref_slice %arg3[%add3A, %mul3A_857, %dma_start3A_865] : memref<32x128x80xi32, #tpu.memory_space<hbm>> -> memref<1x16x80xi32, #tpu.memory_space<hbm>>
          %dma_start3A_867 = tpu.memref_squeeze %dma_start3A_866 : memref<1x16x80xi32, #tpu.memory_space<hbm>> -> memref<16x80xi32, #tpu.memory_space<hbm>>
          %dma_start3A_868 = arith.constant 0 : i32
          %dma_start3A_869 = arith.constant 0 : i32
          %dma_start3A_870 = tpu.memref_slice %arg7[%rem3A_855, %dma_start3A_868, %dma_start3A_869] : memref<3x16x80xi32, #tpu.memory_space<vmem>> -> memref<1x16x80xi32, #tpu.memory_space<vmem>>
          %dma_start3A_871 = tpu.memref_squeeze %dma_start3A_870 : memref<1x16x80xi32, #tpu.memory_space<vmem>> -> memref<16x80xi32, #tpu.memory_space<vmem>>
          %dma_start3A_872 = arith.constant 0 : i32
          %dma_start3A_873 = tpu.memref_slice %arg3[%add3A, %mul3A_857, %dma_start3A_872] : memref<32x128x80xi32, #tpu.memory_space<hbm>> -> memref<1x16x80xi32, #tpu.memory_space<hbm>>
          %dma_start3A_874 = tpu.memref_squeeze %dma_start3A_873 : memref<1x16x80xi32, #tpu.memory_space<hbm>> -> memref<16x80xi32, #tpu.memory_space<hbm>>
          tpu.enqueue_dma source(%dma_start3A_874 : memref<16x80xi32, #tpu.memory_space<hbm>>) target(%dma_start3A_871 : memref<16x80xi32, #tpu.memory_space<vmem>>) target_semaphore(%run_scoped3A_860 : memref<!tpu.dma_semaphore, #tpu.memory_space<semaphore_mem>>)
          %dma_wait3A_875 = arith.constant 0 : i32
          %dma_wait3A_876 = arith.constant 0 : i32
          %dma_wait3A_877 = tpu.memref_slice %arg7[%rem3A_855, %dma_wait3A_875, %dma_wait3A_876] : memref<3x16x80xi32, #tpu.memory_space<vmem>> -> memref<1x16x80xi32, #tpu.memory_space<vmem>>
          %dma_wait3A_878 = tpu.memref_squeeze %dma_wait3A_877 : memref<1x16x80xi32, #tpu.memory_space<vmem>> -> memref<16x80xi32, #tpu.memory_space<vmem>>
          %dma_wait3A_879 = arith.constant 0 : i32
          %dma_wait3A_880 = tpu.memref_slice %arg3[%add3A, %mul3A_857, %dma_wait3A_879] : memref<32x128x80xi32, #tpu.memory_space<hbm>> -> memref<1x16x80xi32, #tpu.memory_space<hbm>>
          %dma_wait3A_881 = tpu.memref_squeeze %dma_wait3A_880 : memref<1x16x80xi32, #tpu.memory_space<hbm>> -> memref<16x80xi32, #tpu.memory_space<hbm>>
          %dma_wait3A_882 = arith.constant 0 : i32
          %dma_wait3A_883 = arith.constant 0 : i32
          %dma_wait3A_884 = tpu.memref_slice %arg7[%rem3A_855, %dma_wait3A_882, %dma_wait3A_883] : memref<3x16x80xi32, #tpu.memory_space<vmem>> -> memref<1x16x80xi32, #tpu.memory_space<vmem>>
          %dma_wait3A_885 = tpu.memref_squeeze %dma_wait3A_884 : memref<1x16x80xi32, #tpu.memory_space<vmem>> -> memref<16x80xi32, #tpu.memory_space<vmem>>
          %dma_wait3A_886 = arith.constant 0 : i32
          %dma_wait3A_887 = tpu.memref_slice %arg3[%add3A, %mul3A_857, %dma_wait3A_886] : memref<32x128x80xi32, #tpu.memory_space<hbm>> -> memref<1x16x80xi32, #tpu.memory_space<hbm>>
          %dma_wait3A_888 = tpu.memref_squeeze %dma_wait3A_887 : memref<1x16x80xi32, #tpu.memory_space<hbm>> -> memref<16x80xi32, #tpu.memory_space<hbm>>
          tpu.wait_dma2 semaphore(%run_scoped3A_860 : memref<!tpu.dma_semaphore, #tpu.memory_space<semaphore_mem>>) src(%dma_wait3A_888 : memref<16x80xi32, #tpu.memory_space<hbm>>) dst(%dma_wait3A_885 : memref<16x80xi32, #tpu.memory_space<vmem>>)
          tpu.yield
        }) : () -> ()
        %mul3A_858 = arith.constant 16 : i32
        %mul3A_859 = arith.muli %add3A_851, %mul3A_858 : i32
        "tpu.region"() ({
          %run_scoped3A_860 = tpu.sem_alloc : memref<!tpu.dma_semaphore, #tpu.memory_space<semaphore_mem>>
          %dma_start3A_861 = arith.constant 0 : i32
          %dma_start3A_862 = arith.constant 0 : i32
          %dma_start3A_863 = tpu.memref_slice %arg8[%rem3A_855, %dma_start3A_861, %dma_start3A_862] : memref<3x16x80xi32, #tpu.memory_space<vmem>> -> memref<1x16x80xi32, #tpu.memory_space<vmem>>
          %dma_start3A_864 = tpu.memref_squeeze %dma_start3A_863 : memref<1x16x80xi32, #tpu.memory_space<vmem>> -> memref<16x80xi32, #tpu.memory_space<vmem>>
          %dma_start3A_865 = arith.constant 0 : i32
          %dma_start3A_866 = tpu.memref_slice %arg4[%add3A, %mul3A_859, %dma_start3A_865] : memref<32x128x80xi32, #tpu.memory_space<hbm>> -> memref<1x16x80xi32, #tpu.memory_space<hbm>>
          %dma_start3A_867 = tpu.memref_squeeze %dma_start3A_866 : memref<1x16x80xi32, #tpu.memory_space<hbm>> -> memref<16x80xi32, #tpu.memory_space<hbm>>
          %dma_start3A_868 = arith.constant 0 : i32
          %dma_start3A_869 = arith.constant 0 : i32
          %dma_start3A_870 = tpu.memref_slice %arg8[%rem3A_855, %dma_start3A_868, %dma_start3A_869] : memref<3x16x80xi32, #tpu.memory_space<vmem>> -> memref<1x16x80xi32, #tpu.memory_space<vmem>>
          %dma_start3A_871 = tpu.memref_squeeze %dma_start3A_870 : memref<1x16x80xi32, #tpu.memory_space<vmem>> -> memref<16x80xi32, #tpu.memory_space<vmem>>
          %dma_start3A_872 = arith.constant 0 : i32
          %dma_start3A_873 = tpu.memref_slice %arg4[%add3A, %mul3A_859, %dma_start3A_872] : memref<32x128x80xi32, #tpu.memory_space<hbm>> -> memref<1x16x80xi32, #tpu.memory_space<hbm>>
          %dma_start3A_874 = tpu.memref_squeeze %dma_start3A_873 : memref<1x16x80xi32, #tpu.memory_space<hbm>> -> memref<16x80xi32, #tpu.memory_space<hbm>>
          tpu.enqueue_dma source(%dma_start3A_874 : memref<16x80xi32, #tpu.memory_space<hbm>>) target(%dma_start3A_871 : memref<16x80xi32, #tpu.memory_space<vmem>>) target_semaphore(%run_scoped3A_860 : memref<!tpu.dma_semaphore, #tpu.memory_space<semaphore_mem>>)
          %dma_wait3A_875 = arith.constant 0 : i32
          %dma_wait3A_876 = arith.constant 0 : i32
          %dma_wait3A_877 = tpu.memref_slice %arg8[%rem3A_855, %dma_wait3A_875, %dma_wait3A_876] : memref<3x16x80xi32, #tpu.memory_space<vmem>> -> memref<1x16x80xi32, #tpu.memory_space<vmem>>
          %dma_wait3A_878 = tpu.memref_squeeze %dma_wait3A_877 : memref<1x16x80xi32, #tpu.memory_space<vmem>> -> memref<16x80xi32, #tpu.memory_space<vmem>>
          %dma_wait3A_879 = arith.constant 0 : i32
          %dma_wait3A_880 = tpu.memref_slice %arg4[%add3A, %mul3A_859, %dma_wait3A_879] : memref<32x128x80xi32, #tpu.memory_space<hbm>> -> memref<1x16x80xi32, #tpu.memory_space<hbm>>
          %dma_wait3A_881 = tpu.memref_squeeze %dma_wait3A_880 : memref<1x16x80xi32, #tpu.memory_space<hbm>> -> memref<16x80xi32, #tpu.memory_space<hbm>>
          %dma_wait3A_882 = arith.constant 0 : i32
          %dma_wait3A_883 = arith.constant 0 : i32
          %dma_wait3A_884 = tpu.memref_slice %arg8[%rem3A_855, %dma_wait3A_882, %dma_wait3A_883] : memref<3x16x80xi32, #tpu.memory_space<vmem>> -> memref<1x16x80xi32, #tpu.memory_space<vmem>>
          %dma_wait3A_885 = tpu.memref_squeeze %dma_wait3A_884 : memref<1x16x80xi32, #tpu.memory_space<vmem>> -> memref<16x80xi32, #tpu.memory_space<vmem>>
          %dma_wait3A_886 = arith.constant 0 : i32
          %dma_wait3A_887 = tpu.memref_slice %arg4[%add3A, %mul3A_859, %dma_wait3A_886] : memref<32x128x80xi32, #tpu.memory_space<hbm>> -> memref<1x16x80xi32, #tpu.memory_space<hbm>>
          %dma_wait3A_888 = tpu.memref_squeeze %dma_wait3A_887 : memref<1x16x80xi32, #tpu.memory_space<hbm>> -> memref<16x80xi32, #tpu.memory_space<hbm>>
          tpu.wait_dma2 semaphore(%run_scoped3A_860 : memref<!tpu.dma_semaphore, #tpu.memory_space<semaphore_mem>>) src(%dma_wait3A_888 : memref<16x80xi32, #tpu.memory_space<hbm>>) dst(%dma_wait3A_885 : memref<16x80xi32, #tpu.memory_space<vmem>>)
          tpu.yield
        }) : () -> ()
      } else {
      }
      %ge3A = arith.constant 16 : i32
      %ge3A_792 = arith.cmpi sge, %scan3A_784, %ge3A : i32
      %convert_element_type3A_793 = arith.extui %ge3A_792 : i1 to i32
      %cond3A_794 = arith.constant 0 : i32
      %cond3A_795 = arith.cmpi ne, %convert_element_type3A_793, %cond3A_794 : i32
      scf.if %cond3A_795 {
        %dma_wait3A_850 = arith.constant 0 : i32
        %dma_wait3A_851 = arith.constant 0 : i32
        %dma_wait3A_852 = arith.constant 0 : i32
        %dma_wait3A_853 = tpu.memref_slice %arg9[%dma_wait3A_850, %dma_wait3A_851, %dma_wait3A_852] : memref<16x80x128xbf16, #tpu.memory_space<vmem>> -> memref<1x80x128xbf16, #tpu.memory_space<vmem>>
        %dma_wait3A_854 = tpu.memref_squeeze %dma_wait3A_853 : memref<1x80x128xbf16, #tpu.memory_space<vmem>> -> memref<80x128xbf16, #tpu.memory_space<vmem>>
        %dma_wait3A_855 = arith.constant 0 : i32
        %dma_wait3A_856 = arith.constant 0 : i32
        %dma_wait3A_857 = tpu.memref_slice %arg5[%dma_wait3A_855, %dma_wait3A_856] : memref<10112x128xbf16, #tpu.memory_space<hbm>> -> memref<80x128xbf16, #tpu.memory_space<hbm>>
        %dma_wait3A_858 = arith.constant 0 : i32
        %dma_wait3A_859 = arith.constant 0 : i32
        %dma_wait3A_860 = tpu.memref_slice %arg9[%dma_wait3A_850, %dma_wait3A_858, %dma_wait3A_859] : memref<16x80x128xbf16, #tpu.memory_space<vmem>> -> memref<1x80x128xbf16, #tpu.memory_space<vmem>>
        %dma_wait3A_861 = tpu.memref_squeeze %dma_wait3A_860 : memref<1x80x128xbf16, #tpu.memory_space<vmem>> -> memref<80x128xbf16, #tpu.memory_space<vmem>>
        %dma_wait3A_862 = arith.constant 0 : i32
        %dma_wait3A_863 = arith.constant 0 : i32
        %dma_wait3A_864 = tpu.memref_slice %arg5[%dma_wait3A_862, %dma_wait3A_863] : memref<10112x128xbf16, #tpu.memory_space<hbm>> -> memref<80x128xbf16, #tpu.memory_space<hbm>>
        tpu.wait_dma2 semaphore(%arg12 : memref<!tpu.dma_semaphore, #tpu.memory_space<semaphore_mem>>) src(%dma_wait3A_864 : memref<80x128xbf16, #tpu.memory_space<hbm>>) dst(%dma_wait3A_861 : memref<80x128xbf16, #tpu.memory_space<vmem>>)
      } else {
      }
      %rem3A_796 = arith.constant 16 : i32
      %rem3A_797 = arith.remsi %scan3A_784, %rem3A_796 : i32
      %div3A_798 = arith.constant 16 : i32
      %div3A_799 = arith.divsi %scan3A_784, %div3A_798 : i32
      %rem3A_800 = arith.constant 3 : i32
      %rem3A_801 = arith.remsi %div3A_799, %rem3A_800 : i32
      %rem3A_802 = arith.constant 16 : i32
      %rem3A_803 = arith.remsi %scan3A_784, %rem3A_802 : i32
      %dma_start3A_804 = arith.constant 0 : i32
      %dma_start3A_805 = arith.constant 0 : i32
      %dma_start3A_806 = tpu.memref_slice %arg9[%rem3A_797, %dma_start3A_804, %dma_start3A_805] : memref<16x80x128xbf16, #tpu.memory_space<vmem>> -> memref<1x80x128xbf16, #tpu.memory_space<vmem>>
      %dma_start3A_807 = tpu.memref_squeeze %dma_start3A_806 : memref<1x80x128xbf16, #tpu.memory_space<vmem>> -> memref<80x128xbf16, #tpu.memory_space<vmem>>
      %dma_start3A_808 = arith.constant 0 : i32
      %dma_start3A_809 = tpu.memref_slice %arg7[%rem3A_801, %rem3A_803, %dma_start3A_808] : memref<3x16x80xi32, #tpu.memory_space<vmem>> -> memref<1x1x80xi32, #tpu.memory_space<vmem>>
      %dma_start3A_810 = tpu.memref_squeeze %dma_start3A_809 : memref<1x1x80xi32, #tpu.memory_space<vmem>> -> memref<80xi32, #tpu.memory_space<vmem>>
      %dma_start3A_811 = arith.constant 0 : i32
      %dma_start3A_812 = arith.constant 0 : i32
      %dma_start3A_813 = tpu.memref_slice %arg2[%dma_start3A_811, %dma_start3A_812] : memref<10112x128xbf16, #tpu.memory_space<hbm>> -> memref<10112x128xbf16, #tpu.memory_space<hbm>>
      tpu.enqueue_indirect_dma source(%dma_start3A_813 : memref<10112x128xbf16, #tpu.memory_space<hbm>>) target(%dma_start3A_807 : memref<80x128xbf16, #tpu.memory_space<vmem>>) offsets(%dma_start3A_810 : memref<80xi32, #tpu.memory_space<vmem>>) semaphore(%arg11 : memref<!tpu.dma_semaphore, #tpu.memory_space<semaphore_mem>>)
      %dma_wait3A_814 = arith.constant 0 : i32
      %dma_wait3A_815 = arith.constant 0 : i32
      %dma_wait3A_816 = arith.constant 0 : i32
      %dma_wait3A_817 = tpu.memref_slice %arg9[%dma_wait3A_814, %dma_wait3A_815, %dma_wait3A_816] : memref<16x80x128xbf16, #tpu.memory_space<vmem>> -> memref<1x80x128xbf16, #tpu.memory_space<vmem>>
      %dma_wait3A_818 = tpu.memref_squeeze %dma_wait3A_817 : memref<1x80x128xbf16, #tpu.memory_space<vmem>> -> memref<80x128xbf16, #tpu.memory_space<vmem>>
      %dma_wait3A_819 = arith.constant 0 : i32
      %dma_wait3A_820 = arith.constant 0 : i32
      %dma_wait3A_821 = tpu.memref_slice %arg5[%dma_wait3A_819, %dma_wait3A_820] : memref<10112x128xbf16, #tpu.memory_space<hbm>> -> memref<80x128xbf16, #tpu.memory_space<hbm>>
      %dma_wait3A_822 = arith.constant 0 : i32
      %dma_wait3A_823 = arith.constant 0 : i32
      %dma_wait3A_824 = tpu.memref_slice %arg9[%dma_wait3A_814, %dma_wait3A_822, %dma_wait3A_823] : memref<16x80x128xbf16, #tpu.memory_space<vmem>> -> memref<1x80x128xbf16, #tpu.memory_space<vmem>>
      %dma_wait3A_825 = tpu.memref_squeeze %dma_wait3A_824 : memref<1x80x128xbf16, #tpu.memory_space<vmem>> -> memref<80x128xbf16, #tpu.memory_space<vmem>>
      %dma_wait3A_826 = arith.constant 0 : i32
      %dma_wait3A_827 = arith.constant 0 : i32
      %dma_wait3A_828 = tpu.memref_slice %arg5[%dma_wait3A_826, %dma_wait3A_827] : memref<10112x128xbf16, #tpu.memory_space<hbm>> -> memref<80x128xbf16, #tpu.memory_space<hbm>>
      tpu.wait_dma2 semaphore(%arg11 : memref<!tpu.dma_semaphore, #tpu.memory_space<semaphore_mem>>) src(%dma_wait3A_828 : memref<80x128xbf16, #tpu.memory_space<hbm>>) dst(%dma_wait3A_825 : memref<80x128xbf16, #tpu.memory_space<vmem>>)
      %sub3A = arith.constant 10 : i32
      %sub3A_829 = arith.subi %scan3A_784, %sub3A : i32
      %sub3A_830 = arith.constant 10 : i32
      %sub3A_831 = arith.subi %scan3A_784, %sub3A_830 : i32
      %rem3A_832 = arith.constant 16 : i32
      %rem3A_833 = arith.remsi %sub3A_831, %rem3A_832 : i32
      %div3A_834 = arith.constant 16 : i32
      %div3A_835 = arith.divsi %sub3A_829, %div3A_834 : i32
      %rem3A_836 = arith.constant 3 : i32
      %rem3A_837 = arith.remsi %div3A_835, %rem3A_836 : i32
      %rem3A_838 = arith.constant 16 : i32
      %rem3A_839 = arith.remsi %sub3A_829, %rem3A_838 : i32
      %dma_start3A_840 = arith.constant 0 : i32
      %dma_start3A_841 = arith.constant 0 : i32
      %dma_start3A_842 = tpu.memref_slice %arg9[%rem3A_833, %dma_start3A_840, %dma_start3A_841] : memref<16x80x128xbf16, #tpu.memory_space<vmem>> -> memref<1x80x128xbf16, #tpu.memory_space<vmem>>
      %dma_start3A_843 = tpu.memref_squeeze %dma_start3A_842 : memref<1x80x128xbf16, #tpu.memory_space<vmem>> -> memref<80x128xbf16, #tpu.memory_space<vmem>>
      %dma_start3A_844 = arith.constant 0 : i32
      %dma_start3A_845 = tpu.memref_slice %arg8[%rem3A_837, %rem3A_839, %dma_start3A_844] : memref<3x16x80xi32, #tpu.memory_space<vmem>> -> memref<1x1x80xi32, #tpu.memory_space<vmem>>
      %dma_start3A_846 = tpu.memref_squeeze %dma_start3A_845 : memref<1x1x80xi32, #tpu.memory_space<vmem>> -> memref<80xi32, #tpu.memory_space<vmem>>
      %dma_start3A_847 = arith.constant 0 : i32
      %dma_start3A_848 = arith.constant 0 : i32
      %dma_start3A_849 = tpu.memref_slice %arg10[%dma_start3A_847, %dma_start3A_848] : memref<10112x128xbf16, #tpu.memory_space<vmem_shared>> -> memref<10112x128xbf16, #tpu.memory_space<vmem_shared>>
      tpu.enqueue_indirect_dma source(%dma_start3A_843 : memref<80x128xbf16, #tpu.memory_space<vmem>>) target(%dma_start3A_849 : memref<10112x128xbf16, #tpu.memory_space<vmem_shared>>) offsets(%dma_start3A_846 : memref<80xi32, #tpu.memory_space<vmem>>) semaphore(%arg12 : memref<!tpu.dma_semaphore, #tpu.memory_space<semaphore_mem>>) {add = true}
    }
    %scan3A_199 = arith.constant 118 : i32
    %dma_wait3A = arith.constant 0 : i32
    %dma_wait3A_200 = arith.constant 0 : i32
    %dma_wait3A_201 = arith.constant 0 : i32
    %dma_wait3A_202 = tpu.memref_slice %arg9[%dma_wait3A, %dma_wait3A_200, %dma_wait3A_201] : memref<16x80x128xbf16, #tpu.memory_space<vmem>> -> memref<1x80x128xbf16, #tpu.memory_space<vmem>>
    %dma_wait3A_203 = tpu.memref_squeeze %dma_wait3A_202 : memref<1x80x128xbf16, #tpu.memory_space<vmem>> -> memref<80x128xbf16, #tpu.memory_space<vmem>>
    %dma_wait3A_204 = arith.constant 0 : i32
    %dma_wait3A_205 = arith.constant 0 : i32
    %dma_wait3A_206 = tpu.memref_slice %arg5[%dma_wait3A_204, %dma_wait3A_205] : memref<10112x128xbf16, #tpu.memory_space<hbm>> -> memref<80x128xbf16, #tpu.memory_space<hbm>>
    %dma_wait3A_207 = arith.constant 0 : i32
    %dma_wait3A_208 = arith.constant 0 : i32
    %dma_wait3A_209 = tpu.memref_slice %arg9[%dma_wait3A, %dma_wait3A_207, %dma_wait3A_208] : memref<16x80x128xbf16, #tpu.memory_space<vmem>> -> memref<1x80x128xbf16, #tpu.memory_space<vmem>>
    %dma_wait3A_210 = tpu.memref_squeeze %dma_wait3A_209 : memref<1x80x128xbf16, #tpu.memory_space<vmem>> -> memref<80x128xbf16, #tpu.memory_space<vmem>>
    %dma_wait3A_211 = arith.constant 0 : i32
    %dma_wait3A_212 = arith.constant 0 : i32
    %dma_wait3A_213 = tpu.memref_slice %arg5[%dma_wait3A_211, %dma_wait3A_212] : memref<10112x128xbf16, #tpu.memory_space<hbm>> -> memref<80x128xbf16, #tpu.memory_space<hbm>>
    tpu.wait_dma2 semaphore(%arg11 : memref<!tpu.dma_semaphore, #tpu.memory_space<semaphore_mem>>) src(%dma_wait3A_213 : memref<80x128xbf16, #tpu.memory_space<hbm>>) dst(%dma_wait3A_210 : memref<80x128xbf16, #tpu.memory_space<vmem>>)
    %div3A_214 = arith.constant 118 : i32
    %div3A_215 = arith.constant 16 : i32
    %div3A_216 = arith.divsi %div3A_214, %div3A_215 : i32
    %rem3A_217 = arith.constant 3 : i32
    %rem3A_218 = arith.remsi %div3A_216, %rem3A_217 : i32
    %rem3A_219 = arith.constant 118 : i32
    %rem3A_220 = arith.constant 16 : i32
    %rem3A_221 = arith.remsi %rem3A_219, %rem3A_220 : i32
    %dma_start3A_222 = arith.constant 6 : i32
    %dma_start3A_223 = arith.constant 0 : i32
    %dma_start3A_224 = arith.constant 0 : i32
    %dma_start3A_225 = tpu.memref_slice %arg9[%dma_start3A_222, %dma_start3A_223, %dma_start3A_224] : memref<16x80x128xbf16, #tpu.memory_space<vmem>> -> memref<1x80x128xbf16, #tpu.memory_space<vmem>>
    %dma_start3A_226 = tpu.memref_squeeze %dma_start3A_225 : memref<1x80x128xbf16, #tpu.memory_space<vmem>> -> memref<80x128xbf16, #tpu.memory_space<vmem>>
    %dma_start3A_227 = arith.constant 0 : i32
    %dma_start3A_228 = tpu.memref_slice %arg8[%rem3A_218, %rem3A_221, %dma_start3A_227] : memref<3x16x80xi32, #tpu.memory_space<vmem>> -> memref<1x1x80xi32, #tpu.memory_space<vmem>>
    %dma_start3A_229 = tpu.memref_squeeze %dma_start3A_228 : memref<1x1x80xi32, #tpu.memory_space<vmem>> -> memref<80xi32, #tpu.memory_space<vmem>>
    %dma_start3A_230 = arith.constant 0 : i32
    %dma_start3A_231 = arith.constant 0 : i32
    %dma_start3A_232 = tpu.memref_slice %arg10[%dma_start3A_230, %dma_start3A_231] : memref<10112x128xbf16, #tpu.memory_space<vmem_shared>> -> memref<10112x128xbf16, #tpu.memory_space<vmem_shared>>
    tpu.enqueue_indirect_dma source(%dma_start3A_226 : memref<80x128xbf16, #tpu.memory_space<vmem>>) target(%dma_start3A_232 : memref<10112x128xbf16, #tpu.memory_space<vmem_shared>>) offsets(%dma_start3A_229 : memref<80xi32, #tpu.memory_space<vmem>>) semaphore(%arg12 : memref<!tpu.dma_semaphore, #tpu.memory_space<semaphore_mem>>) {add = true}
    %dma_wait3A_233 = arith.constant 0 : i32
    %dma_wait3A_234 = arith.constant 0 : i32
    %dma_wait3A_235 = arith.constant 0 : i32
    %dma_wait3A_236 = tpu.memref_slice %arg9[%dma_wait3A_233, %dma_wait3A_234, %dma_wait3A_235] : memref<16x80x128xbf16, #tpu.memory_space<vmem>> -> memref<1x80x128xbf16, #tpu.memory_space<vmem>>
    %dma_wait3A_237 = tpu.memref_squeeze %dma_wait3A_236 : memref<1x80x128xbf16, #tpu.memory_space<vmem>> -> memref<80x128xbf16, #tpu.memory_space<vmem>>
    %dma_wait3A_238 = arith.constant 0 : i32
    %dma_wait3A_239 = arith.constant 0 : i32
    %dma_wait3A_240 = tpu.memref_slice %arg5[%dma_wait3A_238, %dma_wait3A_239] : memref<10112x128xbf16, #tpu.memory_space<hbm>> -> memref<80x128xbf16, #tpu.memory_space<hbm>>
    %dma_wait3A_241 = arith.constant 0 : i32
    %dma_wait3A_242 = arith.constant 0 : i32
    %dma_wait3A_243 = tpu.memref_slice %arg9[%dma_wait3A_233, %dma_wait3A_241, %dma_wait3A_242] : memref<16x80x128xbf16, #tpu.memory_space<vmem>> -> memref<1x80x128xbf16, #tpu.memory_space<vmem>>
    %dma_wait3A_244 = tpu.memref_squeeze %dma_wait3A_243 : memref<1x80x128xbf16, #tpu.memory_space<vmem>> -> memref<80x128xbf16, #tpu.memory_space<vmem>>
    %dma_wait3A_245 = arith.constant 0 : i32
    %dma_wait3A_246 = arith.constant 0 : i32
    %dma_wait3A_247 = tpu.memref_slice %arg5[%dma_wait3A_245, %dma_wait3A_246] : memref<10112x128xbf16, #tpu.memory_space<hbm>> -> memref<80x128xbf16, #tpu.memory_space<hbm>>
    tpu.wait_dma2 semaphore(%arg11 : memref<!tpu.dma_semaphore, #tpu.memory_space<semaphore_mem>>) src(%dma_wait3A_247 : memref<80x128xbf16, #tpu.memory_space<hbm>>) dst(%dma_wait3A_244 : memref<80x128xbf16, #tpu.memory_space<vmem>>)
    %div3A_248 = arith.constant 119 : i32
    %div3A_249 = arith.constant 16 : i32
    %div3A_250 = arith.divsi %div3A_248, %div3A_249 : i32
    %rem3A_251 = arith.constant 3 : i32
    %rem3A_252 = arith.remsi %div3A_250, %rem3A_251 : i32
    %rem3A_253 = arith.constant 119 : i32
    %rem3A_254 = arith.constant 16 : i32
    %rem3A_255 = arith.remsi %rem3A_253, %rem3A_254 : i32
    %dma_start3A_256 = arith.constant 7 : i32
    %dma_start3A_257 = arith.constant 0 : i32
    %dma_start3A_258 = arith.constant 0 : i32
    %dma_start3A_259 = tpu.memref_slice %arg9[%dma_start3A_256, %dma_start3A_257, %dma_start3A_258] : memref<16x80x128xbf16, #tpu.memory_space<vmem>> -> memref<1x80x128xbf16, #tpu.memory_space<vmem>>
    %dma_start3A_260 = tpu.memref_squeeze %dma_start3A_259 : memref<1x80x128xbf16, #tpu.memory_space<vmem>> -> memref<80x128xbf16, #tpu.memory_space<vmem>>
    %dma_start3A_261 = arith.constant 0 : i32
    %dma_start3A_262 = tpu.memref_slice %arg8[%rem3A_252, %rem3A_255, %dma_start3A_261] : memref<3x16x80xi32, #tpu.memory_space<vmem>> -> memref<1x1x80xi32, #tpu.memory_space<vmem>>
    %dma_start3A_263 = tpu.memref_squeeze %dma_start3A_262 : memref<1x1x80xi32, #tpu.memory_space<vmem>> -> memref<80xi32, #tpu.memory_space<vmem>>
    %dma_start3A_264 = arith.constant 0 : i32
    %dma_start3A_265 = arith.constant 0 : i32
    %dma_start3A_266 = tpu.memref_slice %arg10[%dma_start3A_264, %dma_start3A_265] : memref<10112x128xbf16, #tpu.memory_space<vmem_shared>> -> memref<10112x128xbf16, #tpu.memory_space<vmem_shared>>
    tpu.enqueue_indirect_dma source(%dma_start3A_260 : memref<80x128xbf16, #tpu.memory_space<vmem>>) target(%dma_start3A_266 : memref<10112x128xbf16, #tpu.memory_space<vmem_shared>>) offsets(%dma_start3A_263 : memref<80xi32, #tpu.memory_space<vmem>>) semaphore(%arg12 : memref<!tpu.dma_semaphore, #tpu.memory_space<semaphore_mem>>) {add = true}
    %dma_wait3A_267 = arith.constant 0 : i32
    %dma_wait3A_268 = arith.constant 0 : i32
    %dma_wait3A_269 = arith.constant 0 : i32
    %dma_wait3A_270 = tpu.memref_slice %arg9[%dma_wait3A_267, %dma_wait3A_268, %dma_wait3A_269] : memref<16x80x128xbf16, #tpu.memory_space<vmem>> -> memref<1x80x128xbf16, #tpu.memory_space<vmem>>
    %dma_wait3A_271 = tpu.memref_squeeze %dma_wait3A_270 : memref<1x80x128xbf16, #tpu.memory_space<vmem>> -> memref<80x128xbf16, #tpu.memory_space<vmem>>
    %dma_wait3A_272 = arith.constant 0 : i32
    %dma_wait3A_273 = arith.constant 0 : i32
    %dma_wait3A_274 = tpu.memref_slice %arg5[%dma_wait3A_272, %dma_wait3A_273] : memref<10112x128xbf16, #tpu.memory_space<hbm>> -> memref<80x128xbf16, #tpu.memory_space<hbm>>
    %dma_wait3A_275 = arith.constant 0 : i32
    %dma_wait3A_276 = arith.constant 0 : i32
    %dma_wait3A_277 = tpu.memref_slice %arg9[%dma_wait3A_267, %dma_wait3A_275, %dma_wait3A_276] : memref<16x80x128xbf16, #tpu.memory_space<vmem>> -> memref<1x80x128xbf16, #tpu.memory_space<vmem>>
    %dma_wait3A_278 = tpu.memref_squeeze %dma_wait3A_277 : memref<1x80x128xbf16, #tpu.memory_space<vmem>> -> memref<80x128xbf16, #tpu.memory_space<vmem>>
    %dma_wait3A_279 = arith.constant 0 : i32
    %dma_wait3A_280 = arith.constant 0 : i32
    %dma_wait3A_281 = tpu.memref_slice %arg5[%dma_wait3A_279, %dma_wait3A_280] : memref<10112x128xbf16, #tpu.memory_space<hbm>> -> memref<80x128xbf16, #tpu.memory_space<hbm>>
    tpu.wait_dma2 semaphore(%arg11 : memref<!tpu.dma_semaphore, #tpu.memory_space<semaphore_mem>>) src(%dma_wait3A_281 : memref<80x128xbf16, #tpu.memory_space<hbm>>) dst(%dma_wait3A_278 : memref<80x128xbf16, #tpu.memory_space<vmem>>)
    %div3A_282 = arith.constant 120 : i32
    %div3A_283 = arith.constant 16 : i32
    %div3A_284 = arith.divsi %div3A_282, %div3A_283 : i32
    %rem3A_285 = arith.constant 3 : i32
    %rem3A_286 = arith.remsi %div3A_284, %rem3A_285 : i32
    %rem3A_287 = arith.constant 120 : i32
    %rem3A_288 = arith.constant 16 : i32
    %rem3A_289 = arith.remsi %rem3A_287, %rem3A_288 : i32
    %dma_start3A_290 = arith.constant 8 : i32
    %dma_start3A_291 = arith.constant 0 : i32
    %dma_start3A_292 = arith.constant 0 : i32
    %dma_start3A_293 = tpu.memref_slice %arg9[%dma_start3A_290, %dma_start3A_291, %dma_start3A_292] : memref<16x80x128xbf16, #tpu.memory_space<vmem>> -> memref<1x80x128xbf16, #tpu.memory_space<vmem>>
    %dma_start3A_294 = tpu.memref_squeeze %dma_start3A_293 : memref<1x80x128xbf16, #tpu.memory_space<vmem>> -> memref<80x128xbf16, #tpu.memory_space<vmem>>
    %dma_start3A_295 = arith.constant 0 : i32
    %dma_start3A_296 = tpu.memref_slice %arg8[%rem3A_286, %rem3A_289, %dma_start3A_295] : memref<3x16x80xi32, #tpu.memory_space<vmem>> -> memref<1x1x80xi32, #tpu.memory_space<vmem>>
    %dma_start3A_297 = tpu.memref_squeeze %dma_start3A_296 : memref<1x1x80xi32, #tpu.memory_space<vmem>> -> memref<80xi32, #tpu.memory_space<vmem>>
    %dma_start3A_298 = arith.constant 0 : i32
    %dma_start3A_299 = arith.constant 0 : i32
    %dma_start3A_300 = tpu.memref_slice %arg10[%dma_start3A_298, %dma_start3A_299] : memref<10112x128xbf16, #tpu.memory_space<vmem_shared>> -> memref<10112x128xbf16, #tpu.memory_space<vmem_shared>>
    tpu.enqueue_indirect_dma source(%dma_start3A_294 : memref<80x128xbf16, #tpu.memory_space<vmem>>) target(%dma_start3A_300 : memref<10112x128xbf16, #tpu.memory_space<vmem_shared>>) offsets(%dma_start3A_297 : memref<80xi32, #tpu.memory_space<vmem>>) semaphore(%arg12 : memref<!tpu.dma_semaphore, #tpu.memory_space<semaphore_mem>>) {add = true}
    %dma_wait3A_301 = arith.constant 0 : i32
    %dma_wait3A_302 = arith.constant 0 : i32
    %dma_wait3A_303 = arith.constant 0 : i32
    %dma_wait3A_304 = tpu.memref_slice %arg9[%dma_wait3A_301, %dma_wait3A_302, %dma_wait3A_303] : memref<16x80x128xbf16, #tpu.memory_space<vmem>> -> memref<1x80x128xbf16, #tpu.memory_space<vmem>>
    %dma_wait3A_305 = tpu.memref_squeeze %dma_wait3A_304 : memref<1x80x128xbf16, #tpu.memory_space<vmem>> -> memref<80x128xbf16, #tpu.memory_space<vmem>>
    %dma_wait3A_306 = arith.constant 0 : i32
    %dma_wait3A_307 = arith.constant 0 : i32
    %dma_wait3A_308 = tpu.memref_slice %arg5[%dma_wait3A_306, %dma_wait3A_307] : memref<10112x128xbf16, #tpu.memory_space<hbm>> -> memref<80x128xbf16, #tpu.memory_space<hbm>>
    %dma_wait3A_309 = arith.constant 0 : i32
    %dma_wait3A_310 = arith.constant 0 : i32
    %dma_wait3A_311 = tpu.memref_slice %arg9[%dma_wait3A_301, %dma_wait3A_309, %dma_wait3A_310] : memref<16x80x128xbf16, #tpu.memory_space<vmem>> -> memref<1x80x128xbf16, #tpu.memory_space<vmem>>
    %dma_wait3A_312 = tpu.memref_squeeze %dma_wait3A_311 : memref<1x80x128xbf16, #tpu.memory_space<vmem>> -> memref<80x128xbf16, #tpu.memory_space<vmem>>
    %dma_wait3A_313 = arith.constant 0 : i32
    %dma_wait3A_314 = arith.constant 0 : i32
    %dma_wait3A_315 = tpu.memref_slice %arg5[%dma_wait3A_313, %dma_wait3A_314] : memref<10112x128xbf16, #tpu.memory_space<hbm>> -> memref<80x128xbf16, #tpu.memory_space<hbm>>
    tpu.wait_dma2 semaphore(%arg11 : memref<!tpu.dma_semaphore, #tpu.memory_space<semaphore_mem>>) src(%dma_wait3A_315 : memref<80x128xbf16, #tpu.memory_space<hbm>>) dst(%dma_wait3A_312 : memref<80x128xbf16, #tpu.memory_space<vmem>>)
    %div3A_316 = arith.constant 121 : i32
    %div3A_317 = arith.constant 16 : i32
    %div3A_318 = arith.divsi %div3A_316, %div3A_317 : i32
    %rem3A_319 = arith.constant 3 : i32
    %rem3A_320 = arith.remsi %div3A_318, %rem3A_319 : i32
    %rem3A_321 = arith.constant 121 : i32
    %rem3A_322 = arith.constant 16 : i32
    %rem3A_323 = arith.remsi %rem3A_321, %rem3A_322 : i32
    %dma_start3A_324 = arith.constant 9 : i32
    %dma_start3A_325 = arith.constant 0 : i32
    %dma_start3A_326 = arith.constant 0 : i32
    %dma_start3A_327 = tpu.memref_slice %arg9[%dma_start3A_324, %dma_start3A_325, %dma_start3A_326] : memref<16x80x128xbf16, #tpu.memory_space<vmem>> -> memref<1x80x128xbf16, #tpu.memory_space<vmem>>
    %dma_start3A_328 = tpu.memref_squeeze %dma_start3A_327 : memref<1x80x128xbf16, #tpu.memory_space<vmem>> -> memref<80x128xbf16, #tpu.memory_space<vmem>>
    %dma_start3A_329 = arith.constant 0 : i32
    %dma_start3A_330 = tpu.memref_slice %arg8[%rem3A_320, %rem3A_323, %dma_start3A_329] : memref<3x16x80xi32, #tpu.memory_space<vmem>> -> memref<1x1x80xi32, #tpu.memory_space<vmem>>
    %dma_start3A_331 = tpu.memref_squeeze %dma_start3A_330 : memref<1x1x80xi32, #tpu.memory_space<vmem>> -> memref<80xi32, #tpu.memory_space<vmem>>
    %dma_start3A_332 = arith.constant 0 : i32
    %dma_start3A_333 = arith.constant 0 : i32
    %dma_start3A_334 = tpu.memref_slice %arg10[%dma_start3A_332, %dma_start3A_333] : memref<10112x128xbf16, #tpu.memory_space<vmem_shared>> -> memref<10112x128xbf16, #tpu.memory_space<vmem_shared>>
    tpu.enqueue_indirect_dma source(%dma_start3A_328 : memref<80x128xbf16, #tpu.memory_space<vmem>>) target(%dma_start3A_334 : memref<10112x128xbf16, #tpu.memory_space<vmem_shared>>) offsets(%dma_start3A_331 : memref<80xi32, #tpu.memory_space<vmem>>) semaphore(%arg12 : memref<!tpu.dma_semaphore, #tpu.memory_space<semaphore_mem>>) {add = true}
    %dma_wait3A_335 = arith.constant 0 : i32
    %dma_wait3A_336 = arith.constant 0 : i32
    %dma_wait3A_337 = arith.constant 0 : i32
    %dma_wait3A_338 = tpu.memref_slice %arg9[%dma_wait3A_335, %dma_wait3A_336, %dma_wait3A_337] : memref<16x80x128xbf16, #tpu.memory_space<vmem>> -> memref<1x80x128xbf16, #tpu.memory_space<vmem>>
    %dma_wait3A_339 = tpu.memref_squeeze %dma_wait3A_338 : memref<1x80x128xbf16, #tpu.memory_space<vmem>> -> memref<80x128xbf16, #tpu.memory_space<vmem>>
    %dma_wait3A_340 = arith.constant 0 : i32
    %dma_wait3A_341 = arith.constant 0 : i32
    %dma_wait3A_342 = tpu.memref_slice %arg5[%dma_wait3A_340, %dma_wait3A_341] : memref<10112x128xbf16, #tpu.memory_space<hbm>> -> memref<80x128xbf16, #tpu.memory_space<hbm>>
    %dma_wait3A_343 = arith.constant 0 : i32
    %dma_wait3A_344 = arith.constant 0 : i32
    %dma_wait3A_345 = tpu.memref_slice %arg9[%dma_wait3A_335, %dma_wait3A_343, %dma_wait3A_344] : memref<16x80x128xbf16, #tpu.memory_space<vmem>> -> memref<1x80x128xbf16, #tpu.memory_space<vmem>>
    %dma_wait3A_346 = tpu.memref_squeeze %dma_wait3A_345 : memref<1x80x128xbf16, #tpu.memory_space<vmem>> -> memref<80x128xbf16, #tpu.memory_space<vmem>>
    %dma_wait3A_347 = arith.constant 0 : i32
    %dma_wait3A_348 = arith.constant 0 : i32
    %dma_wait3A_349 = tpu.memref_slice %arg5[%dma_wait3A_347, %dma_wait3A_348] : memref<10112x128xbf16, #tpu.memory_space<hbm>> -> memref<80x128xbf16, #tpu.memory_space<hbm>>
    tpu.wait_dma2 semaphore(%arg11 : memref<!tpu.dma_semaphore, #tpu.memory_space<semaphore_mem>>) src(%dma_wait3A_349 : memref<80x128xbf16, #tpu.memory_space<hbm>>) dst(%dma_wait3A_346 : memref<80x128xbf16, #tpu.memory_space<vmem>>)
    %div3A_350 = arith.constant 122 : i32
    %div3A_351 = arith.constant 16 : i32
    %div3A_352 = arith.divsi %div3A_350, %div3A_351 : i32
    %rem3A_353 = arith.constant 3 : i32
    %rem3A_354 = arith.remsi %div3A_352, %rem3A_353 : i32
    %rem3A_355 = arith.constant 122 : i32
    %rem3A_356 = arith.constant 16 : i32
    %rem3A_357 = arith.remsi %rem3A_355, %rem3A_356 : i32
    %dma_start3A_358 = arith.constant 10 : i32
    %dma_start3A_359 = arith.constant 0 : i32
    %dma_start3A_360 = arith.constant 0 : i32
    %dma_start3A_361 = tpu.memref_slice %arg9[%dma_start3A_358, %dma_start3A_359, %dma_start3A_360] : memref<16x80x128xbf16, #tpu.memory_space<vmem>> -> memref<1x80x128xbf16, #tpu.memory_space<vmem>>
    %dma_start3A_362 = tpu.memref_squeeze %dma_start3A_361 : memref<1x80x128xbf16, #tpu.memory_space<vmem>> -> memref<80x128xbf16, #tpu.memory_space<vmem>>
    %dma_start3A_363 = arith.constant 0 : i32
    %dma_start3A_364 = tpu.memref_slice %arg8[%rem3A_354, %rem3A_357, %dma_start3A_363] : memref<3x16x80xi32, #tpu.memory_space<vmem>> -> memref<1x1x80xi32, #tpu.memory_space<vmem>>
    %dma_start3A_365 = tpu.memref_squeeze %dma_start3A_364 : memref<1x1x80xi32, #tpu.memory_space<vmem>> -> memref<80xi32, #tpu.memory_space<vmem>>
    %dma_start3A_366 = arith.constant 0 : i32
    %dma_start3A_367 = arith.constant 0 : i32
    %dma_start3A_368 = tpu.memref_slice %arg10[%dma_start3A_366, %dma_start3A_367] : memref<10112x128xbf16, #tpu.memory_space<vmem_shared>> -> memref<10112x128xbf16, #tpu.memory_space<vmem_shared>>
    tpu.enqueue_indirect_dma source(%dma_start3A_362 : memref<80x128xbf16, #tpu.memory_space<vmem>>) target(%dma_start3A_368 : memref<10112x128xbf16, #tpu.memory_space<vmem_shared>>) offsets(%dma_start3A_365 : memref<80xi32, #tpu.memory_space<vmem>>) semaphore(%arg12 : memref<!tpu.dma_semaphore, #tpu.memory_space<semaphore_mem>>) {add = true}
    %dma_wait3A_369 = arith.constant 0 : i32
    %dma_wait3A_370 = arith.constant 0 : i32
    %dma_wait3A_371 = arith.constant 0 : i32
    %dma_wait3A_372 = tpu.memref_slice %arg9[%dma_wait3A_369, %dma_wait3A_370, %dma_wait3A_371] : memref<16x80x128xbf16, #tpu.memory_space<vmem>> -> memref<1x80x128xbf16, #tpu.memory_space<vmem>>
    %dma_wait3A_373 = tpu.memref_squeeze %dma_wait3A_372 : memref<1x80x128xbf16, #tpu.memory_space<vmem>> -> memref<80x128xbf16, #tpu.memory_space<vmem>>
    %dma_wait3A_374 = arith.constant 0 : i32
    %dma_wait3A_375 = arith.constant 0 : i32
    %dma_wait3A_376 = tpu.memref_slice %arg5[%dma_wait3A_374, %dma_wait3A_375] : memref<10112x128xbf16, #tpu.memory_space<hbm>> -> memref<80x128xbf16, #tpu.memory_space<hbm>>
    %dma_wait3A_377 = arith.constant 0 : i32
    %dma_wait3A_378 = arith.constant 0 : i32
    %dma_wait3A_379 = tpu.memref_slice %arg9[%dma_wait3A_369, %dma_wait3A_377, %dma_wait3A_378] : memref<16x80x128xbf16, #tpu.memory_space<vmem>> -> memref<1x80x128xbf16, #tpu.memory_space<vmem>>
    %dma_wait3A_380 = tpu.memref_squeeze %dma_wait3A_379 : memref<1x80x128xbf16, #tpu.memory_space<vmem>> -> memref<80x128xbf16, #tpu.memory_space<vmem>>
    %dma_wait3A_381 = arith.constant 0 : i32
    %dma_wait3A_382 = arith.constant 0 : i32
    %dma_wait3A_383 = tpu.memref_slice %arg5[%dma_wait3A_381, %dma_wait3A_382] : memref<10112x128xbf16, #tpu.memory_space<hbm>> -> memref<80x128xbf16, #tpu.memory_space<hbm>>
    tpu.wait_dma2 semaphore(%arg11 : memref<!tpu.dma_semaphore, #tpu.memory_space<semaphore_mem>>) src(%dma_wait3A_383 : memref<80x128xbf16, #tpu.memory_space<hbm>>) dst(%dma_wait3A_380 : memref<80x128xbf16, #tpu.memory_space<vmem>>)
    %div3A_384 = arith.constant 123 : i32
    %div3A_385 = arith.constant 16 : i32
    %div3A_386 = arith.divsi %div3A_384, %div3A_385 : i32
    %rem3A_387 = arith.constant 3 : i32
    %rem3A_388 = arith.remsi %div3A_386, %rem3A_387 : i32
    %rem3A_389 = arith.constant 123 : i32
    %rem3A_390 = arith.constant 16 : i32
    %rem3A_391 = arith.remsi %rem3A_389, %rem3A_390 : i32
    %dma_start3A_392 = arith.constant 11 : i32
    %dma_start3A_393 = arith.constant 0 : i32
    %dma_start3A_394 = arith.constant 0 : i32
    %dma_start3A_395 = tpu.memref_slice %arg9[%dma_start3A_392, %dma_start3A_393, %dma_start3A_394] : memref<16x80x128xbf16, #tpu.memory_space<vmem>> -> memref<1x80x128xbf16, #tpu.memory_space<vmem>>
    %dma_start3A_396 = tpu.memref_squeeze %dma_start3A_395 : memref<1x80x128xbf16, #tpu.memory_space<vmem>> -> memref<80x128xbf16, #tpu.memory_space<vmem>>
    %dma_start3A_397 = arith.constant 0 : i32
    %dma_start3A_398 = tpu.memref_slice %arg8[%rem3A_388, %rem3A_391, %dma_start3A_397] : memref<3x16x80xi32, #tpu.memory_space<vmem>> -> memref<1x1x80xi32, #tpu.memory_space<vmem>>
    %dma_start3A_399 = tpu.memref_squeeze %dma_start3A_398 : memref<1x1x80xi32, #tpu.memory_space<vmem>> -> memref<80xi32, #tpu.memory_space<vmem>>
    %dma_start3A_400 = arith.constant 0 : i32
    %dma_start3A_401 = arith.constant 0 : i32
    %dma_start3A_402 = tpu.memref_slice %arg10[%dma_start3A_400, %dma_start3A_401] : memref<10112x128xbf16, #tpu.memory_space<vmem_shared>> -> memref<10112x128xbf16, #tpu.memory_space<vmem_shared>>
    tpu.enqueue_indirect_dma source(%dma_start3A_396 : memref<80x128xbf16, #tpu.memory_space<vmem>>) target(%dma_start3A_402 : memref<10112x128xbf16, #tpu.memory_space<vmem_shared>>) offsets(%dma_start3A_399 : memref<80xi32, #tpu.memory_space<vmem>>) semaphore(%arg12 : memref<!tpu.dma_semaphore, #tpu.memory_space<semaphore_mem>>) {add = true}
    %dma_wait3A_403 = arith.constant 0 : i32
    %dma_wait3A_404 = arith.constant 0 : i32
    %dma_wait3A_405 = arith.constant 0 : i32
    %dma_wait3A_406 = tpu.memref_slice %arg9[%dma_wait3A_403, %dma_wait3A_404, %dma_wait3A_405] : memref<16x80x128xbf16, #tpu.memory_space<vmem>> -> memref<1x80x128xbf16, #tpu.memory_space<vmem>>
    %dma_wait3A_407 = tpu.memref_squeeze %dma_wait3A_406 : memref<1x80x128xbf16, #tpu.memory_space<vmem>> -> memref<80x128xbf16, #tpu.memory_space<vmem>>
    %dma_wait3A_408 = arith.constant 0 : i32
    %dma_wait3A_409 = arith.constant 0 : i32
    %dma_wait3A_410 = tpu.memref_slice %arg5[%dma_wait3A_408, %dma_wait3A_409] : memref<10112x128xbf16, #tpu.memory_space<hbm>> -> memref<80x128xbf16, #tpu.memory_space<hbm>>
    %dma_wait3A_411 = arith.constant 0 : i32
    %dma_wait3A_412 = arith.constant 0 : i32
    %dma_wait3A_413 = tpu.memref_slice %arg9[%dma_wait3A_403, %dma_wait3A_411, %dma_wait3A_412] : memref<16x80x128xbf16, #tpu.memory_space<vmem>> -> memref<1x80x128xbf16, #tpu.memory_space<vmem>>
    %dma_wait3A_414 = tpu.memref_squeeze %dma_wait3A_413 : memref<1x80x128xbf16, #tpu.memory_space<vmem>> -> memref<80x128xbf16, #tpu.memory_space<vmem>>
    %dma_wait3A_415 = arith.constant 0 : i32
    %dma_wait3A_416 = arith.constant 0 : i32
    %dma_wait3A_417 = tpu.memref_slice %arg5[%dma_wait3A_415, %dma_wait3A_416] : memref<10112x128xbf16, #tpu.memory_space<hbm>> -> memref<80x128xbf16, #tpu.memory_space<hbm>>
    tpu.wait_dma2 semaphore(%arg11 : memref<!tpu.dma_semaphore, #tpu.memory_space<semaphore_mem>>) src(%dma_wait3A_417 : memref<80x128xbf16, #tpu.memory_space<hbm>>) dst(%dma_wait3A_414 : memref<80x128xbf16, #tpu.memory_space<vmem>>)
    %div3A_418 = arith.constant 124 : i32
    %div3A_419 = arith.constant 16 : i32
    %div3A_420 = arith.divsi %div3A_418, %div3A_419 : i32
    %rem3A_421 = arith.constant 3 : i32
    %rem3A_422 = arith.remsi %div3A_420, %rem3A_421 : i32
    %rem3A_423 = arith.constant 124 : i32
    %rem3A_424 = arith.constant 16 : i32
    %rem3A_425 = arith.remsi %rem3A_423, %rem3A_424 : i32
    %dma_start3A_426 = arith.constant 12 : i32
    %dma_start3A_427 = arith.constant 0 : i32
    %dma_start3A_428 = arith.constant 0 : i32
    %dma_start3A_429 = tpu.memref_slice %arg9[%dma_start3A_426, %dma_start3A_427, %dma_start3A_428] : memref<16x80x128xbf16, #tpu.memory_space<vmem>> -> memref<1x80x128xbf16, #tpu.memory_space<vmem>>
    %dma_start3A_430 = tpu.memref_squeeze %dma_start3A_429 : memref<1x80x128xbf16, #tpu.memory_space<vmem>> -> memref<80x128xbf16, #tpu.memory_space<vmem>>
    %dma_start3A_431 = arith.constant 0 : i32
    %dma_start3A_432 = tpu.memref_slice %arg8[%rem3A_422, %rem3A_425, %dma_start3A_431] : memref<3x16x80xi32, #tpu.memory_space<vmem>> -> memref<1x1x80xi32, #tpu.memory_space<vmem>>
    %dma_start3A_433 = tpu.memref_squeeze %dma_start3A_432 : memref<1x1x80xi32, #tpu.memory_space<vmem>> -> memref<80xi32, #tpu.memory_space<vmem>>
    %dma_start3A_434 = arith.constant 0 : i32
    %dma_start3A_435 = arith.constant 0 : i32
    %dma_start3A_436 = tpu.memref_slice %arg10[%dma_start3A_434, %dma_start3A_435] : memref<10112x128xbf16, #tpu.memory_space<vmem_shared>> -> memref<10112x128xbf16, #tpu.memory_space<vmem_shared>>
    tpu.enqueue_indirect_dma source(%dma_start3A_430 : memref<80x128xbf16, #tpu.memory_space<vmem>>) target(%dma_start3A_436 : memref<10112x128xbf16, #tpu.memory_space<vmem_shared>>) offsets(%dma_start3A_433 : memref<80xi32, #tpu.memory_space<vmem>>) semaphore(%arg12 : memref<!tpu.dma_semaphore, #tpu.memory_space<semaphore_mem>>) {add = true}
    %dma_wait3A_437 = arith.constant 0 : i32
    %dma_wait3A_438 = arith.constant 0 : i32
    %dma_wait3A_439 = arith.constant 0 : i32
    %dma_wait3A_440 = tpu.memref_slice %arg9[%dma_wait3A_437, %dma_wait3A_438, %dma_wait3A_439] : memref<16x80x128xbf16, #tpu.memory_space<vmem>> -> memref<1x80x128xbf16, #tpu.memory_space<vmem>>
    %dma_wait3A_441 = tpu.memref_squeeze %dma_wait3A_440 : memref<1x80x128xbf16, #tpu.memory_space<vmem>> -> memref<80x128xbf16, #tpu.memory_space<vmem>>
    %dma_wait3A_442 = arith.constant 0 : i32
    %dma_wait3A_443 = arith.constant 0 : i32
    %dma_wait3A_444 = tpu.memref_slice %arg5[%dma_wait3A_442, %dma_wait3A_443] : memref<10112x128xbf16, #tpu.memory_space<hbm>> -> memref<80x128xbf16, #tpu.memory_space<hbm>>
    %dma_wait3A_445 = arith.constant 0 : i32
    %dma_wait3A_446 = arith.constant 0 : i32
    %dma_wait3A_447 = tpu.memref_slice %arg9[%dma_wait3A_437, %dma_wait3A_445, %dma_wait3A_446] : memref<16x80x128xbf16, #tpu.memory_space<vmem>> -> memref<1x80x128xbf16, #tpu.memory_space<vmem>>
    %dma_wait3A_448 = tpu.memref_squeeze %dma_wait3A_447 : memref<1x80x128xbf16, #tpu.memory_space<vmem>> -> memref<80x128xbf16, #tpu.memory_space<vmem>>
    %dma_wait3A_449 = arith.constant 0 : i32
    %dma_wait3A_450 = arith.constant 0 : i32
    %dma_wait3A_451 = tpu.memref_slice %arg5[%dma_wait3A_449, %dma_wait3A_450] : memref<10112x128xbf16, #tpu.memory_space<hbm>> -> memref<80x128xbf16, #tpu.memory_space<hbm>>
    tpu.wait_dma2 semaphore(%arg11 : memref<!tpu.dma_semaphore, #tpu.memory_space<semaphore_mem>>) src(%dma_wait3A_451 : memref<80x128xbf16, #tpu.memory_space<hbm>>) dst(%dma_wait3A_448 : memref<80x128xbf16, #tpu.memory_space<vmem>>)
    %div3A_452 = arith.constant 125 : i32
    %div3A_453 = arith.constant 16 : i32
    %div3A_454 = arith.divsi %div3A_452, %div3A_453 : i32
    %rem3A_455 = arith.constant 3 : i32
    %rem3A_456 = arith.remsi %div3A_454, %rem3A_455 : i32
    %rem3A_457 = arith.constant 125 : i32
    %rem3A_458 = arith.constant 16 : i32
    %rem3A_459 = arith.remsi %rem3A_457, %rem3A_458 : i32
    %dma_start3A_460 = arith.constant 13 : i32
    %dma_start3A_461 = arith.constant 0 : i32
    %dma_start3A_462 = arith.constant 0 : i32
    %dma_start3A_463 = tpu.memref_slice %arg9[%dma_start3A_460, %dma_start3A_461, %dma_start3A_462] : memref<16x80x128xbf16, #tpu.memory_space<vmem>> -> memref<1x80x128xbf16, #tpu.memory_space<vmem>>
    %dma_start3A_464 = tpu.memref_squeeze %dma_start3A_463 : memref<1x80x128xbf16, #tpu.memory_space<vmem>> -> memref<80x128xbf16, #tpu.memory_space<vmem>>
    %dma_start3A_465 = arith.constant 0 : i32
    %dma_start3A_466 = tpu.memref_slice %arg8[%rem3A_456, %rem3A_459, %dma_start3A_465] : memref<3x16x80xi32, #tpu.memory_space<vmem>> -> memref<1x1x80xi32, #tpu.memory_space<vmem>>
    %dma_start3A_467 = tpu.memref_squeeze %dma_start3A_466 : memref<1x1x80xi32, #tpu.memory_space<vmem>> -> memref<80xi32, #tpu.memory_space<vmem>>
    %dma_start3A_468 = arith.constant 0 : i32
    %dma_start3A_469 = arith.constant 0 : i32
    %dma_start3A_470 = tpu.memref_slice %arg10[%dma_start3A_468, %dma_start3A_469] : memref<10112x128xbf16, #tpu.memory_space<vmem_shared>> -> memref<10112x128xbf16, #tpu.memory_space<vmem_shared>>
    tpu.enqueue_indirect_dma source(%dma_start3A_464 : memref<80x128xbf16, #tpu.memory_space<vmem>>) target(%dma_start3A_470 : memref<10112x128xbf16, #tpu.memory_space<vmem_shared>>) offsets(%dma_start3A_467 : memref<80xi32, #tpu.memory_space<vmem>>) semaphore(%arg12 : memref<!tpu.dma_semaphore, #tpu.memory_space<semaphore_mem>>) {add = true}
    %dma_wait3A_471 = arith.constant 0 : i32
    %dma_wait3A_472 = arith.constant 0 : i32
    %dma_wait3A_473 = arith.constant 0 : i32
    %dma_wait3A_474 = tpu.memref_slice %arg9[%dma_wait3A_471, %dma_wait3A_472, %dma_wait3A_473] : memref<16x80x128xbf16, #tpu.memory_space<vmem>> -> memref<1x80x128xbf16, #tpu.memory_space<vmem>>
    %dma_wait3A_475 = tpu.memref_squeeze %dma_wait3A_474 : memref<1x80x128xbf16, #tpu.memory_space<vmem>> -> memref<80x128xbf16, #tpu.memory_space<vmem>>
    %dma_wait3A_476 = arith.constant 0 : i32
    %dma_wait3A_477 = arith.constant 0 : i32
    %dma_wait3A_478 = tpu.memref_slice %arg5[%dma_wait3A_476, %dma_wait3A_477] : memref<10112x128xbf16, #tpu.memory_space<hbm>> -> memref<80x128xbf16, #tpu.memory_space<hbm>>
    %dma_wait3A_479 = arith.constant 0 : i32
    %dma_wait3A_480 = arith.constant 0 : i32
    %dma_wait3A_481 = tpu.memref_slice %arg9[%dma_wait3A_471, %dma_wait3A_479, %dma_wait3A_480] : memref<16x80x128xbf16, #tpu.memory_space<vmem>> -> memref<1x80x128xbf16, #tpu.memory_space<vmem>>
    %dma_wait3A_482 = tpu.memref_squeeze %dma_wait3A_481 : memref<1x80x128xbf16, #tpu.memory_space<vmem>> -> memref<80x128xbf16, #tpu.memory_space<vmem>>
    %dma_wait3A_483 = arith.constant 0 : i32
    %dma_wait3A_484 = arith.constant 0 : i32
    %dma_wait3A_485 = tpu.memref_slice %arg5[%dma_wait3A_483, %dma_wait3A_484] : memref<10112x128xbf16, #tpu.memory_space<hbm>> -> memref<80x128xbf16, #tpu.memory_space<hbm>>
    tpu.wait_dma2 semaphore(%arg11 : memref<!tpu.dma_semaphore, #tpu.memory_space<semaphore_mem>>) src(%dma_wait3A_485 : memref<80x128xbf16, #tpu.memory_space<hbm>>) dst(%dma_wait3A_482 : memref<80x128xbf16, #tpu.memory_space<vmem>>)
    %div3A_486 = arith.constant 126 : i32
    %div3A_487 = arith.constant 16 : i32
    %div3A_488 = arith.divsi %div3A_486, %div3A_487 : i32
    %rem3A_489 = arith.constant 3 : i32
    %rem3A_490 = arith.remsi %div3A_488, %rem3A_489 : i32
    %rem3A_491 = arith.constant 126 : i32
    %rem3A_492 = arith.constant 16 : i32
    %rem3A_493 = arith.remsi %rem3A_491, %rem3A_492 : i32
    %dma_start3A_494 = arith.constant 14 : i32
    %dma_start3A_495 = arith.constant 0 : i32
    %dma_start3A_496 = arith.constant 0 : i32
    %dma_start3A_497 = tpu.memref_slice %arg9[%dma_start3A_494, %dma_start3A_495, %dma_start3A_496] : memref<16x80x128xbf16, #tpu.memory_space<vmem>> -> memref<1x80x128xbf16, #tpu.memory_space<vmem>>
    %dma_start3A_498 = tpu.memref_squeeze %dma_start3A_497 : memref<1x80x128xbf16, #tpu.memory_space<vmem>> -> memref<80x128xbf16, #tpu.memory_space<vmem>>
    %dma_start3A_499 = arith.constant 0 : i32
    %dma_start3A_500 = tpu.memref_slice %arg8[%rem3A_490, %rem3A_493, %dma_start3A_499] : memref<3x16x80xi32, #tpu.memory_space<vmem>> -> memref<1x1x80xi32, #tpu.memory_space<vmem>>
    %dma_start3A_501 = tpu.memref_squeeze %dma_start3A_500 : memref<1x1x80xi32, #tpu.memory_space<vmem>> -> memref<80xi32, #tpu.memory_space<vmem>>
    %dma_start3A_502 = arith.constant 0 : i32
    %dma_start3A_503 = arith.constant 0 : i32
    %dma_start3A_504 = tpu.memref_slice %arg10[%dma_start3A_502, %dma_start3A_503] : memref<10112x128xbf16, #tpu.memory_space<vmem_shared>> -> memref<10112x128xbf16, #tpu.memory_space<vmem_shared>>
    tpu.enqueue_indirect_dma source(%dma_start3A_498 : memref<80x128xbf16, #tpu.memory_space<vmem>>) target(%dma_start3A_504 : memref<10112x128xbf16, #tpu.memory_space<vmem_shared>>) offsets(%dma_start3A_501 : memref<80xi32, #tpu.memory_space<vmem>>) semaphore(%arg12 : memref<!tpu.dma_semaphore, #tpu.memory_space<semaphore_mem>>) {add = true}
    %dma_wait3A_505 = arith.constant 0 : i32
    %dma_wait3A_506 = arith.constant 0 : i32
    %dma_wait3A_507 = arith.constant 0 : i32
    %dma_wait3A_508 = tpu.memref_slice %arg9[%dma_wait3A_505, %dma_wait3A_506, %dma_wait3A_507] : memref<16x80x128xbf16, #tpu.memory_space<vmem>> -> memref<1x80x128xbf16, #tpu.memory_space<vmem>>
    %dma_wait3A_509 = tpu.memref_squeeze %dma_wait3A_508 : memref<1x80x128xbf16, #tpu.memory_space<vmem>> -> memref<80x128xbf16, #tpu.memory_space<vmem>>
    %dma_wait3A_510 = arith.constant 0 : i32
    %dma_wait3A_511 = arith.constant 0 : i32
    %dma_wait3A_512 = tpu.memref_slice %arg5[%dma_wait3A_510, %dma_wait3A_511] : memref<10112x128xbf16, #tpu.memory_space<hbm>> -> memref<80x128xbf16, #tpu.memory_space<hbm>>
    %dma_wait3A_513 = arith.constant 0 : i32
    %dma_wait3A_514 = arith.constant 0 : i32
    %dma_wait3A_515 = tpu.memref_slice %arg9[%dma_wait3A_505, %dma_wait3A_513, %dma_wait3A_514] : memref<16x80x128xbf16, #tpu.memory_space<vmem>> -> memref<1x80x128xbf16, #tpu.memory_space<vmem>>
    %dma_wait3A_516 = tpu.memref_squeeze %dma_wait3A_515 : memref<1x80x128xbf16, #tpu.memory_space<vmem>> -> memref<80x128xbf16, #tpu.memory_space<vmem>>
    %dma_wait3A_517 = arith.constant 0 : i32
    %dma_wait3A_518 = arith.constant 0 : i32
    %dma_wait3A_519 = tpu.memref_slice %arg5[%dma_wait3A_517, %dma_wait3A_518] : memref<10112x128xbf16, #tpu.memory_space<hbm>> -> memref<80x128xbf16, #tpu.memory_space<hbm>>
    tpu.wait_dma2 semaphore(%arg11 : memref<!tpu.dma_semaphore, #tpu.memory_space<semaphore_mem>>) src(%dma_wait3A_519 : memref<80x128xbf16, #tpu.memory_space<hbm>>) dst(%dma_wait3A_516 : memref<80x128xbf16, #tpu.memory_space<vmem>>)
    %div3A_520 = arith.constant 127 : i32
    %div3A_521 = arith.constant 16 : i32
    %div3A_522 = arith.divsi %div3A_520, %div3A_521 : i32
    %rem3A_523 = arith.constant 3 : i32
    %rem3A_524 = arith.remsi %div3A_522, %rem3A_523 : i32
    %rem3A_525 = arith.constant 127 : i32
    %rem3A_526 = arith.constant 16 : i32
    %rem3A_527 = arith.remsi %rem3A_525, %rem3A_526 : i32
    %dma_start3A_528 = arith.constant 15 : i32
    %dma_start3A_529 = arith.constant 0 : i32
    %dma_start3A_530 = arith.constant 0 : i32
    %dma_start3A_531 = tpu.memref_slice %arg9[%dma_start3A_528, %dma_start3A_529, %dma_start3A_530] : memref<16x80x128xbf16, #tpu.memory_space<vmem>> -> memref<1x80x128xbf16, #tpu.memory_space<vmem>>
    %dma_start3A_532 = tpu.memref_squeeze %dma_start3A_531 : memref<1x80x128xbf16, #tpu.memory_space<vmem>> -> memref<80x128xbf16, #tpu.memory_space<vmem>>
    %dma_start3A_533 = arith.constant 0 : i32
    %dma_start3A_534 = tpu.memref_slice %arg8[%rem3A_524, %rem3A_527, %dma_start3A_533] : memref<3x16x80xi32, #tpu.memory_space<vmem>> -> memref<1x1x80xi32, #tpu.memory_space<vmem>>
    %dma_start3A_535 = tpu.memref_squeeze %dma_start3A_534 : memref<1x1x80xi32, #tpu.memory_space<vmem>> -> memref<80xi32, #tpu.memory_space<vmem>>
    %dma_start3A_536 = arith.constant 0 : i32
    %dma_start3A_537 = arith.constant 0 : i32
    %dma_start3A_538 = tpu.memref_slice %arg10[%dma_start3A_536, %dma_start3A_537] : memref<10112x128xbf16, #tpu.memory_space<vmem_shared>> -> memref<10112x128xbf16, #tpu.memory_space<vmem_shared>>
    tpu.enqueue_indirect_dma source(%dma_start3A_532 : memref<80x128xbf16, #tpu.memory_space<vmem>>) target(%dma_start3A_538 : memref<10112x128xbf16, #tpu.memory_space<vmem_shared>>) offsets(%dma_start3A_535 : memref<80xi32, #tpu.memory_space<vmem>>) semaphore(%arg12 : memref<!tpu.dma_semaphore, #tpu.memory_space<semaphore_mem>>) {add = true}
    %dma_wait3A_539 = arith.constant 0 : i32
    %dma_wait3A_540 = arith.constant 0 : i32
    %dma_wait3A_541 = arith.constant 0 : i32
    %dma_wait3A_542 = tpu.memref_slice %arg9[%dma_wait3A_539, %dma_wait3A_540, %dma_wait3A_541] : memref<16x80x128xbf16, #tpu.memory_space<vmem>> -> memref<1x80x128xbf16, #tpu.memory_space<vmem>>
    %dma_wait3A_543 = tpu.memref_squeeze %dma_wait3A_542 : memref<1x80x128xbf16, #tpu.memory_space<vmem>> -> memref<80x128xbf16, #tpu.memory_space<vmem>>
    %dma_wait3A_544 = arith.constant 0 : i32
    %dma_wait3A_545 = arith.constant 0 : i32
    %dma_wait3A_546 = tpu.memref_slice %arg5[%dma_wait3A_544, %dma_wait3A_545] : memref<10112x128xbf16, #tpu.memory_space<hbm>> -> memref<80x128xbf16, #tpu.memory_space<hbm>>
    %dma_wait3A_547 = arith.constant 0 : i32
    %dma_wait3A_548 = arith.constant 0 : i32
    %dma_wait3A_549 = tpu.memref_slice %arg9[%dma_wait3A_539, %dma_wait3A_547, %dma_wait3A_548] : memref<16x80x128xbf16, #tpu.memory_space<vmem>> -> memref<1x80x128xbf16, #tpu.memory_space<vmem>>
    %dma_wait3A_550 = tpu.memref_squeeze %dma_wait3A_549 : memref<1x80x128xbf16, #tpu.memory_space<vmem>> -> memref<80x128xbf16, #tpu.memory_space<vmem>>
    %dma_wait3A_551 = arith.constant 0 : i32
    %dma_wait3A_552 = arith.constant 0 : i32
    %dma_wait3A_553 = tpu.memref_slice %arg5[%dma_wait3A_551, %dma_wait3A_552] : memref<10112x128xbf16, #tpu.memory_space<hbm>> -> memref<80x128xbf16, #tpu.memory_space<hbm>>
    tpu.wait_dma2 semaphore(%arg12 : memref<!tpu.dma_semaphore, #tpu.memory_space<semaphore_mem>>) src(%dma_wait3A_553 : memref<80x128xbf16, #tpu.memory_space<hbm>>) dst(%dma_wait3A_550 : memref<80x128xbf16, #tpu.memory_space<vmem>>)
    %dma_wait3A_554 = arith.constant 0 : i32
    %dma_wait3A_555 = arith.constant 0 : i32
    %dma_wait3A_556 = arith.constant 0 : i32
    %dma_wait3A_557 = tpu.memref_slice %arg9[%dma_wait3A_554, %dma_wait3A_555, %dma_wait3A_556] : memref<16x80x128xbf16, #tpu.memory_space<vmem>> -> memref<1x80x128xbf16, #tpu.memory_space<vmem>>
    %dma_wait3A_558 = tpu.memref_squeeze %dma_wait3A_557 : memref<1x80x128xbf16, #tpu.memory_space<vmem>> -> memref<80x128xbf16, #tpu.memory_space<vmem>>
    %dma_wait3A_559 = arith.constant 0 : i32
    %dma_wait3A_560 = arith.constant 0 : i32
    %dma_wait3A_561 = tpu.memref_slice %arg5[%dma_wait3A_559, %dma_wait3A_560] : memref<10112x128xbf16, #tpu.memory_space<hbm>> -> memref<80x128xbf16, #tpu.memory_space<hbm>>
    %dma_wait3A_562 = arith.constant 0 : i32
    %dma_wait3A_563 = arith.constant 0 : i32
    %dma_wait3A_564 = tpu.memref_slice %arg9[%dma_wait3A_554, %dma_wait3A_562, %dma_wait3A_563] : memref<16x80x128xbf16, #tpu.memory_space<vmem>> -> memref<1x80x128xbf16, #tpu.memory_space<vmem>>
    %dma_wait3A_565 = tpu.memref_squeeze %dma_wait3A_564 : memref<1x80x128xbf16, #tpu.memory_space<vmem>> -> memref<80x128xbf16, #tpu.memory_space<vmem>>
    %dma_wait3A_566 = arith.constant 0 : i32
    %dma_wait3A_567 = arith.constant 0 : i32
    %dma_wait3A_568 = tpu.memref_slice %arg5[%dma_wait3A_566, %dma_wait3A_567] : memref<10112x128xbf16, #tpu.memory_space<hbm>> -> memref<80x128xbf16, #tpu.memory_space<hbm>>
    tpu.wait_dma2 semaphore(%arg12 : memref<!tpu.dma_semaphore, #tpu.memory_space<semaphore_mem>>) src(%dma_wait3A_568 : memref<80x128xbf16, #tpu.memory_space<hbm>>) dst(%dma_wait3A_565 : memref<80x128xbf16, #tpu.memory_space<vmem>>)
    %dma_wait3A_569 = arith.constant 0 : i32
    %dma_wait3A_570 = arith.constant 0 : i32
    %dma_wait3A_571 = arith.constant 0 : i32
    %dma_wait3A_572 = tpu.memref_slice %arg9[%dma_wait3A_569, %dma_wait3A_570, %dma_wait3A_571] : memref<16x80x128xbf16, #tpu.memory_space<vmem>> -> memref<1x80x128xbf16, #tpu.memory_space<vmem>>
    %dma_wait3A_573 = tpu.memref_squeeze %dma_wait3A_572 : memref<1x80x128xbf16, #tpu.memory_space<vmem>> -> memref<80x128xbf16, #tpu.memory_space<vmem>>
    %dma_wait3A_574 = arith.constant 0 : i32
    %dma_wait3A_575 = arith.constant 0 : i32
    %dma_wait3A_576 = tpu.memref_slice %arg5[%dma_wait3A_574, %dma_wait3A_575] : memref<10112x128xbf16, #tpu.memory_space<hbm>> -> memref<80x128xbf16, #tpu.memory_space<hbm>>
    %dma_wait3A_577 = arith.constant 0 : i32
    %dma_wait3A_578 = arith.constant 0 : i32
    %dma_wait3A_579 = tpu.memref_slice %arg9[%dma_wait3A_569, %dma_wait3A_577, %dma_wait3A_578] : memref<16x80x128xbf16, #tpu.memory_space<vmem>> -> memref<1x80x128xbf16, #tpu.memory_space<vmem>>
    %dma_wait3A_580 = tpu.memref_squeeze %dma_wait3A_579 : memref<1x80x128xbf16, #tpu.memory_space<vmem>> -> memref<80x128xbf16, #tpu.memory_space<vmem>>
    %dma_wait3A_581 = arith.constant 0 : i32
    %dma_wait3A_582 = arith.constant 0 : i32
    %dma_wait3A_583 = tpu.memref_slice %arg5[%dma_wait3A_581, %dma_wait3A_582] : memref<10112x128xbf16, #tpu.memory_space<hbm>> -> memref<80x128xbf16, #tpu.memory_space<hbm>>
    tpu.wait_dma2 semaphore(%arg12 : memref<!tpu.dma_semaphore, #tpu.memory_space<semaphore_mem>>) src(%dma_wait3A_583 : memref<80x128xbf16, #tpu.memory_space<hbm>>) dst(%dma_wait3A_580 : memref<80x128xbf16, #tpu.memory_space<vmem>>)
    %dma_wait3A_584 = arith.constant 0 : i32
    %dma_wait3A_585 = arith.constant 0 : i32
    %dma_wait3A_586 = arith.constant 0 : i32
    %dma_wait3A_587 = tpu.memref_slice %arg9[%dma_wait3A_584, %dma_wait3A_585, %dma_wait3A_586] : memref<16x80x128xbf16, #tpu.memory_space<vmem>> -> memref<1x80x128xbf16, #tpu.memory_space<vmem>>
    %dma_wait3A_588 = tpu.memref_squeeze %dma_wait3A_587 : memref<1x80x128xbf16, #tpu.memory_space<vmem>> -> memref<80x128xbf16, #tpu.memory_space<vmem>>
    %dma_wait3A_589 = arith.constant 0 : i32
    %dma_wait3A_590 = arith.constant 0 : i32
    %dma_wait3A_591 = tpu.memref_slice %arg5[%dma_wait3A_589, %dma_wait3A_590] : memref<10112x128xbf16, #tpu.memory_space<hbm>> -> memref<80x128xbf16, #tpu.memory_space<hbm>>
    %dma_wait3A_592 = arith.constant 0 : i32
    %dma_wait3A_593 = arith.constant 0 : i32
    %dma_wait3A_594 = tpu.memref_slice %arg9[%dma_wait3A_584, %dma_wait3A_592, %dma_wait3A_593] : memref<16x80x128xbf16, #tpu.memory_space<vmem>> -> memref<1x80x128xbf16, #tpu.memory_space<vmem>>
    %dma_wait3A_595 = tpu.memref_squeeze %dma_wait3A_594 : memref<1x80x128xbf16, #tpu.memory_space<vmem>> -> memref<80x128xbf16, #tpu.memory_space<vmem>>
    %dma_wait3A_596 = arith.constant 0 : i32
    %dma_wait3A_597 = arith.constant 0 : i32
    %dma_wait3A_598 = tpu.memref_slice %arg5[%dma_wait3A_596, %dma_wait3A_597] : memref<10112x128xbf16, #tpu.memory_space<hbm>> -> memref<80x128xbf16, #tpu.memory_space<hbm>>
    tpu.wait_dma2 semaphore(%arg12 : memref<!tpu.dma_semaphore, #tpu.memory_space<semaphore_mem>>) src(%dma_wait3A_598 : memref<80x128xbf16, #tpu.memory_space<hbm>>) dst(%dma_wait3A_595 : memref<80x128xbf16, #tpu.memory_space<vmem>>)
    %dma_wait3A_599 = arith.constant 0 : i32
    %dma_wait3A_600 = arith.constant 0 : i32
    %dma_wait3A_601 = arith.constant 0 : i32
    %dma_wait3A_602 = tpu.memref_slice %arg9[%dma_wait3A_599, %dma_wait3A_600, %dma_wait3A_601] : memref<16x80x128xbf16, #tpu.memory_space<vmem>> -> memref<1x80x128xbf16, #tpu.memory_space<vmem>>
    %dma_wait3A_603 = tpu.memref_squeeze %dma_wait3A_602 : memref<1x80x128xbf16, #tpu.memory_space<vmem>> -> memref<80x128xbf16, #tpu.memory_space<vmem>>
    %dma_wait3A_604 = arith.constant 0 : i32
    %dma_wait3A_605 = arith.constant 0 : i32
    %dma_wait3A_606 = tpu.memref_slice %arg5[%dma_wait3A_604, %dma_wait3A_605] : memref<10112x128xbf16, #tpu.memory_space<hbm>> -> memref<80x128xbf16, #tpu.memory_space<hbm>>
    %dma_wait3A_607 = arith.constant 0 : i32
    %dma_wait3A_608 = arith.constant 0 : i32
    %dma_wait3A_609 = tpu.memref_slice %arg9[%dma_wait3A_599, %dma_wait3A_607, %dma_wait3A_608] : memref<16x80x128xbf16, #tpu.memory_space<vmem>> -> memref<1x80x128xbf16, #tpu.memory_space<vmem>>
    %dma_wait3A_610 = tpu.memref_squeeze %dma_wait3A_609 : memref<1x80x128xbf16, #tpu.memory_space<vmem>> -> memref<80x128xbf16, #tpu.memory_space<vmem>>
    %dma_wait3A_611 = arith.constant 0 : i32
    %dma_wait3A_612 = arith.constant 0 : i32
    %dma_wait3A_613 = tpu.memref_slice %arg5[%dma_wait3A_611, %dma_wait3A_612] : memref<10112x128xbf16, #tpu.memory_space<hbm>> -> memref<80x128xbf16, #tpu.memory_space<hbm>>
    tpu.wait_dma2 semaphore(%arg12 : memref<!tpu.dma_semaphore, #tpu.memory_space<semaphore_mem>>) src(%dma_wait3A_613 : memref<80x128xbf16, #tpu.memory_space<hbm>>) dst(%dma_wait3A_610 : memref<80x128xbf16, #tpu.memory_space<vmem>>)
    %dma_wait3A_614 = arith.constant 0 : i32
    %dma_wait3A_615 = arith.constant 0 : i32
    %dma_wait3A_616 = arith.constant 0 : i32
    %dma_wait3A_617 = tpu.memref_slice %arg9[%dma_wait3A_614, %dma_wait3A_615, %dma_wait3A_616] : memref<16x80x128xbf16, #tpu.memory_space<vmem>> -> memref<1x80x128xbf16, #tpu.memory_space<vmem>>
    %dma_wait3A_618 = tpu.memref_squeeze %dma_wait3A_617 : memref<1x80x128xbf16, #tpu.memory_space<vmem>> -> memref<80x128xbf16, #tpu.memory_space<vmem>>
    %dma_wait3A_619 = arith.constant 0 : i32
    %dma_wait3A_620 = arith.constant 0 : i32
    %dma_wait3A_621 = tpu.memref_slice %arg5[%dma_wait3A_619, %dma_wait3A_620] : memref<10112x128xbf16, #tpu.memory_space<hbm>> -> memref<80x128xbf16, #tpu.memory_space<hbm>>
    %dma_wait3A_622 = arith.constant 0 : i32
    %dma_wait3A_623 = arith.constant 0 : i32
    %dma_wait3A_624 = tpu.memref_slice %arg9[%dma_wait3A_614, %dma_wait3A_622, %dma_wait3A_623] : memref<16x80x128xbf16, #tpu.memory_space<vmem>> -> memref<1x80x128xbf16, #tpu.memory_space<vmem>>
    %dma_wait3A_625 = tpu.memref_squeeze %dma_wait3A_624 : memref<1x80x128xbf16, #tpu.memory_space<vmem>> -> memref<80x128xbf16, #tpu.memory_space<vmem>>
    %dma_wait3A_626 = arith.constant 0 : i32
    %dma_wait3A_627 = arith.constant 0 : i32
    %dma_wait3A_628 = tpu.memref_slice %arg5[%dma_wait3A_626, %dma_wait3A_627] : memref<10112x128xbf16, #tpu.memory_space<hbm>> -> memref<80x128xbf16, #tpu.memory_space<hbm>>
    tpu.wait_dma2 semaphore(%arg12 : memref<!tpu.dma_semaphore, #tpu.memory_space<semaphore_mem>>) src(%dma_wait3A_628 : memref<80x128xbf16, #tpu.memory_space<hbm>>) dst(%dma_wait3A_625 : memref<80x128xbf16, #tpu.memory_space<vmem>>)
    %dma_wait3A_629 = arith.constant 0 : i32
    %dma_wait3A_630 = arith.constant 0 : i32
    %dma_wait3A_631 = arith.constant 0 : i32
    %dma_wait3A_632 = tpu.memref_slice %arg9[%dma_wait3A_629, %dma_wait3A_630, %dma_wait3A_631] : memref<16x80x128xbf16, #tpu.memory_space<vmem>> -> memref<1x80x128xbf16, #tpu.memory_space<vmem>>
    %dma_wait3A_633 = tpu.memref_squeeze %dma_wait3A_632 : memref<1x80x128xbf16, #tpu.memory_space<vmem>> -> memref<80x128xbf16, #tpu.memory_space<vmem>>
    %dma_wait3A_634 = arith.constant 0 : i32
    %dma_wait3A_635 = arith.constant 0 : i32
    %dma_wait3A_636 = tpu.memref_slice %arg5[%dma_wait3A_634, %dma_wait3A_635] : memref<10112x128xbf16, #tpu.memory_space<hbm>> -> memref<80x128xbf16, #tpu.memory_space<hbm>>
    %dma_wait3A_637 = arith.constant 0 : i32
    %dma_wait3A_638 = arith.constant 0 : i32
    %dma_wait3A_639 = tpu.memref_slice %arg9[%dma_wait3A_629, %dma_wait3A_637, %dma_wait3A_638] : memref<16x80x128xbf16, #tpu.memory_space<vmem>> -> memref<1x80x128xbf16, #tpu.memory_space<vmem>>
    %dma_wait3A_640 = tpu.memref_squeeze %dma_wait3A_639 : memref<1x80x128xbf16, #tpu.memory_space<vmem>> -> memref<80x128xbf16, #tpu.memory_space<vmem>>
    %dma_wait3A_641 = arith.constant 0 : i32
    %dma_wait3A_642 = arith.constant 0 : i32
    %dma_wait3A_643 = tpu.memref_slice %arg5[%dma_wait3A_641, %dma_wait3A_642] : memref<10112x128xbf16, #tpu.memory_space<hbm>> -> memref<80x128xbf16, #tpu.memory_space<hbm>>
    tpu.wait_dma2 semaphore(%arg12 : memref<!tpu.dma_semaphore, #tpu.memory_space<semaphore_mem>>) src(%dma_wait3A_643 : memref<80x128xbf16, #tpu.memory_space<hbm>>) dst(%dma_wait3A_640 : memref<80x128xbf16, #tpu.memory_space<vmem>>)
    %dma_wait3A_644 = arith.constant 0 : i32
    %dma_wait3A_645 = arith.constant 0 : i32
    %dma_wait3A_646 = arith.constant 0 : i32
    %dma_wait3A_647 = tpu.memref_slice %arg9[%dma_wait3A_644, %dma_wait3A_645, %dma_wait3A_646] : memref<16x80x128xbf16, #tpu.memory_space<vmem>> -> memref<1x80x128xbf16, #tpu.memory_space<vmem>>
    %dma_wait3A_648 = tpu.memref_squeeze %dma_wait3A_647 : memref<1x80x128xbf16, #tpu.memory_space<vmem>> -> memref<80x128xbf16, #tpu.memory_space<vmem>>
    %dma_wait3A_649 = arith.constant 0 : i32
    %dma_wait3A_650 = arith.constant 0 : i32
    %dma_wait3A_651 = tpu.memref_slice %arg5[%dma_wait3A_649, %dma_wait3A_650] : memref<10112x128xbf16, #tpu.memory_space<hbm>> -> memref<80x128xbf16, #tpu.memory_space<hbm>>
    %dma_wait3A_652 = arith.constant 0 : i32
    %dma_wait3A_653 = arith.constant 0 : i32
    %dma_wait3A_654 = tpu.memref_slice %arg9[%dma_wait3A_644, %dma_wait3A_652, %dma_wait3A_653] : memref<16x80x128xbf16, #tpu.memory_space<vmem>> -> memref<1x80x128xbf16, #tpu.memory_space<vmem>>
    %dma_wait3A_655 = tpu.memref_squeeze %dma_wait3A_654 : memref<1x80x128xbf16, #tpu.memory_space<vmem>> -> memref<80x128xbf16, #tpu.memory_space<vmem>>
    %dma_wait3A_656 = arith.constant 0 : i32
    %dma_wait3A_657 = arith.constant 0 : i32
    %dma_wait3A_658 = tpu.memref_slice %arg5[%dma_wait3A_656, %dma_wait3A_657] : memref<10112x128xbf16, #tpu.memory_space<hbm>> -> memref<80x128xbf16, #tpu.memory_space<hbm>>
    tpu.wait_dma2 semaphore(%arg12 : memref<!tpu.dma_semaphore, #tpu.memory_space<semaphore_mem>>) src(%dma_wait3A_658 : memref<80x128xbf16, #tpu.memory_space<hbm>>) dst(%dma_wait3A_655 : memref<80x128xbf16, #tpu.memory_space<vmem>>)
    %dma_wait3A_659 = arith.constant 0 : i32
    %dma_wait3A_660 = arith.constant 0 : i32
    %dma_wait3A_661 = arith.constant 0 : i32
    %dma_wait3A_662 = tpu.memref_slice %arg9[%dma_wait3A_659, %dma_wait3A_660, %dma_wait3A_661] : memref<16x80x128xbf16, #tpu.memory_space<vmem>> -> memref<1x80x128xbf16, #tpu.memory_space<vmem>>
    %dma_wait3A_663 = tpu.memref_squeeze %dma_wait3A_662 : memref<1x80x128xbf16, #tpu.memory_space<vmem>> -> memref<80x128xbf16, #tpu.memory_space<vmem>>
    %dma_wait3A_664 = arith.constant 0 : i32
    %dma_wait3A_665 = arith.constant 0 : i32
    %dma_wait3A_666 = tpu.memref_slice %arg5[%dma_wait3A_664, %dma_wait3A_665] : memref<10112x128xbf16, #tpu.memory_space<hbm>> -> memref<80x128xbf16, #tpu.memory_space<hbm>>
    %dma_wait3A_667 = arith.constant 0 : i32
    %dma_wait3A_668 = arith.constant 0 : i32
    %dma_wait3A_669 = tpu.memref_slice %arg9[%dma_wait3A_659, %dma_wait3A_667, %dma_wait3A_668] : memref<16x80x128xbf16, #tpu.memory_space<vmem>> -> memref<1x80x128xbf16, #tpu.memory_space<vmem>>
    %dma_wait3A_670 = tpu.memref_squeeze %dma_wait3A_669 : memref<1x80x128xbf16, #tpu.memory_space<vmem>> -> memref<80x128xbf16, #tpu.memory_space<vmem>>
    %dma_wait3A_671 = arith.constant 0 : i32
    %dma_wait3A_672 = arith.constant 0 : i32
    %dma_wait3A_673 = tpu.memref_slice %arg5[%dma_wait3A_671, %dma_wait3A_672] : memref<10112x128xbf16, #tpu.memory_space<hbm>> -> memref<80x128xbf16, #tpu.memory_space<hbm>>
    tpu.wait_dma2 semaphore(%arg12 : memref<!tpu.dma_semaphore, #tpu.memory_space<semaphore_mem>>) src(%dma_wait3A_673 : memref<80x128xbf16, #tpu.memory_space<hbm>>) dst(%dma_wait3A_670 : memref<80x128xbf16, #tpu.memory_space<vmem>>)
    %dma_wait3A_674 = arith.constant 0 : i32
    %dma_wait3A_675 = arith.constant 0 : i32
    %dma_wait3A_676 = arith.constant 0 : i32
    %dma_wait3A_677 = tpu.memref_slice %arg9[%dma_wait3A_674, %dma_wait3A_675, %dma_wait3A_676] : memref<16x80x128xbf16, #tpu.memory_space<vmem>> -> memref<1x80x128xbf16, #tpu.memory_space<vmem>>
    %dma_wait3A_678 = tpu.memref_squeeze %dma_wait3A_677 : memref<1x80x128xbf16, #tpu.memory_space<vmem>> -> memref<80x128xbf16, #tpu.memory_space<vmem>>
    %dma_wait3A_679 = arith.constant 0 : i32
    %dma_wait3A_680 = arith.constant 0 : i32
    %dma_wait3A_681 = tpu.memref_slice %arg5[%dma_wait3A_679, %dma_wait3A_680] : memref<10112x128xbf16, #tpu.memory_space<hbm>> -> memref<80x128xbf16, #tpu.memory_space<hbm>>
    %dma_wait3A_682 = arith.constant 0 : i32
    %dma_wait3A_683 = arith.constant 0 : i32
    %dma_wait3A_684 = tpu.memref_slice %arg9[%dma_wait3A_674, %dma_wait3A_682, %dma_wait3A_683] : memref<16x80x128xbf16, #tpu.memory_space<vmem>> -> memref<1x80x128xbf16, #tpu.memory_space<vmem>>
    %dma_wait3A_685 = tpu.memref_squeeze %dma_wait3A_684 : memref<1x80x128xbf16, #tpu.memory_space<vmem>> -> memref<80x128xbf16, #tpu.memory_space<vmem>>
    %dma_wait3A_686 = arith.constant 0 : i32
    %dma_wait3A_687 = arith.constant 0 : i32
    %dma_wait3A_688 = tpu.memref_slice %arg5[%dma_wait3A_686, %dma_wait3A_687] : memref<10112x128xbf16, #tpu.memory_space<hbm>> -> memref<80x128xbf16, #tpu.memory_space<hbm>>
    tpu.wait_dma2 semaphore(%arg12 : memref<!tpu.dma_semaphore, #tpu.memory_space<semaphore_mem>>) src(%dma_wait3A_688 : memref<80x128xbf16, #tpu.memory_space<hbm>>) dst(%dma_wait3A_685 : memref<80x128xbf16, #tpu.memory_space<vmem>>)
    %dma_wait3A_689 = arith.constant 0 : i32
    %dma_wait3A_690 = arith.constant 0 : i32
    %dma_wait3A_691 = arith.constant 0 : i32
    %dma_wait3A_692 = tpu.memref_slice %arg9[%dma_wait3A_689, %dma_wait3A_690, %dma_wait3A_691] : memref<16x80x128xbf16, #tpu.memory_space<vmem>> -> memref<1x80x128xbf16, #tpu.memory_space<vmem>>
    %dma_wait3A_693 = tpu.memref_squeeze %dma_wait3A_692 : memref<1x80x128xbf16, #tpu.memory_space<vmem>> -> memref<80x128xbf16, #tpu.memory_space<vmem>>
    %dma_wait3A_694 = arith.constant 0 : i32
    %dma_wait3A_695 = arith.constant 0 : i32
    %dma_wait3A_696 = tpu.memref_slice %arg5[%dma_wait3A_694, %dma_wait3A_695] : memref<10112x128xbf16, #tpu.memory_space<hbm>> -> memref<80x128xbf16, #tpu.memory_space<hbm>>
    %dma_wait3A_697 = arith.constant 0 : i32
    %dma_wait3A_698 = arith.constant 0 : i32
    %dma_wait3A_699 = tpu.memref_slice %arg9[%dma_wait3A_689, %dma_wait3A_697, %dma_wait3A_698] : memref<16x80x128xbf16, #tpu.memory_space<vmem>> -> memref<1x80x128xbf16, #tpu.memory_space<vmem>>
    %dma_wait3A_700 = tpu.memref_squeeze %dma_wait3A_699 : memref<1x80x128xbf16, #tpu.memory_space<vmem>> -> memref<80x128xbf16, #tpu.memory_space<vmem>>
    %dma_wait3A_701 = arith.constant 0 : i32
    %dma_wait3A_702 = arith.constant 0 : i32
    %dma_wait3A_703 = tpu.memref_slice %arg5[%dma_wait3A_701, %dma_wait3A_702] : memref<10112x128xbf16, #tpu.memory_space<hbm>> -> memref<80x128xbf16, #tpu.memory_space<hbm>>
    tpu.wait_dma2 semaphore(%arg12 : memref<!tpu.dma_semaphore, #tpu.memory_space<semaphore_mem>>) src(%dma_wait3A_703 : memref<80x128xbf16, #tpu.memory_space<hbm>>) dst(%dma_wait3A_700 : memref<80x128xbf16, #tpu.memory_space<vmem>>)
    %dma_wait3A_704 = arith.constant 0 : i32
    %dma_wait3A_705 = arith.constant 0 : i32
    %dma_wait3A_706 = arith.constant 0 : i32
    %dma_wait3A_707 = tpu.memref_slice %arg9[%dma_wait3A_704, %dma_wait3A_705, %dma_wait3A_706] : memref<16x80x128xbf16, #tpu.memory_space<vmem>> -> memref<1x80x128xbf16, #tpu.memory_space<vmem>>
    %dma_wait3A_708 = tpu.memref_squeeze %dma_wait3A_707 : memref<1x80x128xbf16, #tpu.memory_space<vmem>> -> memref<80x128xbf16, #tpu.memory_space<vmem>>
    %dma_wait3A_709 = arith.constant 0 : i32
    %dma_wait3A_710 = arith.constant 0 : i32
    %dma_wait3A_711 = tpu.memref_slice %arg5[%dma_wait3A_709, %dma_wait3A_710] : memref<10112x128xbf16, #tpu.memory_space<hbm>> -> memref<80x128xbf16, #tpu.memory_space<hbm>>
    %dma_wait3A_712 = arith.constant 0 : i32
    %dma_wait3A_713 = arith.constant 0 : i32
    %dma_wait3A_714 = tpu.memref_slice %arg9[%dma_wait3A_704, %dma_wait3A_712, %dma_wait3A_713] : memref<16x80x128xbf16, #tpu.memory_space<vmem>> -> memref<1x80x128xbf16, #tpu.memory_space<vmem>>
    %dma_wait3A_715 = tpu.memref_squeeze %dma_wait3A_714 : memref<1x80x128xbf16, #tpu.memory_space<vmem>> -> memref<80x128xbf16, #tpu.memory_space<vmem>>
    %dma_wait3A_716 = arith.constant 0 : i32
    %dma_wait3A_717 = arith.constant 0 : i32
    %dma_wait3A_718 = tpu.memref_slice %arg5[%dma_wait3A_716, %dma_wait3A_717] : memref<10112x128xbf16, #tpu.memory_space<hbm>> -> memref<80x128xbf16, #tpu.memory_space<hbm>>
    tpu.wait_dma2 semaphore(%arg12 : memref<!tpu.dma_semaphore, #tpu.memory_space<semaphore_mem>>) src(%dma_wait3A_718 : memref<80x128xbf16, #tpu.memory_space<hbm>>) dst(%dma_wait3A_715 : memref<80x128xbf16, #tpu.memory_space<vmem>>)
    %dma_wait3A_719 = arith.constant 0 : i32
    %dma_wait3A_720 = arith.constant 0 : i32
    %dma_wait3A_721 = arith.constant 0 : i32
    %dma_wait3A_722 = tpu.memref_slice %arg9[%dma_wait3A_719, %dma_wait3A_720, %dma_wait3A_721] : memref<16x80x128xbf16, #tpu.memory_space<vmem>> -> memref<1x80x128xbf16, #tpu.memory_space<vmem>>
    %dma_wait3A_723 = tpu.memref_squeeze %dma_wait3A_722 : memref<1x80x128xbf16, #tpu.memory_space<vmem>> -> memref<80x128xbf16, #tpu.memory_space<vmem>>
    %dma_wait3A_724 = arith.constant 0 : i32
    %dma_wait3A_725 = arith.constant 0 : i32
    %dma_wait3A_726 = tpu.memref_slice %arg5[%dma_wait3A_724, %dma_wait3A_725] : memref<10112x128xbf16, #tpu.memory_space<hbm>> -> memref<80x128xbf16, #tpu.memory_space<hbm>>
    %dma_wait3A_727 = arith.constant 0 : i32
    %dma_wait3A_728 = arith.constant 0 : i32
    %dma_wait3A_729 = tpu.memref_slice %arg9[%dma_wait3A_719, %dma_wait3A_727, %dma_wait3A_728] : memref<16x80x128xbf16, #tpu.memory_space<vmem>> -> memref<1x80x128xbf16, #tpu.memory_space<vmem>>
    %dma_wait3A_730 = tpu.memref_squeeze %dma_wait3A_729 : memref<1x80x128xbf16, #tpu.memory_space<vmem>> -> memref<80x128xbf16, #tpu.memory_space<vmem>>
    %dma_wait3A_731 = arith.constant 0 : i32
    %dma_wait3A_732 = arith.constant 0 : i32
    %dma_wait3A_733 = tpu.memref_slice %arg5[%dma_wait3A_731, %dma_wait3A_732] : memref<10112x128xbf16, #tpu.memory_space<hbm>> -> memref<80x128xbf16, #tpu.memory_space<hbm>>
    tpu.wait_dma2 semaphore(%arg12 : memref<!tpu.dma_semaphore, #tpu.memory_space<semaphore_mem>>) src(%dma_wait3A_733 : memref<80x128xbf16, #tpu.memory_space<hbm>>) dst(%dma_wait3A_730 : memref<80x128xbf16, #tpu.memory_space<vmem>>)
    %dma_wait3A_734 = arith.constant 0 : i32
    %dma_wait3A_735 = arith.constant 0 : i32
    %dma_wait3A_736 = arith.constant 0 : i32
    %dma_wait3A_737 = tpu.memref_slice %arg9[%dma_wait3A_734, %dma_wait3A_735, %dma_wait3A_736] : memref<16x80x128xbf16, #tpu.memory_space<vmem>> -> memref<1x80x128xbf16, #tpu.memory_space<vmem>>
    %dma_wait3A_738 = tpu.memref_squeeze %dma_wait3A_737 : memref<1x80x128xbf16, #tpu.memory_space<vmem>> -> memref<80x128xbf16, #tpu.memory_space<vmem>>
    %dma_wait3A_739 = arith.constant 0 : i32
    %dma_wait3A_740 = arith.constant 0 : i32
    %dma_wait3A_741 = tpu.memref_slice %arg5[%dma_wait3A_739, %dma_wait3A_740] : memref<10112x128xbf16, #tpu.memory_space<hbm>> -> memref<80x128xbf16, #tpu.memory_space<hbm>>
    %dma_wait3A_742 = arith.constant 0 : i32
    %dma_wait3A_743 = arith.constant 0 : i32
    %dma_wait3A_744 = tpu.memref_slice %arg9[%dma_wait3A_734, %dma_wait3A_742, %dma_wait3A_743] : memref<16x80x128xbf16, #tpu.memory_space<vmem>> -> memref<1x80x128xbf16, #tpu.memory_space<vmem>>
    %dma_wait3A_745 = tpu.memref_squeeze %dma_wait3A_744 : memref<1x80x128xbf16, #tpu.memory_space<vmem>> -> memref<80x128xbf16, #tpu.memory_space<vmem>>
    %dma_wait3A_746 = arith.constant 0 : i32
    %dma_wait3A_747 = arith.constant 0 : i32
    %dma_wait3A_748 = tpu.memref_slice %arg5[%dma_wait3A_746, %dma_wait3A_747] : memref<10112x128xbf16, #tpu.memory_space<hbm>> -> memref<80x128xbf16, #tpu.memory_space<hbm>>
    tpu.wait_dma2 semaphore(%arg12 : memref<!tpu.dma_semaphore, #tpu.memory_space<semaphore_mem>>) src(%dma_wait3A_748 : memref<80x128xbf16, #tpu.memory_space<hbm>>) dst(%dma_wait3A_745 : memref<80x128xbf16, #tpu.memory_space<vmem>>)
    %dma_wait3A_749 = arith.constant 0 : i32
    %dma_wait3A_750 = arith.constant 0 : i32
    %dma_wait3A_751 = arith.constant 0 : i32
    %dma_wait3A_752 = tpu.memref_slice %arg9[%dma_wait3A_749, %dma_wait3A_750, %dma_wait3A_751] : memref<16x80x128xbf16, #tpu.memory_space<vmem>> -> memref<1x80x128xbf16, #tpu.memory_space<vmem>>
    %dma_wait3A_753 = tpu.memref_squeeze %dma_wait3A_752 : memref<1x80x128xbf16, #tpu.memory_space<vmem>> -> memref<80x128xbf16, #tpu.memory_space<vmem>>
    %dma_wait3A_754 = arith.constant 0 : i32
    %dma_wait3A_755 = arith.constant 0 : i32
    %dma_wait3A_756 = tpu.memref_slice %arg5[%dma_wait3A_754, %dma_wait3A_755] : memref<10112x128xbf16, #tpu.memory_space<hbm>> -> memref<80x128xbf16, #tpu.memory_space<hbm>>
    %dma_wait3A_757 = arith.constant 0 : i32
    %dma_wait3A_758 = arith.constant 0 : i32
    %dma_wait3A_759 = tpu.memref_slice %arg9[%dma_wait3A_749, %dma_wait3A_757, %dma_wait3A_758] : memref<16x80x128xbf16, #tpu.memory_space<vmem>> -> memref<1x80x128xbf16, #tpu.memory_space<vmem>>
    %dma_wait3A_760 = tpu.memref_squeeze %dma_wait3A_759 : memref<1x80x128xbf16, #tpu.memory_space<vmem>> -> memref<80x128xbf16, #tpu.memory_space<vmem>>
    %dma_wait3A_761 = arith.constant 0 : i32
    %dma_wait3A_762 = arith.constant 0 : i32
    %dma_wait3A_763 = tpu.memref_slice %arg5[%dma_wait3A_761, %dma_wait3A_762] : memref<10112x128xbf16, #tpu.memory_space<hbm>> -> memref<80x128xbf16, #tpu.memory_space<hbm>>
    tpu.wait_dma2 semaphore(%arg12 : memref<!tpu.dma_semaphore, #tpu.memory_space<semaphore_mem>>) src(%dma_wait3A_763 : memref<80x128xbf16, #tpu.memory_space<hbm>>) dst(%dma_wait3A_760 : memref<80x128xbf16, #tpu.memory_space<vmem>>)
    %dma_wait3A_764 = arith.constant 0 : i32
    %dma_wait3A_765 = arith.constant 0 : i32
    %dma_wait3A_766 = arith.constant 0 : i32
    %dma_wait3A_767 = tpu.memref_slice %arg9[%dma_wait3A_764, %dma_wait3A_765, %dma_wait3A_766] : memref<16x80x128xbf16, #tpu.memory_space<vmem>> -> memref<1x80x128xbf16, #tpu.memory_space<vmem>>
    %dma_wait3A_768 = tpu.memref_squeeze %dma_wait3A_767 : memref<1x80x128xbf16, #tpu.memory_space<vmem>> -> memref<80x128xbf16, #tpu.memory_space<vmem>>
    %dma_wait3A_769 = arith.constant 0 : i32
    %dma_wait3A_770 = arith.constant 0 : i32
    %dma_wait3A_771 = tpu.memref_slice %arg5[%dma_wait3A_769, %dma_wait3A_770] : memref<10112x128xbf16, #tpu.memory_space<hbm>> -> memref<80x128xbf16, #tpu.memory_space<hbm>>
    %dma_wait3A_772 = arith.constant 0 : i32
    %dma_wait3A_773 = arith.constant 0 : i32
    %dma_wait3A_774 = tpu.memref_slice %arg9[%dma_wait3A_764, %dma_wait3A_772, %dma_wait3A_773] : memref<16x80x128xbf16, #tpu.memory_space<vmem>> -> memref<1x80x128xbf16, #tpu.memory_space<vmem>>
    %dma_wait3A_775 = tpu.memref_squeeze %dma_wait3A_774 : memref<1x80x128xbf16, #tpu.memory_space<vmem>> -> memref<80x128xbf16, #tpu.memory_space<vmem>>
    %dma_wait3A_776 = arith.constant 0 : i32
    %dma_wait3A_777 = arith.constant 0 : i32
    %dma_wait3A_778 = tpu.memref_slice %arg5[%dma_wait3A_776, %dma_wait3A_777] : memref<10112x128xbf16, #tpu.memory_space<hbm>> -> memref<80x128xbf16, #tpu.memory_space<hbm>>
    tpu.wait_dma2 semaphore(%arg12 : memref<!tpu.dma_semaphore, #tpu.memory_space<semaphore_mem>>) src(%dma_wait3A_778 : memref<80x128xbf16, #tpu.memory_space<hbm>>) dst(%dma_wait3A_775 : memref<80x128xbf16, #tpu.memory_space<vmem>>)
    %barrier3A_779 = arith.constant 0 : index
    tpu.barrier barrier_id(%barrier3A_779)
    %mul3A_780 = arith.constant 632 : i32
    %mul3A_781 = arith.muli %arg1, %mul3A_780 : i32
    %mul3A_782 = arith.constant 632 : i32
    %mul3A_783 = arith.muli %arg1, %mul3A_782 : i32
    "tpu.region"() ({
      %run_scoped3A_784 = tpu.sem_alloc : memref<!tpu.dma_semaphore, #tpu.memory_space<semaphore_mem>>
      %dma_start3A_785 = arith.constant 0 : i32
      %dma_start3A_786 = tpu.memref_slice %arg6[%arg0, %mul3A_783, %dma_start3A_785] : memref<2x10112x128xbf16, #tpu.memory_space<hbm>> -> memref<1x632x128xbf16, #tpu.memory_space<hbm>>
      %dma_start3A_787 = tpu.memref_squeeze %dma_start3A_786 : memref<1x632x128xbf16, #tpu.memory_space<hbm>> -> memref<632x128xbf16, #tpu.memory_space<hbm>>
      %dma_start3A_788 = arith.constant 0 : i32
      %dma_start3A_789 = tpu.memref_slice %arg10[%mul3A_781, %dma_start3A_788] : memref<10112x128xbf16, #tpu.memory_space<vmem_shared>> -> memref<632x128xbf16, #tpu.memory_space<vmem_shared>>
      tpu.enqueue_dma source(%dma_start3A_789 : memref<632x128xbf16, #tpu.memory_space<vmem_shared>>) target(%dma_start3A_787 : memref<632x128xbf16, #tpu.memory_space<hbm>>) target_semaphore(%run_scoped3A_784 : memref<!tpu.dma_semaphore, #tpu.memory_space<semaphore_mem>>)
      %dma_wait3A_790 = arith.constant 0 : i32
      %dma_wait3A_791 = tpu.memref_slice %arg6[%arg0, %mul3A_783, %dma_wait3A_790] : memref<2x10112x128xbf16, #tpu.memory_space<hbm>> -> memref<1x632x128xbf16, #tpu.memory_space<hbm>>
      %dma_wait3A_792 = tpu.memref_squeeze %dma_wait3A_791 : memref<1x632x128xbf16, #tpu.memory_space<hbm>> -> memref<632x128xbf16, #tpu.memory_space<hbm>>
      %dma_wait3A_793 = arith.constant 0 : i32
      %dma_wait3A_794 = tpu.memref_slice %arg10[%mul3A_781, %dma_wait3A_793] : memref<10112x128xbf16, #tpu.memory_space<vmem_shared>> -> memref<632x128xbf16, #tpu.memory_space<vmem_shared>>
      tpu.wait_dma2 semaphore(%run_scoped3A_784 : memref<!tpu.dma_semaphore, #tpu.memory_space<semaphore_mem>>) src(%dma_wait3A_794 : memref<632x128xbf16, #tpu.memory_space<vmem_shared>>) dst(%dma_wait3A_792 : memref<632x128xbf16, #tpu.memory_space<hbm>>)
      tpu.yield
    }) : () -> ()
    return
  }
}

#map = affine_map<(d0, d1) -> (0, 0)>
#map1 = affine_map<(d0, d1) -> (0, 0, 0)>
module attributes {stable_mosaic.version = 14 : i64} {
  func.func @agg(%arg0: i32, %arg1: i32, %arg2: memref<10112x64xbf16, #tpu.memory_space<hbm>>, %arg3: memref<32x128x80xi32, #tpu.memory_space<hbm>>, %arg4: memref<32x128x80xi32, #tpu.memory_space<hbm>>, %arg5: memref<10112x64xbf16, #tpu.memory_space<hbm>>, %arg6: memref<2x10112x64xbf16, #tpu.memory_space<hbm>>, %arg7: memref<3x16x80xi32, #tpu.memory_space<vmem>>, %arg8: memref<3x16x80xi32, #tpu.memory_space<vmem>>, %arg9: memref<16x80x64xbf16, #tpu.memory_space<vmem>>, %arg10: memref<10112x64xbf16, #tpu.memory_space<vmem_shared>>, %arg11: memref<!tpu.dma_semaphore, #tpu.memory_space<semaphore_mem>>, %arg12: memref<!tpu.dma_semaphore, #tpu.memory_space<semaphore_mem>>) attributes {dimension_semantics = [#tpu.dimension_semantics<core_parallel>, #tpu.dimension_semantics<subcore_parallel>], iteration_bounds = array<i64: 2, 16>, scalar_prefetch = 0 : i64, scratch_operands = 6 : i64, tpu.core_type = #tpu.core_type<sc_vector_subcore>, window_params = [{transform_indices = #map}, {transform_indices = #map1}, {transform_indices = #map1}, {transform_indices = #map}, {transform_indices = #map1}]} {
    %mul3A = arith.constant 2 : i32
    %mul3A_0 = arith.muli %arg1, %mul3A : i32
    %add3A = arith.addi %mul3A_0, %arg0 : i32
    %mul3A_1 = arith.constant 632 : i32
    %mul3A_2 = arith.muli %arg1, %mul3A_1 : i32
    %mul3A_3 = arith.constant 632 : i32
    %mul3A_4 = arith.muli %arg1, %mul3A_3 : i32
    "tpu.region"() ({
      %run_scoped3A_784 = tpu.sem_alloc : memref<!tpu.dma_semaphore, #tpu.memory_space<semaphore_mem>>
      %dma_start3A_785 = arith.constant 0 : i32
      %dma_start3A_786 = tpu.memref_slice %arg10[%mul3A_4, %dma_start3A_785] : memref<10112x64xbf16, #tpu.memory_space<vmem_shared>> -> memref<632x64xbf16, #tpu.memory_space<vmem_shared>>
      %dma_start3A_787 = arith.constant 0 : i32
      %dma_start3A_788 = tpu.memref_slice %arg5[%mul3A_2, %dma_start3A_787] : memref<10112x64xbf16, #tpu.memory_space<hbm>> -> memref<632x64xbf16, #tpu.memory_space<hbm>>
      tpu.enqueue_dma source(%dma_start3A_788 : memref<632x64xbf16, #tpu.memory_space<hbm>>) target(%dma_start3A_786 : memref<632x64xbf16, #tpu.memory_space<vmem_shared>>) target_semaphore(%run_scoped3A_784 : memref<!tpu.dma_semaphore, #tpu.memory_space<semaphore_mem>>)
      %dma_wait3A_789 = arith.constant 0 : i32
      %dma_wait3A_790 = tpu.memref_slice %arg10[%mul3A_4, %dma_wait3A_789] : memref<10112x64xbf16, #tpu.memory_space<vmem_shared>> -> memref<632x64xbf16, #tpu.memory_space<vmem_shared>>
      %dma_wait3A_791 = arith.constant 0 : i32
      %dma_wait3A_792 = tpu.memref_slice %arg5[%mul3A_2, %dma_wait3A_791] : memref<10112x64xbf16, #tpu.memory_space<hbm>> -> memref<632x64xbf16, #tpu.memory_space<hbm>>
      tpu.wait_dma2 semaphore(%run_scoped3A_784 : memref<!tpu.dma_semaphore, #tpu.memory_space<semaphore_mem>>) src(%dma_wait3A_792 : memref<632x64xbf16, #tpu.memory_space<hbm>>) dst(%dma_wait3A_790 : memref<632x64xbf16, #tpu.memory_space<vmem_shared>>)
      tpu.yield
    }) : () -> ()
    %run_scoped3A = arith.constant 0 : i32
    "tpu.region"() ({
      %run_scoped3A_784 = tpu.sem_alloc : memref<!tpu.dma_semaphore, #tpu.memory_space<semaphore_mem>>
      %dma_start3A_785 = arith.constant 0 : i32
      %dma_start3A_786 = arith.constant 0 : i32
      %dma_start3A_787 = tpu.memref_slice %arg7[%run_scoped3A, %dma_start3A_785, %dma_start3A_786] : memref<3x16x80xi32, #tpu.memory_space<vmem>> -> memref<1x16x80xi32, #tpu.memory_space<vmem>>
      %dma_start3A_788 = tpu.memref_squeeze %dma_start3A_787 : memref<1x16x80xi32, #tpu.memory_space<vmem>> -> memref<16x80xi32, #tpu.memory_space<vmem>>
      %dma_start3A_789 = arith.constant 0 : i32
      %dma_start3A_790 = arith.constant 0 : i32
      %dma_start3A_791 = tpu.memref_slice %arg3[%add3A, %dma_start3A_789, %dma_start3A_790] : memref<32x128x80xi32, #tpu.memory_space<hbm>> -> memref<1x16x80xi32, #tpu.memory_space<hbm>>
      %dma_start3A_792 = tpu.memref_squeeze %dma_start3A_791 : memref<1x16x80xi32, #tpu.memory_space<hbm>> -> memref<16x80xi32, #tpu.memory_space<hbm>>
      %dma_start3A_793 = arith.constant 0 : i32
      %dma_start3A_794 = arith.constant 0 : i32
      %dma_start3A_795 = tpu.memref_slice %arg7[%run_scoped3A, %dma_start3A_793, %dma_start3A_794] : memref<3x16x80xi32, #tpu.memory_space<vmem>> -> memref<1x16x80xi32, #tpu.memory_space<vmem>>
      %dma_start3A_796 = tpu.memref_squeeze %dma_start3A_795 : memref<1x16x80xi32, #tpu.memory_space<vmem>> -> memref<16x80xi32, #tpu.memory_space<vmem>>
      %dma_start3A_797 = arith.constant 0 : i32
      %dma_start3A_798 = arith.constant 0 : i32
      %dma_start3A_799 = tpu.memref_slice %arg3[%add3A, %dma_start3A_797, %dma_start3A_798] : memref<32x128x80xi32, #tpu.memory_space<hbm>> -> memref<1x16x80xi32, #tpu.memory_space<hbm>>
      %dma_start3A_800 = tpu.memref_squeeze %dma_start3A_799 : memref<1x16x80xi32, #tpu.memory_space<hbm>> -> memref<16x80xi32, #tpu.memory_space<hbm>>
      tpu.enqueue_dma source(%dma_start3A_800 : memref<16x80xi32, #tpu.memory_space<hbm>>) target(%dma_start3A_796 : memref<16x80xi32, #tpu.memory_space<vmem>>) target_semaphore(%run_scoped3A_784 : memref<!tpu.dma_semaphore, #tpu.memory_space<semaphore_mem>>)
      %dma_wait3A_801 = arith.constant 0 : i32
      %dma_wait3A_802 = arith.constant 0 : i32
      %dma_wait3A_803 = tpu.memref_slice %arg7[%run_scoped3A, %dma_wait3A_801, %dma_wait3A_802] : memref<3x16x80xi32, #tpu.memory_space<vmem>> -> memref<1x16x80xi32, #tpu.memory_space<vmem>>
      %dma_wait3A_804 = tpu.memref_squeeze %dma_wait3A_803 : memref<1x16x80xi32, #tpu.memory_space<vmem>> -> memref<16x80xi32, #tpu.memory_space<vmem>>
      %dma_wait3A_805 = arith.constant 0 : i32
      %dma_wait3A_806 = arith.constant 0 : i32
      %dma_wait3A_807 = tpu.memref_slice %arg3[%add3A, %dma_wait3A_805, %dma_wait3A_806] : memref<32x128x80xi32, #tpu.memory_space<hbm>> -> memref<1x16x80xi32, #tpu.memory_space<hbm>>
      %dma_wait3A_808 = tpu.memref_squeeze %dma_wait3A_807 : memref<1x16x80xi32, #tpu.memory_space<hbm>> -> memref<16x80xi32, #tpu.memory_space<hbm>>
      %dma_wait3A_809 = arith.constant 0 : i32
      %dma_wait3A_810 = arith.constant 0 : i32
      %dma_wait3A_811 = tpu.memref_slice %arg7[%run_scoped3A, %dma_wait3A_809, %dma_wait3A_810] : memref<3x16x80xi32, #tpu.memory_space<vmem>> -> memref<1x16x80xi32, #tpu.memory_space<vmem>>
      %dma_wait3A_812 = tpu.memref_squeeze %dma_wait3A_811 : memref<1x16x80xi32, #tpu.memory_space<vmem>> -> memref<16x80xi32, #tpu.memory_space<vmem>>
      %dma_wait3A_813 = arith.constant 0 : i32
      %dma_wait3A_814 = arith.constant 0 : i32
      %dma_wait3A_815 = tpu.memref_slice %arg3[%add3A, %dma_wait3A_813, %dma_wait3A_814] : memref<32x128x80xi32, #tpu.memory_space<hbm>> -> memref<1x16x80xi32, #tpu.memory_space<hbm>>
      %dma_wait3A_816 = tpu.memref_squeeze %dma_wait3A_815 : memref<1x16x80xi32, #tpu.memory_space<hbm>> -> memref<16x80xi32, #tpu.memory_space<hbm>>
      tpu.wait_dma2 semaphore(%run_scoped3A_784 : memref<!tpu.dma_semaphore, #tpu.memory_space<semaphore_mem>>) src(%dma_wait3A_816 : memref<16x80xi32, #tpu.memory_space<hbm>>) dst(%dma_wait3A_812 : memref<16x80xi32, #tpu.memory_space<vmem>>)
      tpu.yield
    }) : () -> ()
    %run_scoped3A_5 = arith.constant 0 : i32
    "tpu.region"() ({
      %run_scoped3A_784 = tpu.sem_alloc : memref<!tpu.dma_semaphore, #tpu.memory_space<semaphore_mem>>
      %dma_start3A_785 = arith.constant 0 : i32
      %dma_start3A_786 = arith.constant 0 : i32
      %dma_start3A_787 = tpu.memref_slice %arg8[%run_scoped3A_5, %dma_start3A_785, %dma_start3A_786] : memref<3x16x80xi32, #tpu.memory_space<vmem>> -> memref<1x16x80xi32, #tpu.memory_space<vmem>>
      %dma_start3A_788 = tpu.memref_squeeze %dma_start3A_787 : memref<1x16x80xi32, #tpu.memory_space<vmem>> -> memref<16x80xi32, #tpu.memory_space<vmem>>
      %dma_start3A_789 = arith.constant 0 : i32
      %dma_start3A_790 = arith.constant 0 : i32
      %dma_start3A_791 = tpu.memref_slice %arg4[%add3A, %dma_start3A_789, %dma_start3A_790] : memref<32x128x80xi32, #tpu.memory_space<hbm>> -> memref<1x16x80xi32, #tpu.memory_space<hbm>>
      %dma_start3A_792 = tpu.memref_squeeze %dma_start3A_791 : memref<1x16x80xi32, #tpu.memory_space<hbm>> -> memref<16x80xi32, #tpu.memory_space<hbm>>
      %dma_start3A_793 = arith.constant 0 : i32
      %dma_start3A_794 = arith.constant 0 : i32
      %dma_start3A_795 = tpu.memref_slice %arg8[%run_scoped3A_5, %dma_start3A_793, %dma_start3A_794] : memref<3x16x80xi32, #tpu.memory_space<vmem>> -> memref<1x16x80xi32, #tpu.memory_space<vmem>>
      %dma_start3A_796 = tpu.memref_squeeze %dma_start3A_795 : memref<1x16x80xi32, #tpu.memory_space<vmem>> -> memref<16x80xi32, #tpu.memory_space<vmem>>
      %dma_start3A_797 = arith.constant 0 : i32
      %dma_start3A_798 = arith.constant 0 : i32
      %dma_start3A_799 = tpu.memref_slice %arg4[%add3A, %dma_start3A_797, %dma_start3A_798] : memref<32x128x80xi32, #tpu.memory_space<hbm>> -> memref<1x16x80xi32, #tpu.memory_space<hbm>>
      %dma_start3A_800 = tpu.memref_squeeze %dma_start3A_799 : memref<1x16x80xi32, #tpu.memory_space<hbm>> -> memref<16x80xi32, #tpu.memory_space<hbm>>
      tpu.enqueue_dma source(%dma_start3A_800 : memref<16x80xi32, #tpu.memory_space<hbm>>) target(%dma_start3A_796 : memref<16x80xi32, #tpu.memory_space<vmem>>) target_semaphore(%run_scoped3A_784 : memref<!tpu.dma_semaphore, #tpu.memory_space<semaphore_mem>>)
      %dma_wait3A_801 = arith.constant 0 : i32
      %dma_wait3A_802 = arith.constant 0 : i32
      %dma_wait3A_803 = tpu.memref_slice %arg8[%run_scoped3A_5, %dma_wait3A_801, %dma_wait3A_802] : memref<3x16x80xi32, #tpu.memory_space<vmem>> -> memref<1x16x80xi32, #tpu.memory_space<vmem>>
      %dma_wait3A_804 = tpu.memref_squeeze %dma_wait3A_803 : memref<1x16x80xi32, #tpu.memory_space<vmem>> -> memref<16x80xi32, #tpu.memory_space<vmem>>
      %dma_wait3A_805 = arith.constant 0 : i32
      %dma_wait3A_806 = arith.constant 0 : i32
      %dma_wait3A_807 = tpu.memref_slice %arg4[%add3A, %dma_wait3A_805, %dma_wait3A_806] : memref<32x128x80xi32, #tpu.memory_space<hbm>> -> memref<1x16x80xi32, #tpu.memory_space<hbm>>
      %dma_wait3A_808 = tpu.memref_squeeze %dma_wait3A_807 : memref<1x16x80xi32, #tpu.memory_space<hbm>> -> memref<16x80xi32, #tpu.memory_space<hbm>>
      %dma_wait3A_809 = arith.constant 0 : i32
      %dma_wait3A_810 = arith.constant 0 : i32
      %dma_wait3A_811 = tpu.memref_slice %arg8[%run_scoped3A_5, %dma_wait3A_809, %dma_wait3A_810] : memref<3x16x80xi32, #tpu.memory_space<vmem>> -> memref<1x16x80xi32, #tpu.memory_space<vmem>>
      %dma_wait3A_812 = tpu.memref_squeeze %dma_wait3A_811 : memref<1x16x80xi32, #tpu.memory_space<vmem>> -> memref<16x80xi32, #tpu.memory_space<vmem>>
      %dma_wait3A_813 = arith.constant 0 : i32
      %dma_wait3A_814 = arith.constant 0 : i32
      %dma_wait3A_815 = tpu.memref_slice %arg4[%add3A, %dma_wait3A_813, %dma_wait3A_814] : memref<32x128x80xi32, #tpu.memory_space<hbm>> -> memref<1x16x80xi32, #tpu.memory_space<hbm>>
      %dma_wait3A_816 = tpu.memref_squeeze %dma_wait3A_815 : memref<1x16x80xi32, #tpu.memory_space<hbm>> -> memref<16x80xi32, #tpu.memory_space<hbm>>
      tpu.wait_dma2 semaphore(%run_scoped3A_784 : memref<!tpu.dma_semaphore, #tpu.memory_space<semaphore_mem>>) src(%dma_wait3A_816 : memref<16x80xi32, #tpu.memory_space<hbm>>) dst(%dma_wait3A_812 : memref<16x80xi32, #tpu.memory_space<vmem>>)
      tpu.yield
    }) : () -> ()
    %run_scoped3A_6 = arith.constant 1 : i32
    "tpu.region"() ({
      %run_scoped3A_784 = tpu.sem_alloc : memref<!tpu.dma_semaphore, #tpu.memory_space<semaphore_mem>>
      %dma_start3A_785 = arith.constant 0 : i32
      %dma_start3A_786 = arith.constant 0 : i32
      %dma_start3A_787 = tpu.memref_slice %arg7[%run_scoped3A_6, %dma_start3A_785, %dma_start3A_786] : memref<3x16x80xi32, #tpu.memory_space<vmem>> -> memref<1x16x80xi32, #tpu.memory_space<vmem>>
      %dma_start3A_788 = tpu.memref_squeeze %dma_start3A_787 : memref<1x16x80xi32, #tpu.memory_space<vmem>> -> memref<16x80xi32, #tpu.memory_space<vmem>>
      %dma_start3A_789 = arith.constant 16 : i32
      %dma_start3A_790 = arith.constant 0 : i32
      %dma_start3A_791 = tpu.memref_slice %arg3[%add3A, %dma_start3A_789, %dma_start3A_790] : memref<32x128x80xi32, #tpu.memory_space<hbm>> -> memref<1x16x80xi32, #tpu.memory_space<hbm>>
      %dma_start3A_792 = tpu.memref_squeeze %dma_start3A_791 : memref<1x16x80xi32, #tpu.memory_space<hbm>> -> memref<16x80xi32, #tpu.memory_space<hbm>>
      %dma_start3A_793 = arith.constant 0 : i32
      %dma_start3A_794 = arith.constant 0 : i32
      %dma_start3A_795 = tpu.memref_slice %arg7[%run_scoped3A_6, %dma_start3A_793, %dma_start3A_794] : memref<3x16x80xi32, #tpu.memory_space<vmem>> -> memref<1x16x80xi32, #tpu.memory_space<vmem>>
      %dma_start3A_796 = tpu.memref_squeeze %dma_start3A_795 : memref<1x16x80xi32, #tpu.memory_space<vmem>> -> memref<16x80xi32, #tpu.memory_space<vmem>>
      %dma_start3A_797 = arith.constant 16 : i32
      %dma_start3A_798 = arith.constant 0 : i32
      %dma_start3A_799 = tpu.memref_slice %arg3[%add3A, %dma_start3A_797, %dma_start3A_798] : memref<32x128x80xi32, #tpu.memory_space<hbm>> -> memref<1x16x80xi32, #tpu.memory_space<hbm>>
      %dma_start3A_800 = tpu.memref_squeeze %dma_start3A_799 : memref<1x16x80xi32, #tpu.memory_space<hbm>> -> memref<16x80xi32, #tpu.memory_space<hbm>>
      tpu.enqueue_dma source(%dma_start3A_800 : memref<16x80xi32, #tpu.memory_space<hbm>>) target(%dma_start3A_796 : memref<16x80xi32, #tpu.memory_space<vmem>>) target_semaphore(%run_scoped3A_784 : memref<!tpu.dma_semaphore, #tpu.memory_space<semaphore_mem>>)
      %dma_wait3A_801 = arith.constant 0 : i32
      %dma_wait3A_802 = arith.constant 0 : i32
      %dma_wait3A_803 = tpu.memref_slice %arg7[%run_scoped3A_6, %dma_wait3A_801, %dma_wait3A_802] : memref<3x16x80xi32, #tpu.memory_space<vmem>> -> memref<1x16x80xi32, #tpu.memory_space<vmem>>
      %dma_wait3A_804 = tpu.memref_squeeze %dma_wait3A_803 : memref<1x16x80xi32, #tpu.memory_space<vmem>> -> memref<16x80xi32, #tpu.memory_space<vmem>>
      %dma_wait3A_805 = arith.constant 16 : i32
      %dma_wait3A_806 = arith.constant 0 : i32
      %dma_wait3A_807 = tpu.memref_slice %arg3[%add3A, %dma_wait3A_805, %dma_wait3A_806] : memref<32x128x80xi32, #tpu.memory_space<hbm>> -> memref<1x16x80xi32, #tpu.memory_space<hbm>>
      %dma_wait3A_808 = tpu.memref_squeeze %dma_wait3A_807 : memref<1x16x80xi32, #tpu.memory_space<hbm>> -> memref<16x80xi32, #tpu.memory_space<hbm>>
      %dma_wait3A_809 = arith.constant 0 : i32
      %dma_wait3A_810 = arith.constant 0 : i32
      %dma_wait3A_811 = tpu.memref_slice %arg7[%run_scoped3A_6, %dma_wait3A_809, %dma_wait3A_810] : memref<3x16x80xi32, #tpu.memory_space<vmem>> -> memref<1x16x80xi32, #tpu.memory_space<vmem>>
      %dma_wait3A_812 = tpu.memref_squeeze %dma_wait3A_811 : memref<1x16x80xi32, #tpu.memory_space<vmem>> -> memref<16x80xi32, #tpu.memory_space<vmem>>
      %dma_wait3A_813 = arith.constant 16 : i32
      %dma_wait3A_814 = arith.constant 0 : i32
      %dma_wait3A_815 = tpu.memref_slice %arg3[%add3A, %dma_wait3A_813, %dma_wait3A_814] : memref<32x128x80xi32, #tpu.memory_space<hbm>> -> memref<1x16x80xi32, #tpu.memory_space<hbm>>
      %dma_wait3A_816 = tpu.memref_squeeze %dma_wait3A_815 : memref<1x16x80xi32, #tpu.memory_space<hbm>> -> memref<16x80xi32, #tpu.memory_space<hbm>>
      tpu.wait_dma2 semaphore(%run_scoped3A_784 : memref<!tpu.dma_semaphore, #tpu.memory_space<semaphore_mem>>) src(%dma_wait3A_816 : memref<16x80xi32, #tpu.memory_space<hbm>>) dst(%dma_wait3A_812 : memref<16x80xi32, #tpu.memory_space<vmem>>)
      tpu.yield
    }) : () -> ()
    %run_scoped3A_7 = arith.constant 1 : i32
    "tpu.region"() ({
      %run_scoped3A_784 = tpu.sem_alloc : memref<!tpu.dma_semaphore, #tpu.memory_space<semaphore_mem>>
      %dma_start3A_785 = arith.constant 0 : i32
      %dma_start3A_786 = arith.constant 0 : i32
      %dma_start3A_787 = tpu.memref_slice %arg8[%run_scoped3A_7, %dma_start3A_785, %dma_start3A_786] : memref<3x16x80xi32, #tpu.memory_space<vmem>> -> memref<1x16x80xi32, #tpu.memory_space<vmem>>
      %dma_start3A_788 = tpu.memref_squeeze %dma_start3A_787 : memref<1x16x80xi32, #tpu.memory_space<vmem>> -> memref<16x80xi32, #tpu.memory_space<vmem>>
      %dma_start3A_789 = arith.constant 16 : i32
      %dma_start3A_790 = arith.constant 0 : i32
      %dma_start3A_791 = tpu.memref_slice %arg4[%add3A, %dma_start3A_789, %dma_start3A_790] : memref<32x128x80xi32, #tpu.memory_space<hbm>> -> memref<1x16x80xi32, #tpu.memory_space<hbm>>
      %dma_start3A_792 = tpu.memref_squeeze %dma_start3A_791 : memref<1x16x80xi32, #tpu.memory_space<hbm>> -> memref<16x80xi32, #tpu.memory_space<hbm>>
      %dma_start3A_793 = arith.constant 0 : i32
      %dma_start3A_794 = arith.constant 0 : i32
      %dma_start3A_795 = tpu.memref_slice %arg8[%run_scoped3A_7, %dma_start3A_793, %dma_start3A_794] : memref<3x16x80xi32, #tpu.memory_space<vmem>> -> memref<1x16x80xi32, #tpu.memory_space<vmem>>
      %dma_start3A_796 = tpu.memref_squeeze %dma_start3A_795 : memref<1x16x80xi32, #tpu.memory_space<vmem>> -> memref<16x80xi32, #tpu.memory_space<vmem>>
      %dma_start3A_797 = arith.constant 16 : i32
      %dma_start3A_798 = arith.constant 0 : i32
      %dma_start3A_799 = tpu.memref_slice %arg4[%add3A, %dma_start3A_797, %dma_start3A_798] : memref<32x128x80xi32, #tpu.memory_space<hbm>> -> memref<1x16x80xi32, #tpu.memory_space<hbm>>
      %dma_start3A_800 = tpu.memref_squeeze %dma_start3A_799 : memref<1x16x80xi32, #tpu.memory_space<hbm>> -> memref<16x80xi32, #tpu.memory_space<hbm>>
      tpu.enqueue_dma source(%dma_start3A_800 : memref<16x80xi32, #tpu.memory_space<hbm>>) target(%dma_start3A_796 : memref<16x80xi32, #tpu.memory_space<vmem>>) target_semaphore(%run_scoped3A_784 : memref<!tpu.dma_semaphore, #tpu.memory_space<semaphore_mem>>)
      %dma_wait3A_801 = arith.constant 0 : i32
      %dma_wait3A_802 = arith.constant 0 : i32
      %dma_wait3A_803 = tpu.memref_slice %arg8[%run_scoped3A_7, %dma_wait3A_801, %dma_wait3A_802] : memref<3x16x80xi32, #tpu.memory_space<vmem>> -> memref<1x16x80xi32, #tpu.memory_space<vmem>>
      %dma_wait3A_804 = tpu.memref_squeeze %dma_wait3A_803 : memref<1x16x80xi32, #tpu.memory_space<vmem>> -> memref<16x80xi32, #tpu.memory_space<vmem>>
      %dma_wait3A_805 = arith.constant 16 : i32
      %dma_wait3A_806 = arith.constant 0 : i32
      %dma_wait3A_807 = tpu.memref_slice %arg4[%add3A, %dma_wait3A_805, %dma_wait3A_806] : memref<32x128x80xi32, #tpu.memory_space<hbm>> -> memref<1x16x80xi32, #tpu.memory_space<hbm>>
      %dma_wait3A_808 = tpu.memref_squeeze %dma_wait3A_807 : memref<1x16x80xi32, #tpu.memory_space<hbm>> -> memref<16x80xi32, #tpu.memory_space<hbm>>
      %dma_wait3A_809 = arith.constant 0 : i32
      %dma_wait3A_810 = arith.constant 0 : i32
      %dma_wait3A_811 = tpu.memref_slice %arg8[%run_scoped3A_7, %dma_wait3A_809, %dma_wait3A_810] : memref<3x16x80xi32, #tpu.memory_space<vmem>> -> memref<1x16x80xi32, #tpu.memory_space<vmem>>
      %dma_wait3A_812 = tpu.memref_squeeze %dma_wait3A_811 : memref<1x16x80xi32, #tpu.memory_space<vmem>> -> memref<16x80xi32, #tpu.memory_space<vmem>>
      %dma_wait3A_813 = arith.constant 16 : i32
      %dma_wait3A_814 = arith.constant 0 : i32
      %dma_wait3A_815 = tpu.memref_slice %arg4[%add3A, %dma_wait3A_813, %dma_wait3A_814] : memref<32x128x80xi32, #tpu.memory_space<hbm>> -> memref<1x16x80xi32, #tpu.memory_space<hbm>>
      %dma_wait3A_816 = tpu.memref_squeeze %dma_wait3A_815 : memref<1x16x80xi32, #tpu.memory_space<hbm>> -> memref<16x80xi32, #tpu.memory_space<hbm>>
      tpu.wait_dma2 semaphore(%run_scoped3A_784 : memref<!tpu.dma_semaphore, #tpu.memory_space<semaphore_mem>>) src(%dma_wait3A_816 : memref<16x80xi32, #tpu.memory_space<hbm>>) dst(%dma_wait3A_812 : memref<16x80xi32, #tpu.memory_space<vmem>>)
      tpu.yield
    }) : () -> ()
    %barrier3A = arith.constant 0 : index
    tpu.barrier barrier_id(%barrier3A)
    %div3A = arith.constant 0 : i32
    %div3A_8 = arith.constant 16 : i32
    %div3A_9 = arith.divsi %div3A, %div3A_8 : i32
    %rem3A = arith.constant 3 : i32
    %rem3A_10 = arith.remsi %div3A_9, %rem3A : i32
    %rem3A_11 = arith.constant 0 : i32
    %rem3A_12 = arith.constant 16 : i32
    %rem3A_13 = arith.remsi %rem3A_11, %rem3A_12 : i32
    %dma_start3A = arith.constant 0 : i32
    %dma_start3A_14 = arith.constant 0 : i32
    %dma_start3A_15 = arith.constant 0 : i32
    %dma_start3A_16 = tpu.memref_slice %arg9[%dma_start3A, %dma_start3A_14, %dma_start3A_15] : memref<16x80x64xbf16, #tpu.memory_space<vmem>> -> memref<1x80x64xbf16, #tpu.memory_space<vmem>>
    %dma_start3A_17 = tpu.memref_squeeze %dma_start3A_16 : memref<1x80x64xbf16, #tpu.memory_space<vmem>> -> memref<80x64xbf16, #tpu.memory_space<vmem>>
    %dma_start3A_18 = arith.constant 0 : i32
    %dma_start3A_19 = tpu.memref_slice %arg7[%rem3A_10, %rem3A_13, %dma_start3A_18] : memref<3x16x80xi32, #tpu.memory_space<vmem>> -> memref<1x1x80xi32, #tpu.memory_space<vmem>>
    %dma_start3A_20 = tpu.memref_squeeze %dma_start3A_19 : memref<1x1x80xi32, #tpu.memory_space<vmem>> -> memref<80xi32, #tpu.memory_space<vmem>>
    %dma_start3A_21 = arith.constant 0 : i32
    %dma_start3A_22 = arith.constant 0 : i32
    %dma_start3A_23 = tpu.memref_slice %arg2[%dma_start3A_21, %dma_start3A_22] : memref<10112x64xbf16, #tpu.memory_space<hbm>> -> memref<10112x64xbf16, #tpu.memory_space<hbm>>
    tpu.enqueue_indirect_dma source(%dma_start3A_23 : memref<10112x64xbf16, #tpu.memory_space<hbm>>) target(%dma_start3A_17 : memref<80x64xbf16, #tpu.memory_space<vmem>>) offsets(%dma_start3A_20 : memref<80xi32, #tpu.memory_space<vmem>>) semaphore(%arg11 : memref<!tpu.dma_semaphore, #tpu.memory_space<semaphore_mem>>)
    %div3A_24 = arith.constant 1 : i32
    %div3A_25 = arith.constant 16 : i32
    %div3A_26 = arith.divsi %div3A_24, %div3A_25 : i32
    %rem3A_27 = arith.constant 3 : i32
    %rem3A_28 = arith.remsi %div3A_26, %rem3A_27 : i32
    %rem3A_29 = arith.constant 1 : i32
    %rem3A_30 = arith.constant 16 : i32
    %rem3A_31 = arith.remsi %rem3A_29, %rem3A_30 : i32
    %dma_start3A_32 = arith.constant 1 : i32
    %dma_start3A_33 = arith.constant 0 : i32
    %dma_start3A_34 = arith.constant 0 : i32
    %dma_start3A_35 = tpu.memref_slice %arg9[%dma_start3A_32, %dma_start3A_33, %dma_start3A_34] : memref<16x80x64xbf16, #tpu.memory_space<vmem>> -> memref<1x80x64xbf16, #tpu.memory_space<vmem>>
    %dma_start3A_36 = tpu.memref_squeeze %dma_start3A_35 : memref<1x80x64xbf16, #tpu.memory_space<vmem>> -> memref<80x64xbf16, #tpu.memory_space<vmem>>
    %dma_start3A_37 = arith.constant 0 : i32
    %dma_start3A_38 = tpu.memref_slice %arg7[%rem3A_28, %rem3A_31, %dma_start3A_37] : memref<3x16x80xi32, #tpu.memory_space<vmem>> -> memref<1x1x80xi32, #tpu.memory_space<vmem>>
    %dma_start3A_39 = tpu.memref_squeeze %dma_start3A_38 : memref<1x1x80xi32, #tpu.memory_space<vmem>> -> memref<80xi32, #tpu.memory_space<vmem>>
    %dma_start3A_40 = arith.constant 0 : i32
    %dma_start3A_41 = arith.constant 0 : i32
    %dma_start3A_42 = tpu.memref_slice %arg2[%dma_start3A_40, %dma_start3A_41] : memref<10112x64xbf16, #tpu.memory_space<hbm>> -> memref<10112x64xbf16, #tpu.memory_space<hbm>>
    tpu.enqueue_indirect_dma source(%dma_start3A_42 : memref<10112x64xbf16, #tpu.memory_space<hbm>>) target(%dma_start3A_36 : memref<80x64xbf16, #tpu.memory_space<vmem>>) offsets(%dma_start3A_39 : memref<80xi32, #tpu.memory_space<vmem>>) semaphore(%arg11 : memref<!tpu.dma_semaphore, #tpu.memory_space<semaphore_mem>>)
    %div3A_43 = arith.constant 2 : i32
    %div3A_44 = arith.constant 16 : i32
    %div3A_45 = arith.divsi %div3A_43, %div3A_44 : i32
    %rem3A_46 = arith.constant 3 : i32
    %rem3A_47 = arith.remsi %div3A_45, %rem3A_46 : i32
    %rem3A_48 = arith.constant 2 : i32
    %rem3A_49 = arith.constant 16 : i32
    %rem3A_50 = arith.remsi %rem3A_48, %rem3A_49 : i32
    %dma_start3A_51 = arith.constant 2 : i32
    %dma_start3A_52 = arith.constant 0 : i32
    %dma_start3A_53 = arith.constant 0 : i32
    %dma_start3A_54 = tpu.memref_slice %arg9[%dma_start3A_51, %dma_start3A_52, %dma_start3A_53] : memref<16x80x64xbf16, #tpu.memory_space<vmem>> -> memref<1x80x64xbf16, #tpu.memory_space<vmem>>
    %dma_start3A_55 = tpu.memref_squeeze %dma_start3A_54 : memref<1x80x64xbf16, #tpu.memory_space<vmem>> -> memref<80x64xbf16, #tpu.memory_space<vmem>>
    %dma_start3A_56 = arith.constant 0 : i32
    %dma_start3A_57 = tpu.memref_slice %arg7[%rem3A_47, %rem3A_50, %dma_start3A_56] : memref<3x16x80xi32, #tpu.memory_space<vmem>> -> memref<1x1x80xi32, #tpu.memory_space<vmem>>
    %dma_start3A_58 = tpu.memref_squeeze %dma_start3A_57 : memref<1x1x80xi32, #tpu.memory_space<vmem>> -> memref<80xi32, #tpu.memory_space<vmem>>
    %dma_start3A_59 = arith.constant 0 : i32
    %dma_start3A_60 = arith.constant 0 : i32
    %dma_start3A_61 = tpu.memref_slice %arg2[%dma_start3A_59, %dma_start3A_60] : memref<10112x64xbf16, #tpu.memory_space<hbm>> -> memref<10112x64xbf16, #tpu.memory_space<hbm>>
    tpu.enqueue_indirect_dma source(%dma_start3A_61 : memref<10112x64xbf16, #tpu.memory_space<hbm>>) target(%dma_start3A_55 : memref<80x64xbf16, #tpu.memory_space<vmem>>) offsets(%dma_start3A_58 : memref<80xi32, #tpu.memory_space<vmem>>) semaphore(%arg11 : memref<!tpu.dma_semaphore, #tpu.memory_space<semaphore_mem>>)
    %div3A_62 = arith.constant 3 : i32
    %div3A_63 = arith.constant 16 : i32
    %div3A_64 = arith.divsi %div3A_62, %div3A_63 : i32
    %rem3A_65 = arith.constant 3 : i32
    %rem3A_66 = arith.remsi %div3A_64, %rem3A_65 : i32
    %rem3A_67 = arith.constant 3 : i32
    %rem3A_68 = arith.constant 16 : i32
    %rem3A_69 = arith.remsi %rem3A_67, %rem3A_68 : i32
    %dma_start3A_70 = arith.constant 3 : i32
    %dma_start3A_71 = arith.constant 0 : i32
    %dma_start3A_72 = arith.constant 0 : i32
    %dma_start3A_73 = tpu.memref_slice %arg9[%dma_start3A_70, %dma_start3A_71, %dma_start3A_72] : memref<16x80x64xbf16, #tpu.memory_space<vmem>> -> memref<1x80x64xbf16, #tpu.memory_space<vmem>>
    %dma_start3A_74 = tpu.memref_squeeze %dma_start3A_73 : memref<1x80x64xbf16, #tpu.memory_space<vmem>> -> memref<80x64xbf16, #tpu.memory_space<vmem>>
    %dma_start3A_75 = arith.constant 0 : i32
    %dma_start3A_76 = tpu.memref_slice %arg7[%rem3A_66, %rem3A_69, %dma_start3A_75] : memref<3x16x80xi32, #tpu.memory_space<vmem>> -> memref<1x1x80xi32, #tpu.memory_space<vmem>>
    %dma_start3A_77 = tpu.memref_squeeze %dma_start3A_76 : memref<1x1x80xi32, #tpu.memory_space<vmem>> -> memref<80xi32, #tpu.memory_space<vmem>>
    %dma_start3A_78 = arith.constant 0 : i32
    %dma_start3A_79 = arith.constant 0 : i32
    %dma_start3A_80 = tpu.memref_slice %arg2[%dma_start3A_78, %dma_start3A_79] : memref<10112x64xbf16, #tpu.memory_space<hbm>> -> memref<10112x64xbf16, #tpu.memory_space<hbm>>
    tpu.enqueue_indirect_dma source(%dma_start3A_80 : memref<10112x64xbf16, #tpu.memory_space<hbm>>) target(%dma_start3A_74 : memref<80x64xbf16, #tpu.memory_space<vmem>>) offsets(%dma_start3A_77 : memref<80xi32, #tpu.memory_space<vmem>>) semaphore(%arg11 : memref<!tpu.dma_semaphore, #tpu.memory_space<semaphore_mem>>)
    %div3A_81 = arith.constant 4 : i32
    %div3A_82 = arith.constant 16 : i32
    %div3A_83 = arith.divsi %div3A_81, %div3A_82 : i32
    %rem3A_84 = arith.constant 3 : i32
    %rem3A_85 = arith.remsi %div3A_83, %rem3A_84 : i32
    %rem3A_86 = arith.constant 4 : i32
    %rem3A_87 = arith.constant 16 : i32
    %rem3A_88 = arith.remsi %rem3A_86, %rem3A_87 : i32
    %dma_start3A_89 = arith.constant 4 : i32
    %dma_start3A_90 = arith.constant 0 : i32
    %dma_start3A_91 = arith.constant 0 : i32
    %dma_start3A_92 = tpu.memref_slice %arg9[%dma_start3A_89, %dma_start3A_90, %dma_start3A_91] : memref<16x80x64xbf16, #tpu.memory_space<vmem>> -> memref<1x80x64xbf16, #tpu.memory_space<vmem>>
    %dma_start3A_93 = tpu.memref_squeeze %dma_start3A_92 : memref<1x80x64xbf16, #tpu.memory_space<vmem>> -> memref<80x64xbf16, #tpu.memory_space<vmem>>
    %dma_start3A_94 = arith.constant 0 : i32
    %dma_start3A_95 = tpu.memref_slice %arg7[%rem3A_85, %rem3A_88, %dma_start3A_94] : memref<3x16x80xi32, #tpu.memory_space<vmem>> -> memref<1x1x80xi32, #tpu.memory_space<vmem>>
    %dma_start3A_96 = tpu.memref_squeeze %dma_start3A_95 : memref<1x1x80xi32, #tpu.memory_space<vmem>> -> memref<80xi32, #tpu.memory_space<vmem>>
    %dma_start3A_97 = arith.constant 0 : i32
    %dma_start3A_98 = arith.constant 0 : i32
    %dma_start3A_99 = tpu.memref_slice %arg2[%dma_start3A_97, %dma_start3A_98] : memref<10112x64xbf16, #tpu.memory_space<hbm>> -> memref<10112x64xbf16, #tpu.memory_space<hbm>>
    tpu.enqueue_indirect_dma source(%dma_start3A_99 : memref<10112x64xbf16, #tpu.memory_space<hbm>>) target(%dma_start3A_93 : memref<80x64xbf16, #tpu.memory_space<vmem>>) offsets(%dma_start3A_96 : memref<80xi32, #tpu.memory_space<vmem>>) semaphore(%arg11 : memref<!tpu.dma_semaphore, #tpu.memory_space<semaphore_mem>>)
    %div3A_100 = arith.constant 5 : i32
    %div3A_101 = arith.constant 16 : i32
    %div3A_102 = arith.divsi %div3A_100, %div3A_101 : i32
    %rem3A_103 = arith.constant 3 : i32
    %rem3A_104 = arith.remsi %div3A_102, %rem3A_103 : i32
    %rem3A_105 = arith.constant 5 : i32
    %rem3A_106 = arith.constant 16 : i32
    %rem3A_107 = arith.remsi %rem3A_105, %rem3A_106 : i32
    %dma_start3A_108 = arith.constant 5 : i32
    %dma_start3A_109 = arith.constant 0 : i32
    %dma_start3A_110 = arith.constant 0 : i32
    %dma_start3A_111 = tpu.memref_slice %arg9[%dma_start3A_108, %dma_start3A_109, %dma_start3A_110] : memref<16x80x64xbf16, #tpu.memory_space<vmem>> -> memref<1x80x64xbf16, #tpu.memory_space<vmem>>
    %dma_start3A_112 = tpu.memref_squeeze %dma_start3A_111 : memref<1x80x64xbf16, #tpu.memory_space<vmem>> -> memref<80x64xbf16, #tpu.memory_space<vmem>>
    %dma_start3A_113 = arith.constant 0 : i32
    %dma_start3A_114 = tpu.memref_slice %arg7[%rem3A_104, %rem3A_107, %dma_start3A_113] : memref<3x16x80xi32, #tpu.memory_space<vmem>> -> memref<1x1x80xi32, #tpu.memory_space<vmem>>
    %dma_start3A_115 = tpu.memref_squeeze %dma_start3A_114 : memref<1x1x80xi32, #tpu.memory_space<vmem>> -> memref<80xi32, #tpu.memory_space<vmem>>
    %dma_start3A_116 = arith.constant 0 : i32
    %dma_start3A_117 = arith.constant 0 : i32
    %dma_start3A_118 = tpu.memref_slice %arg2[%dma_start3A_116, %dma_start3A_117] : memref<10112x64xbf16, #tpu.memory_space<hbm>> -> memref<10112x64xbf16, #tpu.memory_space<hbm>>
    tpu.enqueue_indirect_dma source(%dma_start3A_118 : memref<10112x64xbf16, #tpu.memory_space<hbm>>) target(%dma_start3A_112 : memref<80x64xbf16, #tpu.memory_space<vmem>>) offsets(%dma_start3A_115 : memref<80xi32, #tpu.memory_space<vmem>>) semaphore(%arg11 : memref<!tpu.dma_semaphore, #tpu.memory_space<semaphore_mem>>)
    %div3A_119 = arith.constant 6 : i32
    %div3A_120 = arith.constant 16 : i32
    %div3A_121 = arith.divsi %div3A_119, %div3A_120 : i32
    %rem3A_122 = arith.constant 3 : i32
    %rem3A_123 = arith.remsi %div3A_121, %rem3A_122 : i32
    %rem3A_124 = arith.constant 6 : i32
    %rem3A_125 = arith.constant 16 : i32
    %rem3A_126 = arith.remsi %rem3A_124, %rem3A_125 : i32
    %dma_start3A_127 = arith.constant 6 : i32
    %dma_start3A_128 = arith.constant 0 : i32
    %dma_start3A_129 = arith.constant 0 : i32
    %dma_start3A_130 = tpu.memref_slice %arg9[%dma_start3A_127, %dma_start3A_128, %dma_start3A_129] : memref<16x80x64xbf16, #tpu.memory_space<vmem>> -> memref<1x80x64xbf16, #tpu.memory_space<vmem>>
    %dma_start3A_131 = tpu.memref_squeeze %dma_start3A_130 : memref<1x80x64xbf16, #tpu.memory_space<vmem>> -> memref<80x64xbf16, #tpu.memory_space<vmem>>
    %dma_start3A_132 = arith.constant 0 : i32
    %dma_start3A_133 = tpu.memref_slice %arg7[%rem3A_123, %rem3A_126, %dma_start3A_132] : memref<3x16x80xi32, #tpu.memory_space<vmem>> -> memref<1x1x80xi32, #tpu.memory_space<vmem>>
    %dma_start3A_134 = tpu.memref_squeeze %dma_start3A_133 : memref<1x1x80xi32, #tpu.memory_space<vmem>> -> memref<80xi32, #tpu.memory_space<vmem>>
    %dma_start3A_135 = arith.constant 0 : i32
    %dma_start3A_136 = arith.constant 0 : i32
    %dma_start3A_137 = tpu.memref_slice %arg2[%dma_start3A_135, %dma_start3A_136] : memref<10112x64xbf16, #tpu.memory_space<hbm>> -> memref<10112x64xbf16, #tpu.memory_space<hbm>>
    tpu.enqueue_indirect_dma source(%dma_start3A_137 : memref<10112x64xbf16, #tpu.memory_space<hbm>>) target(%dma_start3A_131 : memref<80x64xbf16, #tpu.memory_space<vmem>>) offsets(%dma_start3A_134 : memref<80xi32, #tpu.memory_space<vmem>>) semaphore(%arg11 : memref<!tpu.dma_semaphore, #tpu.memory_space<semaphore_mem>>)
    %div3A_138 = arith.constant 7 : i32
    %div3A_139 = arith.constant 16 : i32
    %div3A_140 = arith.divsi %div3A_138, %div3A_139 : i32
    %rem3A_141 = arith.constant 3 : i32
    %rem3A_142 = arith.remsi %div3A_140, %rem3A_141 : i32
    %rem3A_143 = arith.constant 7 : i32
    %rem3A_144 = arith.constant 16 : i32
    %rem3A_145 = arith.remsi %rem3A_143, %rem3A_144 : i32
    %dma_start3A_146 = arith.constant 7 : i32
    %dma_start3A_147 = arith.constant 0 : i32
    %dma_start3A_148 = arith.constant 0 : i32
    %dma_start3A_149 = tpu.memref_slice %arg9[%dma_start3A_146, %dma_start3A_147, %dma_start3A_148] : memref<16x80x64xbf16, #tpu.memory_space<vmem>> -> memref<1x80x64xbf16, #tpu.memory_space<vmem>>
    %dma_start3A_150 = tpu.memref_squeeze %dma_start3A_149 : memref<1x80x64xbf16, #tpu.memory_space<vmem>> -> memref<80x64xbf16, #tpu.memory_space<vmem>>
    %dma_start3A_151 = arith.constant 0 : i32
    %dma_start3A_152 = tpu.memref_slice %arg7[%rem3A_142, %rem3A_145, %dma_start3A_151] : memref<3x16x80xi32, #tpu.memory_space<vmem>> -> memref<1x1x80xi32, #tpu.memory_space<vmem>>
    %dma_start3A_153 = tpu.memref_squeeze %dma_start3A_152 : memref<1x1x80xi32, #tpu.memory_space<vmem>> -> memref<80xi32, #tpu.memory_space<vmem>>
    %dma_start3A_154 = arith.constant 0 : i32
    %dma_start3A_155 = arith.constant 0 : i32
    %dma_start3A_156 = tpu.memref_slice %arg2[%dma_start3A_154, %dma_start3A_155] : memref<10112x64xbf16, #tpu.memory_space<hbm>> -> memref<10112x64xbf16, #tpu.memory_space<hbm>>
    tpu.enqueue_indirect_dma source(%dma_start3A_156 : memref<10112x64xbf16, #tpu.memory_space<hbm>>) target(%dma_start3A_150 : memref<80x64xbf16, #tpu.memory_space<vmem>>) offsets(%dma_start3A_153 : memref<80xi32, #tpu.memory_space<vmem>>) semaphore(%arg11 : memref<!tpu.dma_semaphore, #tpu.memory_space<semaphore_mem>>)
    %div3A_157 = arith.constant 8 : i32
    %div3A_158 = arith.constant 16 : i32
    %div3A_159 = arith.divsi %div3A_157, %div3A_158 : i32
    %rem3A_160 = arith.constant 3 : i32
    %rem3A_161 = arith.remsi %div3A_159, %rem3A_160 : i32
    %rem3A_162 = arith.constant 8 : i32
    %rem3A_163 = arith.constant 16 : i32
    %rem3A_164 = arith.remsi %rem3A_162, %rem3A_163 : i32
    %dma_start3A_165 = arith.constant 8 : i32
    %dma_start3A_166 = arith.constant 0 : i32
    %dma_start3A_167 = arith.constant 0 : i32
    %dma_start3A_168 = tpu.memref_slice %arg9[%dma_start3A_165, %dma_start3A_166, %dma_start3A_167] : memref<16x80x64xbf16, #tpu.memory_space<vmem>> -> memref<1x80x64xbf16, #tpu.memory_space<vmem>>
    %dma_start3A_169 = tpu.memref_squeeze %dma_start3A_168 : memref<1x80x64xbf16, #tpu.memory_space<vmem>> -> memref<80x64xbf16, #tpu.memory_space<vmem>>
    %dma_start3A_170 = arith.constant 0 : i32
    %dma_start3A_171 = tpu.memref_slice %arg7[%rem3A_161, %rem3A_164, %dma_start3A_170] : memref<3x16x80xi32, #tpu.memory_space<vmem>> -> memref<1x1x80xi32, #tpu.memory_space<vmem>>
    %dma_start3A_172 = tpu.memref_squeeze %dma_start3A_171 : memref<1x1x80xi32, #tpu.memory_space<vmem>> -> memref<80xi32, #tpu.memory_space<vmem>>
    %dma_start3A_173 = arith.constant 0 : i32
    %dma_start3A_174 = arith.constant 0 : i32
    %dma_start3A_175 = tpu.memref_slice %arg2[%dma_start3A_173, %dma_start3A_174] : memref<10112x64xbf16, #tpu.memory_space<hbm>> -> memref<10112x64xbf16, #tpu.memory_space<hbm>>
    tpu.enqueue_indirect_dma source(%dma_start3A_175 : memref<10112x64xbf16, #tpu.memory_space<hbm>>) target(%dma_start3A_169 : memref<80x64xbf16, #tpu.memory_space<vmem>>) offsets(%dma_start3A_172 : memref<80xi32, #tpu.memory_space<vmem>>) semaphore(%arg11 : memref<!tpu.dma_semaphore, #tpu.memory_space<semaphore_mem>>)
    %div3A_176 = arith.constant 9 : i32
    %div3A_177 = arith.constant 16 : i32
    %div3A_178 = arith.divsi %div3A_176, %div3A_177 : i32
    %rem3A_179 = arith.constant 3 : i32
    %rem3A_180 = arith.remsi %div3A_178, %rem3A_179 : i32
    %rem3A_181 = arith.constant 9 : i32
    %rem3A_182 = arith.constant 16 : i32
    %rem3A_183 = arith.remsi %rem3A_181, %rem3A_182 : i32
    %dma_start3A_184 = arith.constant 9 : i32
    %dma_start3A_185 = arith.constant 0 : i32
    %dma_start3A_186 = arith.constant 0 : i32
    %dma_start3A_187 = tpu.memref_slice %arg9[%dma_start3A_184, %dma_start3A_185, %dma_start3A_186] : memref<16x80x64xbf16, #tpu.memory_space<vmem>> -> memref<1x80x64xbf16, #tpu.memory_space<vmem>>
    %dma_start3A_188 = tpu.memref_squeeze %dma_start3A_187 : memref<1x80x64xbf16, #tpu.memory_space<vmem>> -> memref<80x64xbf16, #tpu.memory_space<vmem>>
    %dma_start3A_189 = arith.constant 0 : i32
    %dma_start3A_190 = tpu.memref_slice %arg7[%rem3A_180, %rem3A_183, %dma_start3A_189] : memref<3x16x80xi32, #tpu.memory_space<vmem>> -> memref<1x1x80xi32, #tpu.memory_space<vmem>>
    %dma_start3A_191 = tpu.memref_squeeze %dma_start3A_190 : memref<1x1x80xi32, #tpu.memory_space<vmem>> -> memref<80xi32, #tpu.memory_space<vmem>>
    %dma_start3A_192 = arith.constant 0 : i32
    %dma_start3A_193 = arith.constant 0 : i32
    %dma_start3A_194 = tpu.memref_slice %arg2[%dma_start3A_192, %dma_start3A_193] : memref<10112x64xbf16, #tpu.memory_space<hbm>> -> memref<10112x64xbf16, #tpu.memory_space<hbm>>
    tpu.enqueue_indirect_dma source(%dma_start3A_194 : memref<10112x64xbf16, #tpu.memory_space<hbm>>) target(%dma_start3A_188 : memref<80x64xbf16, #tpu.memory_space<vmem>>) offsets(%dma_start3A_191 : memref<80xi32, #tpu.memory_space<vmem>>) semaphore(%arg11 : memref<!tpu.dma_semaphore, #tpu.memory_space<semaphore_mem>>)
    %scan3A = arith.constant 0 : i32
    %scan3A_195 = arith.constant 10 : i32
    %scan3A_196 = arith.constant 118 : i32
    %scan3A_197 = arith.addi %scan3A_195, %scan3A_196 : i32
    %scan3A_198 = arith.constant 1 : i32
    scf.for %scan3A_784 = %scan3A_195 to %scan3A_197 step %scan3A_198  : i32 {
      %div3A_785 = arith.constant 16 : i32
      %div3A_786 = arith.divsi %scan3A_784, %div3A_785 : i32
      %rem3A_787 = arith.constant 16 : i32
      %rem3A_788 = arith.remsi %scan3A_784, %rem3A_787 : i32
      %eq3A = arith.constant 0 : i32
      %eq3A_789 = arith.cmpi eq, %rem3A_788, %eq3A : i32
      %lt3A = arith.constant 7 : i32
      %lt3A_790 = arith.cmpi slt, %div3A_786, %lt3A : i32
      %and3A = arith.andi %eq3A_789, %lt3A_790 : i1
      %convert_element_type3A = arith.extui %and3A : i1 to i32
      %cond3A = arith.constant 0 : i32
      %cond3A_791 = arith.cmpi ne, %convert_element_type3A, %cond3A : i32
      scf.if %cond3A_791 {
        %add3A_850 = arith.constant 1 : i32
        %add3A_851 = arith.addi %div3A_786, %add3A_850 : i32
        %add3A_852 = arith.constant 1 : i32
        %add3A_853 = arith.addi %div3A_786, %add3A_852 : i32
        %rem3A_854 = arith.constant 3 : i32
        %rem3A_855 = arith.remsi %add3A_853, %rem3A_854 : i32
        %mul3A_856 = arith.constant 16 : i32
        %mul3A_857 = arith.muli %add3A_851, %mul3A_856 : i32
        "tpu.region"() ({
          %run_scoped3A_860 = tpu.sem_alloc : memref<!tpu.dma_semaphore, #tpu.memory_space<semaphore_mem>>
          %dma_start3A_861 = arith.constant 0 : i32
          %dma_start3A_862 = arith.constant 0 : i32
          %dma_start3A_863 = tpu.memref_slice %arg7[%rem3A_855, %dma_start3A_861, %dma_start3A_862] : memref<3x16x80xi32, #tpu.memory_space<vmem>> -> memref<1x16x80xi32, #tpu.memory_space<vmem>>
          %dma_start3A_864 = tpu.memref_squeeze %dma_start3A_863 : memref<1x16x80xi32, #tpu.memory_space<vmem>> -> memref<16x80xi32, #tpu.memory_space<vmem>>
          %dma_start3A_865 = arith.constant 0 : i32
          %dma_start3A_866 = tpu.memref_slice %arg3[%add3A, %mul3A_857, %dma_start3A_865] : memref<32x128x80xi32, #tpu.memory_space<hbm>> -> memref<1x16x80xi32, #tpu.memory_space<hbm>>
          %dma_start3A_867 = tpu.memref_squeeze %dma_start3A_866 : memref<1x16x80xi32, #tpu.memory_space<hbm>> -> memref<16x80xi32, #tpu.memory_space<hbm>>
          %dma_start3A_868 = arith.constant 0 : i32
          %dma_start3A_869 = arith.constant 0 : i32
          %dma_start3A_870 = tpu.memref_slice %arg7[%rem3A_855, %dma_start3A_868, %dma_start3A_869] : memref<3x16x80xi32, #tpu.memory_space<vmem>> -> memref<1x16x80xi32, #tpu.memory_space<vmem>>
          %dma_start3A_871 = tpu.memref_squeeze %dma_start3A_870 : memref<1x16x80xi32, #tpu.memory_space<vmem>> -> memref<16x80xi32, #tpu.memory_space<vmem>>
          %dma_start3A_872 = arith.constant 0 : i32
          %dma_start3A_873 = tpu.memref_slice %arg3[%add3A, %mul3A_857, %dma_start3A_872] : memref<32x128x80xi32, #tpu.memory_space<hbm>> -> memref<1x16x80xi32, #tpu.memory_space<hbm>>
          %dma_start3A_874 = tpu.memref_squeeze %dma_start3A_873 : memref<1x16x80xi32, #tpu.memory_space<hbm>> -> memref<16x80xi32, #tpu.memory_space<hbm>>
          tpu.enqueue_dma source(%dma_start3A_874 : memref<16x80xi32, #tpu.memory_space<hbm>>) target(%dma_start3A_871 : memref<16x80xi32, #tpu.memory_space<vmem>>) target_semaphore(%run_scoped3A_860 : memref<!tpu.dma_semaphore, #tpu.memory_space<semaphore_mem>>)
          %dma_wait3A_875 = arith.constant 0 : i32
          %dma_wait3A_876 = arith.constant 0 : i32
          %dma_wait3A_877 = tpu.memref_slice %arg7[%rem3A_855, %dma_wait3A_875, %dma_wait3A_876] : memref<3x16x80xi32, #tpu.memory_space<vmem>> -> memref<1x16x80xi32, #tpu.memory_space<vmem>>
          %dma_wait3A_878 = tpu.memref_squeeze %dma_wait3A_877 : memref<1x16x80xi32, #tpu.memory_space<vmem>> -> memref<16x80xi32, #tpu.memory_space<vmem>>
          %dma_wait3A_879 = arith.constant 0 : i32
          %dma_wait3A_880 = tpu.memref_slice %arg3[%add3A, %mul3A_857, %dma_wait3A_879] : memref<32x128x80xi32, #tpu.memory_space<hbm>> -> memref<1x16x80xi32, #tpu.memory_space<hbm>>
          %dma_wait3A_881 = tpu.memref_squeeze %dma_wait3A_880 : memref<1x16x80xi32, #tpu.memory_space<hbm>> -> memref<16x80xi32, #tpu.memory_space<hbm>>
          %dma_wait3A_882 = arith.constant 0 : i32
          %dma_wait3A_883 = arith.constant 0 : i32
          %dma_wait3A_884 = tpu.memref_slice %arg7[%rem3A_855, %dma_wait3A_882, %dma_wait3A_883] : memref<3x16x80xi32, #tpu.memory_space<vmem>> -> memref<1x16x80xi32, #tpu.memory_space<vmem>>
          %dma_wait3A_885 = tpu.memref_squeeze %dma_wait3A_884 : memref<1x16x80xi32, #tpu.memory_space<vmem>> -> memref<16x80xi32, #tpu.memory_space<vmem>>
          %dma_wait3A_886 = arith.constant 0 : i32
          %dma_wait3A_887 = tpu.memref_slice %arg3[%add3A, %mul3A_857, %dma_wait3A_886] : memref<32x128x80xi32, #tpu.memory_space<hbm>> -> memref<1x16x80xi32, #tpu.memory_space<hbm>>
          %dma_wait3A_888 = tpu.memref_squeeze %dma_wait3A_887 : memref<1x16x80xi32, #tpu.memory_space<hbm>> -> memref<16x80xi32, #tpu.memory_space<hbm>>
          tpu.wait_dma2 semaphore(%run_scoped3A_860 : memref<!tpu.dma_semaphore, #tpu.memory_space<semaphore_mem>>) src(%dma_wait3A_888 : memref<16x80xi32, #tpu.memory_space<hbm>>) dst(%dma_wait3A_885 : memref<16x80xi32, #tpu.memory_space<vmem>>)
          tpu.yield
        }) : () -> ()
        %mul3A_858 = arith.constant 16 : i32
        %mul3A_859 = arith.muli %add3A_851, %mul3A_858 : i32
        "tpu.region"() ({
          %run_scoped3A_860 = tpu.sem_alloc : memref<!tpu.dma_semaphore, #tpu.memory_space<semaphore_mem>>
          %dma_start3A_861 = arith.constant 0 : i32
          %dma_start3A_862 = arith.constant 0 : i32
          %dma_start3A_863 = tpu.memref_slice %arg8[%rem3A_855, %dma_start3A_861, %dma_start3A_862] : memref<3x16x80xi32, #tpu.memory_space<vmem>> -> memref<1x16x80xi32, #tpu.memory_space<vmem>>
          %dma_start3A_864 = tpu.memref_squeeze %dma_start3A_863 : memref<1x16x80xi32, #tpu.memory_space<vmem>> -> memref<16x80xi32, #tpu.memory_space<vmem>>
          %dma_start3A_865 = arith.constant 0 : i32
          %dma_start3A_866 = tpu.memref_slice %arg4[%add3A, %mul3A_859, %dma_start3A_865] : memref<32x128x80xi32, #tpu.memory_space<hbm>> -> memref<1x16x80xi32, #tpu.memory_space<hbm>>
          %dma_start3A_867 = tpu.memref_squeeze %dma_start3A_866 : memref<1x16x80xi32, #tpu.memory_space<hbm>> -> memref<16x80xi32, #tpu.memory_space<hbm>>
          %dma_start3A_868 = arith.constant 0 : i32
          %dma_start3A_869 = arith.constant 0 : i32
          %dma_start3A_870 = tpu.memref_slice %arg8[%rem3A_855, %dma_start3A_868, %dma_start3A_869] : memref<3x16x80xi32, #tpu.memory_space<vmem>> -> memref<1x16x80xi32, #tpu.memory_space<vmem>>
          %dma_start3A_871 = tpu.memref_squeeze %dma_start3A_870 : memref<1x16x80xi32, #tpu.memory_space<vmem>> -> memref<16x80xi32, #tpu.memory_space<vmem>>
          %dma_start3A_872 = arith.constant 0 : i32
          %dma_start3A_873 = tpu.memref_slice %arg4[%add3A, %mul3A_859, %dma_start3A_872] : memref<32x128x80xi32, #tpu.memory_space<hbm>> -> memref<1x16x80xi32, #tpu.memory_space<hbm>>
          %dma_start3A_874 = tpu.memref_squeeze %dma_start3A_873 : memref<1x16x80xi32, #tpu.memory_space<hbm>> -> memref<16x80xi32, #tpu.memory_space<hbm>>
          tpu.enqueue_dma source(%dma_start3A_874 : memref<16x80xi32, #tpu.memory_space<hbm>>) target(%dma_start3A_871 : memref<16x80xi32, #tpu.memory_space<vmem>>) target_semaphore(%run_scoped3A_860 : memref<!tpu.dma_semaphore, #tpu.memory_space<semaphore_mem>>)
          %dma_wait3A_875 = arith.constant 0 : i32
          %dma_wait3A_876 = arith.constant 0 : i32
          %dma_wait3A_877 = tpu.memref_slice %arg8[%rem3A_855, %dma_wait3A_875, %dma_wait3A_876] : memref<3x16x80xi32, #tpu.memory_space<vmem>> -> memref<1x16x80xi32, #tpu.memory_space<vmem>>
          %dma_wait3A_878 = tpu.memref_squeeze %dma_wait3A_877 : memref<1x16x80xi32, #tpu.memory_space<vmem>> -> memref<16x80xi32, #tpu.memory_space<vmem>>
          %dma_wait3A_879 = arith.constant 0 : i32
          %dma_wait3A_880 = tpu.memref_slice %arg4[%add3A, %mul3A_859, %dma_wait3A_879] : memref<32x128x80xi32, #tpu.memory_space<hbm>> -> memref<1x16x80xi32, #tpu.memory_space<hbm>>
          %dma_wait3A_881 = tpu.memref_squeeze %dma_wait3A_880 : memref<1x16x80xi32, #tpu.memory_space<hbm>> -> memref<16x80xi32, #tpu.memory_space<hbm>>
          %dma_wait3A_882 = arith.constant 0 : i32
          %dma_wait3A_883 = arith.constant 0 : i32
          %dma_wait3A_884 = tpu.memref_slice %arg8[%rem3A_855, %dma_wait3A_882, %dma_wait3A_883] : memref<3x16x80xi32, #tpu.memory_space<vmem>> -> memref<1x16x80xi32, #tpu.memory_space<vmem>>
          %dma_wait3A_885 = tpu.memref_squeeze %dma_wait3A_884 : memref<1x16x80xi32, #tpu.memory_space<vmem>> -> memref<16x80xi32, #tpu.memory_space<vmem>>
          %dma_wait3A_886 = arith.constant 0 : i32
          %dma_wait3A_887 = tpu.memref_slice %arg4[%add3A, %mul3A_859, %dma_wait3A_886] : memref<32x128x80xi32, #tpu.memory_space<hbm>> -> memref<1x16x80xi32, #tpu.memory_space<hbm>>
          %dma_wait3A_888 = tpu.memref_squeeze %dma_wait3A_887 : memref<1x16x80xi32, #tpu.memory_space<hbm>> -> memref<16x80xi32, #tpu.memory_space<hbm>>
          tpu.wait_dma2 semaphore(%run_scoped3A_860 : memref<!tpu.dma_semaphore, #tpu.memory_space<semaphore_mem>>) src(%dma_wait3A_888 : memref<16x80xi32, #tpu.memory_space<hbm>>) dst(%dma_wait3A_885 : memref<16x80xi32, #tpu.memory_space<vmem>>)
          tpu.yield
        }) : () -> ()
      } else {
      }
      %ge3A = arith.constant 16 : i32
      %ge3A_792 = arith.cmpi sge, %scan3A_784, %ge3A : i32
      %convert_element_type3A_793 = arith.extui %ge3A_792 : i1 to i32
      %cond3A_794 = arith.constant 0 : i32
      %cond3A_795 = arith.cmpi ne, %convert_element_type3A_793, %cond3A_794 : i32
      scf.if %cond3A_795 {
        %dma_wait3A_850 = arith.constant 0 : i32
        %dma_wait3A_851 = arith.constant 0 : i32
        %dma_wait3A_852 = arith.constant 0 : i32
        %dma_wait3A_853 = tpu.memref_slice %arg9[%dma_wait3A_850, %dma_wait3A_851, %dma_wait3A_852] : memref<16x80x64xbf16, #tpu.memory_space<vmem>> -> memref<1x80x64xbf16, #tpu.memory_space<vmem>>
        %dma_wait3A_854 = tpu.memref_squeeze %dma_wait3A_853 : memref<1x80x64xbf16, #tpu.memory_space<vmem>> -> memref<80x64xbf16, #tpu.memory_space<vmem>>
        %dma_wait3A_855 = arith.constant 0 : i32
        %dma_wait3A_856 = arith.constant 0 : i32
        %dma_wait3A_857 = tpu.memref_slice %arg5[%dma_wait3A_855, %dma_wait3A_856] : memref<10112x64xbf16, #tpu.memory_space<hbm>> -> memref<80x64xbf16, #tpu.memory_space<hbm>>
        %dma_wait3A_858 = arith.constant 0 : i32
        %dma_wait3A_859 = arith.constant 0 : i32
        %dma_wait3A_860 = tpu.memref_slice %arg9[%dma_wait3A_850, %dma_wait3A_858, %dma_wait3A_859] : memref<16x80x64xbf16, #tpu.memory_space<vmem>> -> memref<1x80x64xbf16, #tpu.memory_space<vmem>>
        %dma_wait3A_861 = tpu.memref_squeeze %dma_wait3A_860 : memref<1x80x64xbf16, #tpu.memory_space<vmem>> -> memref<80x64xbf16, #tpu.memory_space<vmem>>
        %dma_wait3A_862 = arith.constant 0 : i32
        %dma_wait3A_863 = arith.constant 0 : i32
        %dma_wait3A_864 = tpu.memref_slice %arg5[%dma_wait3A_862, %dma_wait3A_863] : memref<10112x64xbf16, #tpu.memory_space<hbm>> -> memref<80x64xbf16, #tpu.memory_space<hbm>>
        tpu.wait_dma2 semaphore(%arg12 : memref<!tpu.dma_semaphore, #tpu.memory_space<semaphore_mem>>) src(%dma_wait3A_864 : memref<80x64xbf16, #tpu.memory_space<hbm>>) dst(%dma_wait3A_861 : memref<80x64xbf16, #tpu.memory_space<vmem>>)
      } else {
      }
      %rem3A_796 = arith.constant 16 : i32
      %rem3A_797 = arith.remsi %scan3A_784, %rem3A_796 : i32
      %div3A_798 = arith.constant 16 : i32
      %div3A_799 = arith.divsi %scan3A_784, %div3A_798 : i32
      %rem3A_800 = arith.constant 3 : i32
      %rem3A_801 = arith.remsi %div3A_799, %rem3A_800 : i32
      %rem3A_802 = arith.constant 16 : i32
      %rem3A_803 = arith.remsi %scan3A_784, %rem3A_802 : i32
      %dma_start3A_804 = arith.constant 0 : i32
      %dma_start3A_805 = arith.constant 0 : i32
      %dma_start3A_806 = tpu.memref_slice %arg9[%rem3A_797, %dma_start3A_804, %dma_start3A_805] : memref<16x80x64xbf16, #tpu.memory_space<vmem>> -> memref<1x80x64xbf16, #tpu.memory_space<vmem>>
      %dma_start3A_807 = tpu.memref_squeeze %dma_start3A_806 : memref<1x80x64xbf16, #tpu.memory_space<vmem>> -> memref<80x64xbf16, #tpu.memory_space<vmem>>
      %dma_start3A_808 = arith.constant 0 : i32
      %dma_start3A_809 = tpu.memref_slice %arg7[%rem3A_801, %rem3A_803, %dma_start3A_808] : memref<3x16x80xi32, #tpu.memory_space<vmem>> -> memref<1x1x80xi32, #tpu.memory_space<vmem>>
      %dma_start3A_810 = tpu.memref_squeeze %dma_start3A_809 : memref<1x1x80xi32, #tpu.memory_space<vmem>> -> memref<80xi32, #tpu.memory_space<vmem>>
      %dma_start3A_811 = arith.constant 0 : i32
      %dma_start3A_812 = arith.constant 0 : i32
      %dma_start3A_813 = tpu.memref_slice %arg2[%dma_start3A_811, %dma_start3A_812] : memref<10112x64xbf16, #tpu.memory_space<hbm>> -> memref<10112x64xbf16, #tpu.memory_space<hbm>>
      tpu.enqueue_indirect_dma source(%dma_start3A_813 : memref<10112x64xbf16, #tpu.memory_space<hbm>>) target(%dma_start3A_807 : memref<80x64xbf16, #tpu.memory_space<vmem>>) offsets(%dma_start3A_810 : memref<80xi32, #tpu.memory_space<vmem>>) semaphore(%arg11 : memref<!tpu.dma_semaphore, #tpu.memory_space<semaphore_mem>>)
      %dma_wait3A_814 = arith.constant 0 : i32
      %dma_wait3A_815 = arith.constant 0 : i32
      %dma_wait3A_816 = arith.constant 0 : i32
      %dma_wait3A_817 = tpu.memref_slice %arg9[%dma_wait3A_814, %dma_wait3A_815, %dma_wait3A_816] : memref<16x80x64xbf16, #tpu.memory_space<vmem>> -> memref<1x80x64xbf16, #tpu.memory_space<vmem>>
      %dma_wait3A_818 = tpu.memref_squeeze %dma_wait3A_817 : memref<1x80x64xbf16, #tpu.memory_space<vmem>> -> memref<80x64xbf16, #tpu.memory_space<vmem>>
      %dma_wait3A_819 = arith.constant 0 : i32
      %dma_wait3A_820 = arith.constant 0 : i32
      %dma_wait3A_821 = tpu.memref_slice %arg5[%dma_wait3A_819, %dma_wait3A_820] : memref<10112x64xbf16, #tpu.memory_space<hbm>> -> memref<80x64xbf16, #tpu.memory_space<hbm>>
      %dma_wait3A_822 = arith.constant 0 : i32
      %dma_wait3A_823 = arith.constant 0 : i32
      %dma_wait3A_824 = tpu.memref_slice %arg9[%dma_wait3A_814, %dma_wait3A_822, %dma_wait3A_823] : memref<16x80x64xbf16, #tpu.memory_space<vmem>> -> memref<1x80x64xbf16, #tpu.memory_space<vmem>>
      %dma_wait3A_825 = tpu.memref_squeeze %dma_wait3A_824 : memref<1x80x64xbf16, #tpu.memory_space<vmem>> -> memref<80x64xbf16, #tpu.memory_space<vmem>>
      %dma_wait3A_826 = arith.constant 0 : i32
      %dma_wait3A_827 = arith.constant 0 : i32
      %dma_wait3A_828 = tpu.memref_slice %arg5[%dma_wait3A_826, %dma_wait3A_827] : memref<10112x64xbf16, #tpu.memory_space<hbm>> -> memref<80x64xbf16, #tpu.memory_space<hbm>>
      tpu.wait_dma2 semaphore(%arg11 : memref<!tpu.dma_semaphore, #tpu.memory_space<semaphore_mem>>) src(%dma_wait3A_828 : memref<80x64xbf16, #tpu.memory_space<hbm>>) dst(%dma_wait3A_825 : memref<80x64xbf16, #tpu.memory_space<vmem>>)
      %sub3A = arith.constant 10 : i32
      %sub3A_829 = arith.subi %scan3A_784, %sub3A : i32
      %sub3A_830 = arith.constant 10 : i32
      %sub3A_831 = arith.subi %scan3A_784, %sub3A_830 : i32
      %rem3A_832 = arith.constant 16 : i32
      %rem3A_833 = arith.remsi %sub3A_831, %rem3A_832 : i32
      %div3A_834 = arith.constant 16 : i32
      %div3A_835 = arith.divsi %sub3A_829, %div3A_834 : i32
      %rem3A_836 = arith.constant 3 : i32
      %rem3A_837 = arith.remsi %div3A_835, %rem3A_836 : i32
      %rem3A_838 = arith.constant 16 : i32
      %rem3A_839 = arith.remsi %sub3A_829, %rem3A_838 : i32
      %dma_start3A_840 = arith.constant 0 : i32
      %dma_start3A_841 = arith.constant 0 : i32
      %dma_start3A_842 = tpu.memref_slice %arg9[%rem3A_833, %dma_start3A_840, %dma_start3A_841] : memref<16x80x64xbf16, #tpu.memory_space<vmem>> -> memref<1x80x64xbf16, #tpu.memory_space<vmem>>
      %dma_start3A_843 = tpu.memref_squeeze %dma_start3A_842 : memref<1x80x64xbf16, #tpu.memory_space<vmem>> -> memref<80x64xbf16, #tpu.memory_space<vmem>>
      %dma_start3A_844 = arith.constant 0 : i32
      %dma_start3A_845 = tpu.memref_slice %arg8[%rem3A_837, %rem3A_839, %dma_start3A_844] : memref<3x16x80xi32, #tpu.memory_space<vmem>> -> memref<1x1x80xi32, #tpu.memory_space<vmem>>
      %dma_start3A_846 = tpu.memref_squeeze %dma_start3A_845 : memref<1x1x80xi32, #tpu.memory_space<vmem>> -> memref<80xi32, #tpu.memory_space<vmem>>
      %dma_start3A_847 = arith.constant 0 : i32
      %dma_start3A_848 = arith.constant 0 : i32
      %dma_start3A_849 = tpu.memref_slice %arg10[%dma_start3A_847, %dma_start3A_848] : memref<10112x64xbf16, #tpu.memory_space<vmem_shared>> -> memref<10112x64xbf16, #tpu.memory_space<vmem_shared>>
      tpu.enqueue_indirect_dma source(%dma_start3A_843 : memref<80x64xbf16, #tpu.memory_space<vmem>>) target(%dma_start3A_849 : memref<10112x64xbf16, #tpu.memory_space<vmem_shared>>) offsets(%dma_start3A_846 : memref<80xi32, #tpu.memory_space<vmem>>) semaphore(%arg12 : memref<!tpu.dma_semaphore, #tpu.memory_space<semaphore_mem>>) {add = true}
    }
    %scan3A_199 = arith.constant 118 : i32
    %dma_wait3A = arith.constant 0 : i32
    %dma_wait3A_200 = arith.constant 0 : i32
    %dma_wait3A_201 = arith.constant 0 : i32
    %dma_wait3A_202 = tpu.memref_slice %arg9[%dma_wait3A, %dma_wait3A_200, %dma_wait3A_201] : memref<16x80x64xbf16, #tpu.memory_space<vmem>> -> memref<1x80x64xbf16, #tpu.memory_space<vmem>>
    %dma_wait3A_203 = tpu.memref_squeeze %dma_wait3A_202 : memref<1x80x64xbf16, #tpu.memory_space<vmem>> -> memref<80x64xbf16, #tpu.memory_space<vmem>>
    %dma_wait3A_204 = arith.constant 0 : i32
    %dma_wait3A_205 = arith.constant 0 : i32
    %dma_wait3A_206 = tpu.memref_slice %arg5[%dma_wait3A_204, %dma_wait3A_205] : memref<10112x64xbf16, #tpu.memory_space<hbm>> -> memref<80x64xbf16, #tpu.memory_space<hbm>>
    %dma_wait3A_207 = arith.constant 0 : i32
    %dma_wait3A_208 = arith.constant 0 : i32
    %dma_wait3A_209 = tpu.memref_slice %arg9[%dma_wait3A, %dma_wait3A_207, %dma_wait3A_208] : memref<16x80x64xbf16, #tpu.memory_space<vmem>> -> memref<1x80x64xbf16, #tpu.memory_space<vmem>>
    %dma_wait3A_210 = tpu.memref_squeeze %dma_wait3A_209 : memref<1x80x64xbf16, #tpu.memory_space<vmem>> -> memref<80x64xbf16, #tpu.memory_space<vmem>>
    %dma_wait3A_211 = arith.constant 0 : i32
    %dma_wait3A_212 = arith.constant 0 : i32
    %dma_wait3A_213 = tpu.memref_slice %arg5[%dma_wait3A_211, %dma_wait3A_212] : memref<10112x64xbf16, #tpu.memory_space<hbm>> -> memref<80x64xbf16, #tpu.memory_space<hbm>>
    tpu.wait_dma2 semaphore(%arg11 : memref<!tpu.dma_semaphore, #tpu.memory_space<semaphore_mem>>) src(%dma_wait3A_213 : memref<80x64xbf16, #tpu.memory_space<hbm>>) dst(%dma_wait3A_210 : memref<80x64xbf16, #tpu.memory_space<vmem>>)
    %div3A_214 = arith.constant 118 : i32
    %div3A_215 = arith.constant 16 : i32
    %div3A_216 = arith.divsi %div3A_214, %div3A_215 : i32
    %rem3A_217 = arith.constant 3 : i32
    %rem3A_218 = arith.remsi %div3A_216, %rem3A_217 : i32
    %rem3A_219 = arith.constant 118 : i32
    %rem3A_220 = arith.constant 16 : i32
    %rem3A_221 = arith.remsi %rem3A_219, %rem3A_220 : i32
    %dma_start3A_222 = arith.constant 6 : i32
    %dma_start3A_223 = arith.constant 0 : i32
    %dma_start3A_224 = arith.constant 0 : i32
    %dma_start3A_225 = tpu.memref_slice %arg9[%dma_start3A_222, %dma_start3A_223, %dma_start3A_224] : memref<16x80x64xbf16, #tpu.memory_space<vmem>> -> memref<1x80x64xbf16, #tpu.memory_space<vmem>>
    %dma_start3A_226 = tpu.memref_squeeze %dma_start3A_225 : memref<1x80x64xbf16, #tpu.memory_space<vmem>> -> memref<80x64xbf16, #tpu.memory_space<vmem>>
    %dma_start3A_227 = arith.constant 0 : i32
    %dma_start3A_228 = tpu.memref_slice %arg8[%rem3A_218, %rem3A_221, %dma_start3A_227] : memref<3x16x80xi32, #tpu.memory_space<vmem>> -> memref<1x1x80xi32, #tpu.memory_space<vmem>>
    %dma_start3A_229 = tpu.memref_squeeze %dma_start3A_228 : memref<1x1x80xi32, #tpu.memory_space<vmem>> -> memref<80xi32, #tpu.memory_space<vmem>>
    %dma_start3A_230 = arith.constant 0 : i32
    %dma_start3A_231 = arith.constant 0 : i32
    %dma_start3A_232 = tpu.memref_slice %arg10[%dma_start3A_230, %dma_start3A_231] : memref<10112x64xbf16, #tpu.memory_space<vmem_shared>> -> memref<10112x64xbf16, #tpu.memory_space<vmem_shared>>
    tpu.enqueue_indirect_dma source(%dma_start3A_226 : memref<80x64xbf16, #tpu.memory_space<vmem>>) target(%dma_start3A_232 : memref<10112x64xbf16, #tpu.memory_space<vmem_shared>>) offsets(%dma_start3A_229 : memref<80xi32, #tpu.memory_space<vmem>>) semaphore(%arg12 : memref<!tpu.dma_semaphore, #tpu.memory_space<semaphore_mem>>) {add = true}
    %dma_wait3A_233 = arith.constant 0 : i32
    %dma_wait3A_234 = arith.constant 0 : i32
    %dma_wait3A_235 = arith.constant 0 : i32
    %dma_wait3A_236 = tpu.memref_slice %arg9[%dma_wait3A_233, %dma_wait3A_234, %dma_wait3A_235] : memref<16x80x64xbf16, #tpu.memory_space<vmem>> -> memref<1x80x64xbf16, #tpu.memory_space<vmem>>
    %dma_wait3A_237 = tpu.memref_squeeze %dma_wait3A_236 : memref<1x80x64xbf16, #tpu.memory_space<vmem>> -> memref<80x64xbf16, #tpu.memory_space<vmem>>
    %dma_wait3A_238 = arith.constant 0 : i32
    %dma_wait3A_239 = arith.constant 0 : i32
    %dma_wait3A_240 = tpu.memref_slice %arg5[%dma_wait3A_238, %dma_wait3A_239] : memref<10112x64xbf16, #tpu.memory_space<hbm>> -> memref<80x64xbf16, #tpu.memory_space<hbm>>
    %dma_wait3A_241 = arith.constant 0 : i32
    %dma_wait3A_242 = arith.constant 0 : i32
    %dma_wait3A_243 = tpu.memref_slice %arg9[%dma_wait3A_233, %dma_wait3A_241, %dma_wait3A_242] : memref<16x80x64xbf16, #tpu.memory_space<vmem>> -> memref<1x80x64xbf16, #tpu.memory_space<vmem>>
    %dma_wait3A_244 = tpu.memref_squeeze %dma_wait3A_243 : memref<1x80x64xbf16, #tpu.memory_space<vmem>> -> memref<80x64xbf16, #tpu.memory_space<vmem>>
    %dma_wait3A_245 = arith.constant 0 : i32
    %dma_wait3A_246 = arith.constant 0 : i32
    %dma_wait3A_247 = tpu.memref_slice %arg5[%dma_wait3A_245, %dma_wait3A_246] : memref<10112x64xbf16, #tpu.memory_space<hbm>> -> memref<80x64xbf16, #tpu.memory_space<hbm>>
    tpu.wait_dma2 semaphore(%arg11 : memref<!tpu.dma_semaphore, #tpu.memory_space<semaphore_mem>>) src(%dma_wait3A_247 : memref<80x64xbf16, #tpu.memory_space<hbm>>) dst(%dma_wait3A_244 : memref<80x64xbf16, #tpu.memory_space<vmem>>)
    %div3A_248 = arith.constant 119 : i32
    %div3A_249 = arith.constant 16 : i32
    %div3A_250 = arith.divsi %div3A_248, %div3A_249 : i32
    %rem3A_251 = arith.constant 3 : i32
    %rem3A_252 = arith.remsi %div3A_250, %rem3A_251 : i32
    %rem3A_253 = arith.constant 119 : i32
    %rem3A_254 = arith.constant 16 : i32
    %rem3A_255 = arith.remsi %rem3A_253, %rem3A_254 : i32
    %dma_start3A_256 = arith.constant 7 : i32
    %dma_start3A_257 = arith.constant 0 : i32
    %dma_start3A_258 = arith.constant 0 : i32
    %dma_start3A_259 = tpu.memref_slice %arg9[%dma_start3A_256, %dma_start3A_257, %dma_start3A_258] : memref<16x80x64xbf16, #tpu.memory_space<vmem>> -> memref<1x80x64xbf16, #tpu.memory_space<vmem>>
    %dma_start3A_260 = tpu.memref_squeeze %dma_start3A_259 : memref<1x80x64xbf16, #tpu.memory_space<vmem>> -> memref<80x64xbf16, #tpu.memory_space<vmem>>
    %dma_start3A_261 = arith.constant 0 : i32
    %dma_start3A_262 = tpu.memref_slice %arg8[%rem3A_252, %rem3A_255, %dma_start3A_261] : memref<3x16x80xi32, #tpu.memory_space<vmem>> -> memref<1x1x80xi32, #tpu.memory_space<vmem>>
    %dma_start3A_263 = tpu.memref_squeeze %dma_start3A_262 : memref<1x1x80xi32, #tpu.memory_space<vmem>> -> memref<80xi32, #tpu.memory_space<vmem>>
    %dma_start3A_264 = arith.constant 0 : i32
    %dma_start3A_265 = arith.constant 0 : i32
    %dma_start3A_266 = tpu.memref_slice %arg10[%dma_start3A_264, %dma_start3A_265] : memref<10112x64xbf16, #tpu.memory_space<vmem_shared>> -> memref<10112x64xbf16, #tpu.memory_space<vmem_shared>>
    tpu.enqueue_indirect_dma source(%dma_start3A_260 : memref<80x64xbf16, #tpu.memory_space<vmem>>) target(%dma_start3A_266 : memref<10112x64xbf16, #tpu.memory_space<vmem_shared>>) offsets(%dma_start3A_263 : memref<80xi32, #tpu.memory_space<vmem>>) semaphore(%arg12 : memref<!tpu.dma_semaphore, #tpu.memory_space<semaphore_mem>>) {add = true}
    %dma_wait3A_267 = arith.constant 0 : i32
    %dma_wait3A_268 = arith.constant 0 : i32
    %dma_wait3A_269 = arith.constant 0 : i32
    %dma_wait3A_270 = tpu.memref_slice %arg9[%dma_wait3A_267, %dma_wait3A_268, %dma_wait3A_269] : memref<16x80x64xbf16, #tpu.memory_space<vmem>> -> memref<1x80x64xbf16, #tpu.memory_space<vmem>>
    %dma_wait3A_271 = tpu.memref_squeeze %dma_wait3A_270 : memref<1x80x64xbf16, #tpu.memory_space<vmem>> -> memref<80x64xbf16, #tpu.memory_space<vmem>>
    %dma_wait3A_272 = arith.constant 0 : i32
    %dma_wait3A_273 = arith.constant 0 : i32
    %dma_wait3A_274 = tpu.memref_slice %arg5[%dma_wait3A_272, %dma_wait3A_273] : memref<10112x64xbf16, #tpu.memory_space<hbm>> -> memref<80x64xbf16, #tpu.memory_space<hbm>>
    %dma_wait3A_275 = arith.constant 0 : i32
    %dma_wait3A_276 = arith.constant 0 : i32
    %dma_wait3A_277 = tpu.memref_slice %arg9[%dma_wait3A_267, %dma_wait3A_275, %dma_wait3A_276] : memref<16x80x64xbf16, #tpu.memory_space<vmem>> -> memref<1x80x64xbf16, #tpu.memory_space<vmem>>
    %dma_wait3A_278 = tpu.memref_squeeze %dma_wait3A_277 : memref<1x80x64xbf16, #tpu.memory_space<vmem>> -> memref<80x64xbf16, #tpu.memory_space<vmem>>
    %dma_wait3A_279 = arith.constant 0 : i32
    %dma_wait3A_280 = arith.constant 0 : i32
    %dma_wait3A_281 = tpu.memref_slice %arg5[%dma_wait3A_279, %dma_wait3A_280] : memref<10112x64xbf16, #tpu.memory_space<hbm>> -> memref<80x64xbf16, #tpu.memory_space<hbm>>
    tpu.wait_dma2 semaphore(%arg11 : memref<!tpu.dma_semaphore, #tpu.memory_space<semaphore_mem>>) src(%dma_wait3A_281 : memref<80x64xbf16, #tpu.memory_space<hbm>>) dst(%dma_wait3A_278 : memref<80x64xbf16, #tpu.memory_space<vmem>>)
    %div3A_282 = arith.constant 120 : i32
    %div3A_283 = arith.constant 16 : i32
    %div3A_284 = arith.divsi %div3A_282, %div3A_283 : i32
    %rem3A_285 = arith.constant 3 : i32
    %rem3A_286 = arith.remsi %div3A_284, %rem3A_285 : i32
    %rem3A_287 = arith.constant 120 : i32
    %rem3A_288 = arith.constant 16 : i32
    %rem3A_289 = arith.remsi %rem3A_287, %rem3A_288 : i32
    %dma_start3A_290 = arith.constant 8 : i32
    %dma_start3A_291 = arith.constant 0 : i32
    %dma_start3A_292 = arith.constant 0 : i32
    %dma_start3A_293 = tpu.memref_slice %arg9[%dma_start3A_290, %dma_start3A_291, %dma_start3A_292] : memref<16x80x64xbf16, #tpu.memory_space<vmem>> -> memref<1x80x64xbf16, #tpu.memory_space<vmem>>
    %dma_start3A_294 = tpu.memref_squeeze %dma_start3A_293 : memref<1x80x64xbf16, #tpu.memory_space<vmem>> -> memref<80x64xbf16, #tpu.memory_space<vmem>>
    %dma_start3A_295 = arith.constant 0 : i32
    %dma_start3A_296 = tpu.memref_slice %arg8[%rem3A_286, %rem3A_289, %dma_start3A_295] : memref<3x16x80xi32, #tpu.memory_space<vmem>> -> memref<1x1x80xi32, #tpu.memory_space<vmem>>
    %dma_start3A_297 = tpu.memref_squeeze %dma_start3A_296 : memref<1x1x80xi32, #tpu.memory_space<vmem>> -> memref<80xi32, #tpu.memory_space<vmem>>
    %dma_start3A_298 = arith.constant 0 : i32
    %dma_start3A_299 = arith.constant 0 : i32
    %dma_start3A_300 = tpu.memref_slice %arg10[%dma_start3A_298, %dma_start3A_299] : memref<10112x64xbf16, #tpu.memory_space<vmem_shared>> -> memref<10112x64xbf16, #tpu.memory_space<vmem_shared>>
    tpu.enqueue_indirect_dma source(%dma_start3A_294 : memref<80x64xbf16, #tpu.memory_space<vmem>>) target(%dma_start3A_300 : memref<10112x64xbf16, #tpu.memory_space<vmem_shared>>) offsets(%dma_start3A_297 : memref<80xi32, #tpu.memory_space<vmem>>) semaphore(%arg12 : memref<!tpu.dma_semaphore, #tpu.memory_space<semaphore_mem>>) {add = true}
    %dma_wait3A_301 = arith.constant 0 : i32
    %dma_wait3A_302 = arith.constant 0 : i32
    %dma_wait3A_303 = arith.constant 0 : i32
    %dma_wait3A_304 = tpu.memref_slice %arg9[%dma_wait3A_301, %dma_wait3A_302, %dma_wait3A_303] : memref<16x80x64xbf16, #tpu.memory_space<vmem>> -> memref<1x80x64xbf16, #tpu.memory_space<vmem>>
    %dma_wait3A_305 = tpu.memref_squeeze %dma_wait3A_304 : memref<1x80x64xbf16, #tpu.memory_space<vmem>> -> memref<80x64xbf16, #tpu.memory_space<vmem>>
    %dma_wait3A_306 = arith.constant 0 : i32
    %dma_wait3A_307 = arith.constant 0 : i32
    %dma_wait3A_308 = tpu.memref_slice %arg5[%dma_wait3A_306, %dma_wait3A_307] : memref<10112x64xbf16, #tpu.memory_space<hbm>> -> memref<80x64xbf16, #tpu.memory_space<hbm>>
    %dma_wait3A_309 = arith.constant 0 : i32
    %dma_wait3A_310 = arith.constant 0 : i32
    %dma_wait3A_311 = tpu.memref_slice %arg9[%dma_wait3A_301, %dma_wait3A_309, %dma_wait3A_310] : memref<16x80x64xbf16, #tpu.memory_space<vmem>> -> memref<1x80x64xbf16, #tpu.memory_space<vmem>>
    %dma_wait3A_312 = tpu.memref_squeeze %dma_wait3A_311 : memref<1x80x64xbf16, #tpu.memory_space<vmem>> -> memref<80x64xbf16, #tpu.memory_space<vmem>>
    %dma_wait3A_313 = arith.constant 0 : i32
    %dma_wait3A_314 = arith.constant 0 : i32
    %dma_wait3A_315 = tpu.memref_slice %arg5[%dma_wait3A_313, %dma_wait3A_314] : memref<10112x64xbf16, #tpu.memory_space<hbm>> -> memref<80x64xbf16, #tpu.memory_space<hbm>>
    tpu.wait_dma2 semaphore(%arg11 : memref<!tpu.dma_semaphore, #tpu.memory_space<semaphore_mem>>) src(%dma_wait3A_315 : memref<80x64xbf16, #tpu.memory_space<hbm>>) dst(%dma_wait3A_312 : memref<80x64xbf16, #tpu.memory_space<vmem>>)
    %div3A_316 = arith.constant 121 : i32
    %div3A_317 = arith.constant 16 : i32
    %div3A_318 = arith.divsi %div3A_316, %div3A_317 : i32
    %rem3A_319 = arith.constant 3 : i32
    %rem3A_320 = arith.remsi %div3A_318, %rem3A_319 : i32
    %rem3A_321 = arith.constant 121 : i32
    %rem3A_322 = arith.constant 16 : i32
    %rem3A_323 = arith.remsi %rem3A_321, %rem3A_322 : i32
    %dma_start3A_324 = arith.constant 9 : i32
    %dma_start3A_325 = arith.constant 0 : i32
    %dma_start3A_326 = arith.constant 0 : i32
    %dma_start3A_327 = tpu.memref_slice %arg9[%dma_start3A_324, %dma_start3A_325, %dma_start3A_326] : memref<16x80x64xbf16, #tpu.memory_space<vmem>> -> memref<1x80x64xbf16, #tpu.memory_space<vmem>>
    %dma_start3A_328 = tpu.memref_squeeze %dma_start3A_327 : memref<1x80x64xbf16, #tpu.memory_space<vmem>> -> memref<80x64xbf16, #tpu.memory_space<vmem>>
    %dma_start3A_329 = arith.constant 0 : i32
    %dma_start3A_330 = tpu.memref_slice %arg8[%rem3A_320, %rem3A_323, %dma_start3A_329] : memref<3x16x80xi32, #tpu.memory_space<vmem>> -> memref<1x1x80xi32, #tpu.memory_space<vmem>>
    %dma_start3A_331 = tpu.memref_squeeze %dma_start3A_330 : memref<1x1x80xi32, #tpu.memory_space<vmem>> -> memref<80xi32, #tpu.memory_space<vmem>>
    %dma_start3A_332 = arith.constant 0 : i32
    %dma_start3A_333 = arith.constant 0 : i32
    %dma_start3A_334 = tpu.memref_slice %arg10[%dma_start3A_332, %dma_start3A_333] : memref<10112x64xbf16, #tpu.memory_space<vmem_shared>> -> memref<10112x64xbf16, #tpu.memory_space<vmem_shared>>
    tpu.enqueue_indirect_dma source(%dma_start3A_328 : memref<80x64xbf16, #tpu.memory_space<vmem>>) target(%dma_start3A_334 : memref<10112x64xbf16, #tpu.memory_space<vmem_shared>>) offsets(%dma_start3A_331 : memref<80xi32, #tpu.memory_space<vmem>>) semaphore(%arg12 : memref<!tpu.dma_semaphore, #tpu.memory_space<semaphore_mem>>) {add = true}
    %dma_wait3A_335 = arith.constant 0 : i32
    %dma_wait3A_336 = arith.constant 0 : i32
    %dma_wait3A_337 = arith.constant 0 : i32
    %dma_wait3A_338 = tpu.memref_slice %arg9[%dma_wait3A_335, %dma_wait3A_336, %dma_wait3A_337] : memref<16x80x64xbf16, #tpu.memory_space<vmem>> -> memref<1x80x64xbf16, #tpu.memory_space<vmem>>
    %dma_wait3A_339 = tpu.memref_squeeze %dma_wait3A_338 : memref<1x80x64xbf16, #tpu.memory_space<vmem>> -> memref<80x64xbf16, #tpu.memory_space<vmem>>
    %dma_wait3A_340 = arith.constant 0 : i32
    %dma_wait3A_341 = arith.constant 0 : i32
    %dma_wait3A_342 = tpu.memref_slice %arg5[%dma_wait3A_340, %dma_wait3A_341] : memref<10112x64xbf16, #tpu.memory_space<hbm>> -> memref<80x64xbf16, #tpu.memory_space<hbm>>
    %dma_wait3A_343 = arith.constant 0 : i32
    %dma_wait3A_344 = arith.constant 0 : i32
    %dma_wait3A_345 = tpu.memref_slice %arg9[%dma_wait3A_335, %dma_wait3A_343, %dma_wait3A_344] : memref<16x80x64xbf16, #tpu.memory_space<vmem>> -> memref<1x80x64xbf16, #tpu.memory_space<vmem>>
    %dma_wait3A_346 = tpu.memref_squeeze %dma_wait3A_345 : memref<1x80x64xbf16, #tpu.memory_space<vmem>> -> memref<80x64xbf16, #tpu.memory_space<vmem>>
    %dma_wait3A_347 = arith.constant 0 : i32
    %dma_wait3A_348 = arith.constant 0 : i32
    %dma_wait3A_349 = tpu.memref_slice %arg5[%dma_wait3A_347, %dma_wait3A_348] : memref<10112x64xbf16, #tpu.memory_space<hbm>> -> memref<80x64xbf16, #tpu.memory_space<hbm>>
    tpu.wait_dma2 semaphore(%arg11 : memref<!tpu.dma_semaphore, #tpu.memory_space<semaphore_mem>>) src(%dma_wait3A_349 : memref<80x64xbf16, #tpu.memory_space<hbm>>) dst(%dma_wait3A_346 : memref<80x64xbf16, #tpu.memory_space<vmem>>)
    %div3A_350 = arith.constant 122 : i32
    %div3A_351 = arith.constant 16 : i32
    %div3A_352 = arith.divsi %div3A_350, %div3A_351 : i32
    %rem3A_353 = arith.constant 3 : i32
    %rem3A_354 = arith.remsi %div3A_352, %rem3A_353 : i32
    %rem3A_355 = arith.constant 122 : i32
    %rem3A_356 = arith.constant 16 : i32
    %rem3A_357 = arith.remsi %rem3A_355, %rem3A_356 : i32
    %dma_start3A_358 = arith.constant 10 : i32
    %dma_start3A_359 = arith.constant 0 : i32
    %dma_start3A_360 = arith.constant 0 : i32
    %dma_start3A_361 = tpu.memref_slice %arg9[%dma_start3A_358, %dma_start3A_359, %dma_start3A_360] : memref<16x80x64xbf16, #tpu.memory_space<vmem>> -> memref<1x80x64xbf16, #tpu.memory_space<vmem>>
    %dma_start3A_362 = tpu.memref_squeeze %dma_start3A_361 : memref<1x80x64xbf16, #tpu.memory_space<vmem>> -> memref<80x64xbf16, #tpu.memory_space<vmem>>
    %dma_start3A_363 = arith.constant 0 : i32
    %dma_start3A_364 = tpu.memref_slice %arg8[%rem3A_354, %rem3A_357, %dma_start3A_363] : memref<3x16x80xi32, #tpu.memory_space<vmem>> -> memref<1x1x80xi32, #tpu.memory_space<vmem>>
    %dma_start3A_365 = tpu.memref_squeeze %dma_start3A_364 : memref<1x1x80xi32, #tpu.memory_space<vmem>> -> memref<80xi32, #tpu.memory_space<vmem>>
    %dma_start3A_366 = arith.constant 0 : i32
    %dma_start3A_367 = arith.constant 0 : i32
    %dma_start3A_368 = tpu.memref_slice %arg10[%dma_start3A_366, %dma_start3A_367] : memref<10112x64xbf16, #tpu.memory_space<vmem_shared>> -> memref<10112x64xbf16, #tpu.memory_space<vmem_shared>>
    tpu.enqueue_indirect_dma source(%dma_start3A_362 : memref<80x64xbf16, #tpu.memory_space<vmem>>) target(%dma_start3A_368 : memref<10112x64xbf16, #tpu.memory_space<vmem_shared>>) offsets(%dma_start3A_365 : memref<80xi32, #tpu.memory_space<vmem>>) semaphore(%arg12 : memref<!tpu.dma_semaphore, #tpu.memory_space<semaphore_mem>>) {add = true}
    %dma_wait3A_369 = arith.constant 0 : i32
    %dma_wait3A_370 = arith.constant 0 : i32
    %dma_wait3A_371 = arith.constant 0 : i32
    %dma_wait3A_372 = tpu.memref_slice %arg9[%dma_wait3A_369, %dma_wait3A_370, %dma_wait3A_371] : memref<16x80x64xbf16, #tpu.memory_space<vmem>> -> memref<1x80x64xbf16, #tpu.memory_space<vmem>>
    %dma_wait3A_373 = tpu.memref_squeeze %dma_wait3A_372 : memref<1x80x64xbf16, #tpu.memory_space<vmem>> -> memref<80x64xbf16, #tpu.memory_space<vmem>>
    %dma_wait3A_374 = arith.constant 0 : i32
    %dma_wait3A_375 = arith.constant 0 : i32
    %dma_wait3A_376 = tpu.memref_slice %arg5[%dma_wait3A_374, %dma_wait3A_375] : memref<10112x64xbf16, #tpu.memory_space<hbm>> -> memref<80x64xbf16, #tpu.memory_space<hbm>>
    %dma_wait3A_377 = arith.constant 0 : i32
    %dma_wait3A_378 = arith.constant 0 : i32
    %dma_wait3A_379 = tpu.memref_slice %arg9[%dma_wait3A_369, %dma_wait3A_377, %dma_wait3A_378] : memref<16x80x64xbf16, #tpu.memory_space<vmem>> -> memref<1x80x64xbf16, #tpu.memory_space<vmem>>
    %dma_wait3A_380 = tpu.memref_squeeze %dma_wait3A_379 : memref<1x80x64xbf16, #tpu.memory_space<vmem>> -> memref<80x64xbf16, #tpu.memory_space<vmem>>
    %dma_wait3A_381 = arith.constant 0 : i32
    %dma_wait3A_382 = arith.constant 0 : i32
    %dma_wait3A_383 = tpu.memref_slice %arg5[%dma_wait3A_381, %dma_wait3A_382] : memref<10112x64xbf16, #tpu.memory_space<hbm>> -> memref<80x64xbf16, #tpu.memory_space<hbm>>
    tpu.wait_dma2 semaphore(%arg11 : memref<!tpu.dma_semaphore, #tpu.memory_space<semaphore_mem>>) src(%dma_wait3A_383 : memref<80x64xbf16, #tpu.memory_space<hbm>>) dst(%dma_wait3A_380 : memref<80x64xbf16, #tpu.memory_space<vmem>>)
    %div3A_384 = arith.constant 123 : i32
    %div3A_385 = arith.constant 16 : i32
    %div3A_386 = arith.divsi %div3A_384, %div3A_385 : i32
    %rem3A_387 = arith.constant 3 : i32
    %rem3A_388 = arith.remsi %div3A_386, %rem3A_387 : i32
    %rem3A_389 = arith.constant 123 : i32
    %rem3A_390 = arith.constant 16 : i32
    %rem3A_391 = arith.remsi %rem3A_389, %rem3A_390 : i32
    %dma_start3A_392 = arith.constant 11 : i32
    %dma_start3A_393 = arith.constant 0 : i32
    %dma_start3A_394 = arith.constant 0 : i32
    %dma_start3A_395 = tpu.memref_slice %arg9[%dma_start3A_392, %dma_start3A_393, %dma_start3A_394] : memref<16x80x64xbf16, #tpu.memory_space<vmem>> -> memref<1x80x64xbf16, #tpu.memory_space<vmem>>
    %dma_start3A_396 = tpu.memref_squeeze %dma_start3A_395 : memref<1x80x64xbf16, #tpu.memory_space<vmem>> -> memref<80x64xbf16, #tpu.memory_space<vmem>>
    %dma_start3A_397 = arith.constant 0 : i32
    %dma_start3A_398 = tpu.memref_slice %arg8[%rem3A_388, %rem3A_391, %dma_start3A_397] : memref<3x16x80xi32, #tpu.memory_space<vmem>> -> memref<1x1x80xi32, #tpu.memory_space<vmem>>
    %dma_start3A_399 = tpu.memref_squeeze %dma_start3A_398 : memref<1x1x80xi32, #tpu.memory_space<vmem>> -> memref<80xi32, #tpu.memory_space<vmem>>
    %dma_start3A_400 = arith.constant 0 : i32
    %dma_start3A_401 = arith.constant 0 : i32
    %dma_start3A_402 = tpu.memref_slice %arg10[%dma_start3A_400, %dma_start3A_401] : memref<10112x64xbf16, #tpu.memory_space<vmem_shared>> -> memref<10112x64xbf16, #tpu.memory_space<vmem_shared>>
    tpu.enqueue_indirect_dma source(%dma_start3A_396 : memref<80x64xbf16, #tpu.memory_space<vmem>>) target(%dma_start3A_402 : memref<10112x64xbf16, #tpu.memory_space<vmem_shared>>) offsets(%dma_start3A_399 : memref<80xi32, #tpu.memory_space<vmem>>) semaphore(%arg12 : memref<!tpu.dma_semaphore, #tpu.memory_space<semaphore_mem>>) {add = true}
    %dma_wait3A_403 = arith.constant 0 : i32
    %dma_wait3A_404 = arith.constant 0 : i32
    %dma_wait3A_405 = arith.constant 0 : i32
    %dma_wait3A_406 = tpu.memref_slice %arg9[%dma_wait3A_403, %dma_wait3A_404, %dma_wait3A_405] : memref<16x80x64xbf16, #tpu.memory_space<vmem>> -> memref<1x80x64xbf16, #tpu.memory_space<vmem>>
    %dma_wait3A_407 = tpu.memref_squeeze %dma_wait3A_406 : memref<1x80x64xbf16, #tpu.memory_space<vmem>> -> memref<80x64xbf16, #tpu.memory_space<vmem>>
    %dma_wait3A_408 = arith.constant 0 : i32
    %dma_wait3A_409 = arith.constant 0 : i32
    %dma_wait3A_410 = tpu.memref_slice %arg5[%dma_wait3A_408, %dma_wait3A_409] : memref<10112x64xbf16, #tpu.memory_space<hbm>> -> memref<80x64xbf16, #tpu.memory_space<hbm>>
    %dma_wait3A_411 = arith.constant 0 : i32
    %dma_wait3A_412 = arith.constant 0 : i32
    %dma_wait3A_413 = tpu.memref_slice %arg9[%dma_wait3A_403, %dma_wait3A_411, %dma_wait3A_412] : memref<16x80x64xbf16, #tpu.memory_space<vmem>> -> memref<1x80x64xbf16, #tpu.memory_space<vmem>>
    %dma_wait3A_414 = tpu.memref_squeeze %dma_wait3A_413 : memref<1x80x64xbf16, #tpu.memory_space<vmem>> -> memref<80x64xbf16, #tpu.memory_space<vmem>>
    %dma_wait3A_415 = arith.constant 0 : i32
    %dma_wait3A_416 = arith.constant 0 : i32
    %dma_wait3A_417 = tpu.memref_slice %arg5[%dma_wait3A_415, %dma_wait3A_416] : memref<10112x64xbf16, #tpu.memory_space<hbm>> -> memref<80x64xbf16, #tpu.memory_space<hbm>>
    tpu.wait_dma2 semaphore(%arg11 : memref<!tpu.dma_semaphore, #tpu.memory_space<semaphore_mem>>) src(%dma_wait3A_417 : memref<80x64xbf16, #tpu.memory_space<hbm>>) dst(%dma_wait3A_414 : memref<80x64xbf16, #tpu.memory_space<vmem>>)
    %div3A_418 = arith.constant 124 : i32
    %div3A_419 = arith.constant 16 : i32
    %div3A_420 = arith.divsi %div3A_418, %div3A_419 : i32
    %rem3A_421 = arith.constant 3 : i32
    %rem3A_422 = arith.remsi %div3A_420, %rem3A_421 : i32
    %rem3A_423 = arith.constant 124 : i32
    %rem3A_424 = arith.constant 16 : i32
    %rem3A_425 = arith.remsi %rem3A_423, %rem3A_424 : i32
    %dma_start3A_426 = arith.constant 12 : i32
    %dma_start3A_427 = arith.constant 0 : i32
    %dma_start3A_428 = arith.constant 0 : i32
    %dma_start3A_429 = tpu.memref_slice %arg9[%dma_start3A_426, %dma_start3A_427, %dma_start3A_428] : memref<16x80x64xbf16, #tpu.memory_space<vmem>> -> memref<1x80x64xbf16, #tpu.memory_space<vmem>>
    %dma_start3A_430 = tpu.memref_squeeze %dma_start3A_429 : memref<1x80x64xbf16, #tpu.memory_space<vmem>> -> memref<80x64xbf16, #tpu.memory_space<vmem>>
    %dma_start3A_431 = arith.constant 0 : i32
    %dma_start3A_432 = tpu.memref_slice %arg8[%rem3A_422, %rem3A_425, %dma_start3A_431] : memref<3x16x80xi32, #tpu.memory_space<vmem>> -> memref<1x1x80xi32, #tpu.memory_space<vmem>>
    %dma_start3A_433 = tpu.memref_squeeze %dma_start3A_432 : memref<1x1x80xi32, #tpu.memory_space<vmem>> -> memref<80xi32, #tpu.memory_space<vmem>>
    %dma_start3A_434 = arith.constant 0 : i32
    %dma_start3A_435 = arith.constant 0 : i32
    %dma_start3A_436 = tpu.memref_slice %arg10[%dma_start3A_434, %dma_start3A_435] : memref<10112x64xbf16, #tpu.memory_space<vmem_shared>> -> memref<10112x64xbf16, #tpu.memory_space<vmem_shared>>
    tpu.enqueue_indirect_dma source(%dma_start3A_430 : memref<80x64xbf16, #tpu.memory_space<vmem>>) target(%dma_start3A_436 : memref<10112x64xbf16, #tpu.memory_space<vmem_shared>>) offsets(%dma_start3A_433 : memref<80xi32, #tpu.memory_space<vmem>>) semaphore(%arg12 : memref<!tpu.dma_semaphore, #tpu.memory_space<semaphore_mem>>) {add = true}
    %dma_wait3A_437 = arith.constant 0 : i32
    %dma_wait3A_438 = arith.constant 0 : i32
    %dma_wait3A_439 = arith.constant 0 : i32
    %dma_wait3A_440 = tpu.memref_slice %arg9[%dma_wait3A_437, %dma_wait3A_438, %dma_wait3A_439] : memref<16x80x64xbf16, #tpu.memory_space<vmem>> -> memref<1x80x64xbf16, #tpu.memory_space<vmem>>
    %dma_wait3A_441 = tpu.memref_squeeze %dma_wait3A_440 : memref<1x80x64xbf16, #tpu.memory_space<vmem>> -> memref<80x64xbf16, #tpu.memory_space<vmem>>
    %dma_wait3A_442 = arith.constant 0 : i32
    %dma_wait3A_443 = arith.constant 0 : i32
    %dma_wait3A_444 = tpu.memref_slice %arg5[%dma_wait3A_442, %dma_wait3A_443] : memref<10112x64xbf16, #tpu.memory_space<hbm>> -> memref<80x64xbf16, #tpu.memory_space<hbm>>
    %dma_wait3A_445 = arith.constant 0 : i32
    %dma_wait3A_446 = arith.constant 0 : i32
    %dma_wait3A_447 = tpu.memref_slice %arg9[%dma_wait3A_437, %dma_wait3A_445, %dma_wait3A_446] : memref<16x80x64xbf16, #tpu.memory_space<vmem>> -> memref<1x80x64xbf16, #tpu.memory_space<vmem>>
    %dma_wait3A_448 = tpu.memref_squeeze %dma_wait3A_447 : memref<1x80x64xbf16, #tpu.memory_space<vmem>> -> memref<80x64xbf16, #tpu.memory_space<vmem>>
    %dma_wait3A_449 = arith.constant 0 : i32
    %dma_wait3A_450 = arith.constant 0 : i32
    %dma_wait3A_451 = tpu.memref_slice %arg5[%dma_wait3A_449, %dma_wait3A_450] : memref<10112x64xbf16, #tpu.memory_space<hbm>> -> memref<80x64xbf16, #tpu.memory_space<hbm>>
    tpu.wait_dma2 semaphore(%arg11 : memref<!tpu.dma_semaphore, #tpu.memory_space<semaphore_mem>>) src(%dma_wait3A_451 : memref<80x64xbf16, #tpu.memory_space<hbm>>) dst(%dma_wait3A_448 : memref<80x64xbf16, #tpu.memory_space<vmem>>)
    %div3A_452 = arith.constant 125 : i32
    %div3A_453 = arith.constant 16 : i32
    %div3A_454 = arith.divsi %div3A_452, %div3A_453 : i32
    %rem3A_455 = arith.constant 3 : i32
    %rem3A_456 = arith.remsi %div3A_454, %rem3A_455 : i32
    %rem3A_457 = arith.constant 125 : i32
    %rem3A_458 = arith.constant 16 : i32
    %rem3A_459 = arith.remsi %rem3A_457, %rem3A_458 : i32
    %dma_start3A_460 = arith.constant 13 : i32
    %dma_start3A_461 = arith.constant 0 : i32
    %dma_start3A_462 = arith.constant 0 : i32
    %dma_start3A_463 = tpu.memref_slice %arg9[%dma_start3A_460, %dma_start3A_461, %dma_start3A_462] : memref<16x80x64xbf16, #tpu.memory_space<vmem>> -> memref<1x80x64xbf16, #tpu.memory_space<vmem>>
    %dma_start3A_464 = tpu.memref_squeeze %dma_start3A_463 : memref<1x80x64xbf16, #tpu.memory_space<vmem>> -> memref<80x64xbf16, #tpu.memory_space<vmem>>
    %dma_start3A_465 = arith.constant 0 : i32
    %dma_start3A_466 = tpu.memref_slice %arg8[%rem3A_456, %rem3A_459, %dma_start3A_465] : memref<3x16x80xi32, #tpu.memory_space<vmem>> -> memref<1x1x80xi32, #tpu.memory_space<vmem>>
    %dma_start3A_467 = tpu.memref_squeeze %dma_start3A_466 : memref<1x1x80xi32, #tpu.memory_space<vmem>> -> memref<80xi32, #tpu.memory_space<vmem>>
    %dma_start3A_468 = arith.constant 0 : i32
    %dma_start3A_469 = arith.constant 0 : i32
    %dma_start3A_470 = tpu.memref_slice %arg10[%dma_start3A_468, %dma_start3A_469] : memref<10112x64xbf16, #tpu.memory_space<vmem_shared>> -> memref<10112x64xbf16, #tpu.memory_space<vmem_shared>>
    tpu.enqueue_indirect_dma source(%dma_start3A_464 : memref<80x64xbf16, #tpu.memory_space<vmem>>) target(%dma_start3A_470 : memref<10112x64xbf16, #tpu.memory_space<vmem_shared>>) offsets(%dma_start3A_467 : memref<80xi32, #tpu.memory_space<vmem>>) semaphore(%arg12 : memref<!tpu.dma_semaphore, #tpu.memory_space<semaphore_mem>>) {add = true}
    %dma_wait3A_471 = arith.constant 0 : i32
    %dma_wait3A_472 = arith.constant 0 : i32
    %dma_wait3A_473 = arith.constant 0 : i32
    %dma_wait3A_474 = tpu.memref_slice %arg9[%dma_wait3A_471, %dma_wait3A_472, %dma_wait3A_473] : memref<16x80x64xbf16, #tpu.memory_space<vmem>> -> memref<1x80x64xbf16, #tpu.memory_space<vmem>>
    %dma_wait3A_475 = tpu.memref_squeeze %dma_wait3A_474 : memref<1x80x64xbf16, #tpu.memory_space<vmem>> -> memref<80x64xbf16, #tpu.memory_space<vmem>>
    %dma_wait3A_476 = arith.constant 0 : i32
    %dma_wait3A_477 = arith.constant 0 : i32
    %dma_wait3A_478 = tpu.memref_slice %arg5[%dma_wait3A_476, %dma_wait3A_477] : memref<10112x64xbf16, #tpu.memory_space<hbm>> -> memref<80x64xbf16, #tpu.memory_space<hbm>>
    %dma_wait3A_479 = arith.constant 0 : i32
    %dma_wait3A_480 = arith.constant 0 : i32
    %dma_wait3A_481 = tpu.memref_slice %arg9[%dma_wait3A_471, %dma_wait3A_479, %dma_wait3A_480] : memref<16x80x64xbf16, #tpu.memory_space<vmem>> -> memref<1x80x64xbf16, #tpu.memory_space<vmem>>
    %dma_wait3A_482 = tpu.memref_squeeze %dma_wait3A_481 : memref<1x80x64xbf16, #tpu.memory_space<vmem>> -> memref<80x64xbf16, #tpu.memory_space<vmem>>
    %dma_wait3A_483 = arith.constant 0 : i32
    %dma_wait3A_484 = arith.constant 0 : i32
    %dma_wait3A_485 = tpu.memref_slice %arg5[%dma_wait3A_483, %dma_wait3A_484] : memref<10112x64xbf16, #tpu.memory_space<hbm>> -> memref<80x64xbf16, #tpu.memory_space<hbm>>
    tpu.wait_dma2 semaphore(%arg11 : memref<!tpu.dma_semaphore, #tpu.memory_space<semaphore_mem>>) src(%dma_wait3A_485 : memref<80x64xbf16, #tpu.memory_space<hbm>>) dst(%dma_wait3A_482 : memref<80x64xbf16, #tpu.memory_space<vmem>>)
    %div3A_486 = arith.constant 126 : i32
    %div3A_487 = arith.constant 16 : i32
    %div3A_488 = arith.divsi %div3A_486, %div3A_487 : i32
    %rem3A_489 = arith.constant 3 : i32
    %rem3A_490 = arith.remsi %div3A_488, %rem3A_489 : i32
    %rem3A_491 = arith.constant 126 : i32
    %rem3A_492 = arith.constant 16 : i32
    %rem3A_493 = arith.remsi %rem3A_491, %rem3A_492 : i32
    %dma_start3A_494 = arith.constant 14 : i32
    %dma_start3A_495 = arith.constant 0 : i32
    %dma_start3A_496 = arith.constant 0 : i32
    %dma_start3A_497 = tpu.memref_slice %arg9[%dma_start3A_494, %dma_start3A_495, %dma_start3A_496] : memref<16x80x64xbf16, #tpu.memory_space<vmem>> -> memref<1x80x64xbf16, #tpu.memory_space<vmem>>
    %dma_start3A_498 = tpu.memref_squeeze %dma_start3A_497 : memref<1x80x64xbf16, #tpu.memory_space<vmem>> -> memref<80x64xbf16, #tpu.memory_space<vmem>>
    %dma_start3A_499 = arith.constant 0 : i32
    %dma_start3A_500 = tpu.memref_slice %arg8[%rem3A_490, %rem3A_493, %dma_start3A_499] : memref<3x16x80xi32, #tpu.memory_space<vmem>> -> memref<1x1x80xi32, #tpu.memory_space<vmem>>
    %dma_start3A_501 = tpu.memref_squeeze %dma_start3A_500 : memref<1x1x80xi32, #tpu.memory_space<vmem>> -> memref<80xi32, #tpu.memory_space<vmem>>
    %dma_start3A_502 = arith.constant 0 : i32
    %dma_start3A_503 = arith.constant 0 : i32
    %dma_start3A_504 = tpu.memref_slice %arg10[%dma_start3A_502, %dma_start3A_503] : memref<10112x64xbf16, #tpu.memory_space<vmem_shared>> -> memref<10112x64xbf16, #tpu.memory_space<vmem_shared>>
    tpu.enqueue_indirect_dma source(%dma_start3A_498 : memref<80x64xbf16, #tpu.memory_space<vmem>>) target(%dma_start3A_504 : memref<10112x64xbf16, #tpu.memory_space<vmem_shared>>) offsets(%dma_start3A_501 : memref<80xi32, #tpu.memory_space<vmem>>) semaphore(%arg12 : memref<!tpu.dma_semaphore, #tpu.memory_space<semaphore_mem>>) {add = true}
    %dma_wait3A_505 = arith.constant 0 : i32
    %dma_wait3A_506 = arith.constant 0 : i32
    %dma_wait3A_507 = arith.constant 0 : i32
    %dma_wait3A_508 = tpu.memref_slice %arg9[%dma_wait3A_505, %dma_wait3A_506, %dma_wait3A_507] : memref<16x80x64xbf16, #tpu.memory_space<vmem>> -> memref<1x80x64xbf16, #tpu.memory_space<vmem>>
    %dma_wait3A_509 = tpu.memref_squeeze %dma_wait3A_508 : memref<1x80x64xbf16, #tpu.memory_space<vmem>> -> memref<80x64xbf16, #tpu.memory_space<vmem>>
    %dma_wait3A_510 = arith.constant 0 : i32
    %dma_wait3A_511 = arith.constant 0 : i32
    %dma_wait3A_512 = tpu.memref_slice %arg5[%dma_wait3A_510, %dma_wait3A_511] : memref<10112x64xbf16, #tpu.memory_space<hbm>> -> memref<80x64xbf16, #tpu.memory_space<hbm>>
    %dma_wait3A_513 = arith.constant 0 : i32
    %dma_wait3A_514 = arith.constant 0 : i32
    %dma_wait3A_515 = tpu.memref_slice %arg9[%dma_wait3A_505, %dma_wait3A_513, %dma_wait3A_514] : memref<16x80x64xbf16, #tpu.memory_space<vmem>> -> memref<1x80x64xbf16, #tpu.memory_space<vmem>>
    %dma_wait3A_516 = tpu.memref_squeeze %dma_wait3A_515 : memref<1x80x64xbf16, #tpu.memory_space<vmem>> -> memref<80x64xbf16, #tpu.memory_space<vmem>>
    %dma_wait3A_517 = arith.constant 0 : i32
    %dma_wait3A_518 = arith.constant 0 : i32
    %dma_wait3A_519 = tpu.memref_slice %arg5[%dma_wait3A_517, %dma_wait3A_518] : memref<10112x64xbf16, #tpu.memory_space<hbm>> -> memref<80x64xbf16, #tpu.memory_space<hbm>>
    tpu.wait_dma2 semaphore(%arg11 : memref<!tpu.dma_semaphore, #tpu.memory_space<semaphore_mem>>) src(%dma_wait3A_519 : memref<80x64xbf16, #tpu.memory_space<hbm>>) dst(%dma_wait3A_516 : memref<80x64xbf16, #tpu.memory_space<vmem>>)
    %div3A_520 = arith.constant 127 : i32
    %div3A_521 = arith.constant 16 : i32
    %div3A_522 = arith.divsi %div3A_520, %div3A_521 : i32
    %rem3A_523 = arith.constant 3 : i32
    %rem3A_524 = arith.remsi %div3A_522, %rem3A_523 : i32
    %rem3A_525 = arith.constant 127 : i32
    %rem3A_526 = arith.constant 16 : i32
    %rem3A_527 = arith.remsi %rem3A_525, %rem3A_526 : i32
    %dma_start3A_528 = arith.constant 15 : i32
    %dma_start3A_529 = arith.constant 0 : i32
    %dma_start3A_530 = arith.constant 0 : i32
    %dma_start3A_531 = tpu.memref_slice %arg9[%dma_start3A_528, %dma_start3A_529, %dma_start3A_530] : memref<16x80x64xbf16, #tpu.memory_space<vmem>> -> memref<1x80x64xbf16, #tpu.memory_space<vmem>>
    %dma_start3A_532 = tpu.memref_squeeze %dma_start3A_531 : memref<1x80x64xbf16, #tpu.memory_space<vmem>> -> memref<80x64xbf16, #tpu.memory_space<vmem>>
    %dma_start3A_533 = arith.constant 0 : i32
    %dma_start3A_534 = tpu.memref_slice %arg8[%rem3A_524, %rem3A_527, %dma_start3A_533] : memref<3x16x80xi32, #tpu.memory_space<vmem>> -> memref<1x1x80xi32, #tpu.memory_space<vmem>>
    %dma_start3A_535 = tpu.memref_squeeze %dma_start3A_534 : memref<1x1x80xi32, #tpu.memory_space<vmem>> -> memref<80xi32, #tpu.memory_space<vmem>>
    %dma_start3A_536 = arith.constant 0 : i32
    %dma_start3A_537 = arith.constant 0 : i32
    %dma_start3A_538 = tpu.memref_slice %arg10[%dma_start3A_536, %dma_start3A_537] : memref<10112x64xbf16, #tpu.memory_space<vmem_shared>> -> memref<10112x64xbf16, #tpu.memory_space<vmem_shared>>
    tpu.enqueue_indirect_dma source(%dma_start3A_532 : memref<80x64xbf16, #tpu.memory_space<vmem>>) target(%dma_start3A_538 : memref<10112x64xbf16, #tpu.memory_space<vmem_shared>>) offsets(%dma_start3A_535 : memref<80xi32, #tpu.memory_space<vmem>>) semaphore(%arg12 : memref<!tpu.dma_semaphore, #tpu.memory_space<semaphore_mem>>) {add = true}
    %dma_wait3A_539 = arith.constant 0 : i32
    %dma_wait3A_540 = arith.constant 0 : i32
    %dma_wait3A_541 = arith.constant 0 : i32
    %dma_wait3A_542 = tpu.memref_slice %arg9[%dma_wait3A_539, %dma_wait3A_540, %dma_wait3A_541] : memref<16x80x64xbf16, #tpu.memory_space<vmem>> -> memref<1x80x64xbf16, #tpu.memory_space<vmem>>
    %dma_wait3A_543 = tpu.memref_squeeze %dma_wait3A_542 : memref<1x80x64xbf16, #tpu.memory_space<vmem>> -> memref<80x64xbf16, #tpu.memory_space<vmem>>
    %dma_wait3A_544 = arith.constant 0 : i32
    %dma_wait3A_545 = arith.constant 0 : i32
    %dma_wait3A_546 = tpu.memref_slice %arg5[%dma_wait3A_544, %dma_wait3A_545] : memref<10112x64xbf16, #tpu.memory_space<hbm>> -> memref<80x64xbf16, #tpu.memory_space<hbm>>
    %dma_wait3A_547 = arith.constant 0 : i32
    %dma_wait3A_548 = arith.constant 0 : i32
    %dma_wait3A_549 = tpu.memref_slice %arg9[%dma_wait3A_539, %dma_wait3A_547, %dma_wait3A_548] : memref<16x80x64xbf16, #tpu.memory_space<vmem>> -> memref<1x80x64xbf16, #tpu.memory_space<vmem>>
    %dma_wait3A_550 = tpu.memref_squeeze %dma_wait3A_549 : memref<1x80x64xbf16, #tpu.memory_space<vmem>> -> memref<80x64xbf16, #tpu.memory_space<vmem>>
    %dma_wait3A_551 = arith.constant 0 : i32
    %dma_wait3A_552 = arith.constant 0 : i32
    %dma_wait3A_553 = tpu.memref_slice %arg5[%dma_wait3A_551, %dma_wait3A_552] : memref<10112x64xbf16, #tpu.memory_space<hbm>> -> memref<80x64xbf16, #tpu.memory_space<hbm>>
    tpu.wait_dma2 semaphore(%arg12 : memref<!tpu.dma_semaphore, #tpu.memory_space<semaphore_mem>>) src(%dma_wait3A_553 : memref<80x64xbf16, #tpu.memory_space<hbm>>) dst(%dma_wait3A_550 : memref<80x64xbf16, #tpu.memory_space<vmem>>)
    %dma_wait3A_554 = arith.constant 0 : i32
    %dma_wait3A_555 = arith.constant 0 : i32
    %dma_wait3A_556 = arith.constant 0 : i32
    %dma_wait3A_557 = tpu.memref_slice %arg9[%dma_wait3A_554, %dma_wait3A_555, %dma_wait3A_556] : memref<16x80x64xbf16, #tpu.memory_space<vmem>> -> memref<1x80x64xbf16, #tpu.memory_space<vmem>>
    %dma_wait3A_558 = tpu.memref_squeeze %dma_wait3A_557 : memref<1x80x64xbf16, #tpu.memory_space<vmem>> -> memref<80x64xbf16, #tpu.memory_space<vmem>>
    %dma_wait3A_559 = arith.constant 0 : i32
    %dma_wait3A_560 = arith.constant 0 : i32
    %dma_wait3A_561 = tpu.memref_slice %arg5[%dma_wait3A_559, %dma_wait3A_560] : memref<10112x64xbf16, #tpu.memory_space<hbm>> -> memref<80x64xbf16, #tpu.memory_space<hbm>>
    %dma_wait3A_562 = arith.constant 0 : i32
    %dma_wait3A_563 = arith.constant 0 : i32
    %dma_wait3A_564 = tpu.memref_slice %arg9[%dma_wait3A_554, %dma_wait3A_562, %dma_wait3A_563] : memref<16x80x64xbf16, #tpu.memory_space<vmem>> -> memref<1x80x64xbf16, #tpu.memory_space<vmem>>
    %dma_wait3A_565 = tpu.memref_squeeze %dma_wait3A_564 : memref<1x80x64xbf16, #tpu.memory_space<vmem>> -> memref<80x64xbf16, #tpu.memory_space<vmem>>
    %dma_wait3A_566 = arith.constant 0 : i32
    %dma_wait3A_567 = arith.constant 0 : i32
    %dma_wait3A_568 = tpu.memref_slice %arg5[%dma_wait3A_566, %dma_wait3A_567] : memref<10112x64xbf16, #tpu.memory_space<hbm>> -> memref<80x64xbf16, #tpu.memory_space<hbm>>
    tpu.wait_dma2 semaphore(%arg12 : memref<!tpu.dma_semaphore, #tpu.memory_space<semaphore_mem>>) src(%dma_wait3A_568 : memref<80x64xbf16, #tpu.memory_space<hbm>>) dst(%dma_wait3A_565 : memref<80x64xbf16, #tpu.memory_space<vmem>>)
    %dma_wait3A_569 = arith.constant 0 : i32
    %dma_wait3A_570 = arith.constant 0 : i32
    %dma_wait3A_571 = arith.constant 0 : i32
    %dma_wait3A_572 = tpu.memref_slice %arg9[%dma_wait3A_569, %dma_wait3A_570, %dma_wait3A_571] : memref<16x80x64xbf16, #tpu.memory_space<vmem>> -> memref<1x80x64xbf16, #tpu.memory_space<vmem>>
    %dma_wait3A_573 = tpu.memref_squeeze %dma_wait3A_572 : memref<1x80x64xbf16, #tpu.memory_space<vmem>> -> memref<80x64xbf16, #tpu.memory_space<vmem>>
    %dma_wait3A_574 = arith.constant 0 : i32
    %dma_wait3A_575 = arith.constant 0 : i32
    %dma_wait3A_576 = tpu.memref_slice %arg5[%dma_wait3A_574, %dma_wait3A_575] : memref<10112x64xbf16, #tpu.memory_space<hbm>> -> memref<80x64xbf16, #tpu.memory_space<hbm>>
    %dma_wait3A_577 = arith.constant 0 : i32
    %dma_wait3A_578 = arith.constant 0 : i32
    %dma_wait3A_579 = tpu.memref_slice %arg9[%dma_wait3A_569, %dma_wait3A_577, %dma_wait3A_578] : memref<16x80x64xbf16, #tpu.memory_space<vmem>> -> memref<1x80x64xbf16, #tpu.memory_space<vmem>>
    %dma_wait3A_580 = tpu.memref_squeeze %dma_wait3A_579 : memref<1x80x64xbf16, #tpu.memory_space<vmem>> -> memref<80x64xbf16, #tpu.memory_space<vmem>>
    %dma_wait3A_581 = arith.constant 0 : i32
    %dma_wait3A_582 = arith.constant 0 : i32
    %dma_wait3A_583 = tpu.memref_slice %arg5[%dma_wait3A_581, %dma_wait3A_582] : memref<10112x64xbf16, #tpu.memory_space<hbm>> -> memref<80x64xbf16, #tpu.memory_space<hbm>>
    tpu.wait_dma2 semaphore(%arg12 : memref<!tpu.dma_semaphore, #tpu.memory_space<semaphore_mem>>) src(%dma_wait3A_583 : memref<80x64xbf16, #tpu.memory_space<hbm>>) dst(%dma_wait3A_580 : memref<80x64xbf16, #tpu.memory_space<vmem>>)
    %dma_wait3A_584 = arith.constant 0 : i32
    %dma_wait3A_585 = arith.constant 0 : i32
    %dma_wait3A_586 = arith.constant 0 : i32
    %dma_wait3A_587 = tpu.memref_slice %arg9[%dma_wait3A_584, %dma_wait3A_585, %dma_wait3A_586] : memref<16x80x64xbf16, #tpu.memory_space<vmem>> -> memref<1x80x64xbf16, #tpu.memory_space<vmem>>
    %dma_wait3A_588 = tpu.memref_squeeze %dma_wait3A_587 : memref<1x80x64xbf16, #tpu.memory_space<vmem>> -> memref<80x64xbf16, #tpu.memory_space<vmem>>
    %dma_wait3A_589 = arith.constant 0 : i32
    %dma_wait3A_590 = arith.constant 0 : i32
    %dma_wait3A_591 = tpu.memref_slice %arg5[%dma_wait3A_589, %dma_wait3A_590] : memref<10112x64xbf16, #tpu.memory_space<hbm>> -> memref<80x64xbf16, #tpu.memory_space<hbm>>
    %dma_wait3A_592 = arith.constant 0 : i32
    %dma_wait3A_593 = arith.constant 0 : i32
    %dma_wait3A_594 = tpu.memref_slice %arg9[%dma_wait3A_584, %dma_wait3A_592, %dma_wait3A_593] : memref<16x80x64xbf16, #tpu.memory_space<vmem>> -> memref<1x80x64xbf16, #tpu.memory_space<vmem>>
    %dma_wait3A_595 = tpu.memref_squeeze %dma_wait3A_594 : memref<1x80x64xbf16, #tpu.memory_space<vmem>> -> memref<80x64xbf16, #tpu.memory_space<vmem>>
    %dma_wait3A_596 = arith.constant 0 : i32
    %dma_wait3A_597 = arith.constant 0 : i32
    %dma_wait3A_598 = tpu.memref_slice %arg5[%dma_wait3A_596, %dma_wait3A_597] : memref<10112x64xbf16, #tpu.memory_space<hbm>> -> memref<80x64xbf16, #tpu.memory_space<hbm>>
    tpu.wait_dma2 semaphore(%arg12 : memref<!tpu.dma_semaphore, #tpu.memory_space<semaphore_mem>>) src(%dma_wait3A_598 : memref<80x64xbf16, #tpu.memory_space<hbm>>) dst(%dma_wait3A_595 : memref<80x64xbf16, #tpu.memory_space<vmem>>)
    %dma_wait3A_599 = arith.constant 0 : i32
    %dma_wait3A_600 = arith.constant 0 : i32
    %dma_wait3A_601 = arith.constant 0 : i32
    %dma_wait3A_602 = tpu.memref_slice %arg9[%dma_wait3A_599, %dma_wait3A_600, %dma_wait3A_601] : memref<16x80x64xbf16, #tpu.memory_space<vmem>> -> memref<1x80x64xbf16, #tpu.memory_space<vmem>>
    %dma_wait3A_603 = tpu.memref_squeeze %dma_wait3A_602 : memref<1x80x64xbf16, #tpu.memory_space<vmem>> -> memref<80x64xbf16, #tpu.memory_space<vmem>>
    %dma_wait3A_604 = arith.constant 0 : i32
    %dma_wait3A_605 = arith.constant 0 : i32
    %dma_wait3A_606 = tpu.memref_slice %arg5[%dma_wait3A_604, %dma_wait3A_605] : memref<10112x64xbf16, #tpu.memory_space<hbm>> -> memref<80x64xbf16, #tpu.memory_space<hbm>>
    %dma_wait3A_607 = arith.constant 0 : i32
    %dma_wait3A_608 = arith.constant 0 : i32
    %dma_wait3A_609 = tpu.memref_slice %arg9[%dma_wait3A_599, %dma_wait3A_607, %dma_wait3A_608] : memref<16x80x64xbf16, #tpu.memory_space<vmem>> -> memref<1x80x64xbf16, #tpu.memory_space<vmem>>
    %dma_wait3A_610 = tpu.memref_squeeze %dma_wait3A_609 : memref<1x80x64xbf16, #tpu.memory_space<vmem>> -> memref<80x64xbf16, #tpu.memory_space<vmem>>
    %dma_wait3A_611 = arith.constant 0 : i32
    %dma_wait3A_612 = arith.constant 0 : i32
    %dma_wait3A_613 = tpu.memref_slice %arg5[%dma_wait3A_611, %dma_wait3A_612] : memref<10112x64xbf16, #tpu.memory_space<hbm>> -> memref<80x64xbf16, #tpu.memory_space<hbm>>
    tpu.wait_dma2 semaphore(%arg12 : memref<!tpu.dma_semaphore, #tpu.memory_space<semaphore_mem>>) src(%dma_wait3A_613 : memref<80x64xbf16, #tpu.memory_space<hbm>>) dst(%dma_wait3A_610 : memref<80x64xbf16, #tpu.memory_space<vmem>>)
    %dma_wait3A_614 = arith.constant 0 : i32
    %dma_wait3A_615 = arith.constant 0 : i32
    %dma_wait3A_616 = arith.constant 0 : i32
    %dma_wait3A_617 = tpu.memref_slice %arg9[%dma_wait3A_614, %dma_wait3A_615, %dma_wait3A_616] : memref<16x80x64xbf16, #tpu.memory_space<vmem>> -> memref<1x80x64xbf16, #tpu.memory_space<vmem>>
    %dma_wait3A_618 = tpu.memref_squeeze %dma_wait3A_617 : memref<1x80x64xbf16, #tpu.memory_space<vmem>> -> memref<80x64xbf16, #tpu.memory_space<vmem>>
    %dma_wait3A_619 = arith.constant 0 : i32
    %dma_wait3A_620 = arith.constant 0 : i32
    %dma_wait3A_621 = tpu.memref_slice %arg5[%dma_wait3A_619, %dma_wait3A_620] : memref<10112x64xbf16, #tpu.memory_space<hbm>> -> memref<80x64xbf16, #tpu.memory_space<hbm>>
    %dma_wait3A_622 = arith.constant 0 : i32
    %dma_wait3A_623 = arith.constant 0 : i32
    %dma_wait3A_624 = tpu.memref_slice %arg9[%dma_wait3A_614, %dma_wait3A_622, %dma_wait3A_623] : memref<16x80x64xbf16, #tpu.memory_space<vmem>> -> memref<1x80x64xbf16, #tpu.memory_space<vmem>>
    %dma_wait3A_625 = tpu.memref_squeeze %dma_wait3A_624 : memref<1x80x64xbf16, #tpu.memory_space<vmem>> -> memref<80x64xbf16, #tpu.memory_space<vmem>>
    %dma_wait3A_626 = arith.constant 0 : i32
    %dma_wait3A_627 = arith.constant 0 : i32
    %dma_wait3A_628 = tpu.memref_slice %arg5[%dma_wait3A_626, %dma_wait3A_627] : memref<10112x64xbf16, #tpu.memory_space<hbm>> -> memref<80x64xbf16, #tpu.memory_space<hbm>>
    tpu.wait_dma2 semaphore(%arg12 : memref<!tpu.dma_semaphore, #tpu.memory_space<semaphore_mem>>) src(%dma_wait3A_628 : memref<80x64xbf16, #tpu.memory_space<hbm>>) dst(%dma_wait3A_625 : memref<80x64xbf16, #tpu.memory_space<vmem>>)
    %dma_wait3A_629 = arith.constant 0 : i32
    %dma_wait3A_630 = arith.constant 0 : i32
    %dma_wait3A_631 = arith.constant 0 : i32
    %dma_wait3A_632 = tpu.memref_slice %arg9[%dma_wait3A_629, %dma_wait3A_630, %dma_wait3A_631] : memref<16x80x64xbf16, #tpu.memory_space<vmem>> -> memref<1x80x64xbf16, #tpu.memory_space<vmem>>
    %dma_wait3A_633 = tpu.memref_squeeze %dma_wait3A_632 : memref<1x80x64xbf16, #tpu.memory_space<vmem>> -> memref<80x64xbf16, #tpu.memory_space<vmem>>
    %dma_wait3A_634 = arith.constant 0 : i32
    %dma_wait3A_635 = arith.constant 0 : i32
    %dma_wait3A_636 = tpu.memref_slice %arg5[%dma_wait3A_634, %dma_wait3A_635] : memref<10112x64xbf16, #tpu.memory_space<hbm>> -> memref<80x64xbf16, #tpu.memory_space<hbm>>
    %dma_wait3A_637 = arith.constant 0 : i32
    %dma_wait3A_638 = arith.constant 0 : i32
    %dma_wait3A_639 = tpu.memref_slice %arg9[%dma_wait3A_629, %dma_wait3A_637, %dma_wait3A_638] : memref<16x80x64xbf16, #tpu.memory_space<vmem>> -> memref<1x80x64xbf16, #tpu.memory_space<vmem>>
    %dma_wait3A_640 = tpu.memref_squeeze %dma_wait3A_639 : memref<1x80x64xbf16, #tpu.memory_space<vmem>> -> memref<80x64xbf16, #tpu.memory_space<vmem>>
    %dma_wait3A_641 = arith.constant 0 : i32
    %dma_wait3A_642 = arith.constant 0 : i32
    %dma_wait3A_643 = tpu.memref_slice %arg5[%dma_wait3A_641, %dma_wait3A_642] : memref<10112x64xbf16, #tpu.memory_space<hbm>> -> memref<80x64xbf16, #tpu.memory_space<hbm>>
    tpu.wait_dma2 semaphore(%arg12 : memref<!tpu.dma_semaphore, #tpu.memory_space<semaphore_mem>>) src(%dma_wait3A_643 : memref<80x64xbf16, #tpu.memory_space<hbm>>) dst(%dma_wait3A_640 : memref<80x64xbf16, #tpu.memory_space<vmem>>)
    %dma_wait3A_644 = arith.constant 0 : i32
    %dma_wait3A_645 = arith.constant 0 : i32
    %dma_wait3A_646 = arith.constant 0 : i32
    %dma_wait3A_647 = tpu.memref_slice %arg9[%dma_wait3A_644, %dma_wait3A_645, %dma_wait3A_646] : memref<16x80x64xbf16, #tpu.memory_space<vmem>> -> memref<1x80x64xbf16, #tpu.memory_space<vmem>>
    %dma_wait3A_648 = tpu.memref_squeeze %dma_wait3A_647 : memref<1x80x64xbf16, #tpu.memory_space<vmem>> -> memref<80x64xbf16, #tpu.memory_space<vmem>>
    %dma_wait3A_649 = arith.constant 0 : i32
    %dma_wait3A_650 = arith.constant 0 : i32
    %dma_wait3A_651 = tpu.memref_slice %arg5[%dma_wait3A_649, %dma_wait3A_650] : memref<10112x64xbf16, #tpu.memory_space<hbm>> -> memref<80x64xbf16, #tpu.memory_space<hbm>>
    %dma_wait3A_652 = arith.constant 0 : i32
    %dma_wait3A_653 = arith.constant 0 : i32
    %dma_wait3A_654 = tpu.memref_slice %arg9[%dma_wait3A_644, %dma_wait3A_652, %dma_wait3A_653] : memref<16x80x64xbf16, #tpu.memory_space<vmem>> -> memref<1x80x64xbf16, #tpu.memory_space<vmem>>
    %dma_wait3A_655 = tpu.memref_squeeze %dma_wait3A_654 : memref<1x80x64xbf16, #tpu.memory_space<vmem>> -> memref<80x64xbf16, #tpu.memory_space<vmem>>
    %dma_wait3A_656 = arith.constant 0 : i32
    %dma_wait3A_657 = arith.constant 0 : i32
    %dma_wait3A_658 = tpu.memref_slice %arg5[%dma_wait3A_656, %dma_wait3A_657] : memref<10112x64xbf16, #tpu.memory_space<hbm>> -> memref<80x64xbf16, #tpu.memory_space<hbm>>
    tpu.wait_dma2 semaphore(%arg12 : memref<!tpu.dma_semaphore, #tpu.memory_space<semaphore_mem>>) src(%dma_wait3A_658 : memref<80x64xbf16, #tpu.memory_space<hbm>>) dst(%dma_wait3A_655 : memref<80x64xbf16, #tpu.memory_space<vmem>>)
    %dma_wait3A_659 = arith.constant 0 : i32
    %dma_wait3A_660 = arith.constant 0 : i32
    %dma_wait3A_661 = arith.constant 0 : i32
    %dma_wait3A_662 = tpu.memref_slice %arg9[%dma_wait3A_659, %dma_wait3A_660, %dma_wait3A_661] : memref<16x80x64xbf16, #tpu.memory_space<vmem>> -> memref<1x80x64xbf16, #tpu.memory_space<vmem>>
    %dma_wait3A_663 = tpu.memref_squeeze %dma_wait3A_662 : memref<1x80x64xbf16, #tpu.memory_space<vmem>> -> memref<80x64xbf16, #tpu.memory_space<vmem>>
    %dma_wait3A_664 = arith.constant 0 : i32
    %dma_wait3A_665 = arith.constant 0 : i32
    %dma_wait3A_666 = tpu.memref_slice %arg5[%dma_wait3A_664, %dma_wait3A_665] : memref<10112x64xbf16, #tpu.memory_space<hbm>> -> memref<80x64xbf16, #tpu.memory_space<hbm>>
    %dma_wait3A_667 = arith.constant 0 : i32
    %dma_wait3A_668 = arith.constant 0 : i32
    %dma_wait3A_669 = tpu.memref_slice %arg9[%dma_wait3A_659, %dma_wait3A_667, %dma_wait3A_668] : memref<16x80x64xbf16, #tpu.memory_space<vmem>> -> memref<1x80x64xbf16, #tpu.memory_space<vmem>>
    %dma_wait3A_670 = tpu.memref_squeeze %dma_wait3A_669 : memref<1x80x64xbf16, #tpu.memory_space<vmem>> -> memref<80x64xbf16, #tpu.memory_space<vmem>>
    %dma_wait3A_671 = arith.constant 0 : i32
    %dma_wait3A_672 = arith.constant 0 : i32
    %dma_wait3A_673 = tpu.memref_slice %arg5[%dma_wait3A_671, %dma_wait3A_672] : memref<10112x64xbf16, #tpu.memory_space<hbm>> -> memref<80x64xbf16, #tpu.memory_space<hbm>>
    tpu.wait_dma2 semaphore(%arg12 : memref<!tpu.dma_semaphore, #tpu.memory_space<semaphore_mem>>) src(%dma_wait3A_673 : memref<80x64xbf16, #tpu.memory_space<hbm>>) dst(%dma_wait3A_670 : memref<80x64xbf16, #tpu.memory_space<vmem>>)
    %dma_wait3A_674 = arith.constant 0 : i32
    %dma_wait3A_675 = arith.constant 0 : i32
    %dma_wait3A_676 = arith.constant 0 : i32
    %dma_wait3A_677 = tpu.memref_slice %arg9[%dma_wait3A_674, %dma_wait3A_675, %dma_wait3A_676] : memref<16x80x64xbf16, #tpu.memory_space<vmem>> -> memref<1x80x64xbf16, #tpu.memory_space<vmem>>
    %dma_wait3A_678 = tpu.memref_squeeze %dma_wait3A_677 : memref<1x80x64xbf16, #tpu.memory_space<vmem>> -> memref<80x64xbf16, #tpu.memory_space<vmem>>
    %dma_wait3A_679 = arith.constant 0 : i32
    %dma_wait3A_680 = arith.constant 0 : i32
    %dma_wait3A_681 = tpu.memref_slice %arg5[%dma_wait3A_679, %dma_wait3A_680] : memref<10112x64xbf16, #tpu.memory_space<hbm>> -> memref<80x64xbf16, #tpu.memory_space<hbm>>
    %dma_wait3A_682 = arith.constant 0 : i32
    %dma_wait3A_683 = arith.constant 0 : i32
    %dma_wait3A_684 = tpu.memref_slice %arg9[%dma_wait3A_674, %dma_wait3A_682, %dma_wait3A_683] : memref<16x80x64xbf16, #tpu.memory_space<vmem>> -> memref<1x80x64xbf16, #tpu.memory_space<vmem>>
    %dma_wait3A_685 = tpu.memref_squeeze %dma_wait3A_684 : memref<1x80x64xbf16, #tpu.memory_space<vmem>> -> memref<80x64xbf16, #tpu.memory_space<vmem>>
    %dma_wait3A_686 = arith.constant 0 : i32
    %dma_wait3A_687 = arith.constant 0 : i32
    %dma_wait3A_688 = tpu.memref_slice %arg5[%dma_wait3A_686, %dma_wait3A_687] : memref<10112x64xbf16, #tpu.memory_space<hbm>> -> memref<80x64xbf16, #tpu.memory_space<hbm>>
    tpu.wait_dma2 semaphore(%arg12 : memref<!tpu.dma_semaphore, #tpu.memory_space<semaphore_mem>>) src(%dma_wait3A_688 : memref<80x64xbf16, #tpu.memory_space<hbm>>) dst(%dma_wait3A_685 : memref<80x64xbf16, #tpu.memory_space<vmem>>)
    %dma_wait3A_689 = arith.constant 0 : i32
    %dma_wait3A_690 = arith.constant 0 : i32
    %dma_wait3A_691 = arith.constant 0 : i32
    %dma_wait3A_692 = tpu.memref_slice %arg9[%dma_wait3A_689, %dma_wait3A_690, %dma_wait3A_691] : memref<16x80x64xbf16, #tpu.memory_space<vmem>> -> memref<1x80x64xbf16, #tpu.memory_space<vmem>>
    %dma_wait3A_693 = tpu.memref_squeeze %dma_wait3A_692 : memref<1x80x64xbf16, #tpu.memory_space<vmem>> -> memref<80x64xbf16, #tpu.memory_space<vmem>>
    %dma_wait3A_694 = arith.constant 0 : i32
    %dma_wait3A_695 = arith.constant 0 : i32
    %dma_wait3A_696 = tpu.memref_slice %arg5[%dma_wait3A_694, %dma_wait3A_695] : memref<10112x64xbf16, #tpu.memory_space<hbm>> -> memref<80x64xbf16, #tpu.memory_space<hbm>>
    %dma_wait3A_697 = arith.constant 0 : i32
    %dma_wait3A_698 = arith.constant 0 : i32
    %dma_wait3A_699 = tpu.memref_slice %arg9[%dma_wait3A_689, %dma_wait3A_697, %dma_wait3A_698] : memref<16x80x64xbf16, #tpu.memory_space<vmem>> -> memref<1x80x64xbf16, #tpu.memory_space<vmem>>
    %dma_wait3A_700 = tpu.memref_squeeze %dma_wait3A_699 : memref<1x80x64xbf16, #tpu.memory_space<vmem>> -> memref<80x64xbf16, #tpu.memory_space<vmem>>
    %dma_wait3A_701 = arith.constant 0 : i32
    %dma_wait3A_702 = arith.constant 0 : i32
    %dma_wait3A_703 = tpu.memref_slice %arg5[%dma_wait3A_701, %dma_wait3A_702] : memref<10112x64xbf16, #tpu.memory_space<hbm>> -> memref<80x64xbf16, #tpu.memory_space<hbm>>
    tpu.wait_dma2 semaphore(%arg12 : memref<!tpu.dma_semaphore, #tpu.memory_space<semaphore_mem>>) src(%dma_wait3A_703 : memref<80x64xbf16, #tpu.memory_space<hbm>>) dst(%dma_wait3A_700 : memref<80x64xbf16, #tpu.memory_space<vmem>>)
    %dma_wait3A_704 = arith.constant 0 : i32
    %dma_wait3A_705 = arith.constant 0 : i32
    %dma_wait3A_706 = arith.constant 0 : i32
    %dma_wait3A_707 = tpu.memref_slice %arg9[%dma_wait3A_704, %dma_wait3A_705, %dma_wait3A_706] : memref<16x80x64xbf16, #tpu.memory_space<vmem>> -> memref<1x80x64xbf16, #tpu.memory_space<vmem>>
    %dma_wait3A_708 = tpu.memref_squeeze %dma_wait3A_707 : memref<1x80x64xbf16, #tpu.memory_space<vmem>> -> memref<80x64xbf16, #tpu.memory_space<vmem>>
    %dma_wait3A_709 = arith.constant 0 : i32
    %dma_wait3A_710 = arith.constant 0 : i32
    %dma_wait3A_711 = tpu.memref_slice %arg5[%dma_wait3A_709, %dma_wait3A_710] : memref<10112x64xbf16, #tpu.memory_space<hbm>> -> memref<80x64xbf16, #tpu.memory_space<hbm>>
    %dma_wait3A_712 = arith.constant 0 : i32
    %dma_wait3A_713 = arith.constant 0 : i32
    %dma_wait3A_714 = tpu.memref_slice %arg9[%dma_wait3A_704, %dma_wait3A_712, %dma_wait3A_713] : memref<16x80x64xbf16, #tpu.memory_space<vmem>> -> memref<1x80x64xbf16, #tpu.memory_space<vmem>>
    %dma_wait3A_715 = tpu.memref_squeeze %dma_wait3A_714 : memref<1x80x64xbf16, #tpu.memory_space<vmem>> -> memref<80x64xbf16, #tpu.memory_space<vmem>>
    %dma_wait3A_716 = arith.constant 0 : i32
    %dma_wait3A_717 = arith.constant 0 : i32
    %dma_wait3A_718 = tpu.memref_slice %arg5[%dma_wait3A_716, %dma_wait3A_717] : memref<10112x64xbf16, #tpu.memory_space<hbm>> -> memref<80x64xbf16, #tpu.memory_space<hbm>>
    tpu.wait_dma2 semaphore(%arg12 : memref<!tpu.dma_semaphore, #tpu.memory_space<semaphore_mem>>) src(%dma_wait3A_718 : memref<80x64xbf16, #tpu.memory_space<hbm>>) dst(%dma_wait3A_715 : memref<80x64xbf16, #tpu.memory_space<vmem>>)
    %dma_wait3A_719 = arith.constant 0 : i32
    %dma_wait3A_720 = arith.constant 0 : i32
    %dma_wait3A_721 = arith.constant 0 : i32
    %dma_wait3A_722 = tpu.memref_slice %arg9[%dma_wait3A_719, %dma_wait3A_720, %dma_wait3A_721] : memref<16x80x64xbf16, #tpu.memory_space<vmem>> -> memref<1x80x64xbf16, #tpu.memory_space<vmem>>
    %dma_wait3A_723 = tpu.memref_squeeze %dma_wait3A_722 : memref<1x80x64xbf16, #tpu.memory_space<vmem>> -> memref<80x64xbf16, #tpu.memory_space<vmem>>
    %dma_wait3A_724 = arith.constant 0 : i32
    %dma_wait3A_725 = arith.constant 0 : i32
    %dma_wait3A_726 = tpu.memref_slice %arg5[%dma_wait3A_724, %dma_wait3A_725] : memref<10112x64xbf16, #tpu.memory_space<hbm>> -> memref<80x64xbf16, #tpu.memory_space<hbm>>
    %dma_wait3A_727 = arith.constant 0 : i32
    %dma_wait3A_728 = arith.constant 0 : i32
    %dma_wait3A_729 = tpu.memref_slice %arg9[%dma_wait3A_719, %dma_wait3A_727, %dma_wait3A_728] : memref<16x80x64xbf16, #tpu.memory_space<vmem>> -> memref<1x80x64xbf16, #tpu.memory_space<vmem>>
    %dma_wait3A_730 = tpu.memref_squeeze %dma_wait3A_729 : memref<1x80x64xbf16, #tpu.memory_space<vmem>> -> memref<80x64xbf16, #tpu.memory_space<vmem>>
    %dma_wait3A_731 = arith.constant 0 : i32
    %dma_wait3A_732 = arith.constant 0 : i32
    %dma_wait3A_733 = tpu.memref_slice %arg5[%dma_wait3A_731, %dma_wait3A_732] : memref<10112x64xbf16, #tpu.memory_space<hbm>> -> memref<80x64xbf16, #tpu.memory_space<hbm>>
    tpu.wait_dma2 semaphore(%arg12 : memref<!tpu.dma_semaphore, #tpu.memory_space<semaphore_mem>>) src(%dma_wait3A_733 : memref<80x64xbf16, #tpu.memory_space<hbm>>) dst(%dma_wait3A_730 : memref<80x64xbf16, #tpu.memory_space<vmem>>)
    %dma_wait3A_734 = arith.constant 0 : i32
    %dma_wait3A_735 = arith.constant 0 : i32
    %dma_wait3A_736 = arith.constant 0 : i32
    %dma_wait3A_737 = tpu.memref_slice %arg9[%dma_wait3A_734, %dma_wait3A_735, %dma_wait3A_736] : memref<16x80x64xbf16, #tpu.memory_space<vmem>> -> memref<1x80x64xbf16, #tpu.memory_space<vmem>>
    %dma_wait3A_738 = tpu.memref_squeeze %dma_wait3A_737 : memref<1x80x64xbf16, #tpu.memory_space<vmem>> -> memref<80x64xbf16, #tpu.memory_space<vmem>>
    %dma_wait3A_739 = arith.constant 0 : i32
    %dma_wait3A_740 = arith.constant 0 : i32
    %dma_wait3A_741 = tpu.memref_slice %arg5[%dma_wait3A_739, %dma_wait3A_740] : memref<10112x64xbf16, #tpu.memory_space<hbm>> -> memref<80x64xbf16, #tpu.memory_space<hbm>>
    %dma_wait3A_742 = arith.constant 0 : i32
    %dma_wait3A_743 = arith.constant 0 : i32
    %dma_wait3A_744 = tpu.memref_slice %arg9[%dma_wait3A_734, %dma_wait3A_742, %dma_wait3A_743] : memref<16x80x64xbf16, #tpu.memory_space<vmem>> -> memref<1x80x64xbf16, #tpu.memory_space<vmem>>
    %dma_wait3A_745 = tpu.memref_squeeze %dma_wait3A_744 : memref<1x80x64xbf16, #tpu.memory_space<vmem>> -> memref<80x64xbf16, #tpu.memory_space<vmem>>
    %dma_wait3A_746 = arith.constant 0 : i32
    %dma_wait3A_747 = arith.constant 0 : i32
    %dma_wait3A_748 = tpu.memref_slice %arg5[%dma_wait3A_746, %dma_wait3A_747] : memref<10112x64xbf16, #tpu.memory_space<hbm>> -> memref<80x64xbf16, #tpu.memory_space<hbm>>
    tpu.wait_dma2 semaphore(%arg12 : memref<!tpu.dma_semaphore, #tpu.memory_space<semaphore_mem>>) src(%dma_wait3A_748 : memref<80x64xbf16, #tpu.memory_space<hbm>>) dst(%dma_wait3A_745 : memref<80x64xbf16, #tpu.memory_space<vmem>>)
    %dma_wait3A_749 = arith.constant 0 : i32
    %dma_wait3A_750 = arith.constant 0 : i32
    %dma_wait3A_751 = arith.constant 0 : i32
    %dma_wait3A_752 = tpu.memref_slice %arg9[%dma_wait3A_749, %dma_wait3A_750, %dma_wait3A_751] : memref<16x80x64xbf16, #tpu.memory_space<vmem>> -> memref<1x80x64xbf16, #tpu.memory_space<vmem>>
    %dma_wait3A_753 = tpu.memref_squeeze %dma_wait3A_752 : memref<1x80x64xbf16, #tpu.memory_space<vmem>> -> memref<80x64xbf16, #tpu.memory_space<vmem>>
    %dma_wait3A_754 = arith.constant 0 : i32
    %dma_wait3A_755 = arith.constant 0 : i32
    %dma_wait3A_756 = tpu.memref_slice %arg5[%dma_wait3A_754, %dma_wait3A_755] : memref<10112x64xbf16, #tpu.memory_space<hbm>> -> memref<80x64xbf16, #tpu.memory_space<hbm>>
    %dma_wait3A_757 = arith.constant 0 : i32
    %dma_wait3A_758 = arith.constant 0 : i32
    %dma_wait3A_759 = tpu.memref_slice %arg9[%dma_wait3A_749, %dma_wait3A_757, %dma_wait3A_758] : memref<16x80x64xbf16, #tpu.memory_space<vmem>> -> memref<1x80x64xbf16, #tpu.memory_space<vmem>>
    %dma_wait3A_760 = tpu.memref_squeeze %dma_wait3A_759 : memref<1x80x64xbf16, #tpu.memory_space<vmem>> -> memref<80x64xbf16, #tpu.memory_space<vmem>>
    %dma_wait3A_761 = arith.constant 0 : i32
    %dma_wait3A_762 = arith.constant 0 : i32
    %dma_wait3A_763 = tpu.memref_slice %arg5[%dma_wait3A_761, %dma_wait3A_762] : memref<10112x64xbf16, #tpu.memory_space<hbm>> -> memref<80x64xbf16, #tpu.memory_space<hbm>>
    tpu.wait_dma2 semaphore(%arg12 : memref<!tpu.dma_semaphore, #tpu.memory_space<semaphore_mem>>) src(%dma_wait3A_763 : memref<80x64xbf16, #tpu.memory_space<hbm>>) dst(%dma_wait3A_760 : memref<80x64xbf16, #tpu.memory_space<vmem>>)
    %dma_wait3A_764 = arith.constant 0 : i32
    %dma_wait3A_765 = arith.constant 0 : i32
    %dma_wait3A_766 = arith.constant 0 : i32
    %dma_wait3A_767 = tpu.memref_slice %arg9[%dma_wait3A_764, %dma_wait3A_765, %dma_wait3A_766] : memref<16x80x64xbf16, #tpu.memory_space<vmem>> -> memref<1x80x64xbf16, #tpu.memory_space<vmem>>
    %dma_wait3A_768 = tpu.memref_squeeze %dma_wait3A_767 : memref<1x80x64xbf16, #tpu.memory_space<vmem>> -> memref<80x64xbf16, #tpu.memory_space<vmem>>
    %dma_wait3A_769 = arith.constant 0 : i32
    %dma_wait3A_770 = arith.constant 0 : i32
    %dma_wait3A_771 = tpu.memref_slice %arg5[%dma_wait3A_769, %dma_wait3A_770] : memref<10112x64xbf16, #tpu.memory_space<hbm>> -> memref<80x64xbf16, #tpu.memory_space<hbm>>
    %dma_wait3A_772 = arith.constant 0 : i32
    %dma_wait3A_773 = arith.constant 0 : i32
    %dma_wait3A_774 = tpu.memref_slice %arg9[%dma_wait3A_764, %dma_wait3A_772, %dma_wait3A_773] : memref<16x80x64xbf16, #tpu.memory_space<vmem>> -> memref<1x80x64xbf16, #tpu.memory_space<vmem>>
    %dma_wait3A_775 = tpu.memref_squeeze %dma_wait3A_774 : memref<1x80x64xbf16, #tpu.memory_space<vmem>> -> memref<80x64xbf16, #tpu.memory_space<vmem>>
    %dma_wait3A_776 = arith.constant 0 : i32
    %dma_wait3A_777 = arith.constant 0 : i32
    %dma_wait3A_778 = tpu.memref_slice %arg5[%dma_wait3A_776, %dma_wait3A_777] : memref<10112x64xbf16, #tpu.memory_space<hbm>> -> memref<80x64xbf16, #tpu.memory_space<hbm>>
    tpu.wait_dma2 semaphore(%arg12 : memref<!tpu.dma_semaphore, #tpu.memory_space<semaphore_mem>>) src(%dma_wait3A_778 : memref<80x64xbf16, #tpu.memory_space<hbm>>) dst(%dma_wait3A_775 : memref<80x64xbf16, #tpu.memory_space<vmem>>)
    %barrier3A_779 = arith.constant 0 : index
    tpu.barrier barrier_id(%barrier3A_779)
    %mul3A_780 = arith.constant 632 : i32
    %mul3A_781 = arith.muli %arg1, %mul3A_780 : i32
    %mul3A_782 = arith.constant 632 : i32
    %mul3A_783 = arith.muli %arg1, %mul3A_782 : i32
    "tpu.region"() ({
      %run_scoped3A_784 = tpu.sem_alloc : memref<!tpu.dma_semaphore, #tpu.memory_space<semaphore_mem>>
      %dma_start3A_785 = arith.constant 0 : i32
      %dma_start3A_786 = tpu.memref_slice %arg6[%arg0, %mul3A_783, %dma_start3A_785] : memref<2x10112x64xbf16, #tpu.memory_space<hbm>> -> memref<1x632x64xbf16, #tpu.memory_space<hbm>>
      %dma_start3A_787 = tpu.memref_squeeze %dma_start3A_786 : memref<1x632x64xbf16, #tpu.memory_space<hbm>> -> memref<632x64xbf16, #tpu.memory_space<hbm>>
      %dma_start3A_788 = arith.constant 0 : i32
      %dma_start3A_789 = tpu.memref_slice %arg10[%mul3A_781, %dma_start3A_788] : memref<10112x64xbf16, #tpu.memory_space<vmem_shared>> -> memref<632x64xbf16, #tpu.memory_space<vmem_shared>>
      tpu.enqueue_dma source(%dma_start3A_789 : memref<632x64xbf16, #tpu.memory_space<vmem_shared>>) target(%dma_start3A_787 : memref<632x64xbf16, #tpu.memory_space<hbm>>) target_semaphore(%run_scoped3A_784 : memref<!tpu.dma_semaphore, #tpu.memory_space<semaphore_mem>>)
      %dma_wait3A_790 = arith.constant 0 : i32
      %dma_wait3A_791 = tpu.memref_slice %arg6[%arg0, %mul3A_783, %dma_wait3A_790] : memref<2x10112x64xbf16, #tpu.memory_space<hbm>> -> memref<1x632x64xbf16, #tpu.memory_space<hbm>>
      %dma_wait3A_792 = tpu.memref_squeeze %dma_wait3A_791 : memref<1x632x64xbf16, #tpu.memory_space<hbm>> -> memref<632x64xbf16, #tpu.memory_space<hbm>>
      %dma_wait3A_793 = arith.constant 0 : i32
      %dma_wait3A_794 = tpu.memref_slice %arg10[%mul3A_781, %dma_wait3A_793] : memref<10112x64xbf16, #tpu.memory_space<vmem_shared>> -> memref<632x64xbf16, #tpu.memory_space<vmem_shared>>
      tpu.wait_dma2 semaphore(%run_scoped3A_784 : memref<!tpu.dma_semaphore, #tpu.memory_space<semaphore_mem>>) src(%dma_wait3A_794 : memref<632x64xbf16, #tpu.memory_space<vmem_shared>>) dst(%dma_wait3A_792 : memref<632x64xbf16, #tpu.memory_space<hbm>>)
      tpu.yield
    }) : () -> ()
    return
  }
}

module attributes {stable_mosaic.version = 14 : i64} {
  func.func @_k0_body(%arg0: i32, %arg1: memref<1264x128xf32, #tpu.memory_space<vmem>>, %arg2: memref<128x128xf32, #tpu.memory_space<vmem>>, %arg3: memref<128x128xf32, #tpu.memory_space<vmem>>, %arg4: memref<1x128xf32, #tpu.memory_space<vmem>>, %arg5: memref<1264x128xbf16, #tpu.memory_space<vmem>>, %arg6: memref<1264x128xf32, #tpu.memory_space<vmem>>) attributes {dimension_semantics = [#tpu.dimension_semantics<arbitrary>], iteration_bounds = array<i64: 8>, scalar_prefetch = 0 : i64, scratch_operands = 0 : i64, tpu.core_type = #tpu.core_type<tc>, window_params = [{transform_indices = @transform_0, window_bounds = array<i64: 1264, 128>}, {pipeline_mode = #tpu.pipeline_mode<synchronous>, transform_indices = @transform_1, window_bounds = array<i64: 128, 128>}, {pipeline_mode = #tpu.pipeline_mode<synchronous>, transform_indices = @transform_2, window_bounds = array<i64: 128, 128>}, {pipeline_mode = #tpu.pipeline_mode<synchronous>, transform_indices = @transform_3, window_bounds = array<i64: 1, 128>}, {transform_indices = @transform_4, window_bounds = array<i64: 1264, 128>}, {transform_indices = @transform_5, window_bounds = array<i64: 1264, 128>}]} {
    %get3A = arith.constant 0 : index
    %get3A_0 = arith.constant 0 : index
    %get3A_1 = vector.load %arg1[%get3A, %get3A_0] : memref<1264x128xf32, #tpu.memory_space<vmem>>, vector<1264x128xf32>
    %get3A_2 = arith.constant 0 : index
    %get3A_3 = arith.constant 0 : index
    %get3A_4 = vector.load %arg2[%get3A_2, %get3A_3] : memref<128x128xf32, #tpu.memory_space<vmem>>, vector<128x128xf32>
    %dot_general3A = arith.constant dense<0.000000e+00> : vector<1264x128xf32>
    %dot_general3A_5 = tpu.matmul %get3A_1, %get3A_4, %dot_general3A {dimension_numbers = #tpu.dot_dimension_numbers<[1], [0], [0], [1], [0, 0, 1, 1], [], []>, transpose_lhs_hint = false} : vector<1264x128xf32>, vector<128x128xf32>, vector<1264x128xf32> -> vector<1264x128xf32>
    %convert_element_type3A = arith.truncf %dot_general3A_5 : vector<1264x128xf32> to vector<1264x128xbf16>
    %swap3A = arith.constant 0 : index
    %swap3A_6 = arith.constant 0 : index
    %swap3A_7 = vector.load %arg5[%swap3A, %swap3A_6] : memref<1264x128xbf16, #tpu.memory_space<vmem>>, vector<1264x128xbf16>
    tpu.vector_store %arg5[%swap3A, %swap3A_6], %convert_element_type3A {strides = array<i32>} : memref<1264x128xbf16, #tpu.memory_space<vmem>>, vector<1264x128xbf16>,
    %get3A_8 = arith.constant 0 : index
    %get3A_9 = arith.constant 0 : index
    %get3A_10 = vector.load %arg3[%get3A_8, %get3A_9] : memref<128x128xf32, #tpu.memory_space<vmem>>, vector<128x128xf32>
    %dot_general3A_11 = arith.constant dense<0.000000e+00> : vector<1264x128xf32>
    %dot_general3A_12 = tpu.matmul %get3A_1, %get3A_10, %dot_general3A_11 {dimension_numbers = #tpu.dot_dimension_numbers<[1], [0], [0], [1], [0, 0, 1, 1], [], []>, transpose_lhs_hint = false} : vector<1264x128xf32>, vector<128x128xf32>, vector<1264x128xf32> -> vector<1264x128xf32>
    %get3A_13 = arith.constant 0 : index
    %get3A_14 = arith.constant 0 : index
    %get3A_15 = vector.load %arg4[%get3A_13, %get3A_14] : memref<1x128xf32, #tpu.memory_space<vmem>>, vector<1x128xf32>
    %add3A = vector.broadcast %get3A_15 : vector<1x128xf32> to vector<1264x128xf32>
    %add3A_16 = arith.addf %dot_general3A_12, %add3A : vector<1264x128xf32>
    %swap3A_17 = arith.constant 0 : index
    %swap3A_18 = arith.constant 0 : index
    %swap3A_19 = vector.load %arg6[%swap3A_17, %swap3A_18] : memref<1264x128xf32, #tpu.memory_space<vmem>>, vector<1264x128xf32>
    tpu.vector_store %arg6[%swap3A_17, %swap3A_18], %add3A_16 {strides = array<i32>} : memref<1264x128xf32, #tpu.memory_space<vmem>>, vector<1264x128xf32>,
    return
  }
  func.func @transform_0(%arg0: i32) -> (i32, i32) {
    %c0_i32 = arith.constant 0 : i32
    %c0_i32_0 = arith.constant 0 : i32
    return %arg0, %c0_i32 : i32, i32
  }
  func.func @transform_1(%arg0: i32) -> (i32, i32) {
    %c0_i32 = arith.constant 0 : i32
    %c0_i32_0 = arith.constant 0 : i32
    %c0_i32_1 = arith.constant 0 : i32
    return %c0_i32, %c0_i32_0 : i32, i32
  }
  func.func @transform_2(%arg0: i32) -> (i32, i32) {
    %c0_i32 = arith.constant 0 : i32
    %c0_i32_0 = arith.constant 0 : i32
    %c0_i32_1 = arith.constant 0 : i32
    return %c0_i32, %c0_i32_0 : i32, i32
  }
  func.func @transform_3(%arg0: i32) -> (i32, i32) {
    %c0_i32 = arith.constant 0 : i32
    %c0_i32_0 = arith.constant 0 : i32
    %c0_i32_1 = arith.constant 0 : i32
    return %c0_i32, %c0_i32_0 : i32, i32
  }
  func.func @transform_4(%arg0: i32) -> (i32, i32) {
    %c0_i32 = arith.constant 0 : i32
    %c0_i32_0 = arith.constant 0 : i32
    return %arg0, %c0_i32 : i32, i32
  }
  func.func @transform_5(%arg0: i32) -> (i32, i32) {
    %c0_i32 = arith.constant 0 : i32
    %c0_i32_0 = arith.constant 0 : i32
    return %arg0, %c0_i32 : i32, i32
  }
}

module attributes {stable_mosaic.version = 14 : i64} {
  func.func @_k1_body(%arg0: i32, %arg1: memref<2x1264x128xbf16, #tpu.memory_space<vmem>>, %arg2: memref<2x1264x16xf32, #tpu.memory_space<vmem>>, %arg3: memref<1264x128xf32, #tpu.memory_space<vmem>>, %arg4: memref<128x128xf32, #tpu.memory_space<vmem>>, %arg5: memref<128x128xf32, #tpu.memory_space<vmem>>, %arg6: memref<1x128xf32, #tpu.memory_space<vmem>>, %arg7: memref<1264x128xbf16, #tpu.memory_space<vmem>>, %arg8: memref<1264x128xf32, #tpu.memory_space<vmem>>, %arg9: memref<1264x8xf32, #tpu.memory_space<vmem>>) attributes {dimension_semantics = [#tpu.dimension_semantics<arbitrary>], iteration_bounds = array<i64: 8>, scalar_prefetch = 0 : i64, scratch_operands = 0 : i64, tpu.core_type = #tpu.core_type<tc>, window_params = [{transform_indices = @transform_0, window_bounds = array<i64: 2, 1264, 128>}, {transform_indices = @transform_1, window_bounds = array<i64: 2, 1264, 16>}, {transform_indices = @transform_2, window_bounds = array<i64: 1264, 128>}, {pipeline_mode = #tpu.pipeline_mode<synchronous>, transform_indices = @transform_3, window_bounds = array<i64: 128, 128>}, {pipeline_mode = #tpu.pipeline_mode<synchronous>, transform_indices = @transform_4, window_bounds = array<i64: 128, 128>}, {pipeline_mode = #tpu.pipeline_mode<synchronous>, transform_indices = @transform_5, window_bounds = array<i64: 1, 128>}, {transform_indices = @transform_6, window_bounds = array<i64: 1264, 128>}, {transform_indices = @transform_7, window_bounds = array<i64: 1264, 128>}, {transform_indices = @transform_8, window_bounds = array<i64: 1264, 8>}]} {
    %get3A = arith.constant 0 : index
    %get3A_0 = arith.constant 0 : index
    %get3A_1 = arith.constant 0 : index
    %get3A_2 = vector.load %arg1[%get3A, %get3A_0, %get3A_1] : memref<2x1264x128xbf16, #tpu.memory_space<vmem>>, vector<1x1264x128xbf16>
    %get3A_3 = vector.shape_cast %get3A_2 : vector<1x1264x128xbf16> to vector<1264x128xbf16>
    %convert_element_type3A = arith.extf %get3A_3 : vector<1264x128xbf16> to vector<1264x128xf32>
    %get3A_4 = arith.constant 1 : index
    %get3A_5 = arith.constant 0 : index
    %get3A_6 = arith.constant 0 : index
    %get3A_7 = vector.load %arg1[%get3A_4, %get3A_5, %get3A_6] : memref<2x1264x128xbf16, #tpu.memory_space<vmem>>, vector<1x1264x128xbf16>
    %get3A_8 = vector.shape_cast %get3A_7 : vector<1x1264x128xbf16> to vector<1264x128xbf16>
    %convert_element_type3A_9 = arith.extf %get3A_8 : vector<1264x128xbf16> to vector<1264x128xf32>
    %add3A = arith.addf %convert_element_type3A, %convert_element_type3A_9 : vector<1264x128xf32>
    %get3A_10 = arith.constant 0 : index
    %get3A_11 = arith.constant 0 : index
    %get3A_12 = arith.constant 0 : index
    %get3A_13 = vector.load %arg2[%get3A_10, %get3A_11, %get3A_12] : memref<2x1264x16xf32, #tpu.memory_space<vmem>>, vector<1x1264x1xf32>
    %get3A_14 = vector.shape_cast %get3A_13 : vector<1x1264x1xf32> to vector<1264x1xf32>
    %get3A_15 = arith.constant 1 : index
    %get3A_16 = arith.constant 0 : index
    %get3A_17 = arith.constant 0 : index
    %get3A_18 = vector.load %arg2[%get3A_15, %get3A_16, %get3A_17] : memref<2x1264x16xf32, #tpu.memory_space<vmem>>, vector<1x1264x1xf32>
    %get3A_19 = vector.shape_cast %get3A_18 : vector<1x1264x1xf32> to vector<1264x1xf32>
    %add3A_20 = arith.addf %get3A_14, %get3A_19 : vector<1264x1xf32>
    %max3A = arith.constant 1.000000e+00 : f32
    %max3A_21 = vector.broadcast %max3A : f32 to vector<1264x1xf32>
    %max3A_22 = arith.maximumf %add3A_20, %max3A_21 : vector<1264x1xf32>
    %div3A = arith.constant 1.000000e+00 : f32
    %div3A_23 = vector.broadcast %div3A : f32 to vector<1264x1xf32>
    %div3A_24 = arith.divf %div3A_23, %max3A_22 : vector<1264x1xf32>
    %mul3A = vector.broadcast %div3A_24 : vector<1264x1xf32> to vector<1264x128xf32>
    %mul3A_25 = arith.mulf %add3A, %mul3A : vector<1264x128xf32>
    %get3A_26 = arith.constant 0 : index
    %get3A_27 = arith.constant 0 : index
    %get3A_28 = vector.load %arg3[%get3A_26, %get3A_27] : memref<1264x128xf32, #tpu.memory_space<vmem>>, vector<1264x128xf32>
    %add3A_29 = arith.addf %mul3A_25, %get3A_28 : vector<1264x128xf32>
    %max3A_30 = arith.constant 0.000000e+00 : f32
    %max3A_31 = vector.broadcast %max3A_30 : f32 to vector<1264x128xf32>
    %max3A_32 = arith.maximumf %add3A_29, %max3A_31 : vector<1264x128xf32>
    %get3A_33 = arith.constant 0 : index
    %get3A_34 = arith.constant 0 : index
    %get3A_35 = vector.load %arg4[%get3A_33, %get3A_34] : memref<128x128xf32, #tpu.memory_space<vmem>>, vector<128x128xf32>
    %dot_general3A = arith.constant dense<0.000000e+00> : vector<1264x128xf32>
    %dot_general3A_36 = tpu.matmul %max3A_32, %get3A_35, %dot_general3A {dimension_numbers = #tpu.dot_dimension_numbers<[1], [0], [0], [1], [0, 0, 1, 1], [], []>, transpose_lhs_hint = false} : vector<1264x128xf32>, vector<128x128xf32>, vector<1264x128xf32> -> vector<1264x128xf32>
    %convert_element_type3A_37 = arith.truncf %dot_general3A_36 : vector<1264x128xf32> to vector<1264x128xbf16>
    %swap3A = arith.constant 0 : index
    %swap3A_38 = arith.constant 0 : index
    %swap3A_39 = vector.load %arg7[%swap3A, %swap3A_38] : memref<1264x128xbf16, #tpu.memory_space<vmem>>, vector<1264x128xbf16>
    tpu.vector_store %arg7[%swap3A, %swap3A_38], %convert_element_type3A_37 {strides = array<i32>} : memref<1264x128xbf16, #tpu.memory_space<vmem>>, vector<1264x128xbf16>,
    %get3A_40 = arith.constant 0 : index
    %get3A_41 = arith.constant 0 : index
    %get3A_42 = vector.load %arg5[%get3A_40, %get3A_41] : memref<128x128xf32, #tpu.memory_space<vmem>>, vector<128x128xf32>
    %dot_general3A_43 = arith.constant dense<0.000000e+00> : vector<1264x128xf32>
    %dot_general3A_44 = tpu.matmul %max3A_32, %get3A_42, %dot_general3A_43 {dimension_numbers = #tpu.dot_dimension_numbers<[1], [0], [0], [1], [0, 0, 1, 1], [], []>, transpose_lhs_hint = false} : vector<1264x128xf32>, vector<128x128xf32>, vector<1264x128xf32> -> vector<1264x128xf32>
    %get3A_45 = arith.constant 0 : index
    %get3A_46 = arith.constant 0 : index
    %get3A_47 = vector.load %arg6[%get3A_45, %get3A_46] : memref<1x128xf32, #tpu.memory_space<vmem>>, vector<1x128xf32>
    %add3A_48 = vector.broadcast %get3A_47 : vector<1x128xf32> to vector<1264x128xf32>
    %add3A_49 = arith.addf %dot_general3A_44, %add3A_48 : vector<1264x128xf32>
    %swap3A_50 = arith.constant 0 : index
    %swap3A_51 = arith.constant 0 : index
    %swap3A_52 = vector.load %arg8[%swap3A_50, %swap3A_51] : memref<1264x128xf32, #tpu.memory_space<vmem>>, vector<1264x128xf32>
    tpu.vector_store %arg8[%swap3A_50, %swap3A_51], %add3A_49 {strides = array<i32>} : memref<1264x128xf32, #tpu.memory_space<vmem>>, vector<1264x128xf32>,
    %broadcast_in_dim3A = vector.shape_cast %div3A_24 : vector<1264x1xf32> to vector<1264x1xf32>
    %broadcast_in_dim3A_53 = vector.broadcast %broadcast_in_dim3A : vector<1264x1xf32> to vector<1264x8xf32>
    %swap3A_54 = arith.constant 0 : index
    %swap3A_55 = arith.constant 0 : index
    %swap3A_56 = vector.load %arg9[%swap3A_54, %swap3A_55] : memref<1264x8xf32, #tpu.memory_space<vmem>>, vector<1264x8xf32>
    tpu.vector_store %arg9[%swap3A_54, %swap3A_55], %broadcast_in_dim3A_53 {strides = array<i32>} : memref<1264x8xf32, #tpu.memory_space<vmem>>, vector<1264x8xf32>,
    return
  }
  func.func @transform_0(%arg0: i32) -> (i32, i32, i32) {
    %c0_i32 = arith.constant 0 : i32
    %c0_i32_0 = arith.constant 0 : i32
    %c0_i32_1 = arith.constant 0 : i32
    return %c0_i32, %arg0, %c0_i32_0 : i32, i32, i32
  }
  func.func @transform_1(%arg0: i32) -> (i32, i32, i32) {
    %c0_i32 = arith.constant 0 : i32
    %c0_i32_0 = arith.constant 0 : i32
    %c0_i32_1 = arith.constant 0 : i32
    return %c0_i32, %arg0, %c0_i32_0 : i32, i32, i32
  }
  func.func @transform_2(%arg0: i32) -> (i32, i32) {
    %c0_i32 = arith.constant 0 : i32
    %c0_i32_0 = arith.constant 0 : i32
    return %arg0, %c0_i32 : i32, i32
  }
  func.func @transform_3(%arg0: i32) -> (i32, i32) {
    %c0_i32 = arith.constant 0 : i32
    %c0_i32_0 = arith.constant 0 : i32
    %c0_i32_1 = arith.constant 0 : i32
    return %c0_i32, %c0_i32_0 : i32, i32
  }
  func.func @transform_4(%arg0: i32) -> (i32, i32) {
    %c0_i32 = arith.constant 0 : i32
    %c0_i32_0 = arith.constant 0 : i32
    %c0_i32_1 = arith.constant 0 : i32
    return %c0_i32, %c0_i32_0 : i32, i32
  }
  func.func @transform_5(%arg0: i32) -> (i32, i32) {
    %c0_i32 = arith.constant 0 : i32
    %c0_i32_0 = arith.constant 0 : i32
    %c0_i32_1 = arith.constant 0 : i32
    return %c0_i32, %c0_i32_0 : i32, i32
  }
  func.func @transform_6(%arg0: i32) -> (i32, i32) {
    %c0_i32 = arith.constant 0 : i32
    %c0_i32_0 = arith.constant 0 : i32
    return %arg0, %c0_i32 : i32, i32
  }
  func.func @transform_7(%arg0: i32) -> (i32, i32) {
    %c0_i32 = arith.constant 0 : i32
    %c0_i32_0 = arith.constant 0 : i32
    return %arg0, %c0_i32 : i32, i32
  }
  func.func @transform_8(%arg0: i32) -> (i32, i32) {
    %c0_i32 = arith.constant 0 : i32
    %c0_i32_0 = arith.constant 0 : i32
    return %arg0, %c0_i32 : i32, i32
  }
}

module attributes {stable_mosaic.version = 14 : i64} {
  func.func @_k2_body(%arg0: i32, %arg1: memref<2x1264x128xbf16, #tpu.memory_space<vmem>>, %arg2: memref<1264x128xf32, #tpu.memory_space<vmem>>, %arg3: memref<1264x8xf32, #tpu.memory_space<vmem>>, %arg4: memref<128x64xf32, #tpu.memory_space<vmem>>, %arg5: memref<128x64xf32, #tpu.memory_space<vmem>>, %arg6: memref<1x64xf32, #tpu.memory_space<vmem>>, %arg7: memref<1264x64xbf16, #tpu.memory_space<vmem>>, %arg8: memref<1264x64xf32, #tpu.memory_space<vmem>>) attributes {dimension_semantics = [#tpu.dimension_semantics<arbitrary>], iteration_bounds = array<i64: 8>, scalar_prefetch = 0 : i64, scratch_operands = 0 : i64, tpu.core_type = #tpu.core_type<tc>, window_params = [{transform_indices = @transform_0, window_bounds = array<i64: 2, 1264, 128>}, {transform_indices = @transform_1, window_bounds = array<i64: 1264, 128>}, {transform_indices = @transform_2, window_bounds = array<i64: 1264, 8>}, {pipeline_mode = #tpu.pipeline_mode<synchronous>, transform_indices = @transform_3, window_bounds = array<i64: 128, 64>}, {pipeline_mode = #tpu.pipeline_mode<synchronous>, transform_indices = @transform_4, window_bounds = array<i64: 128, 64>}, {pipeline_mode = #tpu.pipeline_mode<synchronous>, transform_indices = @transform_5, window_bounds = array<i64: 1, 64>}, {transform_indices = @transform_6, window_bounds = array<i64: 1264, 64>}, {transform_indices = @transform_7, window_bounds = array<i64: 1264, 64>}]} {
    %get3A = arith.constant 0 : index
    %get3A_0 = arith.constant 0 : index
    %get3A_1 = arith.constant 0 : index
    %get3A_2 = vector.load %arg1[%get3A, %get3A_0, %get3A_1] : memref<2x1264x128xbf16, #tpu.memory_space<vmem>>, vector<1x1264x128xbf16>
    %get3A_3 = vector.shape_cast %get3A_2 : vector<1x1264x128xbf16> to vector<1264x128xbf16>
    %convert_element_type3A = arith.extf %get3A_3 : vector<1264x128xbf16> to vector<1264x128xf32>
    %get3A_4 = arith.constant 1 : index
    %get3A_5 = arith.constant 0 : index
    %get3A_6 = arith.constant 0 : index
    %get3A_7 = vector.load %arg1[%get3A_4, %get3A_5, %get3A_6] : memref<2x1264x128xbf16, #tpu.memory_space<vmem>>, vector<1x1264x128xbf16>
    %get3A_8 = vector.shape_cast %get3A_7 : vector<1x1264x128xbf16> to vector<1264x128xbf16>
    %convert_element_type3A_9 = arith.extf %get3A_8 : vector<1264x128xbf16> to vector<1264x128xf32>
    %add3A = arith.addf %convert_element_type3A, %convert_element_type3A_9 : vector<1264x128xf32>
    %get3A_10 = arith.constant 0 : index
    %get3A_11 = arith.constant 0 : index
    %get3A_12 = vector.load %arg3[%get3A_10, %get3A_11] : memref<1264x8xf32, #tpu.memory_space<vmem>>, vector<1264x1xf32>
    %mul3A = vector.broadcast %get3A_12 : vector<1264x1xf32> to vector<1264x128xf32>
    %mul3A_13 = arith.mulf %add3A, %mul3A : vector<1264x128xf32>
    %get3A_14 = arith.constant 0 : index
    %get3A_15 = arith.constant 0 : index
    %get3A_16 = vector.load %arg2[%get3A_14, %get3A_15] : memref<1264x128xf32, #tpu.memory_space<vmem>>, vector<1264x128xf32>
    %add3A_17 = arith.addf %mul3A_13, %get3A_16 : vector<1264x128xf32>
    %max3A = arith.constant 0.000000e+00 : f32
    %max3A_18 = vector.broadcast %max3A : f32 to vector<1264x128xf32>
    %max3A_19 = arith.maximumf %add3A_17, %max3A_18 : vector<1264x128xf32>
    %get3A_20 = arith.constant 0 : index
    %get3A_21 = arith.constant 0 : index
    %get3A_22 = vector.load %arg4[%get3A_20, %get3A_21] : memref<128x64xf32, #tpu.memory_space<vmem>>, vector<128x64xf32>
    %dot_general3A = arith.constant dense<0.000000e+00> : vector<1264x64xf32>
    %dot_general3A_23 = tpu.matmul %max3A_19, %get3A_22, %dot_general3A {dimension_numbers = #tpu.dot_dimension_numbers<[1], [0], [0], [1], [0, 0, 1, 1], [], []>, transpose_lhs_hint = false} : vector<1264x128xf32>, vector<128x64xf32>, vector<1264x64xf32> -> vector<1264x64xf32>
    %convert_element_type3A_24 = arith.truncf %dot_general3A_23 : vector<1264x64xf32> to vector<1264x64xbf16>
    %swap3A = arith.constant 0 : index
    %swap3A_25 = arith.constant 0 : index
    %swap3A_26 = vector.load %arg7[%swap3A, %swap3A_25] : memref<1264x64xbf16, #tpu.memory_space<vmem>>, vector<1264x64xbf16>
    tpu.vector_store %arg7[%swap3A, %swap3A_25], %convert_element_type3A_24 {strides = array<i32>} : memref<1264x64xbf16, #tpu.memory_space<vmem>>, vector<1264x64xbf16>,
    %get3A_27 = arith.constant 0 : index
    %get3A_28 = arith.constant 0 : index
    %get3A_29 = vector.load %arg5[%get3A_27, %get3A_28] : memref<128x64xf32, #tpu.memory_space<vmem>>, vector<128x64xf32>
    %dot_general3A_30 = arith.constant dense<0.000000e+00> : vector<1264x64xf32>
    %dot_general3A_31 = tpu.matmul %max3A_19, %get3A_29, %dot_general3A_30 {dimension_numbers = #tpu.dot_dimension_numbers<[1], [0], [0], [1], [0, 0, 1, 1], [], []>, transpose_lhs_hint = false} : vector<1264x128xf32>, vector<128x64xf32>, vector<1264x64xf32> -> vector<1264x64xf32>
    %get3A_32 = arith.constant 0 : index
    %get3A_33 = arith.constant 0 : index
    %get3A_34 = vector.load %arg6[%get3A_32, %get3A_33] : memref<1x64xf32, #tpu.memory_space<vmem>>, vector<1x64xf32>
    %add3A_35 = vector.broadcast %get3A_34 : vector<1x64xf32> to vector<1264x64xf32>
    %add3A_36 = arith.addf %dot_general3A_31, %add3A_35 : vector<1264x64xf32>
    %swap3A_37 = arith.constant 0 : index
    %swap3A_38 = arith.constant 0 : index
    %swap3A_39 = vector.load %arg8[%swap3A_37, %swap3A_38] : memref<1264x64xf32, #tpu.memory_space<vmem>>, vector<1264x64xf32>
    tpu.vector_store %arg8[%swap3A_37, %swap3A_38], %add3A_36 {strides = array<i32>} : memref<1264x64xf32, #tpu.memory_space<vmem>>, vector<1264x64xf32>,
    return
  }
  func.func @transform_0(%arg0: i32) -> (i32, i32, i32) {
    %c0_i32 = arith.constant 0 : i32
    %c0_i32_0 = arith.constant 0 : i32
    %c0_i32_1 = arith.constant 0 : i32
    return %c0_i32, %arg0, %c0_i32_0 : i32, i32, i32
  }
  func.func @transform_1(%arg0: i32) -> (i32, i32) {
    %c0_i32 = arith.constant 0 : i32
    %c0_i32_0 = arith.constant 0 : i32
    return %arg0, %c0_i32 : i32, i32
  }
  func.func @transform_2(%arg0: i32) -> (i32, i32) {
    %c0_i32 = arith.constant 0 : i32
    %c0_i32_0 = arith.constant 0 : i32
    return %arg0, %c0_i32 : i32, i32
  }
  func.func @transform_3(%arg0: i32) -> (i32, i32) {
    %c0_i32 = arith.constant 0 : i32
    %c0_i32_0 = arith.constant 0 : i32
    %c0_i32_1 = arith.constant 0 : i32
    return %c0_i32, %c0_i32_0 : i32, i32
  }
  func.func @transform_4(%arg0: i32) -> (i32, i32) {
    %c0_i32 = arith.constant 0 : i32
    %c0_i32_0 = arith.constant 0 : i32
    %c0_i32_1 = arith.constant 0 : i32
    return %c0_i32, %c0_i32_0 : i32, i32
  }
  func.func @transform_5(%arg0: i32) -> (i32, i32) {
    %c0_i32 = arith.constant 0 : i32
    %c0_i32_0 = arith.constant 0 : i32
    %c0_i32_1 = arith.constant 0 : i32
    return %c0_i32, %c0_i32_0 : i32, i32
  }
  func.func @transform_6(%arg0: i32) -> (i32, i32) {
    %c0_i32 = arith.constant 0 : i32
    %c0_i32_0 = arith.constant 0 : i32
    return %arg0, %c0_i32 : i32, i32
  }
  func.func @transform_7(%arg0: i32) -> (i32, i32) {
    %c0_i32 = arith.constant 0 : i32
    %c0_i32_0 = arith.constant 0 : i32
    return %arg0, %c0_i32 : i32, i32
  }
}

module attributes {stable_mosaic.version = 14 : i64} {
  func.func @_k3_body(%arg0: i32, %arg1: memref<2x1264x64xbf16, #tpu.memory_space<vmem>>, %arg2: memref<1264x64xf32, #tpu.memory_space<vmem>>, %arg3: memref<1264x8xf32, #tpu.memory_space<vmem>>, %arg4: memref<1264x64xf32, #tpu.memory_space<vmem>>) attributes {dimension_semantics = [#tpu.dimension_semantics<arbitrary>], iteration_bounds = array<i64: 8>, scalar_prefetch = 0 : i64, scratch_operands = 0 : i64, tpu.core_type = #tpu.core_type<tc>, window_params = [{transform_indices = @transform_0, window_bounds = array<i64: 2, 1264, 64>}, {transform_indices = @transform_1, window_bounds = array<i64: 1264, 64>}, {transform_indices = @transform_2, window_bounds = array<i64: 1264, 8>}, {transform_indices = @transform_3, window_bounds = array<i64: 1264, 64>}]} {
    %get3A = arith.constant 0 : index
    %get3A_0 = arith.constant 0 : index
    %get3A_1 = arith.constant 0 : index
    %get3A_2 = vector.load %arg1[%get3A, %get3A_0, %get3A_1] : memref<2x1264x64xbf16, #tpu.memory_space<vmem>>, vector<1x1264x64xbf16>
    %get3A_3 = vector.shape_cast %get3A_2 : vector<1x1264x64xbf16> to vector<1264x64xbf16>
    %convert_element_type3A = arith.extf %get3A_3 : vector<1264x64xbf16> to vector<1264x64xf32>
    %get3A_4 = arith.constant 1 : index
    %get3A_5 = arith.constant 0 : index
    %get3A_6 = arith.constant 0 : index
    %get3A_7 = vector.load %arg1[%get3A_4, %get3A_5, %get3A_6] : memref<2x1264x64xbf16, #tpu.memory_space<vmem>>, vector<1x1264x64xbf16>
    %get3A_8 = vector.shape_cast %get3A_7 : vector<1x1264x64xbf16> to vector<1264x64xbf16>
    %convert_element_type3A_9 = arith.extf %get3A_8 : vector<1264x64xbf16> to vector<1264x64xf32>
    %add3A = arith.addf %convert_element_type3A, %convert_element_type3A_9 : vector<1264x64xf32>
    %get3A_10 = arith.constant 0 : index
    %get3A_11 = arith.constant 0 : index
    %get3A_12 = vector.load %arg3[%get3A_10, %get3A_11] : memref<1264x8xf32, #tpu.memory_space<vmem>>, vector<1264x1xf32>
    %mul3A = vector.broadcast %get3A_12 : vector<1264x1xf32> to vector<1264x64xf32>
    %mul3A_13 = arith.mulf %add3A, %mul3A : vector<1264x64xf32>
    %get3A_14 = arith.constant 0 : index
    %get3A_15 = arith.constant 0 : index
    %get3A_16 = vector.load %arg2[%get3A_14, %get3A_15] : memref<1264x64xf32, #tpu.memory_space<vmem>>, vector<1264x64xf32>
    %add3A_17 = arith.addf %mul3A_13, %get3A_16 : vector<1264x64xf32>
    %reduce_max3A = arith.constant dense<0xFF800000> : vector<1264xf32>
    %reduce_max3A_18 = vector.multi_reduction <maximumf>, %add3A_17, %reduce_max3A [1] : vector<1264x64xf32> to vector<1264xf32>
    %broadcast_in_dim3A = vector.shape_cast %reduce_max3A_18 : vector<1264xf32> to vector<1264x1xf32>
    %sub3A = vector.broadcast %broadcast_in_dim3A : vector<1264x1xf32> to vector<1264x64xf32>
    %sub3A_19 = arith.subf %add3A_17, %sub3A : vector<1264x64xf32>
    %exp3A = math.exp %sub3A_19 : vector<1264x64xf32>
    %reduce_sum3A = arith.constant dense<0.000000e+00> : vector<1264xf32>
    %reduce_sum3A_20 = vector.multi_reduction <add>, %exp3A, %reduce_sum3A [1] : vector<1264x64xf32> to vector<1264xf32>
    %broadcast_in_dim3A_21 = vector.shape_cast %reduce_sum3A_20 : vector<1264xf32> to vector<1264x1xf32>
    %log3A = math.log %broadcast_in_dim3A_21 : vector<1264x1xf32>
    %add3A_22 = arith.addf %log3A, %broadcast_in_dim3A : vector<1264x1xf32>
    %sub3A_23 = vector.broadcast %add3A_22 : vector<1264x1xf32> to vector<1264x64xf32>
    %sub3A_24 = arith.subf %add3A_17, %sub3A_23 : vector<1264x64xf32>
    %swap3A = arith.constant 0 : index
    %swap3A_25 = arith.constant 0 : index
    %swap3A_26 = vector.load %arg4[%swap3A, %swap3A_25] : memref<1264x64xf32, #tpu.memory_space<vmem>>, vector<1264x64xf32>
    tpu.vector_store %arg4[%swap3A, %swap3A_25], %sub3A_24 {strides = array<i32>} : memref<1264x64xf32, #tpu.memory_space<vmem>>, vector<1264x64xf32>,
    return
  }
  func.func @transform_0(%arg0: i32) -> (i32, i32, i32) {
    %c0_i32 = arith.constant 0 : i32
    %c0_i32_0 = arith.constant 0 : i32
    %c0_i32_1 = arith.constant 0 : i32
    return %c0_i32, %arg0, %c0_i32_0 : i32, i32, i32
  }
  func.func @transform_1(%arg0: i32) -> (i32, i32) {
    %c0_i32 = arith.constant 0 : i32
    %c0_i32_0 = arith.constant 0 : i32
    return %arg0, %c0_i32 : i32, i32
  }
  func.func @transform_2(%arg0: i32) -> (i32, i32) {
    %c0_i32 = arith.constant 0 : i32
    %c0_i32_0 = arith.constant 0 : i32
    return %arg0, %c0_i32 : i32, i32
  }
  func.func @transform_3(%arg0: i32) -> (i32, i32) {
    %c0_i32 = arith.constant 0 : i32
    %c0_i32_0 = arith.constant 0 : i32
    return %arg0, %c0_i32 : i32, i32
  }
}

</mosaic_0001>

<sc_bundles>
// kernel: kernel.10.cloned.1.call-start
scs
__scs_entry_jumppad:
0x0: {  	(pc) =	sbr.rel $0x88, $3  }
0x1: {  	(tag) =	ssettag $0x0;
	lr =	simm.s32 $0x1  }
0x2: {  	[smem:$0x3F96] =	sst lr;
	_ =	strace $0xD0000000  }
0x3: {  	_ = 	snop  }
0x4: {  	_ = 	snop  }
0x5: {  	_ = 	snop  }
0x6: {  	_ = 	snop  }
0x7: {  	_ = 	snop  }
__scs_overlays_trampoline_lowered:
0x8: {  	[smem:$0x3FA5] =	sst s0  }
0x9: {  	[smem:$0x3FA6] =	sst s1  }
0xa: {  	[smem:$0x3FA7] =	sst s2  }
0xb: {  	[smem:$0x3FA8] =	sst s3  }
0xc: {  	[smem:$0x3FA9] =	sst s4  }
0xd: {  	[smem:$0x3FAA] =	sst s5  }
0xe: {  	[smem:$0x3FAB] =	sst s6  }
0xf: {  	[smem:$0x3FAC] =	sst s7  }
0x10: {  	[smem:$0x3FAD] =	sst s8  }
0x11: {  	[smem:$0x3FAE] =	sst s9;
	s0 =	simm.s32 @!p0 $0x0  }
0x12: {  	s1 =	sld [smem:$0x3F94];
	s0 =	simm.s32 @p0 $0x1  }
0x13: {  	[smem:$0x3FAF] =	sst s0;
	s0 =	simm.s32 @!p1 $0x0  }
0x14: {  	s2 =	sld [smem:$0x3F93];
	s0 =	simm.s32 @p1 $0x1  }
0x15: {  	[smem:$0x3FB0] =	sst s0;
	s0 =	simm.s32 @!p2 $0x0  }
0x16: {  	s3 =	sld [smem:$0x3FDB];
	s0 =	simm.s32 @p2 $0x1  }
0x17: {  	s4 =	simm.s32 $0x1BF5;
	[smem:$0x3FB2] =	sst s0  }
0x18: {  	s0 =	sld [smem:$0x3F95];
	_ =	swait.ge [sflag:s4], $0x0  }
0x19: {  	s7 =	sld [smem:$0x3F96]  }
0x1a: {  	s8 =	sadd.s32 $0xFFFFE003, lr  }
0x1b: {  	s9 =	sadd.s32 $0xFFFFFEF7, lr;
	s5 =	simm.s32 $0xFFFFFFFF;
	p2 =	slt.u32 s8, $0xFFFFF086  }
0x1c: {  	p1 =	slt.u32 s9, $0xF7A;
	s5 =	simm.s32 @!p2 $0x0  }
0x1d: {  	s5 =	simm.s32 @p1 $0x1;
	p0 =	seq.s32 s7, s2  }
0x1e: {  	s7 =	smul.u32 @!p0 $0xF7A, s2;
	p2 =	seq.s32 @!p0 s5, $0x0  }
0x1f: {  	s9 =	smul.u32 $0xF7A, s1;
	s8 =	simm.s32 @!p0 $0x1BF5;
	p2 =	por !p2, p0  }
0x20: {  	[sflag:s8] =	ssyncset.s32 @!p0 $0xFFFFF086;
	s6 =	sadd.s32 @!p0 s3, s7;
	s7 =	simm.s32 @!p0 $0x108  }
0x21: {  	s3 =	sadd.s32 s3, s9;
	s6 =	sadd.s32 @!p0 $0x88, s6;
	s7 =	simm.s32 @p2 $0x1082  }
0x22: {  	[simem:s7], [sflag:s8] =	dma.local @!p0 [hbm:s6], $0xF7A  }
0x23: {  	s9 =	sor.u32 $0xD0000000, s2;
	s6 =	simm.s32 $0x108;
	_ =	swait.ge @!p0 [sflag:s8], $0x0  }
0x24: {  	s3 =	sadd.s32 $0x88, s3;
	s6 =	simm.s32 @!p1 $0x1082;
	[sflag:s4] =	ssyncset.s32 $0xFFFFF086  }
0x25: {  	[simem:s6], [sflag:s4] =	dma.local [hbm:s3], $0xF7A  }
0x26: {  	[smem:$0x3F96] =	sst s1;
	(tag) =	ssettag s2;
	_ =	strace s9  }
0x27: {  	s1 =	sld [smem:$0x3FA6]  }
0x28: {  	s2 =	sld [smem:$0x3FA7]  }
0x29: {  	s4 =	sld [smem:$0x3FA9]  }
0x2a: {  	p0 =	seq.s32 s5, $0x0;
	s5 =	sld [smem:$0x3FAA]  }
0x2b: {  	s6 =	sld [smem:$0x3FAB]  }
0x2c: {  	s7 =	sld [smem:$0x3FAC]  }
0x2d: {  	s3 =	simm.s32 $0x108;
	s8 =	sld [smem:$0x3FAD]  }
0x2e: {  	s3 =	simm.s32 @!p0 $0x1082;
	s9 =	sld [smem:$0x3FAE]  }
0x2f: {  	lr =	sadd.s32 s0, s3;
	s0 =	sld [smem:$0x3FA5]  }
0x30: {  	s3 =	sld [smem:$0x3FA8]  }
0x31: {  	[smem:$0x3FB1] =	sst s10  }
0x32: {  	s10 =	sld [smem:$0x3FAF];
	_ =	sdelay $0x3  }
0x33: {  	p0 =	seq.s32 s10, $0x1;
	s10 =	sld [smem:$0x3FB1];
	_ =	sdelay $0x3  }
0x34: {  	[smem:$0x3FB1] =	sst s10  }
0x35: {  	s10 =	sld [smem:$0x3FB0];
	_ =	sdelay $0x3  }
0x36: {  	p1 =	seq.s32 s10, $0x1;
	s10 =	sld [smem:$0x3FB1];
	_ =	sdelay $0x3  }
0x37: {  	[smem:$0x3FB1] =	sst s10  }
0x38: {  	s10 =	sld [smem:$0x3FB2]  }
0x39: {  	_ = 	snop;
	(pc) =	sbr.ind lr, $3  }
0x3a: {  	_ = 	snop  }
0x3b: {  	_ = 	snop  }
0x3c: {  	p2 =	seq.s32 s10, $0x1;
	s10 =	sld [smem:$0x3FB1]  }
0x3d: {  	_ =	shalt  }
0x3e: {  	_ =	shalt  }
0x3f: {  	_ =	shalt  }
0x40: {  	_ =	shalt  }
0x41: {  	_ =	shalt  }
0x42: {  	_ =	shalt  }
0x43: {  	_ =	shalt  }
0x44: {  	_ =	shalt  }
0x45: {  	_ =	shalt  }
0x46: {  	_ =	shalt  }
0x47: {  	_ =	shalt  }
0x48: {  	_ =	shalt  }
0x49: {  	_ =	shalt  }
0x4a: {  	_ =	shalt  }
0x4b: {  	_ =	shalt  }
0x4c: {  	_ =	shalt  }
0x4d: {  	_ =	shalt  }
0x4e: {  	_ =	shalt  }
0x4f: {  	_ =	shalt  }
0x50: {  	_ =	shalt  }
0x51: {  	_ =	shalt  }
0x52: {  	_ =	shalt  }
0x53: {  	_ =	shalt  }
0x54: {  	_ =	shalt  }
0x55: {  	_ =	shalt  }
0x56: {  	_ =	shalt  }
0x57: {  	_ =	shalt  }
0x58: {  	_ =	shalt  }
0x59: {  	_ =	shalt  }
0x5a: {  	_ =	shalt  }
0x5b: {  	_ =	shalt  }
0x5c: {  	_ =	shalt  }
0x5d: {  	_ =	shalt  }
0x5e: {  	_ =	shalt  }
0x5f: {  	_ =	shalt  }
0x60: {  	_ =	shalt  }
0x61: {  	_ =	shalt  }
0x62: {  	_ =	shalt  }
0x63: {  	_ =	shalt  }
0x64: {  	_ =	shalt  }
0x65: {  	_ =	shalt  }
0x66: {  	_ =	shalt  }
0x67: {  	_ =	shalt  }
0x68: {  	_ =	shalt  }
0x69: {  	_ =	shalt  }
0x6a: {  	_ =	shalt  }
0x6b: {  	_ =	shalt  }
0x6c: {  	_ =	shalt  }
0x6d: {  	_ =	shalt  }
0x6e: {  	_ =	shalt  }
0x6f: {  	_ =	shalt  }
0x70: {  	_ =	shalt  }
0x71: {  	_ =	shalt  }
0x72: {  	_ =	shalt  }
0x73: {  	_ =	shalt  }
0x74: {  	_ =	shalt  }
0x75: {  	_ =	shalt  }
0x76: {  	_ =	shalt  }
0x77: {  	_ =	shalt  }
0x78: {  	_ =	shalt  }
0x79: {  	_ =	shalt  }
0x7a: {  	_ =	shalt  }
0x7b: {  	_ =	shalt  }
0x7c: {  	_ =	shalt  }
0x7d: {  	_ =	shalt  }
0x7e: {  	_ =	shalt  }
0x7f: {  	_ =	shalt  }
0x80: {  	_ =	shalt  }
0x81: {  	_ =	shalt  }
0x82: {  	_ =	shalt  }
0x83: {  	_ =	shalt  }
0x84: {  	_ =	shalt  }
0x85: {  	_ =	shalt  }
0x86: {  	_ =	shalt  }
0x87: {  	_ =	shalt  }
.Lfunc_end0:
.L_simem_size_0:
called_computation_lowered:
.L_overlay_start_0:
0x88: {  	s2 =	sld [smem:$0x3FD9]  }
0x89: {  	s3 =	sld [smem:$0x3FFE];
	_ =	sdelay $0x1  }
0x8a: {  	s1 =	srdreg.scid  }
0x8b: {  	s0 =	sand.u32 $0x1, s1  }
0x8c: {  	s17 =	sshll.u32 s0, $0xA;
	s2 =	sadd.s32 s3, s2  }
0x8d: {  	s2 =	sadd.s32 s2, s17  }
0x8e: {  	[smem:$0x3FBD] =	sst s2  }
0x8f: {  	_ = 	snop  }
0x90: {  	(tm) =	ssettm $0x1  }
0x91: {  	s18 =	sld [smem:$0x3FFB];
	_ =	sdelay $0x3  }
0x92: {  	_ =	strace s18  }
0x93: {  	s2 =	sld [smem:$0x3FFC];
	_ =	sdelay $0x3  }
0x94: {  	_ =	strace s2  }
0x95: {  	s2 =	sld [smem:$0x3FFD];
	_ =	sdelay $0x3  }
0x96: {  	_ =	strace s2  }
0x97: {  	_ =	strace $0x8FFFFFFF  }
0x98: {  	s19 =	sld [smem:$0x3FDB];
	_ =	sdelay $0x1  }
0x99: {  	s20 =	simm.s32 $_scs_section_size  }
0x9a: {  	s4 =	simm.s32 $_size__tile_overlayer_lowered;
	s5 =	simm.s32 $_tile_overlayer_lowered  }
0x9b: {  	s6 =	simm.s32 $0x1BFF;
	s21 =	sshll.u32 s5, $0x1;
	s3 =	sadd.s32 s20, s19  }
0x9c: {  	s22 =	simm.s32 $0x0;
	s4 =	sshll.u32 s4, $0x1;
	s5 =	sadd.s32 s21, s3  }
0x9d: {  	[timem:s22], [sflag:s6] =	dma.local [hbm:s5], s4  }
0x9e: {  	_ =	swait.ge [sflag:s6], s4  }
0x9f: {  	s4 =	ssub.s32 $0x0, s4;
	[sflag:s6] =	ssyncset.done $0x0  }
0xa0: {  	[sflag:s6] =	ssyncadd.s32 s4;
	_ =	sdelay $0x1  }
0xa1: {  	s23 =	simm.s32 $0x1B8B  }
0xa2: {  	_ =	swait.ge [sflag:s23], $0x1  }
0xa3: {  	[sflag:s23] =	ssyncset.done $0x0  }
0xa4: {  	[sflag:s23] =	ssyncadd.s32 $0xFFFFFFFF  }
0xa5: {  	s4 =	sld [smem:$0x0]  }
0xa6: {  	s5 =	sand.u32 $0xFFFFFFFE, s1  }
0xa7: {  	p0 =	sne.s32 s1, s5  }
0xa8: {  	s5 =	sshll.u32 @p0 s5, $0xE  }
0xa9: {  	s5 =	sadd.s32 @p0 $0x11B8D, s5;
	s6 =	sshll.u32 @p0 s4, $0x11  }
0xaa: {  	s5 =	sor.u32 @p0 s6, s5  }
0xab: {  	[sflag:s5] =	ssyncadd.remote.s32 @p0 $0x1;
	_ =	sdelay $0x1  }
0xac: {  	s5 =	simm.s32 @p0 $0x1B8D  }
0xad: {  	_ =	swait.eq @p0 [sflag:s5], $0x1  }
0xae: {  	[sflag:s5] =	ssyncadd.s32 @p0 $0xFFFFFFFF  }
0xaf: {  	s6 =	sshll.u32 @!p0 s1, $0xE  }
0xb0: {  	s6 =	sor.u32 @!p0 $0x4000, s6;
	s5 =	simm.s32 @!p0 $0x1B8D  }
0xb1: {  	s4 =	sshll.u32 @!p0 s4, $0x11;
	s6 =	sadd.s32 @!p0 $0x11B8D, s6;
	_ =	swait.eq @!p0 [sflag:s5], $0x1  }
0xb2: {  	s4 =	sor.u32 @!p0 s4, s6;
	[sflag:s5] =	ssyncadd.s32 @!p0 $0xFFFFFFFF  }
0xb3: {  	s25 =	simm.s32 $0x1B8E;
	s24 =	sld [smem:$0x3FFE];
	[sflag:s4] =	ssyncadd.remote.s32 @!p0 $0x1  }
0xb4: {  	s26 =	simm.s32 $execute0_lowered;
	[smem:$0x3FD2] =	sst s25  }
0xb5: {  	s5 =	sshll.u32 s26, $0x1;
	_ =	strace $0x80000049;
	[dreg:$0x1] =	wrdreg $0xFFFFFFFF  }
0xb6: {  	s28 =	simm.s32 $_size_execute0_lowered;
	s3 =	sadd.s32 s3, s5;
	[dreg:$0x0] =	wrdreg $0x0  }
0xb7: {  	s5 =	sshll.u32 s28, $0x1;
	[dreg:$0x2] =	wrdreg s3  }
0xb8: {  	[dreg:$0x3] =	wrdreg s5  }
0xb9: {  	[dreg:$0x4] =	wrdreg $0xC0  }
0xba: {  	_ =	task [dreg:s22], $0x5FFFF  }
0xbb: {  	[dreg:$0x1] =	wrdreg $0xFFFFFFFF  }
0xbc: {  	[dreg:$0x0] =	wrdreg $0x60  }
0xbd: {  	[dreg:$0x2] =	wrdreg s24  }
0xbe: {  	[dreg:$0x3] =	wrdreg $0x2D000  }
0xbf: {  	[dreg:$0x4] =	wrdreg $0x9  }
0xc0: {  	_ =	task.clear_ibuf [dreg:s22], $0x5FFFF;
	_ =	strace $0x90000049  }
0xc1: {  	s29 =	simm.s32 $0x9;
	_ =	strace $0x8000004B  }
0xc2: {  	_ =	swait.ge [sflag:s29], $0x1  }
0xc3: {  	[sflag:s29] =	ssyncadd.s32 $0xFFFFFFFF  }
0xc4: {  	_ =	strace $0x9000004B  }
0xc5: {  	_ =	sfence  }
0xc6: {  	s30 =	sld [smem:$0x0];
	_ =	sdelay $0x2  }
0xc7: {  	s31 =	sshll.u32 s1, $0xD;
	s1 =	sshrl.u32 s1, $0x2  }
0xc8: {  	s4 =	sand.u32 $0x4000, s31;
	s1 =	sadd.s32 s1, s30  }
0xc9: {  	s0 =	sor.u32 s4, s0;
	s1 =	sshll.u32 s1, $0x11  }
0xca: {  	s0 =	sor.u32 s1, s0  }
0xcb: {  	s0 =	sadd.s32 $0x8F2B, s0  }
0xcc: {  	[sflag:s0] =	ssyncadd.remote.s32 $0x1  }
0xcd: {  	_ =	sfence.sel $0xFFFF  }
0xce: {  	[dreg:$0x0] =	wrdreg $0xFFFFFFFF;
	(pc) =	sbr.abs _section_cstart, $3  }
0xcf: {  	[dreg:$0x1] =	wrdreg $0xFFFFFFFF  }
0xd0: {  	_ =	task.clear_ibuf [dreg:s22], $0x2FFFF;
	_ =	strace $0x9FFFFFFF  }
0xd1: {  	(tm) =	ssettm $0x7FFFFFFF  }
tec
execute0_lowered:
.L_overlay_start_1:
0x0: {  	(tag) =	ssettag $0x1  }
0x1: {  	s1 =	srdreg.scid;
	s5 =	rddreg [dreg:$0x0]  }
0x2: {  	s0 =	stileid.u32;
	s2 =	rddreg [dreg:$0x1]  }
0x3: {  	s3 =	simm.s32 $0x0;
	s13 =	simm.s32 $0x50;
	s14 =	simm.s32 $0x1  }
0x4: {  	s15 =	simm.s32 $0x0;
	s4 =	sand.u32 $0x1, s1;
	s29 =	sshll.u32 s0, $0x1  }
0x5: {  	s7 =	smul.u32 $0x2780, s0;
	[smem:$0x7FF] =	sst s3;
	s31 =	sshll.u32 s0, $0x6  }
0x6: {  	s1 =	sor.u32 s4, s29;
	s8 =	smul.u32 $0x27800, s4;
	s10 =	ssub.s32 $0x2, s4  }
0x7: {  	s4 =	sadd.s32 $0x7F200, s5;
	s6 =	smul.u32 $0x500, s1;
	s1 =	rddreg [dreg:$0x2]  }
0x8: {  	_ =	strace $0x8000004A;
	s30 =	sshrl.u32 s7, $0x3;
	s11 =	sshrl.u32 s10, $0x1  }
0x9: {  	s12 =	sadd.s32 s7, s2;
	s8 =	sadd.s32 s7, s8;
	s10 =	ssub.s32 s10, s11  }
0xa: {  	s9 =	sadd.s32 s6, s5;
	s6 =	sadd.s32 s30, s5;
	s8 =	sshrl.u32 s8, $0x3  }
0xb: {  	s11 =	simm.s32 $0x2;
	s8 =	sadd.s32 s8, s5;
	s5 =	sadd.s32 $0x7A200, s6  }
0xc: {  	s6 =	sor.u32 $0x1C02, s31;
	s7 =	sadd.s32 $0x3600, s9;
	s9 =	smax.u32 s10, $0x1  }
0xd: {  	s10 =	sshrl.u32 s12, $0x3;
	s12 =	simm.s32 $0x2800;
	s8 =	sadd.s32 $0x7F400, s8  }
.LBB2_1:
0xe: {  	[spmem:s10], [sflag:s6] =	dma.local [hbm:s5], $0x4F0  }
0xf: {  	_ =	swait.ge [sflag:s11], $0x4F0  }
0x10: {  	[sflag:s11] =	ssyncset.done $0x0  }
0x11: {  	[sflag:s11] =	ssyncadd.s32 $0xFFFFFB10  }
0x12: {  	[tilespmem:s12], [sflag:$0x2] =	stream.linear.gather [hbm4b:s4+s3], $0x500, $0x38;
	[tilespmem:$0x5480] =	vst v63  }
0x13: {  	_ =	swait.ge [sflag:s11], $0x500  }
0x14: {  	[sflag:s11] =	ssyncset.done $0x0  }
0x15: {  	[sflag:s11] =	ssyncadd.s32 $0xFFFFFB00  }
0x16: {  	[tilespmem:s3], [sflag:$0x2] =	stream.linear.gather [hbm4b:s7+s3], $0x2800, $0x38;
	[tilespmem:$0x5480] =	vst v63  }
0x17: {  	_ =	swait.ge [sflag:s11], $0x2800  }
0x18: {  	[sflag:s11] =	ssyncset.done $0x0  }
0x19: {  	[sflag:s11] =	ssyncadd.s32 $0xFFFFD800  }
0x1a: {  	s16 =	simm.s32 $0x0;
	[bflag:$0x0] =	sbarrier.arrive $0xFFFF  }
.LBB2_2:
0x1b: {  	p0 =	sne.s32 s16, $0x9EC0  }
.Ltmp0:
0x1c: {  	_ = 	snop;
	(pc) =	sbr.rel @p0 .LBB2_2-.Ltmp0, $3  }
0x1d: {  	_ =	sdelay $0x1  }
0x1e: {  	s17 =	sshra.s32 s16, $0x2;
	s16 =	sadd.s32 $0x140, s16  }
0x1f: {  	[spmem:s2] =	stream.indirect.scatter.add.f32 [tilespmem:s12], [sflag:$0x1], $0x10, s17, s13, $0xb8;
	[tilespmem:$0x5480] =	vst v63  }
0x20: {  	_ =	swait.ge [sflag:s14], $0x500  }
0x21: {  	s16 =	simm.s32 $0x7F;
	[sflag:s14] =	ssyncset.done $0x0  }
.LBB2_4:
0x22: {  	p0 =	sne.s32 s16, $0x1;
	s16 =	sadd.s32 $0xFFFFFFFF, s16;
	[sflag:s14] =	ssyncadd.s32 $0xFFFFFB00  }
.Ltmp1:
0x23: {  	(pc) =	sbr.rel @p0 .LBB2_4-.Ltmp1, $3  }
0x24: {  	_ =	sdelay $0x1  }
0x25: {  	_ =	swait.ge [sflag:s14], $0x500  }
0x26: {  	[sflag:s14] =	ssyncset.done $0x0  }
0x27: {  	s15 =	sadd.s32 $0x1, s15  }
0x28: {  	[sflag:s14] =	ssyncadd.s32 $0xFFFFFB00;
	p0 =	sne.s32 s15, s9  }
.Ltmp2:
0x29: {  	[bflag:$0x0] =	sbarrier.arrive $0xFFFF;
	(pc) =	sbr.rel @p0 .LBB2_1-.Ltmp2, $4  }
0x2a: {  	[hbm:s8], [sflag:s6] =	dma.local [spmem:s10], $0x4F0  }
0x2b: {  	_ =	swait.ge [sflag:s11], $0x4F0  }
0x2c: {  	[sflag:s11] =	ssyncset.done $0x0  }
0x2d: {  	[sflag:s11] =	ssyncadd.s32 $0xFFFFFB10  }
0x2e: {  	_ =	sfence.sel $0x180000  }
0x2f: {  	[bflag:$0x0] =	sbarrier.arrive $0xFFFF  }
0x30: {  	p0 =	sne.s32 s0, $0x0;
	_ =	strace $0x9000004A  }
0x31: {  	s0 =	sadd.s32 @!p0 $0x100000, s1;
	[bflag:$0x2] =	sbarrier.arrive $0xFFFF  }
0x32: {  	[sflag:s0] =	ssyncadd.tile.s32 @!p0 $0x1;
	_ =	shalt  }
.Lfunc_end2:
_tile_overlayer_lowered:
.L_overlay_start_2:
0x33: {  	(tag) =	ssettag $0x2  }
0x34: {  	s0 =	rddreg [dreg:$0x0];
	s2 =	stileid.u32  }
0x35: {  	s1 =	rddreg [dreg:$0x1];
	p0 =	sne.s32 s2, $0x0  }
0x36: {  	s3 =	rddreg [dreg:$0x2];
	[bflag:$0x3] =	sbarrier.arrive $0xFFFF;
	s2 =	simm.s32 @!p0 $0x1C02  }
0x37: {  	[timem:s3], [sflag:s2] =	dma.local @!p0 [hbm:s0], s1  }
0x38: {  	s0 =	simm.s32 @!p0 $0x2  }
0x39: {  	_ =	swait.ge @!p0 [sflag:s0], s1  }
0x3a: {  	s1 =	ssub.s32 @!p0 $0x0, s1;
	[sflag:s0] =	ssyncset.done @!p0 $0x0  }
0x3b: {  	[sflag:s0] =	ssyncadd.s32 @!p0 s1  }
0x3c: {  	[bflag:$0x3] =	sbarrier.arrive $0xFFFF  }
0x3d: {  	_ =	shalt  }

// kernel: kernel.13.cloned.1.call-start
scs
__scs_entry_jumppad:
0x0: {  	(pc) =	sbr.rel $0x88, $3  }
0x1: {  	(tag) =	ssettag $0x0;
	lr =	simm.s32 $0x1  }
0x2: {  	[smem:$0x3F96] =	sst lr;
	_ =	strace $0xD0000000  }
0x3: {  	_ = 	snop  }
0x4: {  	_ = 	snop  }
0x5: {  	_ = 	snop  }
0x6: {  	_ = 	snop  }
0x7: {  	_ = 	snop  }
__scs_overlays_trampoline_lowered:
0x8: {  	[smem:$0x3FA5] =	sst s0  }
0x9: {  	[smem:$0x3FA6] =	sst s1  }
0xa: {  	[smem:$0x3FA7] =	sst s2  }
0xb: {  	[smem:$0x3FA8] =	sst s3  }
0xc: {  	[smem:$0x3FA9] =	sst s4  }
0xd: {  	[smem:$0x3FAA] =	sst s5  }
0xe: {  	[smem:$0x3FAB] =	sst s6  }
0xf: {  	[smem:$0x3FAC] =	sst s7  }
0x10: {  	[smem:$0x3FAD] =	sst s8  }
0x11: {  	[smem:$0x3FAE] =	sst s9;
	s0 =	simm.s32 @!p0 $0x0  }
0x12: {  	s1 =	sld [smem:$0x3F94];
	s0 =	simm.s32 @p0 $0x1  }
0x13: {  	[smem:$0x3FAF] =	sst s0;
	s0 =	simm.s32 @!p1 $0x0  }
0x14: {  	s2 =	sld [smem:$0x3F93];
	s0 =	simm.s32 @p1 $0x1  }
0x15: {  	[smem:$0x3FB0] =	sst s0;
	s0 =	simm.s32 @!p2 $0x0  }
0x16: {  	s3 =	sld [smem:$0x3FDB];
	s0 =	simm.s32 @p2 $0x1  }
0x17: {  	s4 =	simm.s32 $0x1BF5;
	[smem:$0x3FB2] =	sst s0  }
0x18: {  	s0 =	sld [smem:$0x3F95];
	_ =	swait.ge [sflag:s4], $0x0  }
0x19: {  	s7 =	sld [smem:$0x3F96]  }
0x1a: {  	s8 =	sadd.s32 $0xFFFFE003, lr  }
0x1b: {  	s9 =	sadd.s32 $0xFFFFFEF7, lr;
	s5 =	simm.s32 $0xFFFFFFFF;
	p2 =	slt.u32 s8, $0xFFFFF086  }
0x1c: {  	p1 =	slt.u32 s9, $0xF7A;
	s5 =	simm.s32 @!p2 $0x0  }
0x1d: {  	s5 =	simm.s32 @p1 $0x1;
	p0 =	seq.s32 s7, s2  }
0x1e: {  	s7 =	smul.u32 @!p0 $0xF7A, s2;
	p2 =	seq.s32 @!p0 s5, $0x0  }
0x1f: {  	s9 =	smul.u32 $0xF7A, s1;
	s8 =	simm.s32 @!p0 $0x1BF5;
	p2 =	por !p2, p0  }
0x20: {  	[sflag:s8] =	ssyncset.s32 @!p0 $0xFFFFF086;
	s6 =	sadd.s32 @!p0 s3, s7;
	s7 =	simm.s32 @!p0 $0x108  }
0x21: {  	s3 =	sadd.s32 s3, s9;
	s6 =	sadd.s32 @!p0 $0x88, s6;
	s7 =	simm.s32 @p2 $0x1082  }
0x22: {  	[simem:s7], [sflag:s8] =	dma.local @!p0 [hbm:s6], $0xF7A  }
0x23: {  	s9 =	sor.u32 $0xD0000000, s2;
	s6 =	simm.s32 $0x108;
	_ =	swait.ge @!p0 [sflag:s8], $0x0  }
0x24: {  	s3 =	sadd.s32 $0x88, s3;
	s6 =	simm.s32 @!p1 $0x1082;
	[sflag:s4] =	ssyncset.s32 $0xFFFFF086  }
0x25: {  	[simem:s6], [sflag:s4] =	dma.local [hbm:s3], $0xF7A  }
0x26: {  	[smem:$0x3F96] =	sst s1;
	(tag) =	ssettag s2;
	_ =	strace s9  }
0x27: {  	s1 =	sld [smem:$0x3FA6]  }
0x28: {  	s2 =	sld [smem:$0x3FA7]  }
0x29: {  	s4 =	sld [smem:$0x3FA9]  }
0x2a: {  	p0 =	seq.s32 s5, $0x0;
	s5 =	sld [smem:$0x3FAA]  }
0x2b: {  	s6 =	sld [smem:$0x3FAB]  }
0x2c: {  	s7 =	sld [smem:$0x3FAC]  }
0x2d: {  	s3 =	simm.s32 $0x108;
	s8 =	sld [smem:$0x3FAD]  }
0x2e: {  	s3 =	simm.s32 @!p0 $0x1082;
	s9 =	sld [smem:$0x3FAE]  }
0x2f: {  	lr =	sadd.s32 s0, s3;
	s0 =	sld [smem:$0x3FA5]  }
0x30: {  	s3 =	sld [smem:$0x3FA8]  }
0x31: {  	[smem:$0x3FB1] =	sst s10  }
0x32: {  	s10 =	sld [smem:$0x3FAF];
	_ =	sdelay $0x3  }
0x33: {  	p0 =	seq.s32 s10, $0x1;
	s10 =	sld [smem:$0x3FB1];
	_ =	sdelay $0x3  }
0x34: {  	[smem:$0x3FB1] =	sst s10  }
0x35: {  	s10 =	sld [smem:$0x3FB0];
	_ =	sdelay $0x3  }
0x36: {  	p1 =	seq.s32 s10, $0x1;
	s10 =	sld [smem:$0x3FB1];
	_ =	sdelay $0x3  }
0x37: {  	[smem:$0x3FB1] =	sst s10  }
0x38: {  	s10 =	sld [smem:$0x3FB2]  }
0x39: {  	_ = 	snop;
	(pc) =	sbr.ind lr, $3  }
0x3a: {  	_ = 	snop  }
0x3b: {  	_ = 	snop  }
0x3c: {  	p2 =	seq.s32 s10, $0x1;
	s10 =	sld [smem:$0x3FB1]  }
0x3d: {  	_ =	shalt  }
0x3e: {  	_ =	shalt  }
0x3f: {  	_ =	shalt  }
0x40: {  	_ =	shalt  }
0x41: {  	_ =	shalt  }
0x42: {  	_ =	shalt  }
0x43: {  	_ =	shalt  }
0x44: {  	_ =	shalt  }
0x45: {  	_ =	shalt  }
0x46: {  	_ =	shalt  }
0x47: {  	_ =	shalt  }
0x48: {  	_ =	shalt  }
0x49: {  	_ =	shalt  }
0x4a: {  	_ =	shalt  }
0x4b: {  	_ =	shalt  }
0x4c: {  	_ =	shalt  }
0x4d: {  	_ =	shalt  }
0x4e: {  	_ =	shalt  }
0x4f: {  	_ =	shalt  }
0x50: {  	_ =	shalt  }
0x51: {  	_ =	shalt  }
0x52: {  	_ =	shalt  }
0x53: {  	_ =	shalt  }
0x54: {  	_ =	shalt  }
0x55: {  	_ =	shalt  }
0x56: {  	_ =	shalt  }
0x57: {  	_ =	shalt  }
0x58: {  	_ =	shalt  }
0x59: {  	_ =	shalt  }
0x5a: {  	_ =	shalt  }
0x5b: {  	_ =	shalt  }
0x5c: {  	_ =	shalt  }
0x5d: {  	_ =	shalt  }
0x5e: {  	_ =	shalt  }
0x5f: {  	_ =	shalt  }
0x60: {  	_ =	shalt  }
0x61: {  	_ =	shalt  }
0x62: {  	_ =	shalt  }
0x63: {  	_ =	shalt  }
0x64: {  	_ =	shalt  }
0x65: {  	_ =	shalt  }
0x66: {  	_ =	shalt  }
0x67: {  	_ =	shalt  }
0x68: {  	_ =	shalt  }
0x69: {  	_ =	shalt  }
0x6a: {  	_ =	shalt  }
0x6b: {  	_ =	shalt  }
0x6c: {  	_ =	shalt  }
0x6d: {  	_ =	shalt  }
0x6e: {  	_ =	shalt  }
0x6f: {  	_ =	shalt  }
0x70: {  	_ =	shalt  }
0x71: {  	_ =	shalt  }
0x72: {  	_ =	shalt  }
0x73: {  	_ =	shalt  }
0x74: {  	_ =	shalt  }
0x75: {  	_ =	shalt  }
0x76: {  	_ =	shalt  }
0x77: {  	_ =	shalt  }
0x78: {  	_ =	shalt  }
0x79: {  	_ =	shalt  }
0x7a: {  	_ =	shalt  }
0x7b: {  	_ =	shalt  }
0x7c: {  	_ =	shalt  }
0x7d: {  	_ =	shalt  }
0x7e: {  	_ =	shalt  }
0x7f: {  	_ =	shalt  }
0x80: {  	_ =	shalt  }
0x81: {  	_ =	shalt  }
0x82: {  	_ =	shalt  }
0x83: {  	_ =	shalt  }
0x84: {  	_ =	shalt  }
0x85: {  	_ =	shalt  }
0x86: {  	_ =	shalt  }
0x87: {  	_ =	shalt  }
.Lfunc_end0:
.L_simem_size_0:
called_computation.1_lowered:
.L_overlay_start_0:
0x88: {  	s2 =	sld [smem:$0x3FD9]  }
0x89: {  	s3 =	sld [smem:$0x3FFE];
	_ =	sdelay $0x1  }
0x8a: {  	s1 =	srdreg.scid  }
0x8b: {  	s0 =	sand.u32 $0x1, s1  }
0x8c: {  	s17 =	sshll.u32 s0, $0xA;
	s2 =	sadd.s32 s3, s2  }
0x8d: {  	s2 =	sadd.s32 s2, s17  }
0x8e: {  	[smem:$0x3FBD] =	sst s2  }
0x8f: {  	_ = 	snop  }
0x90: {  	s2 =	sld [smem:$0x3FD0];
	(tm) =	ssettm $0x1  }
0x91: {  	s18 =	sld [smem:$0x3FFB];
	_ =	sdelay $0x3  }
0x92: {  	_ =	strace s18  }
0x93: {  	s3 =	sld [smem:$0x3FFC];
	_ =	sdelay $0x3  }
0x94: {  	_ =	strace s3  }
0x95: {  	s3 =	sld [smem:$0x3FFD];
	_ =	sdelay $0x3  }
0x96: {  	_ =	strace s3  }
0x97: {  	_ =	strace $0x8FFFFFFF  }
0x98: {  	s19 =	sld [smem:$0x3FDB];
	_ =	sdelay $0x1  }
0x99: {  	s4 =	simm.s32 $_scs_section_size  }
0x9a: {  	s5 =	simm.s32 $_size__tile_overlayer_lowered;
	s6 =	simm.s32 $_tile_overlayer_lowered  }
0x9b: {  	s22 =	simm.s32 $0x1BFF;
	s21 =	sshll.u32 s6, $0x1;
	s3 =	sadd.s32 s4, s19  }
0x9c: {  	s7 =	simm.s32 $0x0;
	s20 =	sshll.u32 s5, $0x1;
	s5 =	sadd.s32 s21, s3  }
0x9d: {  	[timem:s7], [sflag:s22] =	dma.local [hbm:s5], s20  }
0x9e: {  	_ =	swait.ge [sflag:s22], s20  }
0x9f: {  	s4 =	ssub.s32 $0x0, s20;
	[sflag:s22] =	ssyncset.done $0x0  }
0xa0: {  	[sflag:s22] =	ssyncadd.s32 s4;
	_ =	sdelay $0x1  }
0xa1: {  	s23 =	simm.s32 $0x1B8B  }
0xa2: {  	_ =	swait.ge [sflag:s23], $0x1  }
0xa3: {  	[sflag:s23] =	ssyncset.done $0x0  }
0xa4: {  	s25 =	simm.s32 $0x1B8E;
	s24 =	sld [smem:$0x3FFE];
	[sflag:s23] =	ssyncadd.s32 $0xFFFFFFFF  }
0xa5: {  	s26 =	simm.s32 $execute0_lowered;
	[smem:$0x3FD2] =	sst s25  }
0xa6: {  	s5 =	sshll.u32 s26, $0x1;
	_ =	strace $0x80000046;
	[dreg:$0x1] =	wrdreg $0xFFFFFFFF  }
0xa7: {  	s28 =	simm.s32 $_size_execute0_lowered;
	s3 =	sadd.s32 s3, s5;
	[dreg:$0x0] =	wrdreg $0x0  }
0xa8: {  	s5 =	sshll.u32 s28, $0x1;
	[dreg:$0x2] =	wrdreg s3  }
0xa9: {  	[dreg:$0x3] =	wrdreg s5  }
0xaa: {  	[dreg:$0x4] =	wrdreg $0xC0  }
0xab: {  	_ =	task [dreg:s7], $0x5FFFF  }
0xac: {  	[dreg:$0x1] =	wrdreg $0xFFFFFFFF  }
0xad: {  	[dreg:$0x0] =	wrdreg $0x60  }
0xae: {  	[dreg:$0x2] =	wrdreg s2  }
0xaf: {  	[dreg:$0x3] =	wrdreg s24  }
0xb0: {  	[dreg:$0x4] =	wrdreg $0x15E000  }
0xb1: {  	[dreg:$0x5] =	wrdreg $0xA  }
0xb2: {  	_ =	task.clear_ibuf [dreg:s7], $0x6FFFF;
	_ =	strace $0x90000046  }
0xb3: {  	s29 =	simm.s32 $0xA;
	_ =	strace $0x80000048  }
0xb4: {  	_ =	swait.ge [sflag:s29], $0x1  }
0xb5: {  	[sflag:s29] =	ssyncadd.s32 $0xFFFFFFFF  }
0xb6: {  	_ =	strace $0x90000048  }
0xb7: {  	_ =	sfence  }
0xb8: {  	s30 =	sld [smem:$0x0];
	_ =	sdelay $0x2  }
0xb9: {  	s31 =	sshll.u32 s1, $0xD;
	s1 =	sshrl.u32 s1, $0x2  }
0xba: {  	s3 =	sand.u32 $0x4000, s31;
	s1 =	sadd.s32 s1, s30  }
0xbb: {  	s0 =	sor.u32 s3, s0;
	s1 =	sshll.u32 s1, $0x11  }
0xbc: {  	s0 =	sor.u32 s1, s0  }
0xbd: {  	s0 =	sadd.s32 $0x8F2B, s0  }
0xbe: {  	[sflag:s0] =	ssyncadd.remote.s32 $0x1  }
0xbf: {  	_ =	sfence.sel $0xFFFF  }
0xc0: {  	[dreg:$0x0] =	wrdreg $0xFFFFFFFF;
	(pc) =	sbr.abs _section_cstart, $3  }
0xc1: {  	[dreg:$0x1] =	wrdreg $0xFFFFFFFF  }
0xc2: {  	_ =	task.clear_ibuf [dreg:s7], $0x2FFFF;
	_ =	strace $0x9FFFFFFF  }
0xc3: {  	(tm) =	ssettm $0x7FFFFFFF  }
tec
execute0_lowered:
.L_overlay_start_1:
0x0: {  	(tag) =	ssettag $0x1  }
0x1: {  	s1 =	rddreg [dreg:$0x0]  }
0x2: {  	s0 =	rddreg [dreg:$0x1]  }
0x3: {  	s3 =	rddreg [dreg:$0x2]  }
0x4: {  	s4 =	simm.s32 $0x0;
	s13 =	stileid.u32;
	s2 =	srdreg.scid  }
0x5: {  	s17 =	simm.s32 $0x3;
	s18 =	simm.s32 $0x9600;
	[smem:$0x7FF] =	sst s4  }
0x6: {  	s7 =	smul.u32 $0x13C00, s13;
	s2 =	sand.u32 $0x1, s2;
	s5 =	sadd.s32 $0xD600, s0  }
0x7: {  	s6 =	sadd.s32 $0x3600, s0;
	s10 =	sshll.u32 s13, $0x1;
	s23 =	sshll.u32 s13, $0x6  }
0x8: {  	_ =	strace $0x80000047;
	s8 =	smul.u32 $0x13C000, s2;
	s11 =	ssub.s32 $0x2, s2  }
0x9: {  	s2 =	sor.u32 s2, s10;
	s9 =	sshrl.u32 s7, $0x4;
	s20 =	sshrl.u32 s11, $0x1  }
0xa: {  	s12 =	sshrl.u32 s7, $0x1;
	s9 =	sadd.s32 s9, s0;
	s8 =	sadd.s32 s7, s8  }
0xb: {  	s7 =	smul.u32 $0x2800, s2;
	s21 =	ssub.s32 s11, s20;
	s22 =	sadd.s32 s12, s3  }
0xc: {  	s20 =	simm.s32 $0xAA00;
	s8 =	sshrl.u32 s8, $0x4;
	s9 =	sadd.s32 $0x17600, s9  }
0xd: {  	s31 =	smax.u32 s21, $0x1;
	s16 =	sshrl.u32 s22, $0x3;
	s21 =	simm.s32 $0x50  }
0xe: {  	s22 =	simm.s32 $0x2;
	[dreg:$0x4] =	wrdreg s9;
	s24 =	sshrl.u32 s7, $0x3  }
0xf: {  	s0 =	sadd.s32 s8, s0;
	[dreg:$0xa] =	wrdreg s31;
	s25 =	sadd.s32 s5, s24  }
0x10: {  	s9 =	sor.u32 $0x1C03, s23;
	s28 =	sadd.s32 s6, s24;
	[dreg:$0x5] =	wrdreg s25  }
0x11: {  	s26 =	sor.u32 $0xA0, s24;
	s0 =	sadd.s32 $0x52A00, s0;
	[dreg:$0x6] =	wrdreg s28  }
0x12: {  	s23 =	simm.s32 $0xBE00;
	s29 =	sadd.s32 s5, s26;
	[dreg:$0x9] =	wrdreg s0  }
0x13: {  	s24 =	simm.s32 $0x0;
	s30 =	sadd.s32 s6, s26;
	[dreg:$0x7] =	wrdreg s29  }
0x14: {  	s25 =	simm.s32 $0xD200;
	s26 =	simm.s32 $0x1;
	[dreg:$0x8] =	wrdreg s30  }
.LBB2_1:
0x15: {  	s0 =	rddreg [dreg:$0x4]  }
0x16: {  	[spmem:s16], [sflag:s9] =	dma.local [hbm:s0], $0x13C0  }
0x17: {  	_ =	swait.ge [sflag:s17], $0x13C0  }
0x18: {  	[sflag:s17] =	ssyncset.done $0x0  }
0x19: {  	s10 =	rddreg [dreg:$0x5];
	[sflag:s17] =	ssyncadd.s32 $0xFFFFEC40  }
0x1a: {  	[tilespmem:s4], [sflag:$0x3] =	stream.linear.gather [hbm4b:s10+s4], $0x500, $0x38;
	[tilespmem:$0x1FC00] =	vst v63  }
0x1b: {  	_ =	swait.ge [sflag:s17], $0x500  }
0x1c: {  	[sflag:s17] =	ssyncset.done $0x0  }
0x1d: {  	s2 =	simm.s32 $0xF00;
	s11 =	rddreg [dreg:$0x6];
	[sflag:s17] =	ssyncadd.s32 $0xFFFFFB00  }
0x1e: {  	[tilespmem:s2], [sflag:$0x3] =	stream.linear.gather [hbm4b:s11+s4], $0x500, $0x38;
	[tilespmem:$0x1FC00] =	vst v63  }
0x1f: {  	_ =	swait.ge [sflag:s17], $0x500  }
0x20: {  	[sflag:s17] =	ssyncset.done $0x0  }
0x21: {  	s13 =	simm.s32 $0x500;
	s12 =	rddreg [dreg:$0x7];
	[sflag:s17] =	ssyncadd.s32 $0xFFFFFB00  }
0x22: {  	[tilespmem:s13], [sflag:$0x3] =	stream.linear.gather [hbm4b:s12+s4], $0x500, $0x38;
	[tilespmem:$0x1FC00] =	vst v63  }
0x23: {  	_ =	swait.ge [sflag:s17], $0x500  }
0x24: {  	[sflag:s17] =	ssyncset.done $0x0  }
0x25: {  	s15 =	simm.s32 $0x1400;
	s14 =	rddreg [dreg:$0x8];
	[sflag:s17] =	ssyncadd.s32 $0xFFFFFB00  }
0x26: {  	[tilespmem:s15], [sflag:$0x3] =	stream.linear.gather [hbm4b:s14+s4], $0x500, $0x38;
	[tilespmem:$0x1FC00] =	vst v63  }
0x27: {  	_ =	swait.ge [sflag:s17], $0x500  }
0x28: {  	[sflag:s17] =	ssyncset.done $0x0  }
0x29: {  	[sflag:s17] =	ssyncadd.s32 $0xFFFFFB00  }
0x2a: {  	s19 =	simm.s32 $0x1E00;
	[bflag:$0x0] =	sbarrier.arrive $0xFFFF  }
0x2b: {  	[tilespmem:s19], [sflag:$0x1] =	stream.indirect.gather [hbm4b:s1+s21], $0x40, s4, s21, $0xb8;
	[tilespmem:$0x1FC00] =	vst v63  }
0x2c: {  	s2 =	simm.s32 $0x3200  }
0x2d: {  	[tilespmem:s2], [sflag:$0x1] =	stream.indirect.gather [hbm4b:s1+s21], $0x40, s21, s21, $0xb8;
	[tilespmem:$0x1FC00] =	vst v63  }
0x2e: {  	s8 =	simm.s32 $0xA0;
	s10 =	simm.s32 $0x4600  }
0x2f: {  	[tilespmem:s10], [sflag:$0x1] =	stream.indirect.gather [hbm4b:s1+s21], $0x40, s8, s21, $0xb8;
	[tilespmem:$0x1FC00] =	vst v63  }
0x30: {  	s11 =	simm.s32 $0xF0;
	s12 =	simm.s32 $0x5A00  }
0x31: {  	[tilespmem:s12], [sflag:$0x1] =	stream.indirect.gather [hbm4b:s1+s21], $0x40, s11, s21, $0xb8;
	[tilespmem:$0x1FC00] =	vst v63  }
0x32: {  	p0 =	por $0x0, $0x0;
	s12 =	simm.s32 $0xA  }
0x33: {  	s13 =	simm.s32 $0x140;
	s14 =	simm.s32 $0x6E00;
	s0 =	sand.u32 $0xF, s12  }
0x34: {  	[tilespmem:s14], [sflag:$0x1] =	stream.indirect.gather [hbm4b:s1+s21], $0x40, s13, s21, $0xb8;
	[tilespmem:$0x1FC00] =	vst v63  }
0x35: {  	p1 =	sne.s32 @!p0 s0, $0x0  }
0x36: {  	s15 =	simm.s32 $0x190;
	s19 =	simm.s32 $0x8200;
	p0 =	por p1, p0  }
0x37: {  	[tilespmem:s19], [sflag:$0x1] =	stream.indirect.gather [hbm4b:s1+s21], $0x40, s15, s21, $0xb8;
	[tilespmem:$0x1FC00] =	vst v63  }
0x38: {  	s8 =	simm.s32 $0x1E0;
	s2 =	simm.s32 @!p0 $0x1  }
0x39: {  	[tilespmem:s18], [sflag:$0x1] =	stream.indirect.gather [hbm4b:s1+s21], $0x40, s8, s21, $0xb8;
	[tilespmem:$0x1FC00] =	vst v63  }
0x3a: {  	s10 =	simm.s32 $0x230;
	s19 =	simm.s32 $0x0;
	s8 =	smul.u32 @!p0 $0xAB, s2  }
0x3b: {  	[tilespmem:s20], [sflag:$0x1] =	stream.indirect.gather [hbm4b:s1+s21], $0x40, s10, s21, $0xb8;
	[tilespmem:$0x1FC00] =	vst v63  }
0x3c: {  	s19 =	smul.u32 $0xAB, s19;
	s8 =	sshrl.u32 @!p0 s8, $0x9  }
0x3d: {  	s11 =	simm.s32 $0x280;
	s2 =	smul.u32 @!p0 $0x500, s2;
	s8 =	sand.u32 @!p0 $0x7F, s8  }
0x3e: {  	[tilespmem:s23], [sflag:$0x1] =	stream.indirect.gather [hbm4b:s1+s21], $0x40, s11, s21, $0xb8;
	[tilespmem:$0x1FC00] =	vst v63  }
0x3f: {  	s29 =	simm.s32 $0x0;
	s10 =	simm.s32 $0x2D0;
	s8 =	smul.u32 @!p0 $0x3, s8  }
0x40: {  	[tilespmem:s25], [sflag:$0x1] =	stream.indirect.gather [hbm4b:s1+s21], $0x40, s10, s21, $0xb8;
	[tilespmem:$0x1FC00] =	vst v63  }
0x41: {  	s29 =	sand.u32 $0xF, s29;
	s8 =	ssub.s32 @!p0 $0x1, s8  }
0x42: {  	s19 =	sshrl.u32 s19, $0x9;
	s2 =	sadd.s32 @!p0 s7, s2;
	s8 =	sand.u32 @!p0 $0xFF, s8  }
0x43: {  	s19 =	sand.u32 $0x7F, s19;
	s2 =	sshrl.u32 @!p0 s2, $0x3;
	s8 =	smul.u32 @!p0 $0x500, s8  }
0x44: {  	s30 =	simm.s32 @!p0 $0x0;
	s19 =	smul.u32 $0x3, s19;
	s28 =	sadd.s32 @!p0 s5, s2  }
0x45: {  	[tilespmem:s8], [sflag:$0x3] =	stream.linear.gather @!p0 [hbm4b:s28+s30], $0x500, $0x38;
	[tilespmem:$0x1FC00] =	vst v63  }
0x46: {  	s2 =	sadd.s32 @!p0 s6, s2;
	s10 =	simm.s32 @!p0 $0x3;
	s28 =	sadd.s32 $0x0, s29  }
0x47: {  	s11 =	smul.u32 $0x140, s0;
	_ =	swait.ge @!p0 [sflag:s10], $0x500;
	s29 =	sshll.u32 s28, $0x18  }
0x48: {  	s8 =	sadd.s32 @!p0 $0xF00, s8;
	[sflag:s10] =	ssyncset.done @!p0 $0x0;
	s29 =	sshra.s32 s29, $0x1C  }
0x49: {  	s15 =	sand.u32 $0xF0, s28;
	[sflag:s10] =	ssyncadd.s32 @!p0 $0xFFFFFB00;
	s13 =	sand.u32 $0xFF, s29  }
0x4a: {  	[tilespmem:s8], [sflag:$0x3] =	stream.linear.gather @!p0 [hbm4b:s2+s30], $0x500, $0x38;
	[tilespmem:$0x1FC00] =	vst v63  }
0x4b: {  	s14 =	ssub.s32 $0x0, s19;
	s12 =	ssub.s32 $0x0, s15;
	s2 =	smul.u32 $0xAB, s13  }
0x4c: {  	s8 =	sand.u32 $0xFF, s14;
	s30 =	smul.u32 $0x5000, s0;
	s0 =	sshll.u32 s12, $0x18  }
0x4d: {  	p2 =	por $0x1, $0x1;
	s8 =	smul.u32 $0x1400, s8;
	s0 =	sshra.s32 s0, $0x18  }
0x4e: {  	s19 =	simm.s32 @!p2 $0x2;
	s13 =	smul.u32 $0x140, s0  }
0x4f: {  	_ =	swait.ge @!p0 [sflag:s10], $0x500;
	s2 =	sshrl.u32 s2, $0x9;
	s0 =	smul.u32 $0x5000, s0  }
0x50: {  	s28 =	simm.s32 $0xB;
	[sflag:s10] =	ssyncset.done @!p0 $0x0;
	s2 =	smul.u32 $0x3, s2  }
0x51: {  	s15 =	sshrl.u32 s30, $0x2;
	s31 =	sshrl.u32 s8, $0x2;
	[sflag:s10] =	ssyncadd.s32 @!p0 $0xFFFFFB00  }
0x52: {  	s8 =	sadd.s32 $0x1E00, s15;
	s0 =	sshra.s32 s0, $0x2;
	s29 =	ssub.s32 s29, s2  }
0x53: {  	_ =	swait.ge @!p2 [sflag:s19], $0x1400;
	s2 =	sshra.s32 s13, $0x2;
	s14 =	sand.u32 $0xFF, s29  }
0x54: {  	[sflag:s19] =	ssyncset.done @!p2 $0x0;
	s29 =	sshrl.u32 s11, $0x2;
	s30 =	smul.u32 $0x1400, s14  }
.LBB2_2:
0x55: {  	p0 =	sgt.u32 s28, $0x6F  }
0x56: {  	s10 =	sadd.s32 s29, s31;
	s11 =	sshrl.u32 s30, $0x2;
	s30 =	smov.u32 s28  }
0x57: {  	s31 =	sand.u32 $0xF, s28;
	[sflag:s19] =	ssyncadd.s32 @!p2 $0xFFFFEC00;
	s2 =	sadd.s32 s2, s11  }
0x58: {  	[tilespmem:s8], [sflag:$0x1] =	stream.indirect.gather [hbm4b:s1+s21], $0x40, s10, s21, $0xb8;
	[tilespmem:$0x1FC00] =	vst v63  }
0x59: {  	p1 =	sne.s32 @!p0 s31, $0x0;
	s29 =	smul.u32 $0x140, s31;
	_ =	swait.ge [sflag:s26], $0x1400  }
0x5a: {  	s8 =	sshrl.u32 s28, $0x4;
	p0 =	por p1, p0;
	[sflag:s26] =	ssyncset.done $0x0  }
0x5b: {  	s10 =	sadd.s32 @!p0 $0x1, s8;
	s11 =	smul.u32 $0xAB, s8;
	[sflag:s26] =	ssyncadd.s32 $0xFFFFEC00  }
0x5c: {  	s0 =	sadd.s32 $0x1E00, s0;
	s28 =	sadd.s32 $0x1, s28;
	s19 =	smul.u32 @!p0 $0x500, s10  }
0x5d: {  	s2 =	sadd.s32 $0xF00, s2;
	s12 =	smul.u32 @!p0 $0xAB, s10;
	s11 =	sshrl.u32 s11, $0x9  }
0x5e: {  	[spmem:s3] =	stream.indirect.scatter.add.bf16 [tilespmem:s0], [sflag:$0x2], $0x40, s2, s21, $0xb8;
	[tilespmem:$0x1FC00] =	vst v63  }
0x5f: {  	s11 =	sand.u32 $0x7F, s11;
	s0 =	sadd.s32 @!p0 s7, s19;
	s2 =	sshrl.u32 @!p0 s12, $0x9  }
0x60: {  	s11 =	smul.u32 $0x3, s11;
	s2 =	sand.u32 @!p0 $0x7F, s2;
	s0 =	sshrl.u32 @!p0 s0, $0x3  }
0x61: {  	s19 =	sadd.s32 $0xFFFFFFF6, s30;
	s12 =	sadd.s32 @!p0 s5, s0;
	s0 =	sadd.s32 @!p0 s6, s0  }
0x62: {  	s8 =	ssub.s32 s8, s11;
	s11 =	sshll.u32 s19, $0x18;
	s2 =	smul.u32 @!p0 $0x3, s2  }
0x63: {  	s13 =	smul.u32 $0x5000, s31;
	s8 =	sand.u32 $0xFF, s8;
	s11 =	sshra.s32 s11, $0x1F  }
0x64: {  	s8 =	smul.u32 $0x1400, s8;
	s2 =	ssub.s32 @!p0 s10, s2;
	s10 =	sand.u32 $0xF, s11  }
0x65: {  	p1 =	sne.s32 s28, $0x80;
	s2 =	sand.u32 @!p0 $0xFF, s2;
	s10 =	sadd.s32 s10, s19  }
0x66: {  	s31 =	sshrl.u32 s8, $0x2;
	s2 =	smul.u32 @!p0 $0x500, s2;
	s8 =	sand.u32 $0xF0, s10  }
0x67: {  	s10 =	sshll.u32 s10, $0x18;
	s8 =	ssub.s32 s19, s8  }
0x68: {  	s10 =	sshra.s32 s10, $0x1C;
	s11 =	sadd.s32 @!p0 $0xF00, s2;
	s8 =	sshll.u32 s8, $0x18  }
0x69: {  	s14 =	simm.s32 @!p0 $0x3;
	s19 =	simm.s32 @!p0 $0x0;
	s15 =	sand.u32 $0xFF, s10  }
0x6a: {  	[tilespmem:s2], [sflag:$0x3] =	stream.linear.gather @!p0 [hbm4b:s12+s19], $0x500, $0x38;
	[tilespmem:$0x1FC00] =	vst v63  }
0x6b: {  	s2 =	sshra.s32 s8, $0x18;
	s8 =	smul.u32 $0xAB, s15;
	_ =	swait.ge @!p0 [sflag:s14], $0x500  }
0x6c: {  	s12 =	smul.u32 $0x140, s2;
	[sflag:s14] =	ssyncset.done @!p0 $0x0  }
0x6d: {  	s15 =	smul.u32 $0x5000, s2;
	s8 =	sshrl.u32 s8, $0x9;
	[sflag:s14] =	ssyncadd.s32 @!p0 $0xFFFFFB00  }
0x6e: {  	s8 =	smul.u32 $0x3, s8;
	s2 =	sshra.s32 s12, $0x2  }
0x6f: {  	[tilespmem:s11], [sflag:$0x3] =	stream.linear.gather @!p0 [hbm4b:s0+s19], $0x500, $0x38;
	[tilespmem:$0x1FC00] =	vst v63  }
0x70: {  	s8 =	ssub.s32 s10, s8  }
.Ltmp0:
0x71: {  	s0 =	sshra.s32 s15, $0x2;
	_ =	swait.ge @!p0 [sflag:s14], $0x500;
	(pc) =	sbr.rel @p1 .LBB2_2-.Ltmp0, $4  }
0x72: {  	p2 =	slt.u32 s30, $0x10;
	[sflag:s14] =	ssyncset.done @!p0 $0x0  }
0x73: {  	s19 =	simm.s32 @!p2 $0x2;
	s8 =	sand.u32 $0xFF, s8;
	[sflag:s14] =	ssyncadd.s32 @!p0 $0xFFFFFB00  }
0x74: {  	s10 =	sshrl.u32 s13, $0x2;
	s30 =	smul.u32 $0x1400, s8;
	_ =	swait.ge @!p2 [sflag:s19], $0x1400  }
0x75: {  	s29 =	sshrl.u32 s29, $0x2;
	s8 =	sadd.s32 $0x1E00, s10;
	[sflag:s19] =	ssyncset.done @!p2 $0x0  }
0x76: {  	s10 =	sadd.s32 s29, s31;
	[sflag:s19] =	ssyncadd.s32 @!p2 $0xFFFFEC00  }
0x77: {  	[tilespmem:s8], [sflag:$0x1] =	stream.indirect.gather [hbm4b:s1+s21], $0x40, s10, s21, $0xb8;
	[tilespmem:$0x1FC00] =	vst v63  }
0x78: {  	s14 =	sshrl.u32 s30, $0x2;
	_ =	swait.ge [sflag:s26], $0x1400  }
0x79: {  	s2 =	sadd.s32 s2, s14;
	[sflag:s26] =	ssyncset.done $0x0  }
0x7a: {  	s0 =	sadd.s32 $0x1E00, s0;
	s2 =	sadd.s32 $0xF00, s2;
	[sflag:s26] =	ssyncadd.s32 $0xFFFFEC00  }
0x7b: {  	[spmem:s3] =	stream.indirect.scatter.add.bf16 [tilespmem:s0], [sflag:$0x2], $0x40, s2, s21, $0xb8;
	[tilespmem:$0x1FC00] =	vst v63  }
0x7c: {  	_ =	swait.ge [sflag:s26], $0x1400  }
0x7d: {  	[sflag:s26] =	ssyncset.done $0x0  }
0x7e: {  	s15 =	simm.s32 $0x15E0;
	[sflag:s26] =	ssyncadd.s32 $0xFFFFEC00  }
0x7f: {  	[spmem:s3] =	stream.indirect.scatter.add.bf16 [tilespmem:s18], [sflag:$0x2], $0x40, s15, s21, $0xb8;
	[tilespmem:$0x1FC00] =	vst v63  }
0x80: {  	_ =	swait.ge [sflag:s26], $0x1400  }
0x81: {  	[sflag:s26] =	ssyncset.done $0x0  }
0x82: {  	s19 =	simm.s32 $0x1630;
	[sflag:s26] =	ssyncadd.s32 $0xFFFFEC00  }
0x83: {  	[spmem:s3] =	stream.indirect.scatter.add.bf16 [tilespmem:s20], [sflag:$0x2], $0x40, s19, s21, $0xb8;
	[tilespmem:$0x1FC00] =	vst v63  }
0x84: {  	_ =	swait.ge [sflag:s26], $0x1400  }
0x85: {  	[sflag:s26] =	ssyncset.done $0x0  }
0x86: {  	s28 =	simm.s32 $0x1680;
	[sflag:s26] =	ssyncadd.s32 $0xFFFFEC00  }
0x87: {  	[spmem:s3] =	stream.indirect.scatter.add.bf16 [tilespmem:s23], [sflag:$0x2], $0x40, s28, s21, $0xb8;
	[tilespmem:$0x1FC00] =	vst v63  }
0x88: {  	_ =	swait.ge [sflag:s26], $0x1400  }
0x89: {  	[sflag:s26] =	ssyncset.done $0x0  }
0x8a: {  	s29 =	simm.s32 $0x16D0;
	[sflag:s26] =	ssyncadd.s32 $0xFFFFEC00  }
0x8b: {  	[spmem:s3] =	stream.indirect.scatter.add.bf16 [tilespmem:s25], [sflag:$0x2], $0x40, s29, s21, $0xb8;
	[tilespmem:$0x1FC00] =	vst v63  }
0x8c: {  	_ =	swait.ge [sflag:s26], $0x1400  }
0x8d: {  	[sflag:s26] =	ssyncset.done $0x0  }
0x8e: {  	s30 =	simm.s32 $0x1720;
	s31 =	simm.s32 $0xE600;
	[sflag:s26] =	ssyncadd.s32 $0xFFFFEC00  }
0x8f: {  	[spmem:s3] =	stream.indirect.scatter.add.bf16 [tilespmem:s31], [sflag:$0x2], $0x40, s30, s21, $0xb8;
	[tilespmem:$0x1FC00] =	vst v63  }
0x90: {  	_ =	swait.ge [sflag:s26], $0x1400  }
0x91: {  	[sflag:s26] =	ssyncset.done $0x0  }
0x92: {  	s8 =	simm.s32 $0x1770;
	s10 =	simm.s32 $0xFA00;
	[sflag:s26] =	ssyncadd.s32 $0xFFFFEC00  }
0x93: {  	[spmem:s3] =	stream.indirect.scatter.add.bf16 [tilespmem:s10], [sflag:$0x2], $0x40, s8, s21, $0xb8;
	[tilespmem:$0x1FC00] =	vst v63  }
0x94: {  	_ =	swait.ge [sflag:s26], $0x1400  }
0x95: {  	[sflag:s26] =	ssyncset.done $0x0  }
0x96: {  	s11 =	simm.s32 $0x17C0;
	s12 =	simm.s32 $0x10E00;
	[sflag:s26] =	ssyncadd.s32 $0xFFFFEC00  }
0x97: {  	[spmem:s3] =	stream.indirect.scatter.add.bf16 [tilespmem:s12], [sflag:$0x2], $0x40, s11, s21, $0xb8;
	[tilespmem:$0x1FC00] =	vst v63  }
0x98: {  	_ =	swait.ge [sflag:s26], $0x1400  }
0x99: {  	[sflag:s26] =	ssyncset.done $0x0  }
0x9a: {  	s13 =	simm.s32 $0x1810;
	s14 =	simm.s32 $0x12200;
	[sflag:s26] =	ssyncadd.s32 $0xFFFFEC00  }
0x9b: {  	[spmem:s3] =	stream.indirect.scatter.add.bf16 [tilespmem:s14], [sflag:$0x2], $0x40, s13, s21, $0xb8;
	[tilespmem:$0x1FC00] =	vst v63  }
0x9c: {  	_ =	swait.ge [sflag:s26], $0x1400  }
0x9d: {  	[sflag:s26] =	ssyncset.done $0x0  }
0x9e: {  	s15 =	simm.s32 $0x1860;
	s19 =	simm.s32 $0x13600;
	[sflag:s26] =	ssyncadd.s32 $0xFFFFEC00  }
0x9f: {  	[spmem:s3] =	stream.indirect.scatter.add.bf16 [tilespmem:s19], [sflag:$0x2], $0x40, s15, s21, $0xb8;
	[tilespmem:$0x1FC00] =	vst v63  }
0xa0: {  	_ =	swait.ge [sflag:s26], $0x1400  }
0xa1: {  	[sflag:s26] =	ssyncset.done $0x0  }
0xa2: {  	s28 =	simm.s32 $0x18B0;
	s29 =	simm.s32 $0x14A00;
	[sflag:s26] =	ssyncadd.s32 $0xFFFFEC00  }
0xa3: {  	[spmem:s3] =	stream.indirect.scatter.add.bf16 [tilespmem:s29], [sflag:$0x2], $0x40, s28, s21, $0xb8;
	[tilespmem:$0x1FC00] =	vst v63  }
0xa4: {  	_ =	swait.ge [sflag:s22], $0x1400  }
0xa5: {  	[sflag:s22] =	ssyncset.done $0x0  }
0xa6: {  	[sflag:s22] =	ssyncadd.s32 $0xFFFFEC00  }
0xa7: {  	_ =	swait.ge [sflag:s22], $0x1400  }
0xa8: {  	[sflag:s22] =	ssyncset.done $0x0  }
0xa9: {  	[sflag:s22] =	ssyncadd.s32 $0xFFFFEC00  }
0xaa: {  	_ =	swait.ge [sflag:s22], $0x1400  }
0xab: {  	[sflag:s22] =	ssyncset.done $0x0  }
0xac: {  	[sflag:s22] =	ssyncadd.s32 $0xFFFFEC00  }
0xad: {  	_ =	swait.ge [sflag:s22], $0x1400  }
0xae: {  	[sflag:s22] =	ssyncset.done $0x0  }
0xaf: {  	[sflag:s22] =	ssyncadd.s32 $0xFFFFEC00  }
0xb0: {  	_ =	swait.ge [sflag:s22], $0x1400  }
0xb1: {  	[sflag:s22] =	ssyncset.done $0x0  }
0xb2: {  	[sflag:s22] =	ssyncadd.s32 $0xFFFFEC00  }
0xb3: {  	_ =	swait.ge [sflag:s22], $0x1400  }
0xb4: {  	[sflag:s22] =	ssyncset.done $0x0  }
0xb5: {  	[sflag:s22] =	ssyncadd.s32 $0xFFFFEC00  }
0xb6: {  	_ =	swait.ge [sflag:s22], $0x1400  }
0xb7: {  	[sflag:s22] =	ssyncset.done $0x0  }
0xb8: {  	[sflag:s22] =	ssyncadd.s32 $0xFFFFEC00  }
0xb9: {  	_ =	swait.ge [sflag:s22], $0x1400  }
0xba: {  	[sflag:s22] =	ssyncset.done $0x0  }
0xbb: {  	[sflag:s22] =	ssyncadd.s32 $0xFFFFEC00  }
0xbc: {  	_ =	swait.ge [sflag:s22], $0x1400  }
0xbd: {  	[sflag:s22] =	ssyncset.done $0x0  }
0xbe: {  	[sflag:s22] =	ssyncadd.s32 $0xFFFFEC00  }
0xbf: {  	_ =	swait.ge [sflag:s22], $0x1400  }
0xc0: {  	[sflag:s22] =	ssyncset.done $0x0  }
0xc1: {  	[sflag:s22] =	ssyncadd.s32 $0xFFFFEC00  }
0xc2: {  	_ =	swait.ge [sflag:s22], $0x1400  }
0xc3: {  	[sflag:s22] =	ssyncset.done $0x0  }
0xc4: {  	[sflag:s22] =	ssyncadd.s32 $0xFFFFEC00  }
0xc5: {  	_ =	swait.ge [sflag:s22], $0x1400  }
0xc6: {  	[sflag:s22] =	ssyncset.done $0x0  }
0xc7: {  	[sflag:s22] =	ssyncadd.s32 $0xFFFFEC00  }
0xc8: {  	_ =	swait.ge [sflag:s22], $0x1400  }
0xc9: {  	[sflag:s22] =	ssyncset.done $0x0  }
0xca: {  	[sflag:s22] =	ssyncadd.s32 $0xFFFFEC00  }
0xcb: {  	_ =	swait.ge [sflag:s22], $0x1400  }
0xcc: {  	[sflag:s22] =	ssyncset.done $0x0  }
0xcd: {  	[sflag:s22] =	ssyncadd.s32 $0xFFFFEC00  }
0xce: {  	_ =	swait.ge [sflag:s22], $0x1400  }
0xcf: {  	[sflag:s22] =	ssyncset.done $0x0  }
0xd0: {  	[sflag:s22] =	ssyncadd.s32 $0xFFFFEC00  }
0xd1: {  	_ =	swait.ge [sflag:s22], $0x1400  }
0xd2: {  	[sflag:s22] =	ssyncset.done $0x0  }
0xd3: {  	[sflag:s22] =	ssyncadd.s32 $0xFFFFEC00  }
0xd4: {  	[bflag:$0x0] =	sbarrier.arrive $0xFFFF  }
0xd5: {  	s30 =	rddreg [dreg:$0x9]  }
0xd6: {  	[hbm:s30], [sflag:s9] =	dma.local [spmem:s16], $0x13C0  }
0xd7: {  	_ =	swait.ge [sflag:s17], $0x13C0  }
0xd8: {  	s24 =	sadd.s32 $0x1, s24;
	s31 =	rddreg [dreg:$0xa]  }
0xd9: {  	p0 =	sne.s32 s24, s31  }
.Ltmp1:
0xda: {  	_ = 	snop;
	(pc) =	sbr.rel @p0 .LBB2_1-.Ltmp1, $3  }
0xdb: {  	_ =	sdelay $0x1  }
0xdc: {  	[sflag:s17] =	ssyncset.done $0x0  }
0xdd: {  	[sflag:s17] =	ssyncadd.s32 $0xFFFFEC40  }
0xde: {  	_ =	sfence.sel $0x180000  }
0xdf: {  	[bflag:$0x0] =	sbarrier.arrive $0xFFFF  }
0xe0: {  	_ =	strace $0x90000047  }
0xe1: {  	s0 =	stileid.u32;
	[bflag:$0x2] =	sbarrier.arrive $0xFFFF  }
0xe2: {  	p0 =	sne.s32 s0, $0x0;
	s0 =	rddreg [dreg:$0x3]  }
0xe3: {  	s0 =	sadd.s32 @!p0 $0x100000, s0  }
0xe4: {  	[sflag:s0] =	ssyncadd.tile.s32 @!p0 $0x1;
	_ =	shalt  }
.Lfunc_end2:
_tile_overlayer_lowered:
.L_overlay_start_2:
0xe5: {  	(tag) =	ssettag $0x2  }
0xe6: {  	s0 =	rddreg [dreg:$0x0];
	s2 =	stileid.u32  }
0xe7: {  	s1 =	rddreg [dreg:$0x1];
	p0 =	sne.s32 s2, $0x0  }
0xe8: {  	s3 =	rddreg [dreg:$0x2];
	[bflag:$0x3] =	sbarrier.arrive $0xFFFF;
	s2 =	simm.s32 @!p0 $0x1C03  }
0xe9: {  	[timem:s3], [sflag:s2] =	dma.local @!p0 [hbm:s0], s1  }
0xea: {  	s0 =	simm.s32 @!p0 $0x3  }
0xeb: {  	_ =	swait.ge @!p0 [sflag:s0], s1  }
0xec: {  	s1 =	ssub.s32 @!p0 $0x0, s1;
	[sflag:s0] =	ssyncset.done @!p0 $0x0  }
0xed: {  	[sflag:s0] =	ssyncadd.s32 @!p0 s1  }
0xee: {  	[bflag:$0x3] =	sbarrier.arrive $0xFFFF  }
0xef: {  	_ =	shalt  }

// kernel: kernel.16.cloned.1.call-start
scs
__scs_entry_jumppad:
0x0: {  	(pc) =	sbr.rel $0x88, $3  }
0x1: {  	(tag) =	ssettag $0x0;
	lr =	simm.s32 $0x1  }
0x2: {  	[smem:$0x3F96] =	sst lr;
	_ =	strace $0xD0000000  }
0x3: {  	_ = 	snop  }
0x4: {  	_ = 	snop  }
0x5: {  	_ = 	snop  }
0x6: {  	_ = 	snop  }
0x7: {  	_ = 	snop  }
__scs_overlays_trampoline_lowered:
0x8: {  	[smem:$0x3FA5] =	sst s0  }
0x9: {  	[smem:$0x3FA6] =	sst s1  }
0xa: {  	[smem:$0x3FA7] =	sst s2  }
0xb: {  	[smem:$0x3FA8] =	sst s3  }
0xc: {  	[smem:$0x3FA9] =	sst s4  }
0xd: {  	[smem:$0x3FAA] =	sst s5  }
0xe: {  	[smem:$0x3FAB] =	sst s6  }
0xf: {  	[smem:$0x3FAC] =	sst s7  }
0x10: {  	[smem:$0x3FAD] =	sst s8  }
0x11: {  	[smem:$0x3FAE] =	sst s9;
	s0 =	simm.s32 @!p0 $0x0  }
0x12: {  	s1 =	sld [smem:$0x3F94];
	s0 =	simm.s32 @p0 $0x1  }
0x13: {  	[smem:$0x3FAF] =	sst s0;
	s0 =	simm.s32 @!p1 $0x0  }
0x14: {  	s2 =	sld [smem:$0x3F93];
	s0 =	simm.s32 @p1 $0x1  }
0x15: {  	[smem:$0x3FB0] =	sst s0;
	s0 =	simm.s32 @!p2 $0x0  }
0x16: {  	s3 =	sld [smem:$0x3FDB];
	s0 =	simm.s32 @p2 $0x1  }
0x17: {  	s4 =	simm.s32 $0x1BF5;
	[smem:$0x3FB2] =	sst s0  }
0x18: {  	s0 =	sld [smem:$0x3F95];
	_ =	swait.ge [sflag:s4], $0x0  }
0x19: {  	s7 =	sld [smem:$0x3F96]  }
0x1a: {  	s8 =	sadd.s32 $0xFFFFE003, lr  }
0x1b: {  	s9 =	sadd.s32 $0xFFFFFEF7, lr;
	s5 =	simm.s32 $0xFFFFFFFF;
	p2 =	slt.u32 s8, $0xFFFFF086  }
0x1c: {  	p1 =	slt.u32 s9, $0xF7A;
	s5 =	simm.s32 @!p2 $0x0  }
0x1d: {  	s5 =	simm.s32 @p1 $0x1;
	p0 =	seq.s32 s7, s2  }
0x1e: {  	s7 =	smul.u32 @!p0 $0xF7A, s2;
	p2 =	seq.s32 @!p0 s5, $0x0  }
0x1f: {  	s9 =	smul.u32 $0xF7A, s1;
	s8 =	simm.s32 @!p0 $0x1BF5;
	p2 =	por !p2, p0  }
0x20: {  	[sflag:s8] =	ssyncset.s32 @!p0 $0xFFFFF086;
	s6 =	sadd.s32 @!p0 s3, s7;
	s7 =	simm.s32 @!p0 $0x108  }
0x21: {  	s3 =	sadd.s32 s3, s9;
	s6 =	sadd.s32 @!p0 $0x88, s6;
	s7 =	simm.s32 @p2 $0x1082  }
0x22: {  	[simem:s7], [sflag:s8] =	dma.local @!p0 [hbm:s6], $0xF7A  }
0x23: {  	s9 =	sor.u32 $0xD0000000, s2;
	s6 =	simm.s32 $0x108;
	_ =	swait.ge @!p0 [sflag:s8], $0x0  }
0x24: {  	s3 =	sadd.s32 $0x88, s3;
	s6 =	simm.s32 @!p1 $0x1082;
	[sflag:s4] =	ssyncset.s32 $0xFFFFF086  }
0x25: {  	[simem:s6], [sflag:s4] =	dma.local [hbm:s3], $0xF7A  }
0x26: {  	[smem:$0x3F96] =	sst s1;
	(tag) =	ssettag s2;
	_ =	strace s9  }
0x27: {  	s1 =	sld [smem:$0x3FA6]  }
0x28: {  	s2 =	sld [smem:$0x3FA7]  }
0x29: {  	s4 =	sld [smem:$0x3FA9]  }
0x2a: {  	p0 =	seq.s32 s5, $0x0;
	s5 =	sld [smem:$0x3FAA]  }
0x2b: {  	s6 =	sld [smem:$0x3FAB]  }
0x2c: {  	s7 =	sld [smem:$0x3FAC]  }
0x2d: {  	s3 =	simm.s32 $0x108;
	s8 =	sld [smem:$0x3FAD]  }
0x2e: {  	s3 =	simm.s32 @!p0 $0x1082;
	s9 =	sld [smem:$0x3FAE]  }
0x2f: {  	lr =	sadd.s32 s0, s3;
	s0 =	sld [smem:$0x3FA5]  }
0x30: {  	s3 =	sld [smem:$0x3FA8]  }
0x31: {  	[smem:$0x3FB1] =	sst s10  }
0x32: {  	s10 =	sld [smem:$0x3FAF];
	_ =	sdelay $0x3  }
0x33: {  	p0 =	seq.s32 s10, $0x1;
	s10 =	sld [smem:$0x3FB1];
	_ =	sdelay $0x3  }
0x34: {  	[smem:$0x3FB1] =	sst s10  }
0x35: {  	s10 =	sld [smem:$0x3FB0];
	_ =	sdelay $0x3  }
0x36: {  	p1 =	seq.s32 s10, $0x1;
	s10 =	sld [smem:$0x3FB1];
	_ =	sdelay $0x3  }
0x37: {  	[smem:$0x3FB1] =	sst s10  }
0x38: {  	s10 =	sld [smem:$0x3FB2]  }
0x39: {  	_ = 	snop;
	(pc) =	sbr.ind lr, $3  }
0x3a: {  	_ = 	snop  }
0x3b: {  	_ = 	snop  }
0x3c: {  	p2 =	seq.s32 s10, $0x1;
	s10 =	sld [smem:$0x3FB1]  }
0x3d: {  	_ =	shalt  }
0x3e: {  	_ =	shalt  }
0x3f: {  	_ =	shalt  }
0x40: {  	_ =	shalt  }
0x41: {  	_ =	shalt  }
0x42: {  	_ =	shalt  }
0x43: {  	_ =	shalt  }
0x44: {  	_ =	shalt  }
0x45: {  	_ =	shalt  }
0x46: {  	_ =	shalt  }
0x47: {  	_ =	shalt  }
0x48: {  	_ =	shalt  }
0x49: {  	_ =	shalt  }
0x4a: {  	_ =	shalt  }
0x4b: {  	_ =	shalt  }
0x4c: {  	_ =	shalt  }
0x4d: {  	_ =	shalt  }
0x4e: {  	_ =	shalt  }
0x4f: {  	_ =	shalt  }
0x50: {  	_ =	shalt  }
0x51: {  	_ =	shalt  }
0x52: {  	_ =	shalt  }
0x53: {  	_ =	shalt  }
0x54: {  	_ =	shalt  }
0x55: {  	_ =	shalt  }
0x56: {  	_ =	shalt  }
0x57: {  	_ =	shalt  }
0x58: {  	_ =	shalt  }
0x59: {  	_ =	shalt  }
0x5a: {  	_ =	shalt  }
0x5b: {  	_ =	shalt  }
0x5c: {  	_ =	shalt  }
0x5d: {  	_ =	shalt  }
0x5e: {  	_ =	shalt  }
0x5f: {  	_ =	shalt  }
0x60: {  	_ =	shalt  }
0x61: {  	_ =	shalt  }
0x62: {  	_ =	shalt  }
0x63: {  	_ =	shalt  }
0x64: {  	_ =	shalt  }
0x65: {  	_ =	shalt  }
0x66: {  	_ =	shalt  }
0x67: {  	_ =	shalt  }
0x68: {  	_ =	shalt  }
0x69: {  	_ =	shalt  }
0x6a: {  	_ =	shalt  }
0x6b: {  	_ =	shalt  }
0x6c: {  	_ =	shalt  }
0x6d: {  	_ =	shalt  }
0x6e: {  	_ =	shalt  }
0x6f: {  	_ =	shalt  }
0x70: {  	_ =	shalt  }
0x71: {  	_ =	shalt  }
0x72: {  	_ =	shalt  }
0x73: {  	_ =	shalt  }
0x74: {  	_ =	shalt  }
0x75: {  	_ =	shalt  }
0x76: {  	_ =	shalt  }
0x77: {  	_ =	shalt  }
0x78: {  	_ =	shalt  }
0x79: {  	_ =	shalt  }
0x7a: {  	_ =	shalt  }
0x7b: {  	_ =	shalt  }
0x7c: {  	_ =	shalt  }
0x7d: {  	_ =	shalt  }
0x7e: {  	_ =	shalt  }
0x7f: {  	_ =	shalt  }
0x80: {  	_ =	shalt  }
0x81: {  	_ =	shalt  }
0x82: {  	_ =	shalt  }
0x83: {  	_ =	shalt  }
0x84: {  	_ =	shalt  }
0x85: {  	_ =	shalt  }
0x86: {  	_ =	shalt  }
0x87: {  	_ =	shalt  }
.Lfunc_end0:
.L_simem_size_0:
called_computation.2_lowered:
.L_overlay_start_0:
0x88: {  	s2 =	sld [smem:$0x3FD9]  }
0x89: {  	s3 =	sld [smem:$0x3FFE];
	_ =	sdelay $0x1  }
0x8a: {  	s1 =	srdreg.scid  }
0x8b: {  	s0 =	sand.u32 $0x1, s1  }
0x8c: {  	s17 =	sshll.u32 s0, $0xA;
	s2 =	sadd.s32 s3, s2  }
0x8d: {  	s2 =	sadd.s32 s2, s17  }
0x8e: {  	[smem:$0x3FBD] =	sst s2  }
0x8f: {  	_ = 	snop  }
0x90: {  	s2 =	sld [smem:$0x3FD0];
	(tm) =	ssettm $0x1  }
0x91: {  	s18 =	sld [smem:$0x3FFB];
	_ =	sdelay $0x3  }
0x92: {  	_ =	strace s18  }
0x93: {  	s3 =	sld [smem:$0x3FFC];
	_ =	sdelay $0x3  }
0x94: {  	_ =	strace s3  }
0x95: {  	s3 =	sld [smem:$0x3FFD];
	_ =	sdelay $0x3  }
0x96: {  	_ =	strace s3  }
0x97: {  	_ =	strace $0x8FFFFFFF  }
0x98: {  	s19 =	sld [smem:$0x3FDB];
	_ =	sdelay $0x1  }
0x99: {  	s4 =	simm.s32 $_scs_section_size  }
0x9a: {  	s5 =	simm.s32 $_size__tile_overlayer_lowered;
	s6 =	simm.s32 $_tile_overlayer_lowered  }
0x9b: {  	s22 =	simm.s32 $0x1BFF;
	s21 =	sshll.u32 s6, $0x1;
	s3 =	sadd.s32 s4, s19  }
0x9c: {  	s7 =	simm.s32 $0x0;
	s20 =	sshll.u32 s5, $0x1;
	s5 =	sadd.s32 s21, s3  }
0x9d: {  	[timem:s7], [sflag:s22] =	dma.local [hbm:s5], s20  }
0x9e: {  	_ =	swait.ge [sflag:s22], s20  }
0x9f: {  	s4 =	ssub.s32 $0x0, s20;
	[sflag:s22] =	ssyncset.done $0x0  }
0xa0: {  	[sflag:s22] =	ssyncadd.s32 s4;
	_ =	sdelay $0x1  }
0xa1: {  	s23 =	simm.s32 $0x1B8B  }
0xa2: {  	_ =	swait.ge [sflag:s23], $0x1  }
0xa3: {  	[sflag:s23] =	ssyncset.done $0x0  }
0xa4: {  	s25 =	simm.s32 $0x1B8E;
	s24 =	sld [smem:$0x3FFE];
	[sflag:s23] =	ssyncadd.s32 $0xFFFFFFFF  }
0xa5: {  	s26 =	simm.s32 $execute0_lowered;
	[smem:$0x3FD2] =	sst s25  }
0xa6: {  	s5 =	sshll.u32 s26, $0x1;
	_ =	strace $0x8000004C;
	[dreg:$0x1] =	wrdreg $0xFFFFFFFF  }
0xa7: {  	s28 =	simm.s32 $_size_execute0_lowered;
	s3 =	sadd.s32 s3, s5;
	[dreg:$0x0] =	wrdreg $0x0  }
0xa8: {  	s5 =	sshll.u32 s28, $0x1;
	[dreg:$0x2] =	wrdreg s3  }
0xa9: {  	[dreg:$0x3] =	wrdreg s5  }
0xaa: {  	[dreg:$0x4] =	wrdreg $0xC0  }
0xab: {  	_ =	task [dreg:s7], $0x5FFFF  }
0xac: {  	[dreg:$0x1] =	wrdreg $0xFFFFFFFF  }
0xad: {  	[dreg:$0x0] =	wrdreg $0x60  }
0xae: {  	[dreg:$0x2] =	wrdreg s2  }
0xaf: {  	[dreg:$0x3] =	wrdreg s24  }
0xb0: {  	[dreg:$0x4] =	wrdreg $0x15E000  }
0xb1: {  	[dreg:$0x5] =	wrdreg $0x9  }
0xb2: {  	_ =	task.clear_ibuf [dreg:s7], $0x6FFFF;
	_ =	strace $0x9000004C  }
0xb3: {  	s29 =	simm.s32 $0x9;
	_ =	strace $0x8000004E  }
0xb4: {  	_ =	swait.ge [sflag:s29], $0x1  }
0xb5: {  	[sflag:s29] =	ssyncadd.s32 $0xFFFFFFFF  }
0xb6: {  	_ =	strace $0x9000004E  }
0xb7: {  	_ =	sfence  }
0xb8: {  	s30 =	sld [smem:$0x0];
	_ =	sdelay $0x2  }
0xb9: {  	s31 =	sshll.u32 s1, $0xD;
	s1 =	sshrl.u32 s1, $0x2  }
0xba: {  	s3 =	sand.u32 $0x4000, s31;
	s1 =	sadd.s32 s1, s30  }
0xbb: {  	s0 =	sor.u32 s3, s0;
	s1 =	sshll.u32 s1, $0x11  }
0xbc: {  	s0 =	sor.u32 s1, s0  }
0xbd: {  	s0 =	sadd.s32 $0x8F2B, s0  }
0xbe: {  	[sflag:s0] =	ssyncadd.remote.s32 $0x1  }
0xbf: {  	_ =	sfence.sel $0xFFFF  }
0xc0: {  	[dreg:$0x0] =	wrdreg $0xFFFFFFFF;
	(pc) =	sbr.abs _section_cstart, $3  }
0xc1: {  	[dreg:$0x1] =	wrdreg $0xFFFFFFFF  }
0xc2: {  	_ =	task.clear_ibuf [dreg:s7], $0x2FFFF;
	_ =	strace $0x9FFFFFFF  }
0xc3: {  	(tm) =	ssettm $0x7FFFFFFF  }
tec
execute0_lowered:
.L_overlay_start_1:
0x0: {  	(tag) =	ssettag $0x1  }
0x1: {  	s1 =	rddreg [dreg:$0x0]  }
0x2: {  	s0 =	rddreg [dreg:$0x1]  }
0x3: {  	s3 =	rddreg [dreg:$0x2]  }
0x4: {  	s4 =	simm.s32 $0x0;
	s13 =	stileid.u32;
	s2 =	srdreg.scid  }
0x5: {  	s17 =	simm.s32 $0x3;
	s18 =	simm.s32 $0x9600;
	[smem:$0x7FF] =	sst s4  }
0x6: {  	s7 =	smul.u32 $0x13C00, s13;
	s2 =	sand.u32 $0x1, s2;
	s5 =	sadd.s32 $0xD600, s0  }
0x7: {  	s6 =	sadd.s32 $0x3600, s0;
	s10 =	sshll.u32 s13, $0x1;
	s23 =	sshll.u32 s13, $0x6  }
0x8: {  	_ =	strace $0x8000004D;
	s8 =	smul.u32 $0x13C000, s2;
	s11 =	ssub.s32 $0x2, s2  }
0x9: {  	s2 =	sor.u32 s2, s10;
	s9 =	sshrl.u32 s7, $0x4;
	s20 =	sshrl.u32 s11, $0x1  }
0xa: {  	s12 =	sshrl.u32 s7, $0x1;
	s9 =	sadd.s32 s9, s0;
	s8 =	sadd.s32 s7, s8  }
0xb: {  	s7 =	smul.u32 $0x2800, s2;
	s21 =	ssub.s32 s11, s20;
	s22 =	sadd.s32 s12, s3  }
0xc: {  	s20 =	simm.s32 $0xAA00;
	s8 =	sshrl.u32 s8, $0x4;
	s9 =	sadd.s32 $0x17600, s9  }
0xd: {  	s31 =	smax.u32 s21, $0x1;
	s16 =	sshrl.u32 s22, $0x3;
	s21 =	simm.s32 $0x50  }
0xe: {  	s22 =	simm.s32 $0x2;
	[dreg:$0x4] =	wrdreg s9;
	s24 =	sshrl.u32 s7, $0x3  }
0xf: {  	s0 =	sadd.s32 s8, s0;
	[dreg:$0xa] =	wrdreg s31;
	s25 =	sadd.s32 s5, s24  }
0x10: {  	s9 =	sor.u32 $0x1C03, s23;
	s28 =	sadd.s32 s6, s24;
	[dreg:$0x5] =	wrdreg s25  }
0x11: {  	s26 =	sor.u32 $0xA0, s24;
	s0 =	sadd.s32 $0x52A00, s0;
	[dreg:$0x6] =	wrdreg s28  }
0x12: {  	s23 =	simm.s32 $0xBE00;
	s29 =	sadd.s32 s5, s26;
	[dreg:$0x9] =	wrdreg s0  }
0x13: {  	s24 =	simm.s32 $0x0;
	s30 =	sadd.s32 s6, s26;
	[dreg:$0x7] =	wrdreg s29  }
0x14: {  	s25 =	simm.s32 $0xD200;
	s26 =	simm.s32 $0x1;
	[dreg:$0x8] =	wrdreg s30  }
.LBB2_1:
0x15: {  	s0 =	rddreg [dreg:$0x4]  }
0x16: {  	[spmem:s16], [sflag:s9] =	dma.local [hbm:s0], $0x13C0  }
0x17: {  	_ =	swait.ge [sflag:s17], $0x13C0  }
0x18: {  	[sflag:s17] =	ssyncset.done $0x0  }
0x19: {  	s10 =	rddreg [dreg:$0x5];
	[sflag:s17] =	ssyncadd.s32 $0xFFFFEC40  }
0x1a: {  	[tilespmem:s4], [sflag:$0x3] =	stream.linear.gather [hbm4b:s10+s4], $0x500, $0x38;
	[tilespmem:$0x1FC00] =	vst v63  }
0x1b: {  	_ =	swait.ge [sflag:s17], $0x500  }
0x1c: {  	[sflag:s17] =	ssyncset.done $0x0  }
0x1d: {  	s2 =	simm.s32 $0xF00;
	s11 =	rddreg [dreg:$0x6];
	[sflag:s17] =	ssyncadd.s32 $0xFFFFFB00  }
0x1e: {  	[tilespmem:s2], [sflag:$0x3] =	stream.linear.gather [hbm4b:s11+s4], $0x500, $0x38;
	[tilespmem:$0x1FC00] =	vst v63  }
0x1f: {  	_ =	swait.ge [sflag:s17], $0x500  }
0x20: {  	[sflag:s17] =	ssyncset.done $0x0  }
0x21: {  	s13 =	simm.s32 $0x500;
	s12 =	rddreg [dreg:$0x7];
	[sflag:s17] =	ssyncadd.s32 $0xFFFFFB00  }
0x22: {  	[tilespmem:s13], [sflag:$0x3] =	stream.linear.gather [hbm4b:s12+s4], $0x500, $0x38;
	[tilespmem:$0x1FC00] =	vst v63  }
0x23: {  	_ =	swait.ge [sflag:s17], $0x500  }
0x24: {  	[sflag:s17] =	ssyncset.done $0x0  }
0x25: {  	s15 =	simm.s32 $0x1400;
	s14 =	rddreg [dreg:$0x8];
	[sflag:s17] =	ssyncadd.s32 $0xFFFFFB00  }
0x26: {  	[tilespmem:s15], [sflag:$0x3] =	stream.linear.gather [hbm4b:s14+s4], $0x500, $0x38;
	[tilespmem:$0x1FC00] =	vst v63  }
0x27: {  	_ =	swait.ge [sflag:s17], $0x500  }
0x28: {  	[sflag:s17] =	ssyncset.done $0x0  }
0x29: {  	[sflag:s17] =	ssyncadd.s32 $0xFFFFFB00  }
0x2a: {  	s19 =	simm.s32 $0x1E00;
	[bflag:$0x0] =	sbarrier.arrive $0xFFFF  }
0x2b: {  	[tilespmem:s19], [sflag:$0x1] =	stream.indirect.gather [hbm4b:s1+s21], $0x40, s4, s21, $0xb8;
	[tilespmem:$0x1FC00] =	vst v63  }
0x2c: {  	s2 =	simm.s32 $0x3200  }
0x2d: {  	[tilespmem:s2], [sflag:$0x1] =	stream.indirect.gather [hbm4b:s1+s21], $0x40, s21, s21, $0xb8;
	[tilespmem:$0x1FC00] =	vst v63  }
0x2e: {  	s8 =	simm.s32 $0xA0;
	s10 =	simm.s32 $0x4600  }
0x2f: {  	[tilespmem:s10], [sflag:$0x1] =	stream.indirect.gather [hbm4b:s1+s21], $0x40, s8, s21, $0xb8;
	[tilespmem:$0x1FC00] =	vst v63  }
0x30: {  	s11 =	simm.s32 $0xF0;
	s12 =	simm.s32 $0x5A00  }
0x31: {  	[tilespmem:s12], [sflag:$0x1] =	stream.indirect.gather [hbm4b:s1+s21], $0x40, s11, s21, $0xb8;
	[tilespmem:$0x1FC00] =	vst v63  }
0x32: {  	p0 =	por $0x0, $0x0;
	s12 =	simm.s32 $0xA  }
0x33: {  	s13 =	simm.s32 $0x140;
	s14 =	simm.s32 $0x6E00;
	s0 =	sand.u32 $0xF, s12  }
0x34: {  	[tilespmem:s14], [sflag:$0x1] =	stream.indirect.gather [hbm4b:s1+s21], $0x40, s13, s21, $0xb8;
	[tilespmem:$0x1FC00] =	vst v63  }
0x35: {  	p1 =	sne.s32 @!p0 s0, $0x0  }
0x36: {  	s15 =	simm.s32 $0x190;
	s19 =	simm.s32 $0x8200;
	p0 =	por p1, p0  }
0x37: {  	[tilespmem:s19], [sflag:$0x1] =	stream.indirect.gather [hbm4b:s1+s21], $0x40, s15, s21, $0xb8;
	[tilespmem:$0x1FC00] =	vst v63  }
0x38: {  	s8 =	simm.s32 $0x1E0;
	s2 =	simm.s32 @!p0 $0x1  }
0x39: {  	[tilespmem:s18], [sflag:$0x1] =	stream.indirect.gather [hbm4b:s1+s21], $0x40, s8, s21, $0xb8;
	[tilespmem:$0x1FC00] =	vst v63  }
0x3a: {  	s10 =	simm.s32 $0x230;
	s19 =	simm.s32 $0x0;
	s8 =	smul.u32 @!p0 $0xAB, s2  }
0x3b: {  	[tilespmem:s20], [sflag:$0x1] =	stream.indirect.gather [hbm4b:s1+s21], $0x40, s10, s21, $0xb8;
	[tilespmem:$0x1FC00] =	vst v63  }
0x3c: {  	s19 =	smul.u32 $0xAB, s19;
	s8 =	sshrl.u32 @!p0 s8, $0x9  }
0x3d: {  	s11 =	simm.s32 $0x280;
	s2 =	smul.u32 @!p0 $0x500, s2;
	s8 =	sand.u32 @!p0 $0x7F, s8  }
0x3e: {  	[tilespmem:s23], [sflag:$0x1] =	stream.indirect.gather [hbm4b:s1+s21], $0x40, s11, s21, $0xb8;
	[tilespmem:$0x1FC00] =	vst v63  }
0x3f: {  	s29 =	simm.s32 $0x0;
	s10 =	simm.s32 $0x2D0;
	s8 =	smul.u32 @!p0 $0x3, s8  }
0x40: {  	[tilespmem:s25], [sflag:$0x1] =	stream.indirect.gather [hbm4b:s1+s21], $0x40, s10, s21, $0xb8;
	[tilespmem:$0x1FC00] =	vst v63  }
0x41: {  	s29 =	sand.u32 $0xF, s29;
	s8 =	ssub.s32 @!p0 $0x1, s8  }
0x42: {  	s19 =	sshrl.u32 s19, $0x9;
	s2 =	sadd.s32 @!p0 s7, s2;
	s8 =	sand.u32 @!p0 $0xFF, s8  }
0x43: {  	s19 =	sand.u32 $0x7F, s19;
	s2 =	sshrl.u32 @!p0 s2, $0x3;
	s8 =	smul.u32 @!p0 $0x500, s8  }
0x44: {  	s30 =	simm.s32 @!p0 $0x0;
	s19 =	smul.u32 $0x3, s19;
	s28 =	sadd.s32 @!p0 s5, s2  }
0x45: {  	[tilespmem:s8], [sflag:$0x3] =	stream.linear.gather @!p0 [hbm4b:s28+s30], $0x500, $0x38;
	[tilespmem:$0x1FC00] =	vst v63  }
0x46: {  	s2 =	sadd.s32 @!p0 s6, s2;
	s10 =	simm.s32 @!p0 $0x3;
	s28 =	sadd.s32 $0x0, s29  }
0x47: {  	s11 =	smul.u32 $0x140, s0;
	_ =	swait.ge @!p0 [sflag:s10], $0x500;
	s29 =	sshll.u32 s28, $0x18  }
0x48: {  	s8 =	sadd.s32 @!p0 $0xF00, s8;
	[sflag:s10] =	ssyncset.done @!p0 $0x0;
	s29 =	sshra.s32 s29, $0x1C  }
0x49: {  	s15 =	sand.u32 $0xF0, s28;
	[sflag:s10] =	ssyncadd.s32 @!p0 $0xFFFFFB00;
	s13 =	sand.u32 $0xFF, s29  }
0x4a: {  	[tilespmem:s8], [sflag:$0x3] =	stream.linear.gather @!p0 [hbm4b:s2+s30], $0x500, $0x38;
	[tilespmem:$0x1FC00] =	vst v63  }
0x4b: {  	s14 =	ssub.s32 $0x0, s19;
	s12 =	ssub.s32 $0x0, s15;
	s2 =	smul.u32 $0xAB, s13  }
0x4c: {  	s8 =	sand.u32 $0xFF, s14;
	s30 =	smul.u32 $0x5000, s0;
	s0 =	sshll.u32 s12, $0x18  }
0x4d: {  	p2 =	por $0x1, $0x1;
	s8 =	smul.u32 $0x1400, s8;
	s0 =	sshra.s32 s0, $0x18  }
0x4e: {  	s19 =	simm.s32 @!p2 $0x2;
	s13 =	smul.u32 $0x140, s0  }
0x4f: {  	_ =	swait.ge @!p0 [sflag:s10], $0x500;
	s2 =	sshrl.u32 s2, $0x9;
	s0 =	smul.u32 $0x5000, s0  }
0x50: {  	s28 =	simm.s32 $0xB;
	[sflag:s10] =	ssyncset.done @!p0 $0x0;
	s2 =	smul.u32 $0x3, s2  }
0x51: {  	s15 =	sshrl.u32 s30, $0x2;
	s31 =	sshrl.u32 s8, $0x2;
	[sflag:s10] =	ssyncadd.s32 @!p0 $0xFFFFFB00  }
0x52: {  	s8 =	sadd.s32 $0x1E00, s15;
	s0 =	sshra.s32 s0, $0x2;
	s29 =	ssub.s32 s29, s2  }
0x53: {  	_ =	swait.ge @!p2 [sflag:s19], $0x1400;
	s2 =	sshra.s32 s13, $0x2;
	s14 =	sand.u32 $0xFF, s29  }
0x54: {  	[sflag:s19] =	ssyncset.done @!p2 $0x0;
	s29 =	sshrl.u32 s11, $0x2;
	s30 =	smul.u32 $0x1400, s14  }
.LBB2_2:
0x55: {  	p0 =	sgt.u32 s28, $0x6F  }
0x56: {  	s10 =	sadd.s32 s29, s31;
	s11 =	sshrl.u32 s30, $0x2;
	s30 =	smov.u32 s28  }
0x57: {  	s31 =	sand.u32 $0xF, s28;
	[sflag:s19] =	ssyncadd.s32 @!p2 $0xFFFFEC00;
	s2 =	sadd.s32 s2, s11  }
0x58: {  	[tilespmem:s8], [sflag:$0x1] =	stream.indirect.gather [hbm4b:s1+s21], $0x40, s10, s21, $0xb8;
	[tilespmem:$0x1FC00] =	vst v63  }
0x59: {  	p1 =	sne.s32 @!p0 s31, $0x0;
	s29 =	smul.u32 $0x140, s31;
	_ =	swait.ge [sflag:s26], $0x1400  }
0x5a: {  	s8 =	sshrl.u32 s28, $0x4;
	p0 =	por p1, p0;
	[sflag:s26] =	ssyncset.done $0x0  }
0x5b: {  	s10 =	sadd.s32 @!p0 $0x1, s8;
	s11 =	smul.u32 $0xAB, s8;
	[sflag:s26] =	ssyncadd.s32 $0xFFFFEC00  }
0x5c: {  	s0 =	sadd.s32 $0x1E00, s0;
	s28 =	sadd.s32 $0x1, s28;
	s19 =	smul.u32 @!p0 $0x500, s10  }
0x5d: {  	s2 =	sadd.s32 $0xF00, s2;
	s12 =	smul.u32 @!p0 $0xAB, s10;
	s11 =	sshrl.u32 s11, $0x9  }
0x5e: {  	[spmem:s3] =	stream.indirect.scatter.add.bf16 [tilespmem:s0], [sflag:$0x2], $0x40, s2, s21, $0xb8;
	[tilespmem:$0x1FC00] =	vst v63  }
0x5f: {  	s11 =	sand.u32 $0x7F, s11;
	s0 =	sadd.s32 @!p0 s7, s19;
	s2 =	sshrl.u32 @!p0 s12, $0x9  }
0x60: {  	s11 =	smul.u32 $0x3, s11;
	s2 =	sand.u32 @!p0 $0x7F, s2;
	s0 =	sshrl.u32 @!p0 s0, $0x3  }
0x61: {  	s19 =	sadd.s32 $0xFFFFFFF6, s30;
	s12 =	sadd.s32 @!p0 s5, s0;
	s0 =	sadd.s32 @!p0 s6, s0  }
0x62: {  	s8 =	ssub.s32 s8, s11;
	s11 =	sshll.u32 s19, $0x18;
	s2 =	smul.u32 @!p0 $0x3, s2  }
0x63: {  	s13 =	smul.u32 $0x5000, s31;
	s8 =	sand.u32 $0xFF, s8;
	s11 =	sshra.s32 s11, $0x1F  }
0x64: {  	s8 =	smul.u32 $0x1400, s8;
	s2 =	ssub.s32 @!p0 s10, s2;
	s10 =	sand.u32 $0xF, s11  }
0x65: {  	p1 =	sne.s32 s28, $0x80;
	s2 =	sand.u32 @!p0 $0xFF, s2;
	s10 =	sadd.s32 s10, s19  }
0x66: {  	s31 =	sshrl.u32 s8, $0x2;
	s2 =	smul.u32 @!p0 $0x500, s2;
	s8 =	sand.u32 $0xF0, s10  }
0x67: {  	s10 =	sshll.u32 s10, $0x18;
	s8 =	ssub.s32 s19, s8  }
0x68: {  	s10 =	sshra.s32 s10, $0x1C;
	s11 =	sadd.s32 @!p0 $0xF00, s2;
	s8 =	sshll.u32 s8, $0x18  }
0x69: {  	s14 =	simm.s32 @!p0 $0x3;
	s19 =	simm.s32 @!p0 $0x0;
	s15 =	sand.u32 $0xFF, s10  }
0x6a: {  	[tilespmem:s2], [sflag:$0x3] =	stream.linear.gather @!p0 [hbm4b:s12+s19], $0x500, $0x38;
	[tilespmem:$0x1FC00] =	vst v63  }
0x6b: {  	s2 =	sshra.s32 s8, $0x18;
	s8 =	smul.u32 $0xAB, s15;
	_ =	swait.ge @!p0 [sflag:s14], $0x500  }
0x6c: {  	s12 =	smul.u32 $0x140, s2;
	[sflag:s14] =	ssyncset.done @!p0 $0x0  }
0x6d: {  	s15 =	smul.u32 $0x5000, s2;
	s8 =	sshrl.u32 s8, $0x9;
	[sflag:s14] =	ssyncadd.s32 @!p0 $0xFFFFFB00  }
0x6e: {  	s8 =	smul.u32 $0x3, s8;
	s2 =	sshra.s32 s12, $0x2  }
0x6f: {  	[tilespmem:s11], [sflag:$0x3] =	stream.linear.gather @!p0 [hbm4b:s0+s19], $0x500, $0x38;
	[tilespmem:$0x1FC00] =	vst v63  }
0x70: {  	s8 =	ssub.s32 s10, s8  }
.Ltmp0:
0x71: {  	s0 =	sshra.s32 s15, $0x2;
	_ =	swait.ge @!p0 [sflag:s14], $0x500;
	(pc) =	sbr.rel @p1 .LBB2_2-.Ltmp0, $4  }
0x72: {  	p2 =	slt.u32 s30, $0x10;
	[sflag:s14] =	ssyncset.done @!p0 $0x0  }
0x73: {  	s19 =	simm.s32 @!p2 $0x2;
	s8 =	sand.u32 $0xFF, s8;
	[sflag:s14] =	ssyncadd.s32 @!p0 $0xFFFFFB00  }
0x74: {  	s10 =	sshrl.u32 s13, $0x2;
	s30 =	smul.u32 $0x1400, s8;
	_ =	swait.ge @!p2 [sflag:s19], $0x1400  }
0x75: {  	s29 =	sshrl.u32 s29, $0x2;
	s8 =	sadd.s32 $0x1E00, s10;
	[sflag:s19] =	ssyncset.done @!p2 $0x0  }
0x76: {  	s10 =	sadd.s32 s29, s31;
	[sflag:s19] =	ssyncadd.s32 @!p2 $0xFFFFEC00  }
0x77: {  	[tilespmem:s8], [sflag:$0x1] =	stream.indirect.gather [hbm4b:s1+s21], $0x40, s10, s21, $0xb8;
	[tilespmem:$0x1FC00] =	vst v63  }
0x78: {  	s14 =	sshrl.u32 s30, $0x2;
	_ =	swait.ge [sflag:s26], $0x1400  }
0x79: {  	s2 =	sadd.s32 s2, s14;
	[sflag:s26] =	ssyncset.done $0x0  }
0x7a: {  	s0 =	sadd.s32 $0x1E00, s0;
	s2 =	sadd.s32 $0xF00, s2;
	[sflag:s26] =	ssyncadd.s32 $0xFFFFEC00  }
0x7b: {  	[spmem:s3] =	stream.indirect.scatter.add.bf16 [tilespmem:s0], [sflag:$0x2], $0x40, s2, s21, $0xb8;
	[tilespmem:$0x1FC00] =	vst v63  }
0x7c: {  	_ =	swait.ge [sflag:s26], $0x1400  }
0x7d: {  	[sflag:s26] =	ssyncset.done $0x0  }
0x7e: {  	s15 =	simm.s32 $0x15E0;
	[sflag:s26] =	ssyncadd.s32 $0xFFFFEC00  }
0x7f: {  	[spmem:s3] =	stream.indirect.scatter.add.bf16 [tilespmem:s18], [sflag:$0x2], $0x40, s15, s21, $0xb8;
	[tilespmem:$0x1FC00] =	vst v63  }
0x80: {  	_ =	swait.ge [sflag:s26], $0x1400  }
0x81: {  	[sflag:s26] =	ssyncset.done $0x0  }
0x82: {  	s19 =	simm.s32 $0x1630;
	[sflag:s26] =	ssyncadd.s32 $0xFFFFEC00  }
0x83: {  	[spmem:s3] =	stream.indirect.scatter.add.bf16 [tilespmem:s20], [sflag:$0x2], $0x40, s19, s21, $0xb8;
	[tilespmem:$0x1FC00] =	vst v63  }
0x84: {  	_ =	swait.ge [sflag:s26], $0x1400  }
0x85: {  	[sflag:s26] =	ssyncset.done $0x0  }
0x86: {  	s28 =	simm.s32 $0x1680;
	[sflag:s26] =	ssyncadd.s32 $0xFFFFEC00  }
0x87: {  	[spmem:s3] =	stream.indirect.scatter.add.bf16 [tilespmem:s23], [sflag:$0x2], $0x40, s28, s21, $0xb8;
	[tilespmem:$0x1FC00] =	vst v63  }
0x88: {  	_ =	swait.ge [sflag:s26], $0x1400  }
0x89: {  	[sflag:s26] =	ssyncset.done $0x0  }
0x8a: {  	s29 =	simm.s32 $0x16D0;
	[sflag:s26] =	ssyncadd.s32 $0xFFFFEC00  }
0x8b: {  	[spmem:s3] =	stream.indirect.scatter.add.bf16 [tilespmem:s25], [sflag:$0x2], $0x40, s29, s21, $0xb8;
	[tilespmem:$0x1FC00] =	vst v63  }
0x8c: {  	_ =	swait.ge [sflag:s26], $0x1400  }
0x8d: {  	[sflag:s26] =	ssyncset.done $0x0  }
0x8e: {  	s30 =	simm.s32 $0x1720;
	s31 =	simm.s32 $0xE600;
	[sflag:s26] =	ssyncadd.s32 $0xFFFFEC00  }
0x8f: {  	[spmem:s3] =	stream.indirect.scatter.add.bf16 [tilespmem:s31], [sflag:$0x2], $0x40, s30, s21, $0xb8;
	[tilespmem:$0x1FC00] =	vst v63  }
0x90: {  	_ =	swait.ge [sflag:s26], $0x1400  }
0x91: {  	[sflag:s26] =	ssyncset.done $0x0  }
0x92: {  	s8 =	simm.s32 $0x1770;
	s10 =	simm.s32 $0xFA00;
	[sflag:s26] =	ssyncadd.s32 $0xFFFFEC00  }
0x93: {  	[spmem:s3] =	stream.indirect.scatter.add.bf16 [tilespmem:s10], [sflag:$0x2], $0x40, s8, s21, $0xb8;
	[tilespmem:$0x1FC00] =	vst v63  }
0x94: {  	_ =	swait.ge [sflag:s26], $0x1400  }
0x95: {  	[sflag:s26] =	ssyncset.done $0x0  }
0x96: {  	s11 =	simm.s32 $0x17C0;
	s12 =	simm.s32 $0x10E00;
	[sflag:s26] =	ssyncadd.s32 $0xFFFFEC00  }
0x97: {  	[spmem:s3] =	stream.indirect.scatter.add.bf16 [tilespmem:s12], [sflag:$0x2], $0x40, s11, s21, $0xb8;
	[tilespmem:$0x1FC00] =	vst v63  }
0x98: {  	_ =	swait.ge [sflag:s26], $0x1400  }
0x99: {  	[sflag:s26] =	ssyncset.done $0x0  }
0x9a: {  	s13 =	simm.s32 $0x1810;
	s14 =	simm.s32 $0x12200;
	[sflag:s26] =	ssyncadd.s32 $0xFFFFEC00  }
0x9b: {  	[spmem:s3] =	stream.indirect.scatter.add.bf16 [tilespmem:s14], [sflag:$0x2], $0x40, s13, s21, $0xb8;
	[tilespmem:$0x1FC00] =	vst v63  }
0x9c: {  	_ =	swait.ge [sflag:s26], $0x1400  }
0x9d: {  	[sflag:s26] =	ssyncset.done $0x0  }
0x9e: {  	s15 =	simm.s32 $0x1860;
	s19 =	simm.s32 $0x13600;
	[sflag:s26] =	ssyncadd.s32 $0xFFFFEC00  }
0x9f: {  	[spmem:s3] =	stream.indirect.scatter.add.bf16 [tilespmem:s19], [sflag:$0x2], $0x40, s15, s21, $0xb8;
	[tilespmem:$0x1FC00] =	vst v63  }
0xa0: {  	_ =	swait.ge [sflag:s26], $0x1400  }
0xa1: {  	[sflag:s26] =	ssyncset.done $0x0  }
0xa2: {  	s28 =	simm.s32 $0x18B0;
	s29 =	simm.s32 $0x14A00;
	[sflag:s26] =	ssyncadd.s32 $0xFFFFEC00  }
0xa3: {  	[spmem:s3] =	stream.indirect.scatter.add.bf16 [tilespmem:s29], [sflag:$0x2], $0x40, s28, s21, $0xb8;
	[tilespmem:$0x1FC00] =	vst v63  }
0xa4: {  	_ =	swait.ge [sflag:s22], $0x1400  }
0xa5: {  	[sflag:s22] =	ssyncset.done $0x0  }
0xa6: {  	[sflag:s22] =	ssyncadd.s32 $0xFFFFEC00  }
0xa7: {  	_ =	swait.ge [sflag:s22], $0x1400  }
0xa8: {  	[sflag:s22] =	ssyncset.done $0x0  }
0xa9: {  	[sflag:s22] =	ssyncadd.s32 $0xFFFFEC00  }
0xaa: {  	_ =	swait.ge [sflag:s22], $0x1400  }
0xab: {  	[sflag:s22] =	ssyncset.done $0x0  }
0xac: {  	[sflag:s22] =	ssyncadd.s32 $0xFFFFEC00  }
0xad: {  	_ =	swait.ge [sflag:s22], $0x1400  }
0xae: {  	[sflag:s22] =	ssyncset.done $0x0  }
0xaf: {  	[sflag:s22] =	ssyncadd.s32 $0xFFFFEC00  }
0xb0: {  	_ =	swait.ge [sflag:s22], $0x1400  }
0xb1: {  	[sflag:s22] =	ssyncset.done $0x0  }
0xb2: {  	[sflag:s22] =	ssyncadd.s32 $0xFFFFEC00  }
0xb3: {  	_ =	swait.ge [sflag:s22], $0x1400  }
0xb4: {  	[sflag:s22] =	ssyncset.done $0x0  }
0xb5: {  	[sflag:s22] =	ssyncadd.s32 $0xFFFFEC00  }
0xb6: {  	_ =	swait.ge [sflag:s22], $0x1400  }
0xb7: {  	[sflag:s22] =	ssyncset.done $0x0  }
0xb8: {  	[sflag:s22] =	ssyncadd.s32 $0xFFFFEC00  }
0xb9: {  	_ =	swait.ge [sflag:s22], $0x1400  }
0xba: {  	[sflag:s22] =	ssyncset.done $0x0  }
0xbb: {  	[sflag:s22] =	ssyncadd.s32 $0xFFFFEC00  }
0xbc: {  	_ =	swait.ge [sflag:s22], $0x1400  }
0xbd: {  	[sflag:s22] =	ssyncset.done $0x0  }
0xbe: {  	[sflag:s22] =	ssyncadd.s32 $0xFFFFEC00  }
0xbf: {  	_ =	swait.ge [sflag:s22], $0x1400  }
0xc0: {  	[sflag:s22] =	ssyncset.done $0x0  }
0xc1: {  	[sflag:s22] =	ssyncadd.s32 $0xFFFFEC00  }
0xc2: {  	_ =	swait.ge [sflag:s22], $0x1400  }
0xc3: {  	[sflag:s22] =	ssyncset.done $0x0  }
0xc4: {  	[sflag:s22] =	ssyncadd.s32 $0xFFFFEC00  }
0xc5: {  	_ =	swait.ge [sflag:s22], $0x1400  }
0xc6: {  	[sflag:s22] =	ssyncset.done $0x0  }
0xc7: {  	[sflag:s22] =	ssyncadd.s32 $0xFFFFEC00  }
0xc8: {  	_ =	swait.ge [sflag:s22], $0x1400  }
0xc9: {  	[sflag:s22] =	ssyncset.done $0x0  }
0xca: {  	[sflag:s22] =	ssyncadd.s32 $0xFFFFEC00  }
0xcb: {  	_ =	swait.ge [sflag:s22], $0x1400  }
0xcc: {  	[sflag:s22] =	ssyncset.done $0x0  }
0xcd: {  	[sflag:s22] =	ssyncadd.s32 $0xFFFFEC00  }
0xce: {  	_ =	swait.ge [sflag:s22], $0x1400  }
0xcf: {  	[sflag:s22] =	ssyncset.done $0x0  }
0xd0: {  	[sflag:s22] =	ssyncadd.s32 $0xFFFFEC00  }
0xd1: {  	_ =	swait.ge [sflag:s22], $0x1400  }
0xd2: {  	[sflag:s22] =	ssyncset.done $0x0  }
0xd3: {  	[sflag:s22] =	ssyncadd.s32 $0xFFFFEC00  }
0xd4: {  	[bflag:$0x0] =	sbarrier.arrive $0xFFFF  }
0xd5: {  	s30 =	rddreg [dreg:$0x9]  }
0xd6: {  	[hbm:s30], [sflag:s9] =	dma.local [spmem:s16], $0x13C0  }
0xd7: {  	_ =	swait.ge [sflag:s17], $0x13C0  }
0xd8: {  	s24 =	sadd.s32 $0x1, s24;
	s31 =	rddreg [dreg:$0xa]  }
0xd9: {  	p0 =	sne.s32 s24, s31  }
.Ltmp1:
0xda: {  	_ = 	snop;
	(pc) =	sbr.rel @p0 .LBB2_1-.Ltmp1, $3  }
0xdb: {  	_ =	sdelay $0x1  }
0xdc: {  	[sflag:s17] =	ssyncset.done $0x0  }
0xdd: {  	[sflag:s17] =	ssyncadd.s32 $0xFFFFEC40  }
0xde: {  	_ =	sfence.sel $0x180000  }
0xdf: {  	[bflag:$0x0] =	sbarrier.arrive $0xFFFF  }
0xe0: {  	_ =	strace $0x9000004D  }
0xe1: {  	s0 =	stileid.u32;
	[bflag:$0x2] =	sbarrier.arrive $0xFFFF  }
0xe2: {  	p0 =	sne.s32 s0, $0x0;
	s0 =	rddreg [dreg:$0x3]  }
0xe3: {  	s0 =	sadd.s32 @!p0 $0x100000, s0  }
0xe4: {  	[sflag:s0] =	ssyncadd.tile.s32 @!p0 $0x1;
	_ =	shalt  }
.Lfunc_end2:
_tile_overlayer_lowered:
.L_overlay_start_2:
0xe5: {  	(tag) =	ssettag $0x2  }
0xe6: {  	s0 =	rddreg [dreg:$0x0];
	s2 =	stileid.u32  }
0xe7: {  	s1 =	rddreg [dreg:$0x1];
	p0 =	sne.s32 s2, $0x0  }
0xe8: {  	s3 =	rddreg [dreg:$0x2];
	[bflag:$0x3] =	sbarrier.arrive $0xFFFF;
	s2 =	simm.s32 @!p0 $0x1C03  }
0xe9: {  	[timem:s3], [sflag:s2] =	dma.local @!p0 [hbm:s0], s1  }
0xea: {  	s0 =	simm.s32 @!p0 $0x3  }
0xeb: {  	_ =	swait.ge @!p0 [sflag:s0], s1  }
0xec: {  	s1 =	ssub.s32 @!p0 $0x0, s1;
	[sflag:s0] =	ssyncset.done @!p0 $0x0  }
0xed: {  	[sflag:s0] =	ssyncadd.s32 @!p0 s1  }
0xee: {  	[bflag:$0x3] =	sbarrier.arrive $0xFFFF  }
0xef: {  	_ =	shalt  }

// kernel: kernel.19.cloned.1.call-start
scs
__scs_entry_jumppad:
0x0: {  	(pc) =	sbr.rel $0x88, $3  }
0x1: {  	(tag) =	ssettag $0x0;
	lr =	simm.s32 $0x1  }
0x2: {  	[smem:$0x3F96] =	sst lr;
	_ =	strace $0xD0000000  }
0x3: {  	_ = 	snop  }
0x4: {  	_ = 	snop  }
0x5: {  	_ = 	snop  }
0x6: {  	_ = 	snop  }
0x7: {  	_ = 	snop  }
__scs_overlays_trampoline_lowered:
0x8: {  	[smem:$0x3FA5] =	sst s0  }
0x9: {  	[smem:$0x3FA6] =	sst s1  }
0xa: {  	[smem:$0x3FA7] =	sst s2  }
0xb: {  	[smem:$0x3FA8] =	sst s3  }
0xc: {  	[smem:$0x3FA9] =	sst s4  }
0xd: {  	[smem:$0x3FAA] =	sst s5  }
0xe: {  	[smem:$0x3FAB] =	sst s6  }
0xf: {  	[smem:$0x3FAC] =	sst s7  }
0x10: {  	[smem:$0x3FAD] =	sst s8  }
0x11: {  	[smem:$0x3FAE] =	sst s9;
	s0 =	simm.s32 @!p0 $0x0  }
0x12: {  	s1 =	sld [smem:$0x3F94];
	s0 =	simm.s32 @p0 $0x1  }
0x13: {  	[smem:$0x3FAF] =	sst s0;
	s0 =	simm.s32 @!p1 $0x0  }
0x14: {  	s2 =	sld [smem:$0x3F93];
	s0 =	simm.s32 @p1 $0x1  }
0x15: {  	[smem:$0x3FB0] =	sst s0;
	s0 =	simm.s32 @!p2 $0x0  }
0x16: {  	s3 =	sld [smem:$0x3FDB];
	s0 =	simm.s32 @p2 $0x1  }
0x17: {  	s4 =	simm.s32 $0x1BF5;
	[smem:$0x3FB2] =	sst s0  }
0x18: {  	s0 =	sld [smem:$0x3F95];
	_ =	swait.ge [sflag:s4], $0x0  }
0x19: {  	s7 =	sld [smem:$0x3F96]  }
0x1a: {  	s8 =	sadd.s32 $0xFFFFE003, lr  }
0x1b: {  	s9 =	sadd.s32 $0xFFFFFEF7, lr;
	s5 =	simm.s32 $0xFFFFFFFF;
	p2 =	slt.u32 s8, $0xFFFFF086  }
0x1c: {  	p1 =	slt.u32 s9, $0xF7A;
	s5 =	simm.s32 @!p2 $0x0  }
0x1d: {  	s5 =	simm.s32 @p1 $0x1;
	p0 =	seq.s32 s7, s2  }
0x1e: {  	s7 =	smul.u32 @!p0 $0xF7A, s2;
	p2 =	seq.s32 @!p0 s5, $0x0  }
0x1f: {  	s9 =	smul.u32 $0xF7A, s1;
	s8 =	simm.s32 @!p0 $0x1BF5;
	p2 =	por !p2, p0  }
0x20: {  	[sflag:s8] =	ssyncset.s32 @!p0 $0xFFFFF086;
	s6 =	sadd.s32 @!p0 s3, s7;
	s7 =	simm.s32 @!p0 $0x108  }
0x21: {  	s3 =	sadd.s32 s3, s9;
	s6 =	sadd.s32 @!p0 $0x88, s6;
	s7 =	simm.s32 @p2 $0x1082  }
0x22: {  	[simem:s7], [sflag:s8] =	dma.local @!p0 [hbm:s6], $0xF7A  }
0x23: {  	s9 =	sor.u32 $0xD0000000, s2;
	s6 =	simm.s32 $0x108;
	_ =	swait.ge @!p0 [sflag:s8], $0x0  }
0x24: {  	s3 =	sadd.s32 $0x88, s3;
	s6 =	simm.s32 @!p1 $0x1082;
	[sflag:s4] =	ssyncset.s32 $0xFFFFF086  }
0x25: {  	[simem:s6], [sflag:s4] =	dma.local [hbm:s3], $0xF7A  }
0x26: {  	[smem:$0x3F96] =	sst s1;
	(tag) =	ssettag s2;
	_ =	strace s9  }
0x27: {  	s1 =	sld [smem:$0x3FA6]  }
0x28: {  	s2 =	sld [smem:$0x3FA7]  }
0x29: {  	s4 =	sld [smem:$0x3FA9]  }
0x2a: {  	p0 =	seq.s32 s5, $0x0;
	s5 =	sld [smem:$0x3FAA]  }
0x2b: {  	s6 =	sld [smem:$0x3FAB]  }
0x2c: {  	s7 =	sld [smem:$0x3FAC]  }
0x2d: {  	s3 =	simm.s32 $0x108;
	s8 =	sld [smem:$0x3FAD]  }
0x2e: {  	s3 =	simm.s32 @!p0 $0x1082;
	s9 =	sld [smem:$0x3FAE]  }
0x2f: {  	lr =	sadd.s32 s0, s3;
	s0 =	sld [smem:$0x3FA5]  }
0x30: {  	s3 =	sld [smem:$0x3FA8]  }
0x31: {  	[smem:$0x3FB1] =	sst s10  }
0x32: {  	s10 =	sld [smem:$0x3FAF];
	_ =	sdelay $0x3  }
0x33: {  	p0 =	seq.s32 s10, $0x1;
	s10 =	sld [smem:$0x3FB1];
	_ =	sdelay $0x3  }
0x34: {  	[smem:$0x3FB1] =	sst s10  }
0x35: {  	s10 =	sld [smem:$0x3FB0];
	_ =	sdelay $0x3  }
0x36: {  	p1 =	seq.s32 s10, $0x1;
	s10 =	sld [smem:$0x3FB1];
	_ =	sdelay $0x3  }
0x37: {  	[smem:$0x3FB1] =	sst s10  }
0x38: {  	s10 =	sld [smem:$0x3FB2]  }
0x39: {  	_ = 	snop;
	(pc) =	sbr.ind lr, $3  }
0x3a: {  	_ = 	snop  }
0x3b: {  	_ = 	snop  }
0x3c: {  	p2 =	seq.s32 s10, $0x1;
	s10 =	sld [smem:$0x3FB1]  }
0x3d: {  	_ =	shalt  }
0x3e: {  	_ =	shalt  }
0x3f: {  	_ =	shalt  }
0x40: {  	_ =	shalt  }
0x41: {  	_ =	shalt  }
0x42: {  	_ =	shalt  }
0x43: {  	_ =	shalt  }
0x44: {  	_ =	shalt  }
0x45: {  	_ =	shalt  }
0x46: {  	_ =	shalt  }
0x47: {  	_ =	shalt  }
0x48: {  	_ =	shalt  }
0x49: {  	_ =	shalt  }
0x4a: {  	_ =	shalt  }
0x4b: {  	_ =	shalt  }
0x4c: {  	_ =	shalt  }
0x4d: {  	_ =	shalt  }
0x4e: {  	_ =	shalt  }
0x4f: {  	_ =	shalt  }
0x50: {  	_ =	shalt  }
0x51: {  	_ =	shalt  }
0x52: {  	_ =	shalt  }
0x53: {  	_ =	shalt  }
0x54: {  	_ =	shalt  }
0x55: {  	_ =	shalt  }
0x56: {  	_ =	shalt  }
0x57: {  	_ =	shalt  }
0x58: {  	_ =	shalt  }
0x59: {  	_ =	shalt  }
0x5a: {  	_ =	shalt  }
0x5b: {  	_ =	shalt  }
0x5c: {  	_ =	shalt  }
0x5d: {  	_ =	shalt  }
0x5e: {  	_ =	shalt  }
0x5f: {  	_ =	shalt  }
0x60: {  	_ =	shalt  }
0x61: {  	_ =	shalt  }
0x62: {  	_ =	shalt  }
0x63: {  	_ =	shalt  }
0x64: {  	_ =	shalt  }
0x65: {  	_ =	shalt  }
0x66: {  	_ =	shalt  }
0x67: {  	_ =	shalt  }
0x68: {  	_ =	shalt  }
0x69: {  	_ =	shalt  }
0x6a: {  	_ =	shalt  }
0x6b: {  	_ =	shalt  }
0x6c: {  	_ =	shalt  }
0x6d: {  	_ =	shalt  }
0x6e: {  	_ =	shalt  }
0x6f: {  	_ =	shalt  }
0x70: {  	_ =	shalt  }
0x71: {  	_ =	shalt  }
0x72: {  	_ =	shalt  }
0x73: {  	_ =	shalt  }
0x74: {  	_ =	shalt  }
0x75: {  	_ =	shalt  }
0x76: {  	_ =	shalt  }
0x77: {  	_ =	shalt  }
0x78: {  	_ =	shalt  }
0x79: {  	_ =	shalt  }
0x7a: {  	_ =	shalt  }
0x7b: {  	_ =	shalt  }
0x7c: {  	_ =	shalt  }
0x7d: {  	_ =	shalt  }
0x7e: {  	_ =	shalt  }
0x7f: {  	_ =	shalt  }
0x80: {  	_ =	shalt  }
0x81: {  	_ =	shalt  }
0x82: {  	_ =	shalt  }
0x83: {  	_ =	shalt  }
0x84: {  	_ =	shalt  }
0x85: {  	_ =	shalt  }
0x86: {  	_ =	shalt  }
0x87: {  	_ =	shalt  }
.Lfunc_end0:
.L_simem_size_0:
called_computation.3_lowered:
.L_overlay_start_0:
0x88: {  	s2 =	sld [smem:$0x3FD9]  }
0x89: {  	s3 =	sld [smem:$0x3FFE];
	_ =	sdelay $0x1  }
0x8a: {  	s1 =	srdreg.scid  }
0x8b: {  	s0 =	sand.u32 $0x1, s1  }
0x8c: {  	s17 =	sshll.u32 s0, $0xA;
	s2 =	sadd.s32 s3, s2  }
0x8d: {  	s2 =	sadd.s32 s2, s17  }
0x8e: {  	[smem:$0x3FBD] =	sst s2  }
0x8f: {  	_ = 	snop  }
0x90: {  	s2 =	sld [smem:$0x3FD0];
	(tm) =	ssettm $0x1  }
0x91: {  	s18 =	sld [smem:$0x3FFB];
	_ =	sdelay $0x3  }
0x92: {  	_ =	strace s18  }
0x93: {  	s3 =	sld [smem:$0x3FFC];
	_ =	sdelay $0x3  }
0x94: {  	_ =	strace s3  }
0x95: {  	s3 =	sld [smem:$0x3FFD];
	_ =	sdelay $0x3  }
0x96: {  	_ =	strace s3  }
0x97: {  	_ =	strace $0x8FFFFFFF  }
0x98: {  	s19 =	sld [smem:$0x3FDB];
	_ =	sdelay $0x1  }
0x99: {  	s4 =	simm.s32 $_scs_section_size  }
0x9a: {  	s5 =	simm.s32 $_size__tile_overlayer_lowered;
	s6 =	simm.s32 $_tile_overlayer_lowered  }
0x9b: {  	s22 =	simm.s32 $0x1BFF;
	s21 =	sshll.u32 s6, $0x1;
	s3 =	sadd.s32 s4, s19  }
0x9c: {  	s7 =	simm.s32 $0x0;
	s20 =	sshll.u32 s5, $0x1;
	s5 =	sadd.s32 s21, s3  }
0x9d: {  	[timem:s7], [sflag:s22] =	dma.local [hbm:s5], s20  }
0x9e: {  	_ =	swait.ge [sflag:s22], s20  }
0x9f: {  	s4 =	ssub.s32 $0x0, s20;
	[sflag:s22] =	ssyncset.done $0x0  }
0xa0: {  	[sflag:s22] =	ssyncadd.s32 s4;
	_ =	sdelay $0x1  }
0xa1: {  	s23 =	simm.s32 $0x1B8B  }
0xa2: {  	_ =	swait.ge [sflag:s23], $0x1  }
0xa3: {  	[sflag:s23] =	ssyncset.done $0x0  }
0xa4: {  	s25 =	simm.s32 $0x1B8E;
	s24 =	sld [smem:$0x3FFE];
	[sflag:s23] =	ssyncadd.s32 $0xFFFFFFFF  }
0xa5: {  	s26 =	simm.s32 $execute0_lowered;
	[smem:$0x3FD2] =	sst s25  }
0xa6: {  	s5 =	sshll.u32 s26, $0x1;
	_ =	strace $0x8000004F;
	[dreg:$0x1] =	wrdreg $0xFFFFFFFF  }
0xa7: {  	s28 =	simm.s32 $_size_execute0_lowered;
	s3 =	sadd.s32 s3, s5;
	[dreg:$0x0] =	wrdreg $0x0  }
0xa8: {  	s5 =	sshll.u32 s28, $0x1;
	[dreg:$0x2] =	wrdreg s3  }
0xa9: {  	[dreg:$0x3] =	wrdreg s5  }
0xaa: {  	[dreg:$0x4] =	wrdreg $0xC0  }
0xab: {  	_ =	task [dreg:s7], $0x5FFFF  }
0xac: {  	[dreg:$0x1] =	wrdreg $0xFFFFFFFF  }
0xad: {  	[dreg:$0x0] =	wrdreg $0x60  }
0xae: {  	[dreg:$0x2] =	wrdreg s24  }
0xaf: {  	[dreg:$0x3] =	wrdreg s2  }
0xb0: {  	[dreg:$0x4] =	wrdreg $0xBE000  }
0xb1: {  	[dreg:$0x5] =	wrdreg $0x9  }
0xb2: {  	_ =	task.clear_ibuf [dreg:s7], $0x6FFFF;
	_ =	strace $0x9000004F  }
0xb3: {  	s29 =	simm.s32 $0x9;
	_ =	strace $0x80000051  }
0xb4: {  	_ =	swait.ge [sflag:s29], $0x1  }
0xb5: {  	[sflag:s29] =	ssyncadd.s32 $0xFFFFFFFF  }
0xb6: {  	_ =	strace $0x90000051  }
0xb7: {  	_ =	sfence  }
0xb8: {  	s30 =	sld [smem:$0x0];
	_ =	sdelay $0x2  }
0xb9: {  	s31 =	sshll.u32 s1, $0xD;
	s1 =	sshrl.u32 s1, $0x2  }
0xba: {  	s3 =	sand.u32 $0x4000, s31;
	s1 =	sadd.s32 s1, s30  }
0xbb: {  	s0 =	sor.u32 s3, s0;
	s1 =	sshll.u32 s1, $0x11  }
0xbc: {  	s0 =	sor.u32 s1, s0  }
0xbd: {  	s0 =	sadd.s32 $0x8F2B, s0  }
0xbe: {  	[sflag:s0] =	ssyncadd.remote.s32 $0x1  }
0xbf: {  	_ =	sfence.sel $0xFFFF  }
0xc0: {  	[dreg:$0x0] =	wrdreg $0xFFFFFFFF;
	(pc) =	sbr.abs _section_cstart, $3  }
0xc1: {  	[dreg:$0x1] =	wrdreg $0xFFFFFFFF  }
0xc2: {  	_ =	task.clear_ibuf [dreg:s7], $0x2FFFF;
	_ =	strace $0x9FFFFFFF  }
0xc3: {  	(tm) =	ssettm $0x7FFFFFFF  }
tec
execute0_lowered:
.L_overlay_start_1:
0x0: {  	(tag) =	ssettag $0x1  }
0x1: {  	s0 =	rddreg [dreg:$0x0]  }
0x2: {  	s2 =	rddreg [dreg:$0x1]  }
0x3: {  	s1 =	rddreg [dreg:$0x2]  }
0x4: {  	s3 =	simm.s32 $0x0;
	s14 =	stileid.u32;
	s7 =	srdreg.scid  }
0x5: {  	s17 =	simm.s32 $0x3;
	s18 =	simm.s32 $0x5A00;
	s20 =	simm.s32 $0x6400  }
0x6: {  	[smem:$0x7FF] =	sst s3;
	s4 =	sadd.s32 $0x17600, s0;
	s5 =	sadd.s32 $0xD600, s0  }
0x7: {  	s8 =	smul.u32 $0x9E00, s14;
	s6 =	sadd.s32 $0x3600, s0;
	s9 =	sand.u32 $0x1, s7  }
0x8: {  	s21 =	sshll.u32 s14, $0x1;
	s22 =	sshll.u32 s14, $0x6;
	_ =	strace $0x80000050  }
0x9: {  	s11 =	ssub.s32 $0x2, s9;
	s7 =	sor.u32 s9, s21;
	s24 =	smul.u32 $0x9E000, s9  }
0xa: {  	s9 =	sor.u32 $0x1C03, s22;
	s21 =	simm.s32 $0x50;
	s22 =	simm.s32 $0x2  }
0xb: {  	s10 =	sshrl.u32 s8, $0x4;
	s12 =	sshrl.u32 s11, $0x1;
	s13 =	sshrl.u32 s8, $0x1  }
0xc: {  	s7 =	smul.u32 $0x2800, s7;
	s0 =	sadd.s32 s10, s0;
	s15 =	ssub.s32 s11, s12  }
0xd: {  	s16 =	sadd.s32 s13, s1;
	s8 =	sadd.s32 s8, s24;
	s0 =	sadd.s32 $0x7A200, s0  }
0xe: {  	s23 =	sshrl.u32 s7, $0x3;
	s31 =	smax.u32 s15, $0x1;
	[dreg:$0x4] =	wrdreg s0  }
0xf: {  	s24 =	simm.s32 $0x0;
	s25 =	sadd.s32 s5, s23;
	[dreg:$0xa] =	wrdreg s31  }
0x10: {  	s26 =	sadd.s32 s6, s23;
	s28 =	sor.u32 $0xA0, s23;
	[dreg:$0x5] =	wrdreg s25  }
0x11: {  	s30 =	sshrl.u32 s8, $0x4;
	[dreg:$0x6] =	wrdreg s26;
	s29 =	sadd.s32 s5, s28  }
0x12: {  	s16 =	sshrl.u32 s16, $0x3;
	s0 =	sadd.s32 s6, s28;
	[dreg:$0x7] =	wrdreg s29  }
0x13: {  	s23 =	simm.s32 $0x6E00;
	[dreg:$0x8] =	wrdreg s0;
	s0 =	sadd.s32 s2, s30  }
0x14: {  	s25 =	simm.s32 $0x7800;
	s26 =	simm.s32 $0x1;
	[dreg:$0x9] =	wrdreg s0  }
.LBB2_1:
0x15: {  	s0 =	rddreg [dreg:$0x4]  }
0x16: {  	[spmem:s16], [sflag:s9] =	dma.local [hbm:s0], $0x9E0  }
0x17: {  	_ =	swait.ge [sflag:s17], $0x9E0  }
0x18: {  	[sflag:s17] =	ssyncset.done $0x0  }
0x19: {  	s10 =	rddreg [dreg:$0x5];
	[sflag:s17] =	ssyncadd.s32 $0xFFFFF620  }
0x1a: {  	[tilespmem:s3], [sflag:$0x3] =	stream.linear.gather [hbm4b:s10+s3], $0x500, $0x38;
	[tilespmem:$0x10D00] =	vst v63  }
0x1b: {  	_ =	swait.ge [sflag:s17], $0x500  }
0x1c: {  	[sflag:s17] =	ssyncset.done $0x0  }
0x1d: {  	s2 =	simm.s32 $0xF00;
	s11 =	rddreg [dreg:$0x6];
	[sflag:s17] =	ssyncadd.s32 $0xFFFFFB00  }
0x1e: {  	[tilespmem:s2], [sflag:$0x3] =	stream.linear.gather [hbm4b:s11+s3], $0x500, $0x38;
	[tilespmem:$0x10D00] =	vst v63  }
0x1f: {  	_ =	swait.ge [sflag:s17], $0x500  }
0x20: {  	[sflag:s17] =	ssyncset.done $0x0  }
0x21: {  	s13 =	simm.s32 $0x500;
	s12 =	rddreg [dreg:$0x7];
	[sflag:s17] =	ssyncadd.s32 $0xFFFFFB00  }
0x22: {  	[tilespmem:s13], [sflag:$0x3] =	stream.linear.gather [hbm4b:s12+s3], $0x500, $0x38;
	[tilespmem:$0x10D00] =	vst v63  }
0x23: {  	_ =	swait.ge [sflag:s17], $0x500  }
0x24: {  	[sflag:s17] =	ssyncset.done $0x0  }
0x25: {  	s15 =	simm.s32 $0x1400;
	s14 =	rddreg [dreg:$0x8];
	[sflag:s17] =	ssyncadd.s32 $0xFFFFFB00  }
0x26: {  	[tilespmem:s15], [sflag:$0x3] =	stream.linear.gather [hbm4b:s14+s3], $0x500, $0x38;
	[tilespmem:$0x10D00] =	vst v63  }
0x27: {  	_ =	swait.ge [sflag:s17], $0x500  }
0x28: {  	[sflag:s17] =	ssyncset.done $0x0  }
0x29: {  	[sflag:s17] =	ssyncadd.s32 $0xFFFFFB00  }
0x2a: {  	s19 =	simm.s32 $0x1E00;
	[bflag:$0x0] =	sbarrier.arrive $0xFFFF  }
0x2b: {  	[tilespmem:s19], [sflag:$0x1] =	stream.indirect.gather [hbm4b:s4+s21], $0x20, s3, s21, $0xb8;
	[tilespmem:$0x10D00] =	vst v63  }
0x2c: {  	s2 =	simm.s32 $0x2800  }
0x2d: {  	[tilespmem:s2], [sflag:$0x1] =	stream.indirect.gather [hbm4b:s4+s21], $0x20, s21, s21, $0xb8;
	[tilespmem:$0x10D00] =	vst v63  }
0x2e: {  	s8 =	simm.s32 $0xA0;
	s10 =	simm.s32 $0x3200  }
0x2f: {  	[tilespmem:s10], [sflag:$0x1] =	stream.indirect.gather [hbm4b:s4+s21], $0x20, s8, s21, $0xb8;
	[tilespmem:$0x10D00] =	vst v63  }
0x30: {  	s11 =	simm.s32 $0xF0;
	s12 =	simm.s32 $0x3C00  }
0x31: {  	[tilespmem:s12], [sflag:$0x1] =	stream.indirect.gather [hbm4b:s4+s21], $0x20, s11, s21, $0xb8;
	[tilespmem:$0x10D00] =	vst v63  }
0x32: {  	p0 =	por $0x0, $0x0;
	s12 =	simm.s32 $0xA  }
0x33: {  	s13 =	simm.s32 $0x140;
	s14 =	simm.s32 $0x4600;
	s0 =	sand.u32 $0xF, s12  }
0x34: {  	[tilespmem:s14], [sflag:$0x1] =	stream.indirect.gather [hbm4b:s4+s21], $0x20, s13, s21, $0xb8;
	[tilespmem:$0x10D00] =	vst v63  }
0x35: {  	p1 =	sne.s32 @!p0 s0, $0x0  }
0x36: {  	s15 =	simm.s32 $0x190;
	s19 =	simm.s32 $0x5000;
	p0 =	por p1, p0  }
0x37: {  	[tilespmem:s19], [sflag:$0x1] =	stream.indirect.gather [hbm4b:s4+s21], $0x20, s15, s21, $0xb8;
	[tilespmem:$0x10D00] =	vst v63  }
0x38: {  	s8 =	simm.s32 $0x1E0;
	s2 =	simm.s32 @!p0 $0x1  }
0x39: {  	[tilespmem:s18], [sflag:$0x1] =	stream.indirect.gather [hbm4b:s4+s21], $0x20, s8, s21, $0xb8;
	[tilespmem:$0x10D00] =	vst v63  }
0x3a: {  	s10 =	simm.s32 $0x230;
	s19 =	simm.s32 $0x0;
	s8 =	smul.u32 @!p0 $0xAB, s2  }
0x3b: {  	[tilespmem:s20], [sflag:$0x1] =	stream.indirect.gather [hbm4b:s4+s21], $0x20, s10, s21, $0xb8;
	[tilespmem:$0x10D00] =	vst v63  }
0x3c: {  	s19 =	smul.u32 $0xAB, s19;
	s8 =	sshrl.u32 @!p0 s8, $0x9  }
0x3d: {  	s11 =	simm.s32 $0x280;
	s2 =	smul.u32 @!p0 $0x500, s2;
	s8 =	sand.u32 @!p0 $0x7F, s8  }
0x3e: {  	[tilespmem:s23], [sflag:$0x1] =	stream.indirect.gather [hbm4b:s4+s21], $0x20, s11, s21, $0xb8;
	[tilespmem:$0x10D00] =	vst v63  }
0x3f: {  	s29 =	simm.s32 $0x0;
	s10 =	simm.s32 $0x2D0;
	s8 =	smul.u32 @!p0 $0x3, s8  }
0x40: {  	[tilespmem:s25], [sflag:$0x1] =	stream.indirect.gather [hbm4b:s4+s21], $0x20, s10, s21, $0xb8;
	[tilespmem:$0x10D00] =	vst v63  }
0x41: {  	s29 =	sand.u32 $0xF, s29;
	s8 =	ssub.s32 @!p0 $0x1, s8  }
0x42: {  	s19 =	sshrl.u32 s19, $0x9;
	s2 =	sadd.s32 @!p0 s7, s2;
	s8 =	sand.u32 @!p0 $0xFF, s8  }
0x43: {  	s19 =	sand.u32 $0x7F, s19;
	s2 =	sshrl.u32 @!p0 s2, $0x3;
	s8 =	smul.u32 @!p0 $0x500, s8  }
0x44: {  	s30 =	simm.s32 @!p0 $0x0;
	s19 =	smul.u32 $0x3, s19;
	s28 =	sadd.s32 @!p0 s5, s2  }
0x45: {  	[tilespmem:s8], [sflag:$0x3] =	stream.linear.gather @!p0 [hbm4b:s28+s30], $0x500, $0x38;
	[tilespmem:$0x10D00] =	vst v63  }
0x46: {  	s2 =	sadd.s32 @!p0 s6, s2;
	s10 =	simm.s32 @!p0 $0x3;
	s28 =	sadd.s32 $0x0, s29  }
0x47: {  	s11 =	smul.u32 $0x140, s0;
	_ =	swait.ge @!p0 [sflag:s10], $0x500;
	s29 =	sshll.u32 s28, $0x18  }
0x48: {  	s8 =	sadd.s32 @!p0 $0xF00, s8;
	[sflag:s10] =	ssyncset.done @!p0 $0x0;
	s29 =	sshra.s32 s29, $0x1C  }
0x49: {  	s15 =	sand.u32 $0xF0, s28;
	[sflag:s10] =	ssyncadd.s32 @!p0 $0xFFFFFB00;
	s13 =	sand.u32 $0xFF, s29  }
0x4a: {  	[tilespmem:s8], [sflag:$0x3] =	stream.linear.gather @!p0 [hbm4b:s2+s30], $0x500, $0x38;
	[tilespmem:$0x10D00] =	vst v63  }
0x4b: {  	s14 =	ssub.s32 $0x0, s19;
	s12 =	ssub.s32 $0x0, s15;
	s2 =	smul.u32 $0xAB, s13  }
0x4c: {  	s8 =	sand.u32 $0xFF, s14;
	s30 =	smul.u32 $0x2800, s0;
	s0 =	sshll.u32 s12, $0x18  }
0x4d: {  	p2 =	por $0x1, $0x1;
	s8 =	smul.u32 $0x1400, s8;
	s0 =	sshra.s32 s0, $0x18  }
0x4e: {  	s19 =	simm.s32 @!p2 $0x2;
	s13 =	smul.u32 $0x140, s0  }
0x4f: {  	_ =	swait.ge @!p0 [sflag:s10], $0x500;
	s2 =	sshrl.u32 s2, $0x9;
	s0 =	smul.u32 $0x2800, s0  }
0x50: {  	s28 =	simm.s32 $0xB;
	[sflag:s10] =	ssyncset.done @!p0 $0x0;
	s2 =	smul.u32 $0x3, s2  }
0x51: {  	s15 =	sshrl.u32 s30, $0x2;
	s31 =	sshrl.u32 s8, $0x2;
	[sflag:s10] =	ssyncadd.s32 @!p0 $0xFFFFFB00  }
0x52: {  	s8 =	sadd.s32 $0x1E00, s15;
	s0 =	sshra.s32 s0, $0x2;
	s29 =	ssub.s32 s29, s2  }
0x53: {  	_ =	swait.ge @!p2 [sflag:s19], $0xA00;
	s2 =	sshra.s32 s13, $0x2;
	s14 =	sand.u32 $0xFF, s29  }
0x54: {  	[sflag:s19] =	ssyncset.done @!p2 $0x0;
	s29 =	sshrl.u32 s11, $0x2;
	s30 =	smul.u32 $0x1400, s14  }
.LBB2_2:
0x55: {  	p0 =	sgt.u32 s28, $0x6F  }
0x56: {  	s10 =	sadd.s32 s29, s31;
	s11 =	sshrl.u32 s30, $0x2;
	s30 =	smov.u32 s28  }
0x57: {  	s31 =	sand.u32 $0xF, s28;
	[sflag:s19] =	ssyncadd.s32 @!p2 $0xFFFFF600;
	s2 =	sadd.s32 s2, s11  }
0x58: {  	[tilespmem:s8], [sflag:$0x1] =	stream.indirect.gather [hbm4b:s4+s21], $0x20, s10, s21, $0xb8;
	[tilespmem:$0x10D00] =	vst v63  }
0x59: {  	p1 =	sne.s32 @!p0 s31, $0x0;
	s29 =	smul.u32 $0x140, s31;
	_ =	swait.ge [sflag:s26], $0xA00  }
0x5a: {  	s8 =	sshrl.u32 s28, $0x4;
	p0 =	por p1, p0;
	[sflag:s26] =	ssyncset.done $0x0  }
0x5b: {  	s10 =	sadd.s32 @!p0 $0x1, s8;
	s11 =	smul.u32 $0xAB, s8;
	[sflag:s26] =	ssyncadd.s32 $0xFFFFF600  }
0x5c: {  	s0 =	sadd.s32 $0x1E00, s0;
	s28 =	sadd.s32 $0x1, s28;
	s19 =	smul.u32 @!p0 $0x500, s10  }
0x5d: {  	s2 =	sadd.s32 $0xF00, s2;
	s12 =	smul.u32 @!p0 $0xAB, s10;
	s11 =	sshrl.u32 s11, $0x9  }
0x5e: {  	[spmem:s1] =	stream.indirect.scatter.add.bf16 [tilespmem:s0], [sflag:$0x2], $0x20, s2, s21, $0xb8;
	[tilespmem:$0x10D00] =	vst v63  }
0x5f: {  	s11 =	sand.u32 $0x7F, s11;
	s0 =	sadd.s32 @!p0 s7, s19;
	s2 =	sshrl.u32 @!p0 s12, $0x9  }
0x60: {  	s11 =	smul.u32 $0x3, s11;
	s2 =	sand.u32 @!p0 $0x7F, s2;
	s0 =	sshrl.u32 @!p0 s0, $0x3  }
0x61: {  	s19 =	sadd.s32 $0xFFFFFFF6, s30;
	s12 =	sadd.s32 @!p0 s5, s0;
	s0 =	sadd.s32 @!p0 s6, s0  }
0x62: {  	s8 =	ssub.s32 s8, s11;
	s11 =	sshll.u32 s19, $0x18;
	s2 =	smul.u32 @!p0 $0x3, s2  }
0x63: {  	s13 =	smul.u32 $0x2800, s31;
	s8 =	sand.u32 $0xFF, s8;
	s11 =	sshra.s32 s11, $0x1F  }
0x64: {  	s8 =	smul.u32 $0x1400, s8;
	s2 =	ssub.s32 @!p0 s10, s2;
	s10 =	sand.u32 $0xF, s11  }
0x65: {  	p1 =	sne.s32 s28, $0x80;
	s2 =	sand.u32 @!p0 $0xFF, s2;
	s10 =	sadd.s32 s10, s19  }
0x66: {  	s31 =	sshrl.u32 s8, $0x2;
	s2 =	smul.u32 @!p0 $0x500, s2;
	s8 =	sand.u32 $0xF0, s10  }
0x67: {  	s10 =	sshll.u32 s10, $0x18;
	s8 =	ssub.s32 s19, s8  }
0x68: {  	s10 =	sshra.s32 s10, $0x1C;
	s11 =	sadd.s32 @!p0 $0xF00, s2;
	s8 =	sshll.u32 s8, $0x18  }
0x69: {  	s14 =	simm.s32 @!p0 $0x3;
	s19 =	simm.s32 @!p0 $0x0;
	s15 =	sand.u32 $0xFF, s10  }
0x6a: {  	[tilespmem:s2], [sflag:$0x3] =	stream.linear.gather @!p0 [hbm4b:s12+s19], $0x500, $0x38;
	[tilespmem:$0x10D00] =	vst v63  }
0x6b: {  	s2 =	sshra.s32 s8, $0x18;
	s8 =	smul.u32 $0xAB, s15;
	_ =	swait.ge @!p0 [sflag:s14], $0x500  }
0x6c: {  	s12 =	smul.u32 $0x140, s2;
	[sflag:s14] =	ssyncset.done @!p0 $0x0  }
0x6d: {  	s15 =	smul.u32 $0x2800, s2;
	s8 =	sshrl.u32 s8, $0x9;
	[sflag:s14] =	ssyncadd.s32 @!p0 $0xFFFFFB00  }
0x6e: {  	s8 =	smul.u32 $0x3, s8;
	s2 =	sshra.s32 s12, $0x2  }
0x6f: {  	[tilespmem:s11], [sflag:$0x3] =	stream.linear.gather @!p0 [hbm4b:s0+s19], $0x500, $0x38;
	[tilespmem:$0x10D00] =	vst v63  }
0x70: {  	s8 =	ssub.s32 s10, s8  }
.Ltmp0:
0x71: {  	s0 =	sshra.s32 s15, $0x2;
	_ =	swait.ge @!p0 [sflag:s14], $0x500;
	(pc) =	sbr.rel @p1 .LBB2_2-.Ltmp0, $4  }
0x72: {  	p2 =	slt.u32 s30, $0x10;
	[sflag:s14] =	ssyncset.done @!p0 $0x0  }
0x73: {  	s19 =	simm.s32 @!p2 $0x2;
	s8 =	sand.u32 $0xFF, s8;
	[sflag:s14] =	ssyncadd.s32 @!p0 $0xFFFFFB00  }
0x74: {  	s10 =	sshrl.u32 s13, $0x2;
	s30 =	smul.u32 $0x1400, s8;
	_ =	swait.ge @!p2 [sflag:s19], $0xA00  }
0x75: {  	s29 =	sshrl.u32 s29, $0x2;
	s8 =	sadd.s32 $0x1E00, s10;
	[sflag:s19] =	ssyncset.done @!p2 $0x0  }
0x76: {  	s10 =	sadd.s32 s29, s31;
	[sflag:s19] =	ssyncadd.s32 @!p2 $0xFFFFF600  }
0x77: {  	[tilespmem:s8], [sflag:$0x1] =	stream.indirect.gather [hbm4b:s4+s21], $0x20, s10, s21, $0xb8;
	[tilespmem:$0x10D00] =	vst v63  }
0x78: {  	s14 =	sshrl.u32 s30, $0x2;
	_ =	swait.ge [sflag:s26], $0xA00  }
0x79: {  	s2 =	sadd.s32 s2, s14;
	[sflag:s26] =	ssyncset.done $0x0  }
0x7a: {  	s0 =	sadd.s32 $0x1E00, s0;
	s2 =	sadd.s32 $0xF00, s2;
	[sflag:s26] =	ssyncadd.s32 $0xFFFFF600  }
0x7b: {  	[spmem:s1] =	stream.indirect.scatter.add.bf16 [tilespmem:s0], [sflag:$0x2], $0x20, s2, s21, $0xb8;
	[tilespmem:$0x10D00] =	vst v63  }
0x7c: {  	_ =	swait.ge [sflag:s26], $0xA00  }
0x7d: {  	[sflag:s26] =	ssyncset.done $0x0  }
0x7e: {  	s15 =	simm.s32 $0x15E0;
	[sflag:s26] =	ssyncadd.s32 $0xFFFFF600  }
0x7f: {  	[spmem:s1] =	stream.indirect.scatter.add.bf16 [tilespmem:s18], [sflag:$0x2], $0x20, s15, s21, $0xb8;
	[tilespmem:$0x10D00] =	vst v63  }
0x80: {  	_ =	swait.ge [sflag:s26], $0xA00  }
0x81: {  	[sflag:s26] =	ssyncset.done $0x0  }
0x82: {  	s19 =	simm.s32 $0x1630;
	[sflag:s26] =	ssyncadd.s32 $0xFFFFF600  }
0x83: {  	[spmem:s1] =	stream.indirect.scatter.add.bf16 [tilespmem:s20], [sflag:$0x2], $0x20, s19, s21, $0xb8;
	[tilespmem:$0x10D00] =	vst v63  }
0x84: {  	_ =	swait.ge [sflag:s26], $0xA00  }
0x85: {  	[sflag:s26] =	ssyncset.done $0x0  }
0x86: {  	s28 =	simm.s32 $0x1680;
	[sflag:s26] =	ssyncadd.s32 $0xFFFFF600  }
0x87: {  	[spmem:s1] =	stream.indirect.scatter.add.bf16 [tilespmem:s23], [sflag:$0x2], $0x20, s28, s21, $0xb8;
	[tilespmem:$0x10D00] =	vst v63  }
0x88: {  	_ =	swait.ge [sflag:s26], $0xA00  }
0x89: {  	[sflag:s26] =	ssyncset.done $0x0  }
0x8a: {  	s29 =	simm.s32 $0x16D0;
	[sflag:s26] =	ssyncadd.s32 $0xFFFFF600  }
0x8b: {  	[spmem:s1] =	stream.indirect.scatter.add.bf16 [tilespmem:s25], [sflag:$0x2], $0x20, s29, s21, $0xb8;
	[tilespmem:$0x10D00] =	vst v63  }
0x8c: {  	_ =	swait.ge [sflag:s26], $0xA00  }
0x8d: {  	[sflag:s26] =	ssyncset.done $0x0  }
0x8e: {  	s30 =	simm.s32 $0x1720;
	s31 =	simm.s32 $0x8200;
	[sflag:s26] =	ssyncadd.s32 $0xFFFFF600  }
0x8f: {  	[spmem:s1] =	stream.indirect.scatter.add.bf16 [tilespmem:s31], [sflag:$0x2], $0x20, s30, s21, $0xb8;
	[tilespmem:$0x10D00] =	vst v63  }
0x90: {  	_ =	swait.ge [sflag:s26], $0xA00  }
0x91: {  	[sflag:s26] =	ssyncset.done $0x0  }
0x92: {  	s8 =	simm.s32 $0x1770;
	s10 =	simm.s32 $0x8C00;
	[sflag:s26] =	ssyncadd.s32 $0xFFFFF600  }
0x93: {  	[spmem:s1] =	stream.indirect.scatter.add.bf16 [tilespmem:s10], [sflag:$0x2], $0x20, s8, s21, $0xb8;
	[tilespmem:$0x10D00] =	vst v63  }
0x94: {  	_ =	swait.ge [sflag:s26], $0xA00  }
0x95: {  	[sflag:s26] =	ssyncset.done $0x0  }
0x96: {  	s11 =	simm.s32 $0x17C0;
	s12 =	simm.s32 $0x9600;
	[sflag:s26] =	ssyncadd.s32 $0xFFFFF600  }
0x97: {  	[spmem:s1] =	stream.indirect.scatter.add.bf16 [tilespmem:s12], [sflag:$0x2], $0x20, s11, s21, $0xb8;
	[tilespmem:$0x10D00] =	vst v63  }
0x98: {  	_ =	swait.ge [sflag:s26], $0xA00  }
0x99: {  	[sflag:s26] =	ssyncset.done $0x0  }
0x9a: {  	s13 =	simm.s32 $0x1810;
	s14 =	simm.s32 $0xA000;
	[sflag:s26] =	ssyncadd.s32 $0xFFFFF600  }
0x9b: {  	[spmem:s1] =	stream.indirect.scatter.add.bf16 [tilespmem:s14], [sflag:$0x2], $0x20, s13, s21, $0xb8;
	[tilespmem:$0x10D00] =	vst v63  }
0x9c: {  	_ =	swait.ge [sflag:s26], $0xA00  }
0x9d: {  	[sflag:s26] =	ssyncset.done $0x0  }
0x9e: {  	s15 =	simm.s32 $0x1860;
	s19 =	simm.s32 $0xAA00;
	[sflag:s26] =	ssyncadd.s32 $0xFFFFF600  }
0x9f: {  	[spmem:s1] =	stream.indirect.scatter.add.bf16 [tilespmem:s19], [sflag:$0x2], $0x20, s15, s21, $0xb8;
	[tilespmem:$0x10D00] =	vst v63  }
0xa0: {  	_ =	swait.ge [sflag:s26], $0xA00  }
0xa1: {  	[sflag:s26] =	ssyncset.done $0x0  }
0xa2: {  	s28 =	simm.s32 $0x18B0;
	s29 =	simm.s32 $0xB400;
	[sflag:s26] =	ssyncadd.s32 $0xFFFFF600  }
0xa3: {  	[spmem:s1] =	stream.indirect.scatter.add.bf16 [tilespmem:s29], [sflag:$0x2], $0x20, s28, s21, $0xb8;
	[tilespmem:$0x10D00] =	vst v63  }
0xa4: {  	_ =	swait.ge [sflag:s22], $0xA00  }
0xa5: {  	[sflag:s22] =	ssyncset.done $0x0  }
0xa6: {  	[sflag:s22] =	ssyncadd.s32 $0xFFFFF600  }
0xa7: {  	_ =	swait.ge [sflag:s22], $0xA00  }
0xa8: {  	[sflag:s22] =	ssyncset.done $0x0  }
0xa9: {  	[sflag:s22] =	ssyncadd.s32 $0xFFFFF600  }
0xaa: {  	_ =	swait.ge [sflag:s22], $0xA00  }
0xab: {  	[sflag:s22] =	ssyncset.done $0x0  }
0xac: {  	[sflag:s22] =	ssyncadd.s32 $0xFFFFF600  }
0xad: {  	_ =	swait.ge [sflag:s22], $0xA00  }
0xae: {  	[sflag:s22] =	ssyncset.done $0x0  }
0xaf: {  	[sflag:s22] =	ssyncadd.s32 $0xFFFFF600  }
0xb0: {  	_ =	swait.ge [sflag:s22], $0xA00  }
0xb1: {  	[sflag:s22] =	ssyncset.done $0x0  }
0xb2: {  	[sflag:s22] =	ssyncadd.s32 $0xFFFFF600  }
0xb3: {  	_ =	swait.ge [sflag:s22], $0xA00  }
0xb4: {  	[sflag:s22] =	ssyncset.done $0x0  }
0xb5: {  	[sflag:s22] =	ssyncadd.s32 $0xFFFFF600  }
0xb6: {  	_ =	swait.ge [sflag:s22], $0xA00  }
0xb7: {  	[sflag:s22] =	ssyncset.done $0x0  }
0xb8: {  	[sflag:s22] =	ssyncadd.s32 $0xFFFFF600  }
0xb9: {  	_ =	swait.ge [sflag:s22], $0xA00  }
0xba: {  	[sflag:s22] =	ssyncset.done $0x0  }
0xbb: {  	[sflag:s22] =	ssyncadd.s32 $0xFFFFF600  }
0xbc: {  	_ =	swait.ge [sflag:s22], $0xA00  }
0xbd: {  	[sflag:s22] =	ssyncset.done $0x0  }
0xbe: {  	[sflag:s22] =	ssyncadd.s32 $0xFFFFF600  }
0xbf: {  	_ =	swait.ge [sflag:s22], $0xA00  }
0xc0: {  	[sflag:s22] =	ssyncset.done $0x0  }
0xc1: {  	[sflag:s22] =	ssyncadd.s32 $0xFFFFF600  }
0xc2: {  	_ =	swait.ge [sflag:s22], $0xA00  }
0xc3: {  	[sflag:s22] =	ssyncset.done $0x0  }
0xc4: {  	[sflag:s22] =	ssyncadd.s32 $0xFFFFF600  }
0xc5: {  	_ =	swait.ge [sflag:s22], $0xA00  }
0xc6: {  	[sflag:s22] =	ssyncset.done $0x0  }
0xc7: {  	[sflag:s22] =	ssyncadd.s32 $0xFFFFF600  }
0xc8: {  	_ =	swait.ge [sflag:s22], $0xA00  }
0xc9: {  	[sflag:s22] =	ssyncset.done $0x0  }
0xca: {  	[sflag:s22] =	ssyncadd.s32 $0xFFFFF600  }
0xcb: {  	_ =	swait.ge [sflag:s22], $0xA00  }
0xcc: {  	[sflag:s22] =	ssyncset.done $0x0  }
0xcd: {  	[sflag:s22] =	ssyncadd.s32 $0xFFFFF600  }
0xce: {  	_ =	swait.ge [sflag:s22], $0xA00  }
0xcf: {  	[sflag:s22] =	ssyncset.done $0x0  }
0xd0: {  	[sflag:s22] =	ssyncadd.s32 $0xFFFFF600  }
0xd1: {  	_ =	swait.ge [sflag:s22], $0xA00  }
0xd2: {  	[sflag:s22] =	ssyncset.done $0x0  }
0xd3: {  	[sflag:s22] =	ssyncadd.s32 $0xFFFFF600  }
0xd4: {  	[bflag:$0x0] =	sbarrier.arrive $0xFFFF  }
0xd5: {  	s30 =	rddreg [dreg:$0x9]  }
0xd6: {  	[hbm:s30], [sflag:s9] =	dma.local [spmem:s16], $0x9E0  }
0xd7: {  	_ =	swait.ge [sflag:s17], $0x9E0  }
0xd8: {  	s24 =	sadd.s32 $0x1, s24;
	s31 =	rddreg [dreg:$0xa]  }
0xd9: {  	p0 =	sne.s32 s24, s31  }
.Ltmp1:
0xda: {  	_ = 	snop;
	(pc) =	sbr.rel @p0 .LBB2_1-.Ltmp1, $3  }
0xdb: {  	_ =	sdelay $0x1  }
0xdc: {  	[sflag:s17] =	ssyncset.done $0x0  }
0xdd: {  	[sflag:s17] =	ssyncadd.s32 $0xFFFFF620  }
0xde: {  	_ =	sfence.sel $0x180000  }
0xdf: {  	[bflag:$0x0] =	sbarrier.arrive $0xFFFF  }
0xe0: {  	_ =	strace $0x90000050  }
0xe1: {  	s0 =	stileid.u32;
	[bflag:$0x2] =	sbarrier.arrive $0xFFFF  }
0xe2: {  	p0 =	sne.s32 s0, $0x0;
	s0 =	rddreg [dreg:$0x3]  }
0xe3: {  	s0 =	sadd.s32 @!p0 $0x100000, s0  }
0xe4: {  	[sflag:s0] =	ssyncadd.tile.s32 @!p0 $0x1;
	_ =	shalt  }
.Lfunc_end2:
_tile_overlayer_lowered:
.L_overlay_start_2:
0xe5: {  	(tag) =	ssettag $0x2  }
0xe6: {  	s0 =	rddreg [dreg:$0x0];
	s2 =	stileid.u32  }
0xe7: {  	s1 =	rddreg [dreg:$0x1];
	p0 =	sne.s32 s2, $0x0  }
0xe8: {  	s3 =	rddreg [dreg:$0x2];
	[bflag:$0x3] =	sbarrier.arrive $0xFFFF;
	s2 =	simm.s32 @!p0 $0x1C03  }
0xe9: {  	[timem:s3], [sflag:s2] =	dma.local @!p0 [hbm:s0], s1  }
0xea: {  	s0 =	simm.s32 @!p0 $0x3  }
0xeb: {  	_ =	swait.ge @!p0 [sflag:s0], s1  }
0xec: {  	s1 =	ssub.s32 @!p0 $0x0, s1;
	[sflag:s0] =	ssyncset.done @!p0 $0x0  }
0xed: {  	[sflag:s0] =	ssyncadd.s32 @!p0 s1  }
0xee: {  	[bflag:$0x3] =	sbarrier.arrive $0xFFFF  }
0xef: {  	_ =	shalt  }

</sc_bundles>
